<compile_context>
chip_gen: v7x
topology: tpu7x:2x2x1
jax: 0.10.2.dev20260603
libtpu: 0.0.44.dev20260713+nightly
codegen_flags: <defaults>
</compile_context>

<pallas_src>
import functools

import jax
import jax.numpy as jnp
from jax import lax
from jax.experimental import pallas as pl
from jax.experimental.pallas import tpu as pltpu
from jax.experimental.pallas import tpu_sc as plsc

N_NODES = 10000
N_EDGES = 160000
IN_DIM = 256
HALF = 128
MASK_RATE = 0.5

NS = 16
EDGES_PER_TILE = N_EDGES // NS
CHUNK = 80
NCHUNK = EDGES_PER_TILE // CHUNK
PH_CHUNKS = (32, 32, 32, 29)
PH_MAX = max(PH_CHUNKS)
STRIPE = 640
LAST_STRIPE = N_NODES - (NS - 1) * STRIPE

ROW_BLK = 1000
GRID = N_NODES // ROW_BLK


def _sc_segment_sum(xm2, src16, dst16, zeros_tile):
    mesh = plsc.VectorSubcoreMesh(core_axis_name="c", subcore_axis_name="s")

    @functools.partial(
        pl.kernel,
        out_type=jax.ShapeDtypeStruct((2 * N_NODES, HALF), jnp.float32),
        mesh=mesh,
        scratch_types=[
            pltpu.VMEM((PH_MAX, CHUNK), jnp.int32),
            pltpu.VMEM((PH_MAX, CHUNK), jnp.int32),
            pltpu.VMEM((CHUNK, HALF), jnp.float32),
            pltpu.VMEM((CHUNK, HALF), jnp.float32),
            pltpu.VMEM((CHUNK, HALF), jnp.float32),
            pltpu.VMEM((CHUNK, HALF), jnp.float32),
            pltpu.VMEM_SHARED((N_NODES, HALF), jnp.float32),
            pltpu.SemaphoreType.DMA,
            pltpu.SemaphoreType.DMA,
            pltpu.SemaphoreType.DMA,
            pltpu.SemaphoreType.DMA,
            pltpu.SemaphoreType.DMA,
            pltpu.SemaphoreType.DMA,
            pltpu.SemaphoreType.DMA,
            pltpu.SemaphoreType.DMA,
        ],
    )
    def k(xm_hbm, src_hbm, dst_hbm, zro_hbm, agg_hbm, src_v, dst_v,
          gb0, gb1, gb2, gb3, acc, sg0, sg1, sg2, sg3, ss0, ss1, ss2, ss3):
        c = lax.axis_index("c")
        s = lax.axis_index("s")

        @pl.when(s < NS - 1)
        def _():
            pltpu.sync_copy(zro_hbm, acc.at[pl.ds(s * STRIPE, STRIPE)])

        @pl.when(s == NS - 1)
        def _():
            pltpu.sync_copy(zro_hbm.at[pl.ds(0, LAST_STRIPE)],
                            acc.at[pl.ds((NS - 1) * STRIPE, LAST_STRIPE)])

        plsc.subcore_barrier()

        bufs = (gb0, gb1, gb2, gb3)
        sgs = (sg0, sg1, sg2, sg3)
        sss = (ss0, ss1, ss2, ss3)
        NB = 4

        def start_g(l, q):
            pltpu.async_copy(xm_hbm.at[src_v.at[l]], bufs[q], sgs[q])

        def wait_g(l, q):
            pltpu.make_async_copy(xm_hbm.at[src_v.at[l]], bufs[q], sgs[q]).wait()

        def start_s(l, q):
            pltpu.async_copy(bufs[q], acc.at[dst_v.at[l]], sss[q], add=True)

        def wait_s(l, q):
            pltpu.make_async_copy(bufs[q], acc.at[dst_v.at[l]], sss[q]).wait()

        def step(l, q, first=False, prefetch=True):
            wait_g(l, q)
            start_s(l, q)
            if prefetch:
                p = (q + NB - 1) % NB
                if not first:
                    wait_s(l - 1, p)
                start_g(l + NB - 1, p)

        def ring(m):
            for l in range(NB - 1):
                start_g(l, l)
            for l in range(NB):
                step(l, l, first=(l == 0))

            gmax = (m - 2 * NB + 1) // NB

            def group(g, carry):
                l0 = NB * g
                for q in range(NB):
                    step(l0 + q, q)
                return carry

            lax.fori_loop(1, gmax + 1, group, 0)
            for l in range(NB * (gmax + 1), m):
                step(l, l % NB, prefetch=(l <= m - NB))
            for l in range(m - NB, m):
                wait_s(l, l % NB)

        cbase = 0
        for ph, m in enumerate(PH_CHUNKS):
            pltpu.sync_copy(src_hbm.at[c, s, pl.ds(cbase, m)],
                            src_v.at[pl.ds(0, m)])
            pltpu.sync_copy(dst_hbm.at[s, pl.ds(cbase, m)],
                            dst_v.at[pl.ds(0, m)])
            ring(m)
            cbase += m

        plsc.subcore_barrier()

        @pl.when(s < NS - 1)
        def _():
            r0 = s * STRIPE
            pltpu.sync_copy(acc.at[pl.ds(r0, STRIPE)],
                            agg_hbm.at[pl.ds(c * N_NODES + r0, STRIPE)])

        @pl.when(s == NS - 1)
        def _():
            r0 = (NS - 1) * STRIPE
            pltpu.sync_copy(acc.at[pl.ds(r0, LAST_STRIPE)],
                            agg_hbm.at[pl.ds(c * N_NODES + r0, LAST_STRIPE)])

    return k(xm2, src16, dst16, zeros_tile)


def _mask_apply(x, mask_f, token):

    def body(x_ref, m_ref, t_ref, o_ref):
        o_ref[...] = jnp.where(m_ref[...] > 0.0, t_ref[...], x_ref[...])

    g = GRID
    return pl.pallas_call(
        body,
        grid=(2 * g,),
        in_specs=[
            pl.BlockSpec((ROW_BLK, HALF), lambda i: (i % g, i // g)),
            pl.BlockSpec((ROW_BLK, 1), lambda i: (i % g, 0)),
            pl.BlockSpec((1, HALF), lambda i: (0, i // g)),
        ],
        out_specs=pl.BlockSpec((ROW_BLK, HALF), lambda i: (i, 0)),
        out_shape=jax.ShapeDtypeStruct((2 * N_NODES, HALF), jnp.float32),
    )(x, mask_f, token)


def _dense_tail(xm2, agg2, x, mask_f, W_enc, b_enc, W1, b1, pa, W2, b2):

    def body(xl_ref, xr_ref, al_ref, ar_ref, x_ref, m_ref, we_ref, be_ref,
             w1_ref, b1_ref, pa_ref, w2_ref, b2_ref, ms_ref, nm_ref):
        xm = jnp.concatenate([xl_ref[...], xr_ref[...]], axis=1)
        ag = jnp.concatenate([al_ref[...], ar_ref[...]], axis=1)
        z = lax.dot(xm + ag, we_ref[...]) + be_ref[...]
        h = jnp.maximum(z, 0.0)
        t = lax.dot(h, w1_ref[...]) + b1_ref[...]
        a = pa_ref[0, 0]
        t = jnp.maximum(t, 0.0) + a * jnp.minimum(t, 0.0)
        xr = lax.dot(t, w2_ref[...]) + b2_ref[...]
        d = xr - x_ref[...]
        m = m_ref[...]
        part = jnp.sum(d * d * m)
        pm = jnp.sum(m)
        i = pl.program_id(0)

        @pl.when(i == 0)
        def _():
            ms_ref[0, 0] = part
            nm_ref[0, 0] = pm

        @pl.when(i > 0)
        def _():
            ms_ref[0, 0] += part
            nm_ref[0, 0] += pm

        @pl.when(i == GRID - 1)
        def _():
            ms_ref[0, 0] = ms_ref[0, 0] / (nm_ref[0, 0] * IN_DIM)

    full = lambda i: (0, 0)
    return pl.pallas_call(
        body,
        grid=(GRID,),
        in_specs=[
            pl.BlockSpec((ROW_BLK, HALF), lambda i: (i, 0)),
            pl.BlockSpec((ROW_BLK, HALF), lambda i: (GRID + i, 0)),
            pl.BlockSpec((ROW_BLK, HALF), lambda i: (i, 0)),
            pl.BlockSpec((ROW_BLK, HALF), lambda i: (GRID + i, 0)),
            pl.BlockSpec((ROW_BLK, IN_DIM), lambda i: (i, 0)),
            pl.BlockSpec((ROW_BLK, 1), lambda i: (i, 0)),
            pl.BlockSpec((IN_DIM, IN_DIM), full),
            pl.BlockSpec((1, IN_DIM), full),
            pl.BlockSpec((IN_DIM, IN_DIM), full),
            pl.BlockSpec((1, IN_DIM), full),
            pl.BlockSpec((1, 1), full),
            pl.BlockSpec((IN_DIM, IN_DIM), full),
            pl.BlockSpec((1, IN_DIM), full),
        ],
        out_specs=[pl.BlockSpec((1, 1), full, memory_space=pltpu.SMEM),
                   pl.BlockSpec((1, 1), full, memory_space=pltpu.SMEM)],
        out_shape=[jax.ShapeDtypeStruct((1, 1), jnp.float32),
                   jax.ShapeDtypeStruct((1, 1), jnp.float32)],
    )(xm2, xm2, agg2, agg2, x, mask_f, W_enc, b_enc, W1, b1, pa, W2, b2)


def kernel(x, edge_index, mask_token, W_enc, b_enc, W1, b1, prelu_a, W2, b2):
    N = x.shape[0]
    mask = jax.random.uniform(jax.random.key(42), (N,)) < MASK_RATE
    mask_f = mask.astype(jnp.float32)[:, None]

    xm2 = _mask_apply(x, mask_f, mask_token)

    e = edge_index.astype(jnp.int32)
    src16 = jnp.stack([e[0], e[0] + N_NODES]).reshape(2, NS, NCHUNK, CHUNK)
    dst16 = e[1].reshape(NS, NCHUNK, CHUNK)
    zeros_tile = jnp.zeros((STRIPE, HALF), jnp.float32)

    agg2 = _sc_segment_sum(xm2, src16, dst16, zeros_tile)

    ms, nm = _dense_tail(xm2, agg2, x, mask_f, W_enc,
                         b_enc.reshape(1, IN_DIM), W1, b1.reshape(1, IN_DIM),
                         prelu_a.reshape(1, 1), W2, b2.reshape(1, IN_DIM))
    return ms[0, 0]

# --- scband reference (transcript-rebuilt; emitter-appended) ---
"""Pipeline reference for scband-graph-mae-18468359373093 (READ-ONLY COPY).

The authoritative reference and input builder live on the scoring server;
editing this copy changes nothing except your own understanding.
"""

import jax, jax.numpy as jnp
import numpy as np

N_NODES = 10000
N_EDGES = 160000
IN_DIM = 256
HIDDEN_DIM = 256
MASK_RATE = 0.5


def setup_inputs(seed: int = 0) -> dict:
    key = jax.random.key(seed)
    ks = jax.random.split(key, 10)
    x = jax.random.normal(ks[0], (N_NODES, IN_DIM), dtype=jnp.float32)
    edge_index = jax.random.randint(ks[1], (2, N_EDGES), 0, N_NODES, dtype=jnp.int64)
    # mask token (xavier-normal-ish)
    mask_token = jax.random.normal(ks[2], (1, IN_DIM), dtype=jnp.float32) * jnp.sqrt(2.0 / (1 + IN_DIM))
    # simple 1-layer GCN encoder params: h = relu((x + agg(x[src]->dst)) @ W_enc + b_enc)
    W_enc = jax.random.normal(ks[3], (IN_DIM, HIDDEN_DIM), dtype=jnp.float32) * (1.0 / jnp.sqrt(IN_DIM))
    b_enc = jnp.zeros((HIDDEN_DIM,), dtype=jnp.float32)
    # decoder: Linear(hidden,hidden) -> PReLU -> Linear(hidden,in_dim)
    W1 = jax.random.normal(ks[4], (HIDDEN_DIM, HIDDEN_DIM), dtype=jnp.float32) * (1.0 / jnp.sqrt(HIDDEN_DIM))
    b1 = jnp.zeros((HIDDEN_DIM,), dtype=jnp.float32)
    prelu_a = jnp.asarray(0.25, dtype=jnp.float32)
    W2 = jax.random.normal(ks[5], (HIDDEN_DIM, IN_DIM), dtype=jnp.float32) * (1.0 / jnp.sqrt(HIDDEN_DIM))
    b2 = jnp.zeros((IN_DIM,), dtype=jnp.float32)
    return {"x": x, "edge_index": edge_index, "mask_token": mask_token,
            "W_enc": W_enc, "b_enc": b_enc, "W1": W1, "b1": b1,
            "prelu_a": prelu_a, "W2": W2, "b2": b2}


def reference(x, edge_index, mask_token, W_enc, b_enc, W1, b1, prelu_a, W2, b2):
    N = x.shape[0]
    # mask a fraction of node features (fixed key for determinism)
    mask = jax.random.uniform(jax.random.key(42), (N,)) < MASK_RATE
    x_masked = jnp.where(mask[:, None], mask_token, x)
    # encoder: 1-layer GCN-style message passing (scatter-add aggregation)
    src = edge_index[0]
    dst = edge_index[1]
    msgs = jnp.take(x_masked, src, axis=0)
    agg = jax.ops.segment_sum(msgs, dst, num_segments=N)
    h = jax.nn.relu((x_masked + agg) @ W_enc + b_enc)
    # decoder on masked positions
    t = h @ W1 + b1
    t = jnp.maximum(t, 0.0) + prelu_a * jnp.minimum(t, 0.0)
    x_recon = t @ W2 + b2
    sq_err = (x_recon - x) ** 2
    masked_sum = jnp.sum(jnp.where(mask[:, None], sq_err, 0.0))
    n_masked = jnp.sum(mask.astype(jnp.float32))
    loss = masked_sum / (n_masked * x.shape[1])
    return loss

if __name__ == "__main__":
    import jax
    _d = setup_inputs()
    print(jax.jit(kernel)(*tuple(_d.values())))

</pallas_src>

<mosaic_0001>
#map = affine_map<(d0, d1) -> (0, 0)>
#map1 = affine_map<(d0, d1) -> (0, 0, 0, 0)>
#map2 = affine_map<(d0, d1) -> (0, 0, 0)>
module attributes {stable_mosaic.version = 14 : i64} {
  func.func @k(%arg0: i32, %arg1: i32, %arg2: memref<20000x128xf32, #tpu.memory_space<hbm>>, %arg3: memref<2x16x125x80xi32, #tpu.memory_space<hbm>>, %arg4: memref<16x125x80xi32, #tpu.memory_space<hbm>>, %arg5: memref<640x128xf32, #tpu.memory_space<hbm>>, %arg6: memref<20000x128xf32, #tpu.memory_space<hbm>>, %arg7: memref<32x80xi32, #tpu.memory_space<vmem>>, %arg8: memref<32x80xi32, #tpu.memory_space<vmem>>, %arg9: memref<80x128xf32, #tpu.memory_space<vmem>>, %arg10: memref<80x128xf32, #tpu.memory_space<vmem>>, %arg11: memref<80x128xf32, #tpu.memory_space<vmem>>, %arg12: memref<80x128xf32, #tpu.memory_space<vmem>>, %arg13: memref<10000x128xf32, #tpu.memory_space<vmem_shared>>, %arg14: memref<!tpu.dma_semaphore, #tpu.memory_space<semaphore_mem>>, %arg15: memref<!tpu.dma_semaphore, #tpu.memory_space<semaphore_mem>>, %arg16: memref<!tpu.dma_semaphore, #tpu.memory_space<semaphore_mem>>, %arg17: memref<!tpu.dma_semaphore, #tpu.memory_space<semaphore_mem>>, %arg18: memref<!tpu.dma_semaphore, #tpu.memory_space<semaphore_mem>>, %arg19: memref<!tpu.dma_semaphore, #tpu.memory_space<semaphore_mem>>, %arg20: memref<!tpu.dma_semaphore, #tpu.memory_space<semaphore_mem>>, %arg21: memref<!tpu.dma_semaphore, #tpu.memory_space<semaphore_mem>>) attributes {dimension_semantics = [#tpu.dimension_semantics<core_parallel>, #tpu.dimension_semantics<subcore_parallel>], iteration_bounds = array<i64: 2, 16>, scalar_prefetch = 0 : i64, scratch_operands = 15 : i64, tpu.core_type = #tpu.core_type<sc_vector_subcore>, window_params = [{transform_indices = #map}, {transform_indices = #map1}, {transform_indices = #map2}, {transform_indices = #map}, {transform_indices = #map}]} {
    %lt3A = arith.constant 15 : i32
    %lt3A_0 = arith.cmpi slt, %arg1, %lt3A : i32
    %convert_element_type3A = arith.extui %lt3A_0 : i1 to i32
    %cond3A = arith.constant 0 : i32
    %cond3A_1 = arith.cmpi ne, %convert_element_type3A, %cond3A : i32
    scf.if %cond3A_1 {
      %mul3A = arith.constant 640 : i32
      %mul3A_962 = arith.muli %arg1, %mul3A : i32
      "tpu.region"() ({
        %run_scoped3A = tpu.sem_alloc : memref<!tpu.dma_semaphore, #tpu.memory_space<semaphore_mem>>
        %dma_start3A_963 = arith.constant 0 : i32
        %dma_start3A_964 = tpu.memref_slice %arg13[%mul3A_962, %dma_start3A_963] : memref<10000x128xf32, #tpu.memory_space<vmem_shared>> -> memref<640x128xf32, #tpu.memory_space<vmem_shared>>
        tpu.enqueue_dma source(%arg5 : memref<640x128xf32, #tpu.memory_space<hbm>>) target(%dma_start3A_964 : memref<640x128xf32, #tpu.memory_space<vmem_shared>>) target_semaphore(%run_scoped3A : memref<!tpu.dma_semaphore, #tpu.memory_space<semaphore_mem>>)
        %dma_wait3A_965 = arith.constant 0 : i32
        %dma_wait3A_966 = tpu.memref_slice %arg13[%mul3A_962, %dma_wait3A_965] : memref<10000x128xf32, #tpu.memory_space<vmem_shared>> -> memref<640x128xf32, #tpu.memory_space<vmem_shared>>
        tpu.wait_dma2 semaphore(%run_scoped3A : memref<!tpu.dma_semaphore, #tpu.memory_space<semaphore_mem>>) src(%arg5 : memref<640x128xf32, #tpu.memory_space<hbm>>) dst(%dma_wait3A_966 : memref<640x128xf32, #tpu.memory_space<vmem_shared>>)
        tpu.yield
      }) : () -> ()
    } else {
    }
    %eq3A = arith.constant 15 : i32
    %eq3A_2 = arith.cmpi eq, %arg1, %eq3A : i32
    %convert_element_type3A_3 = arith.extui %eq3A_2 : i1 to i32
    %cond3A_4 = arith.constant 0 : i32
    %cond3A_5 = arith.cmpi ne, %convert_element_type3A_3, %cond3A_4 : i32
    scf.if %cond3A_5 {
      "tpu.region"() ({
        %run_scoped3A = tpu.sem_alloc : memref<!tpu.dma_semaphore, #tpu.memory_space<semaphore_mem>>
        %dma_start3A_962 = arith.constant 9600 : i32
        %dma_start3A_963 = arith.constant 0 : i32
        %dma_start3A_964 = tpu.memref_slice %arg13[%dma_start3A_962, %dma_start3A_963] : memref<10000x128xf32, #tpu.memory_space<vmem_shared>> -> memref<400x128xf32, #tpu.memory_space<vmem_shared>>
        %dma_start3A_965 = arith.constant 0 : i32
        %dma_start3A_966 = arith.constant 0 : i32
        %dma_start3A_967 = tpu.memref_slice %arg5[%dma_start3A_965, %dma_start3A_966] : memref<640x128xf32, #tpu.memory_space<hbm>> -> memref<400x128xf32, #tpu.memory_space<hbm>>
        tpu.enqueue_dma source(%dma_start3A_967 : memref<400x128xf32, #tpu.memory_space<hbm>>) target(%dma_start3A_964 : memref<400x128xf32, #tpu.memory_space<vmem_shared>>) target_semaphore(%run_scoped3A : memref<!tpu.dma_semaphore, #tpu.memory_space<semaphore_mem>>)
        %dma_wait3A_968 = arith.constant 9600 : i32
        %dma_wait3A_969 = arith.constant 0 : i32
        %dma_wait3A_970 = tpu.memref_slice %arg13[%dma_wait3A_968, %dma_wait3A_969] : memref<10000x128xf32, #tpu.memory_space<vmem_shared>> -> memref<400x128xf32, #tpu.memory_space<vmem_shared>>
        %dma_wait3A_971 = arith.constant 0 : i32
        %dma_wait3A_972 = arith.constant 0 : i32
        %dma_wait3A_973 = tpu.memref_slice %arg5[%dma_wait3A_971, %dma_wait3A_972] : memref<640x128xf32, #tpu.memory_space<hbm>> -> memref<400x128xf32, #tpu.memory_space<hbm>>
        tpu.wait_dma2 semaphore(%run_scoped3A : memref<!tpu.dma_semaphore, #tpu.memory_space<semaphore_mem>>) src(%dma_wait3A_973 : memref<400x128xf32, #tpu.memory_space<hbm>>) dst(%dma_wait3A_970 : memref<400x128xf32, #tpu.memory_space<vmem_shared>>)
        tpu.yield
      }) : () -> ()
    } else {
    }
    %barrier3A = arith.constant 0 : index
    tpu.barrier barrier_id(%barrier3A)
    "tpu.region"() ({
      %run_scoped3A = tpu.sem_alloc : memref<!tpu.dma_semaphore, #tpu.memory_space<semaphore_mem>>
      %dma_start3A_962 = arith.constant 0 : i32
      %dma_start3A_963 = arith.constant 0 : i32
      %dma_start3A_964 = tpu.memref_slice %arg7[%dma_start3A_962, %dma_start3A_963] : memref<32x80xi32, #tpu.memory_space<vmem>> -> memref<32x80xi32, #tpu.memory_space<vmem>>
      %dma_start3A_965 = arith.constant 0 : i32
      %dma_start3A_966 = arith.constant 0 : i32
      %dma_start3A_967 = tpu.memref_slice %arg3[%arg0, %arg1, %dma_start3A_965, %dma_start3A_966] : memref<2x16x125x80xi32, #tpu.memory_space<hbm>> -> memref<1x1x32x80xi32, #tpu.memory_space<hbm>>
      %dma_start3A_968 = tpu.memref_squeeze %dma_start3A_967 : memref<1x1x32x80xi32, #tpu.memory_space<hbm>> -> memref<32x80xi32, #tpu.memory_space<hbm>>
      %dma_start3A_969 = arith.constant 0 : i32
      %dma_start3A_970 = arith.constant 0 : i32
      %dma_start3A_971 = tpu.memref_slice %arg7[%dma_start3A_969, %dma_start3A_970] : memref<32x80xi32, #tpu.memory_space<vmem>> -> memref<32x80xi32, #tpu.memory_space<vmem>>
      %dma_start3A_972 = arith.constant 0 : i32
      %dma_start3A_973 = arith.constant 0 : i32
      %dma_start3A_974 = tpu.memref_slice %arg3[%arg0, %arg1, %dma_start3A_972, %dma_start3A_973] : memref<2x16x125x80xi32, #tpu.memory_space<hbm>> -> memref<1x1x32x80xi32, #tpu.memory_space<hbm>>
      %dma_start3A_975 = tpu.memref_squeeze %dma_start3A_974 : memref<1x1x32x80xi32, #tpu.memory_space<hbm>> -> memref<32x80xi32, #tpu.memory_space<hbm>>
      tpu.enqueue_dma source(%dma_start3A_975 : memref<32x80xi32, #tpu.memory_space<hbm>>) target(%dma_start3A_971 : memref<32x80xi32, #tpu.memory_space<vmem>>) target_semaphore(%run_scoped3A : memref<!tpu.dma_semaphore, #tpu.memory_space<semaphore_mem>>)
      %dma_wait3A_976 = arith.constant 0 : i32
      %dma_wait3A_977 = arith.constant 0 : i32
      %dma_wait3A_978 = tpu.memref_slice %arg7[%dma_wait3A_976, %dma_wait3A_977] : memref<32x80xi32, #tpu.memory_space<vmem>> -> memref<32x80xi32, #tpu.memory_space<vmem>>
      %dma_wait3A_979 = arith.constant 0 : i32
      %dma_wait3A_980 = arith.constant 0 : i32
      %dma_wait3A_981 = tpu.memref_slice %arg3[%arg0, %arg1, %dma_wait3A_979, %dma_wait3A_980] : memref<2x16x125x80xi32, #tpu.memory_space<hbm>> -> memref<1x1x32x80xi32, #tpu.memory_space<hbm>>
      %dma_wait3A_982 = tpu.memref_squeeze %dma_wait3A_981 : memref<1x1x32x80xi32, #tpu.memory_space<hbm>> -> memref<32x80xi32, #tpu.memory_space<hbm>>
      %dma_wait3A_983 = arith.constant 0 : i32
      %dma_wait3A_984 = arith.constant 0 : i32
      %dma_wait3A_985 = tpu.memref_slice %arg7[%dma_wait3A_983, %dma_wait3A_984] : memref<32x80xi32, #tpu.memory_space<vmem>> -> memref<32x80xi32, #tpu.memory_space<vmem>>
      %dma_wait3A_986 = arith.constant 0 : i32
      %dma_wait3A_987 = arith.constant 0 : i32
      %dma_wait3A_988 = tpu.memref_slice %arg3[%arg0, %arg1, %dma_wait3A_986, %dma_wait3A_987] : memref<2x16x125x80xi32, #tpu.memory_space<hbm>> -> memref<1x1x32x80xi32, #tpu.memory_space<hbm>>
      %dma_wait3A_989 = tpu.memref_squeeze %dma_wait3A_988 : memref<1x1x32x80xi32, #tpu.memory_space<hbm>> -> memref<32x80xi32, #tpu.memory_space<hbm>>
      tpu.wait_dma2 semaphore(%run_scoped3A : memref<!tpu.dma_semaphore, #tpu.memory_space<semaphore_mem>>) src(%dma_wait3A_989 : memref<32x80xi32, #tpu.memory_space<hbm>>) dst(%dma_wait3A_985 : memref<32x80xi32, #tpu.memory_space<vmem>>)
      tpu.yield
    }) : () -> ()
    "tpu.region"() ({
      %run_scoped3A = tpu.sem_alloc : memref<!tpu.dma_semaphore, #tpu.memory_space<semaphore_mem>>
      %dma_start3A_962 = arith.constant 0 : i32
      %dma_start3A_963 = arith.constant 0 : i32
      %dma_start3A_964 = tpu.memref_slice %arg8[%dma_start3A_962, %dma_start3A_963] : memref<32x80xi32, #tpu.memory_space<vmem>> -> memref<32x80xi32, #tpu.memory_space<vmem>>
      %dma_start3A_965 = arith.constant 0 : i32
      %dma_start3A_966 = arith.constant 0 : i32
      %dma_start3A_967 = tpu.memref_slice %arg4[%arg1, %dma_start3A_965, %dma_start3A_966] : memref<16x125x80xi32, #tpu.memory_space<hbm>> -> memref<1x32x80xi32, #tpu.memory_space<hbm>>
      %dma_start3A_968 = tpu.memref_squeeze %dma_start3A_967 : memref<1x32x80xi32, #tpu.memory_space<hbm>> -> memref<32x80xi32, #tpu.memory_space<hbm>>
      %dma_start3A_969 = arith.constant 0 : i32
      %dma_start3A_970 = arith.constant 0 : i32
      %dma_start3A_971 = tpu.memref_slice %arg8[%dma_start3A_969, %dma_start3A_970] : memref<32x80xi32, #tpu.memory_space<vmem>> -> memref<32x80xi32, #tpu.memory_space<vmem>>
      %dma_start3A_972 = arith.constant 0 : i32
      %dma_start3A_973 = arith.constant 0 : i32
      %dma_start3A_974 = tpu.memref_slice %arg4[%arg1, %dma_start3A_972, %dma_start3A_973] : memref<16x125x80xi32, #tpu.memory_space<hbm>> -> memref<1x32x80xi32, #tpu.memory_space<hbm>>
      %dma_start3A_975 = tpu.memref_squeeze %dma_start3A_974 : memref<1x32x80xi32, #tpu.memory_space<hbm>> -> memref<32x80xi32, #tpu.memory_space<hbm>>
      tpu.enqueue_dma source(%dma_start3A_975 : memref<32x80xi32, #tpu.memory_space<hbm>>) target(%dma_start3A_971 : memref<32x80xi32, #tpu.memory_space<vmem>>) target_semaphore(%run_scoped3A : memref<!tpu.dma_semaphore, #tpu.memory_space<semaphore_mem>>)
      %dma_wait3A_976 = arith.constant 0 : i32
      %dma_wait3A_977 = arith.constant 0 : i32
      %dma_wait3A_978 = tpu.memref_slice %arg8[%dma_wait3A_976, %dma_wait3A_977] : memref<32x80xi32, #tpu.memory_space<vmem>> -> memref<32x80xi32, #tpu.memory_space<vmem>>
      %dma_wait3A_979 = arith.constant 0 : i32
      %dma_wait3A_980 = arith.constant 0 : i32
      %dma_wait3A_981 = tpu.memref_slice %arg4[%arg1, %dma_wait3A_979, %dma_wait3A_980] : memref<16x125x80xi32, #tpu.memory_space<hbm>> -> memref<1x32x80xi32, #tpu.memory_space<hbm>>
      %dma_wait3A_982 = tpu.memref_squeeze %dma_wait3A_981 : memref<1x32x80xi32, #tpu.memory_space<hbm>> -> memref<32x80xi32, #tpu.memory_space<hbm>>
      %dma_wait3A_983 = arith.constant 0 : i32
      %dma_wait3A_984 = arith.constant 0 : i32
      %dma_wait3A_985 = tpu.memref_slice %arg8[%dma_wait3A_983, %dma_wait3A_984] : memref<32x80xi32, #tpu.memory_space<vmem>> -> memref<32x80xi32, #tpu.memory_space<vmem>>
      %dma_wait3A_986 = arith.constant 0 : i32
      %dma_wait3A_987 = arith.constant 0 : i32
      %dma_wait3A_988 = tpu.memref_slice %arg4[%arg1, %dma_wait3A_986, %dma_wait3A_987] : memref<16x125x80xi32, #tpu.memory_space<hbm>> -> memref<1x32x80xi32, #tpu.memory_space<hbm>>
      %dma_wait3A_989 = tpu.memref_squeeze %dma_wait3A_988 : memref<1x32x80xi32, #tpu.memory_space<hbm>> -> memref<32x80xi32, #tpu.memory_space<hbm>>
      tpu.wait_dma2 semaphore(%run_scoped3A : memref<!tpu.dma_semaphore, #tpu.memory_space<semaphore_mem>>) src(%dma_wait3A_989 : memref<32x80xi32, #tpu.memory_space<hbm>>) dst(%dma_wait3A_985 : memref<32x80xi32, #tpu.memory_space<vmem>>)
      tpu.yield
    }) : () -> ()
    %dma_start3A = arith.constant 0 : i32
    %dma_start3A_6 = arith.constant 0 : i32
    %dma_start3A_7 = tpu.memref_slice %arg7[%dma_start3A, %dma_start3A_6] : memref<32x80xi32, #tpu.memory_space<vmem>> -> memref<1x80xi32, #tpu.memory_space<vmem>>
    %dma_start3A_8 = tpu.memref_squeeze %dma_start3A_7 : memref<1x80xi32, #tpu.memory_space<vmem>> -> memref<80xi32, #tpu.memory_space<vmem>>
    %dma_start3A_9 = arith.constant 0 : i32
    %dma_start3A_10 = arith.constant 0 : i32
    %dma_start3A_11 = tpu.memref_slice %arg2[%dma_start3A_9, %dma_start3A_10] : memref<20000x128xf32, #tpu.memory_space<hbm>> -> memref<20000x128xf32, #tpu.memory_space<hbm>>
    tpu.enqueue_indirect_dma source(%dma_start3A_11 : memref<20000x128xf32, #tpu.memory_space<hbm>>) target(%arg9 : memref<80x128xf32, #tpu.memory_space<vmem>>) offsets(%dma_start3A_8 : memref<80xi32, #tpu.memory_space<vmem>>) semaphore(%arg14 : memref<!tpu.dma_semaphore, #tpu.memory_space<semaphore_mem>>)
    %dma_start3A_12 = arith.constant 1 : i32
    %dma_start3A_13 = arith.constant 0 : i32
    %dma_start3A_14 = tpu.memref_slice %arg7[%dma_start3A_12, %dma_start3A_13] : memref<32x80xi32, #tpu.memory_space<vmem>> -> memref<1x80xi32, #tpu.memory_space<vmem>>
    %dma_start3A_15 = tpu.memref_squeeze %dma_start3A_14 : memref<1x80xi32, #tpu.memory_space<vmem>> -> memref<80xi32, #tpu.memory_space<vmem>>
    %dma_start3A_16 = arith.constant 0 : i32
    %dma_start3A_17 = arith.constant 0 : i32
    %dma_start3A_18 = tpu.memref_slice %arg2[%dma_start3A_16, %dma_start3A_17] : memref<20000x128xf32, #tpu.memory_space<hbm>> -> memref<20000x128xf32, #tpu.memory_space<hbm>>
    tpu.enqueue_indirect_dma source(%dma_start3A_18 : memref<20000x128xf32, #tpu.memory_space<hbm>>) target(%arg10 : memref<80x128xf32, #tpu.memory_space<vmem>>) offsets(%dma_start3A_15 : memref<80xi32, #tpu.memory_space<vmem>>) semaphore(%arg15 : memref<!tpu.dma_semaphore, #tpu.memory_space<semaphore_mem>>)
    %dma_start3A_19 = arith.constant 2 : i32
    %dma_start3A_20 = arith.constant 0 : i32
    %dma_start3A_21 = tpu.memref_slice %arg7[%dma_start3A_19, %dma_start3A_20] : memref<32x80xi32, #tpu.memory_space<vmem>> -> memref<1x80xi32, #tpu.memory_space<vmem>>
    %dma_start3A_22 = tpu.memref_squeeze %dma_start3A_21 : memref<1x80xi32, #tpu.memory_space<vmem>> -> memref<80xi32, #tpu.memory_space<vmem>>
    %dma_start3A_23 = arith.constant 0 : i32
    %dma_start3A_24 = arith.constant 0 : i32
    %dma_start3A_25 = tpu.memref_slice %arg2[%dma_start3A_23, %dma_start3A_24] : memref<20000x128xf32, #tpu.memory_space<hbm>> -> memref<20000x128xf32, #tpu.memory_space<hbm>>
    tpu.enqueue_indirect_dma source(%dma_start3A_25 : memref<20000x128xf32, #tpu.memory_space<hbm>>) target(%arg11 : memref<80x128xf32, #tpu.memory_space<vmem>>) offsets(%dma_start3A_22 : memref<80xi32, #tpu.memory_space<vmem>>) semaphore(%arg16 : memref<!tpu.dma_semaphore, #tpu.memory_space<semaphore_mem>>)
    %dma_wait3A = arith.constant 0 : i32
    %dma_wait3A_26 = arith.constant 0 : i32
    %dma_wait3A_27 = tpu.memref_slice %arg7[%dma_wait3A, %dma_wait3A_26] : memref<32x80xi32, #tpu.memory_space<vmem>> -> memref<1x80xi32, #tpu.memory_space<vmem>>
    %dma_wait3A_28 = tpu.memref_squeeze %dma_wait3A_27 : memref<1x80xi32, #tpu.memory_space<vmem>> -> memref<80xi32, #tpu.memory_space<vmem>>
    %dma_wait3A_29 = arith.constant 0 : i32
    %dma_wait3A_30 = arith.constant 0 : i32
    %dma_wait3A_31 = tpu.memref_slice %arg2[%dma_wait3A_29, %dma_wait3A_30] : memref<20000x128xf32, #tpu.memory_space<hbm>> -> memref<20000x128xf32, #tpu.memory_space<hbm>>
    tpu.wait_indirect_dma semaphore(%arg14 : memref<!tpu.dma_semaphore, #tpu.memory_space<semaphore_mem>>) src(%dma_wait3A_31 : memref<20000x128xf32, #tpu.memory_space<hbm>>) dst(%arg9 : memref<80x128xf32, #tpu.memory_space<vmem>>)
    %dma_start3A_32 = arith.constant 0 : i32
    %dma_start3A_33 = arith.constant 0 : i32
    %dma_start3A_34 = tpu.memref_slice %arg8[%dma_start3A_32, %dma_start3A_33] : memref<32x80xi32, #tpu.memory_space<vmem>> -> memref<1x80xi32, #tpu.memory_space<vmem>>
    %dma_start3A_35 = tpu.memref_squeeze %dma_start3A_34 : memref<1x80xi32, #tpu.memory_space<vmem>> -> memref<80xi32, #tpu.memory_space<vmem>>
    %dma_start3A_36 = arith.constant 0 : i32
    %dma_start3A_37 = arith.constant 0 : i32
    %dma_start3A_38 = tpu.memref_slice %arg13[%dma_start3A_36, %dma_start3A_37] : memref<10000x128xf32, #tpu.memory_space<vmem_shared>> -> memref<10000x128xf32, #tpu.memory_space<vmem_shared>>
    tpu.enqueue_indirect_dma source(%arg9 : memref<80x128xf32, #tpu.memory_space<vmem>>) target(%dma_start3A_38 : memref<10000x128xf32, #tpu.memory_space<vmem_shared>>) offsets(%dma_start3A_35 : memref<80xi32, #tpu.memory_space<vmem>>) semaphore(%arg18 : memref<!tpu.dma_semaphore, #tpu.memory_space<semaphore_mem>>) {add = true}
    %dma_start3A_39 = arith.constant 3 : i32
    %dma_start3A_40 = arith.constant 0 : i32
    %dma_start3A_41 = tpu.memref_slice %arg7[%dma_start3A_39, %dma_start3A_40] : memref<32x80xi32, #tpu.memory_space<vmem>> -> memref<1x80xi32, #tpu.memory_space<vmem>>
    %dma_start3A_42 = tpu.memref_squeeze %dma_start3A_41 : memref<1x80xi32, #tpu.memory_space<vmem>> -> memref<80xi32, #tpu.memory_space<vmem>>
    %dma_start3A_43 = arith.constant 0 : i32
    %dma_start3A_44 = arith.constant 0 : i32
    %dma_start3A_45 = tpu.memref_slice %arg2[%dma_start3A_43, %dma_start3A_44] : memref<20000x128xf32, #tpu.memory_space<hbm>> -> memref<20000x128xf32, #tpu.memory_space<hbm>>
    tpu.enqueue_indirect_dma source(%dma_start3A_45 : memref<20000x128xf32, #tpu.memory_space<hbm>>) target(%arg12 : memref<80x128xf32, #tpu.memory_space<vmem>>) offsets(%dma_start3A_42 : memref<80xi32, #tpu.memory_space<vmem>>) semaphore(%arg17 : memref<!tpu.dma_semaphore, #tpu.memory_space<semaphore_mem>>)
    %dma_wait3A_46 = arith.constant 1 : i32
    %dma_wait3A_47 = arith.constant 0 : i32
    %dma_wait3A_48 = tpu.memref_slice %arg7[%dma_wait3A_46, %dma_wait3A_47] : memref<32x80xi32, #tpu.memory_space<vmem>> -> memref<1x80xi32, #tpu.memory_space<vmem>>
    %dma_wait3A_49 = tpu.memref_squeeze %dma_wait3A_48 : memref<1x80xi32, #tpu.memory_space<vmem>> -> memref<80xi32, #tpu.memory_space<vmem>>
    %dma_wait3A_50 = arith.constant 0 : i32
    %dma_wait3A_51 = arith.constant 0 : i32
    %dma_wait3A_52 = tpu.memref_slice %arg2[%dma_wait3A_50, %dma_wait3A_51] : memref<20000x128xf32, #tpu.memory_space<hbm>> -> memref<20000x128xf32, #tpu.memory_space<hbm>>
    tpu.wait_indirect_dma semaphore(%arg15 : memref<!tpu.dma_semaphore, #tpu.memory_space<semaphore_mem>>) src(%dma_wait3A_52 : memref<20000x128xf32, #tpu.memory_space<hbm>>) dst(%arg10 : memref<80x128xf32, #tpu.memory_space<vmem>>)
    %dma_start3A_53 = arith.constant 1 : i32
    %dma_start3A_54 = arith.constant 0 : i32
    %dma_start3A_55 = tpu.memref_slice %arg8[%dma_start3A_53, %dma_start3A_54] : memref<32x80xi32, #tpu.memory_space<vmem>> -> memref<1x80xi32, #tpu.memory_space<vmem>>
    %dma_start3A_56 = tpu.memref_squeeze %dma_start3A_55 : memref<1x80xi32, #tpu.memory_space<vmem>> -> memref<80xi32, #tpu.memory_space<vmem>>
    %dma_start3A_57 = arith.constant 0 : i32
    %dma_start3A_58 = arith.constant 0 : i32
    %dma_start3A_59 = tpu.memref_slice %arg13[%dma_start3A_57, %dma_start3A_58] : memref<10000x128xf32, #tpu.memory_space<vmem_shared>> -> memref<10000x128xf32, #tpu.memory_space<vmem_shared>>
    tpu.enqueue_indirect_dma source(%arg10 : memref<80x128xf32, #tpu.memory_space<vmem>>) target(%dma_start3A_59 : memref<10000x128xf32, #tpu.memory_space<vmem_shared>>) offsets(%dma_start3A_56 : memref<80xi32, #tpu.memory_space<vmem>>) semaphore(%arg19 : memref<!tpu.dma_semaphore, #tpu.memory_space<semaphore_mem>>) {add = true}
    %dma_wait3A_60 = arith.constant 0 : i32
    %dma_wait3A_61 = arith.constant 0 : i32
    %dma_wait3A_62 = tpu.memref_slice %arg8[%dma_wait3A_60, %dma_wait3A_61] : memref<32x80xi32, #tpu.memory_space<vmem>> -> memref<1x80xi32, #tpu.memory_space<vmem>>
    %dma_wait3A_63 = tpu.memref_squeeze %dma_wait3A_62 : memref<1x80xi32, #tpu.memory_space<vmem>> -> memref<80xi32, #tpu.memory_space<vmem>>
    %dma_wait3A_64 = arith.constant 0 : i32
    %dma_wait3A_65 = arith.constant 0 : i32
    %dma_wait3A_66 = tpu.memref_slice %arg13[%dma_wait3A_64, %dma_wait3A_65] : memref<10000x128xf32, #tpu.memory_space<vmem_shared>> -> memref<10000x128xf32, #tpu.memory_space<vmem_shared>>
    tpu.wait_indirect_dma semaphore(%arg18 : memref<!tpu.dma_semaphore, #tpu.memory_space<semaphore_mem>>) src(%arg9 : memref<80x128xf32, #tpu.memory_space<vmem>>) dst(%dma_wait3A_66 : memref<10000x128xf32, #tpu.memory_space<vmem_shared>>)
    %dma_start3A_67 = arith.constant 4 : i32
    %dma_start3A_68 = arith.constant 0 : i32
    %dma_start3A_69 = tpu.memref_slice %arg7[%dma_start3A_67, %dma_start3A_68] : memref<32x80xi32, #tpu.memory_space<vmem>> -> memref<1x80xi32, #tpu.memory_space<vmem>>
    %dma_start3A_70 = tpu.memref_squeeze %dma_start3A_69 : memref<1x80xi32, #tpu.memory_space<vmem>> -> memref<80xi32, #tpu.memory_space<vmem>>
    %dma_start3A_71 = arith.constant 0 : i32
    %dma_start3A_72 = arith.constant 0 : i32
    %dma_start3A_73 = tpu.memref_slice %arg2[%dma_start3A_71, %dma_start3A_72] : memref<20000x128xf32, #tpu.memory_space<hbm>> -> memref<20000x128xf32, #tpu.memory_space<hbm>>
    tpu.enqueue_indirect_dma source(%dma_start3A_73 : memref<20000x128xf32, #tpu.memory_space<hbm>>) target(%arg9 : memref<80x128xf32, #tpu.memory_space<vmem>>) offsets(%dma_start3A_70 : memref<80xi32, #tpu.memory_space<vmem>>) semaphore(%arg14 : memref<!tpu.dma_semaphore, #tpu.memory_space<semaphore_mem>>)
    %dma_wait3A_74 = arith.constant 2 : i32
    %dma_wait3A_75 = arith.constant 0 : i32
    %dma_wait3A_76 = tpu.memref_slice %arg7[%dma_wait3A_74, %dma_wait3A_75] : memref<32x80xi32, #tpu.memory_space<vmem>> -> memref<1x80xi32, #tpu.memory_space<vmem>>
    %dma_wait3A_77 = tpu.memref_squeeze %dma_wait3A_76 : memref<1x80xi32, #tpu.memory_space<vmem>> -> memref<80xi32, #tpu.memory_space<vmem>>
    %dma_wait3A_78 = arith.constant 0 : i32
    %dma_wait3A_79 = arith.constant 0 : i32
    %dma_wait3A_80 = tpu.memref_slice %arg2[%dma_wait3A_78, %dma_wait3A_79] : memref<20000x128xf32, #tpu.memory_space<hbm>> -> memref<20000x128xf32, #tpu.memory_space<hbm>>
    tpu.wait_indirect_dma semaphore(%arg16 : memref<!tpu.dma_semaphore, #tpu.memory_space<semaphore_mem>>) src(%dma_wait3A_80 : memref<20000x128xf32, #tpu.memory_space<hbm>>) dst(%arg11 : memref<80x128xf32, #tpu.memory_space<vmem>>)
    %dma_start3A_81 = arith.constant 2 : i32
    %dma_start3A_82 = arith.constant 0 : i32
    %dma_start3A_83 = tpu.memref_slice %arg8[%dma_start3A_81, %dma_start3A_82] : memref<32x80xi32, #tpu.memory_space<vmem>> -> memref<1x80xi32, #tpu.memory_space<vmem>>
    %dma_start3A_84 = tpu.memref_squeeze %dma_start3A_83 : memref<1x80xi32, #tpu.memory_space<vmem>> -> memref<80xi32, #tpu.memory_space<vmem>>
    %dma_start3A_85 = arith.constant 0 : i32
    %dma_start3A_86 = arith.constant 0 : i32
    %dma_start3A_87 = tpu.memref_slice %arg13[%dma_start3A_85, %dma_start3A_86] : memref<10000x128xf32, #tpu.memory_space<vmem_shared>> -> memref<10000x128xf32, #tpu.memory_space<vmem_shared>>
    tpu.enqueue_indirect_dma source(%arg11 : memref<80x128xf32, #tpu.memory_space<vmem>>) target(%dma_start3A_87 : memref<10000x128xf32, #tpu.memory_space<vmem_shared>>) offsets(%dma_start3A_84 : memref<80xi32, #tpu.memory_space<vmem>>) semaphore(%arg20 : memref<!tpu.dma_semaphore, #tpu.memory_space<semaphore_mem>>) {add = true}
    %dma_wait3A_88 = arith.constant 1 : i32
    %dma_wait3A_89 = arith.constant 0 : i32
    %dma_wait3A_90 = tpu.memref_slice %arg8[%dma_wait3A_88, %dma_wait3A_89] : memref<32x80xi32, #tpu.memory_space<vmem>> -> memref<1x80xi32, #tpu.memory_space<vmem>>
    %dma_wait3A_91 = tpu.memref_squeeze %dma_wait3A_90 : memref<1x80xi32, #tpu.memory_space<vmem>> -> memref<80xi32, #tpu.memory_space<vmem>>
    %dma_wait3A_92 = arith.constant 0 : i32
    %dma_wait3A_93 = arith.constant 0 : i32
    %dma_wait3A_94 = tpu.memref_slice %arg13[%dma_wait3A_92, %dma_wait3A_93] : memref<10000x128xf32, #tpu.memory_space<vmem_shared>> -> memref<10000x128xf32, #tpu.memory_space<vmem_shared>>
    tpu.wait_indirect_dma semaphore(%arg19 : memref<!tpu.dma_semaphore, #tpu.memory_space<semaphore_mem>>) src(%arg10 : memref<80x128xf32, #tpu.memory_space<vmem>>) dst(%dma_wait3A_94 : memref<10000x128xf32, #tpu.memory_space<vmem_shared>>)
    %dma_start3A_95 = arith.constant 5 : i32
    %dma_start3A_96 = arith.constant 0 : i32
    %dma_start3A_97 = tpu.memref_slice %arg7[%dma_start3A_95, %dma_start3A_96] : memref<32x80xi32, #tpu.memory_space<vmem>> -> memref<1x80xi32, #tpu.memory_space<vmem>>
    %dma_start3A_98 = tpu.memref_squeeze %dma_start3A_97 : memref<1x80xi32, #tpu.memory_space<vmem>> -> memref<80xi32, #tpu.memory_space<vmem>>
    %dma_start3A_99 = arith.constant 0 : i32
    %dma_start3A_100 = arith.constant 0 : i32
    %dma_start3A_101 = tpu.memref_slice %arg2[%dma_start3A_99, %dma_start3A_100] : memref<20000x128xf32, #tpu.memory_space<hbm>> -> memref<20000x128xf32, #tpu.memory_space<hbm>>
    tpu.enqueue_indirect_dma source(%dma_start3A_101 : memref<20000x128xf32, #tpu.memory_space<hbm>>) target(%arg10 : memref<80x128xf32, #tpu.memory_space<vmem>>) offsets(%dma_start3A_98 : memref<80xi32, #tpu.memory_space<vmem>>) semaphore(%arg15 : memref<!tpu.dma_semaphore, #tpu.memory_space<semaphore_mem>>)
    %dma_wait3A_102 = arith.constant 3 : i32
    %dma_wait3A_103 = arith.constant 0 : i32
    %dma_wait3A_104 = tpu.memref_slice %arg7[%dma_wait3A_102, %dma_wait3A_103] : memref<32x80xi32, #tpu.memory_space<vmem>> -> memref<1x80xi32, #tpu.memory_space<vmem>>
    %dma_wait3A_105 = tpu.memref_squeeze %dma_wait3A_104 : memref<1x80xi32, #tpu.memory_space<vmem>> -> memref<80xi32, #tpu.memory_space<vmem>>
    %dma_wait3A_106 = arith.constant 0 : i32
    %dma_wait3A_107 = arith.constant 0 : i32
    %dma_wait3A_108 = tpu.memref_slice %arg2[%dma_wait3A_106, %dma_wait3A_107] : memref<20000x128xf32, #tpu.memory_space<hbm>> -> memref<20000x128xf32, #tpu.memory_space<hbm>>
    tpu.wait_indirect_dma semaphore(%arg17 : memref<!tpu.dma_semaphore, #tpu.memory_space<semaphore_mem>>) src(%dma_wait3A_108 : memref<20000x128xf32, #tpu.memory_space<hbm>>) dst(%arg12 : memref<80x128xf32, #tpu.memory_space<vmem>>)
    %dma_start3A_109 = arith.constant 3 : i32
    %dma_start3A_110 = arith.constant 0 : i32
    %dma_start3A_111 = tpu.memref_slice %arg8[%dma_start3A_109, %dma_start3A_110] : memref<32x80xi32, #tpu.memory_space<vmem>> -> memref<1x80xi32, #tpu.memory_space<vmem>>
    %dma_start3A_112 = tpu.memref_squeeze %dma_start3A_111 : memref<1x80xi32, #tpu.memory_space<vmem>> -> memref<80xi32, #tpu.memory_space<vmem>>
    %dma_start3A_113 = arith.constant 0 : i32
    %dma_start3A_114 = arith.constant 0 : i32
    %dma_start3A_115 = tpu.memref_slice %arg13[%dma_start3A_113, %dma_start3A_114] : memref<10000x128xf32, #tpu.memory_space<vmem_shared>> -> memref<10000x128xf32, #tpu.memory_space<vmem_shared>>
    tpu.enqueue_indirect_dma source(%arg12 : memref<80x128xf32, #tpu.memory_space<vmem>>) target(%dma_start3A_115 : memref<10000x128xf32, #tpu.memory_space<vmem_shared>>) offsets(%dma_start3A_112 : memref<80xi32, #tpu.memory_space<vmem>>) semaphore(%arg21 : memref<!tpu.dma_semaphore, #tpu.memory_space<semaphore_mem>>) {add = true}
    %dma_wait3A_116 = arith.constant 2 : i32
    %dma_wait3A_117 = arith.constant 0 : i32
    %dma_wait3A_118 = tpu.memref_slice %arg8[%dma_wait3A_116, %dma_wait3A_117] : memref<32x80xi32, #tpu.memory_space<vmem>> -> memref<1x80xi32, #tpu.memory_space<vmem>>
    %dma_wait3A_119 = tpu.memref_squeeze %dma_wait3A_118 : memref<1x80xi32, #tpu.memory_space<vmem>> -> memref<80xi32, #tpu.memory_space<vmem>>
    %dma_wait3A_120 = arith.constant 0 : i32
    %dma_wait3A_121 = arith.constant 0 : i32
    %dma_wait3A_122 = tpu.memref_slice %arg13[%dma_wait3A_120, %dma_wait3A_121] : memref<10000x128xf32, #tpu.memory_space<vmem_shared>> -> memref<10000x128xf32, #tpu.memory_space<vmem_shared>>
    tpu.wait_indirect_dma semaphore(%arg20 : memref<!tpu.dma_semaphore, #tpu.memory_space<semaphore_mem>>) src(%arg11 : memref<80x128xf32, #tpu.memory_space<vmem>>) dst(%dma_wait3A_122 : memref<10000x128xf32, #tpu.memory_space<vmem_shared>>)
    %dma_start3A_123 = arith.constant 6 : i32
    %dma_start3A_124 = arith.constant 0 : i32
    %dma_start3A_125 = tpu.memref_slice %arg7[%dma_start3A_123, %dma_start3A_124] : memref<32x80xi32, #tpu.memory_space<vmem>> -> memref<1x80xi32, #tpu.memory_space<vmem>>
    %dma_start3A_126 = tpu.memref_squeeze %dma_start3A_125 : memref<1x80xi32, #tpu.memory_space<vmem>> -> memref<80xi32, #tpu.memory_space<vmem>>
    %dma_start3A_127 = arith.constant 0 : i32
    %dma_start3A_128 = arith.constant 0 : i32
    %dma_start3A_129 = tpu.memref_slice %arg2[%dma_start3A_127, %dma_start3A_128] : memref<20000x128xf32, #tpu.memory_space<hbm>> -> memref<20000x128xf32, #tpu.memory_space<hbm>>
    tpu.enqueue_indirect_dma source(%dma_start3A_129 : memref<20000x128xf32, #tpu.memory_space<hbm>>) target(%arg11 : memref<80x128xf32, #tpu.memory_space<vmem>>) offsets(%dma_start3A_126 : memref<80xi32, #tpu.memory_space<vmem>>) semaphore(%arg16 : memref<!tpu.dma_semaphore, #tpu.memory_space<semaphore_mem>>)
    %scan3A = arith.constant 0 : i32
    %scan3A_130 = arith.constant 1 : i32
    %scan3A_131 = arith.constant 6 : i32
    %scan3A_132 = arith.addi %scan3A_130, %scan3A_131 : i32
    %scan3A_133 = arith.constant 1 : i32
    scf.for %scan3A_962 = %scan3A_130 to %scan3A_132 step %scan3A_133  : i32 {
      %mul3A = arith.constant 4 : i32
      %mul3A_963 = arith.muli %mul3A, %scan3A_962 : i32
      %add3A = arith.constant 0 : i32
      %add3A_964 = arith.addi %mul3A_963, %add3A : i32
      %dma_wait3A_965 = arith.constant 0 : i32
      %dma_wait3A_966 = tpu.memref_slice %arg7[%add3A_964, %dma_wait3A_965] : memref<32x80xi32, #tpu.memory_space<vmem>> -> memref<1x80xi32, #tpu.memory_space<vmem>>
      %dma_wait3A_967 = tpu.memref_squeeze %dma_wait3A_966 : memref<1x80xi32, #tpu.memory_space<vmem>> -> memref<80xi32, #tpu.memory_space<vmem>>
      %dma_wait3A_968 = arith.constant 0 : i32
      %dma_wait3A_969 = arith.constant 0 : i32
      %dma_wait3A_970 = tpu.memref_slice %arg2[%dma_wait3A_968, %dma_wait3A_969] : memref<20000x128xf32, #tpu.memory_space<hbm>> -> memref<20000x128xf32, #tpu.memory_space<hbm>>
      tpu.wait_indirect_dma semaphore(%arg14 : memref<!tpu.dma_semaphore, #tpu.memory_space<semaphore_mem>>) src(%dma_wait3A_970 : memref<20000x128xf32, #tpu.memory_space<hbm>>) dst(%arg9 : memref<80x128xf32, #tpu.memory_space<vmem>>)
      %dma_start3A_971 = arith.constant 0 : i32
      %dma_start3A_972 = tpu.memref_slice %arg8[%add3A_964, %dma_start3A_971] : memref<32x80xi32, #tpu.memory_space<vmem>> -> memref<1x80xi32, #tpu.memory_space<vmem>>
      %dma_start3A_973 = tpu.memref_squeeze %dma_start3A_972 : memref<1x80xi32, #tpu.memory_space<vmem>> -> memref<80xi32, #tpu.memory_space<vmem>>
      %dma_start3A_974 = arith.constant 0 : i32
      %dma_start3A_975 = arith.constant 0 : i32
      %dma_start3A_976 = tpu.memref_slice %arg13[%dma_start3A_974, %dma_start3A_975] : memref<10000x128xf32, #tpu.memory_space<vmem_shared>> -> memref<10000x128xf32, #tpu.memory_space<vmem_shared>>
      tpu.enqueue_indirect_dma source(%arg9 : memref<80x128xf32, #tpu.memory_space<vmem>>) target(%dma_start3A_976 : memref<10000x128xf32, #tpu.memory_space<vmem_shared>>) offsets(%dma_start3A_973 : memref<80xi32, #tpu.memory_space<vmem>>) semaphore(%arg18 : memref<!tpu.dma_semaphore, #tpu.memory_space<semaphore_mem>>) {add = true}
      %sub3A = arith.constant 1 : i32
      %sub3A_977 = arith.subi %add3A_964, %sub3A : i32
      %dma_wait3A_978 = arith.constant 0 : i32
      %dma_wait3A_979 = tpu.memref_slice %arg8[%sub3A_977, %dma_wait3A_978] : memref<32x80xi32, #tpu.memory_space<vmem>> -> memref<1x80xi32, #tpu.memory_space<vmem>>
      %dma_wait3A_980 = tpu.memref_squeeze %dma_wait3A_979 : memref<1x80xi32, #tpu.memory_space<vmem>> -> memref<80xi32, #tpu.memory_space<vmem>>
      %dma_wait3A_981 = arith.constant 0 : i32
      %dma_wait3A_982 = arith.constant 0 : i32
      %dma_wait3A_983 = tpu.memref_slice %arg13[%dma_wait3A_981, %dma_wait3A_982] : memref<10000x128xf32, #tpu.memory_space<vmem_shared>> -> memref<10000x128xf32, #tpu.memory_space<vmem_shared>>
      tpu.wait_indirect_dma semaphore(%arg21 : memref<!tpu.dma_semaphore, #tpu.memory_space<semaphore_mem>>) src(%arg12 : memref<80x128xf32, #tpu.memory_space<vmem>>) dst(%dma_wait3A_983 : memref<10000x128xf32, #tpu.memory_space<vmem_shared>>)
      %add3A_984 = arith.constant 4 : i32
      %add3A_985 = arith.addi %add3A_964, %add3A_984 : i32
      %sub3A_986 = arith.constant 1 : i32
      %sub3A_987 = arith.subi %add3A_985, %sub3A_986 : i32
      %dma_start3A_988 = arith.constant 0 : i32
      %dma_start3A_989 = tpu.memref_slice %arg7[%sub3A_987, %dma_start3A_988] : memref<32x80xi32, #tpu.memory_space<vmem>> -> memref<1x80xi32, #tpu.memory_space<vmem>>
      %dma_start3A_990 = tpu.memref_squeeze %dma_start3A_989 : memref<1x80xi32, #tpu.memory_space<vmem>> -> memref<80xi32, #tpu.memory_space<vmem>>
      %dma_start3A_991 = arith.constant 0 : i32
      %dma_start3A_992 = arith.constant 0 : i32
      %dma_start3A_993 = tpu.memref_slice %arg2[%dma_start3A_991, %dma_start3A_992] : memref<20000x128xf32, #tpu.memory_space<hbm>> -> memref<20000x128xf32, #tpu.memory_space<hbm>>
      tpu.enqueue_indirect_dma source(%dma_start3A_993 : memref<20000x128xf32, #tpu.memory_space<hbm>>) target(%arg12 : memref<80x128xf32, #tpu.memory_space<vmem>>) offsets(%dma_start3A_990 : memref<80xi32, #tpu.memory_space<vmem>>) semaphore(%arg17 : memref<!tpu.dma_semaphore, #tpu.memory_space<semaphore_mem>>)
      %add3A_994 = arith.constant 1 : i32
      %add3A_995 = arith.addi %mul3A_963, %add3A_994 : i32
      %dma_wait3A_996 = arith.constant 0 : i32
      %dma_wait3A_997 = tpu.memref_slice %arg7[%add3A_995, %dma_wait3A_996] : memref<32x80xi32, #tpu.memory_space<vmem>> -> memref<1x80xi32, #tpu.memory_space<vmem>>
      %dma_wait3A_998 = tpu.memref_squeeze %dma_wait3A_997 : memref<1x80xi32, #tpu.memory_space<vmem>> -> memref<80xi32, #tpu.memory_space<vmem>>
      %dma_wait3A_999 = arith.constant 0 : i32
      %dma_wait3A_1000 = arith.constant 0 : i32
      %dma_wait3A_1001 = tpu.memref_slice %arg2[%dma_wait3A_999, %dma_wait3A_1000] : memref<20000x128xf32, #tpu.memory_space<hbm>> -> memref<20000x128xf32, #tpu.memory_space<hbm>>
      tpu.wait_indirect_dma semaphore(%arg15 : memref<!tpu.dma_semaphore, #tpu.memory_space<semaphore_mem>>) src(%dma_wait3A_1001 : memref<20000x128xf32, #tpu.memory_space<hbm>>) dst(%arg10 : memref<80x128xf32, #tpu.memory_space<vmem>>)
      %dma_start3A_1002 = arith.constant 0 : i32
      %dma_start3A_1003 = tpu.memref_slice %arg8[%add3A_995, %dma_start3A_1002] : memref<32x80xi32, #tpu.memory_space<vmem>> -> memref<1x80xi32, #tpu.memory_space<vmem>>
      %dma_start3A_1004 = tpu.memref_squeeze %dma_start3A_1003 : memref<1x80xi32, #tpu.memory_space<vmem>> -> memref<80xi32, #tpu.memory_space<vmem>>
      %dma_start3A_1005 = arith.constant 0 : i32
      %dma_start3A_1006 = arith.constant 0 : i32
      %dma_start3A_1007 = tpu.memref_slice %arg13[%dma_start3A_1005, %dma_start3A_1006] : memref<10000x128xf32, #tpu.memory_space<vmem_shared>> -> memref<10000x128xf32, #tpu.memory_space<vmem_shared>>
      tpu.enqueue_indirect_dma source(%arg10 : memref<80x128xf32, #tpu.memory_space<vmem>>) target(%dma_start3A_1007 : memref<10000x128xf32, #tpu.memory_space<vmem_shared>>) offsets(%dma_start3A_1004 : memref<80xi32, #tpu.memory_space<vmem>>) semaphore(%arg19 : memref<!tpu.dma_semaphore, #tpu.memory_space<semaphore_mem>>) {add = true}
      %sub3A_1008 = arith.constant 1 : i32
      %sub3A_1009 = arith.subi %add3A_995, %sub3A_1008 : i32
      %dma_wait3A_1010 = arith.constant 0 : i32
      %dma_wait3A_1011 = tpu.memref_slice %arg8[%sub3A_1009, %dma_wait3A_1010] : memref<32x80xi32, #tpu.memory_space<vmem>> -> memref<1x80xi32, #tpu.memory_space<vmem>>
      %dma_wait3A_1012 = tpu.memref_squeeze %dma_wait3A_1011 : memref<1x80xi32, #tpu.memory_space<vmem>> -> memref<80xi32, #tpu.memory_space<vmem>>
      %dma_wait3A_1013 = arith.constant 0 : i32
      %dma_wait3A_1014 = arith.constant 0 : i32
      %dma_wait3A_1015 = tpu.memref_slice %arg13[%dma_wait3A_1013, %dma_wait3A_1014] : memref<10000x128xf32, #tpu.memory_space<vmem_shared>> -> memref<10000x128xf32, #tpu.memory_space<vmem_shared>>
      tpu.wait_indirect_dma semaphore(%arg18 : memref<!tpu.dma_semaphore, #tpu.memory_space<semaphore_mem>>) src(%arg9 : memref<80x128xf32, #tpu.memory_space<vmem>>) dst(%dma_wait3A_1015 : memref<10000x128xf32, #tpu.memory_space<vmem_shared>>)
      %add3A_1016 = arith.constant 4 : i32
      %add3A_1017 = arith.addi %add3A_995, %add3A_1016 : i32
      %sub3A_1018 = arith.constant 1 : i32
      %sub3A_1019 = arith.subi %add3A_1017, %sub3A_1018 : i32
      %dma_start3A_1020 = arith.constant 0 : i32
      %dma_start3A_1021 = tpu.memref_slice %arg7[%sub3A_1019, %dma_start3A_1020] : memref<32x80xi32, #tpu.memory_space<vmem>> -> memref<1x80xi32, #tpu.memory_space<vmem>>
      %dma_start3A_1022 = tpu.memref_squeeze %dma_start3A_1021 : memref<1x80xi32, #tpu.memory_space<vmem>> -> memref<80xi32, #tpu.memory_space<vmem>>
      %dma_start3A_1023 = arith.constant 0 : i32
      %dma_start3A_1024 = arith.constant 0 : i32
      %dma_start3A_1025 = tpu.memref_slice %arg2[%dma_start3A_1023, %dma_start3A_1024] : memref<20000x128xf32, #tpu.memory_space<hbm>> -> memref<20000x128xf32, #tpu.memory_space<hbm>>
      tpu.enqueue_indirect_dma source(%dma_start3A_1025 : memref<20000x128xf32, #tpu.memory_space<hbm>>) target(%arg9 : memref<80x128xf32, #tpu.memory_space<vmem>>) offsets(%dma_start3A_1022 : memref<80xi32, #tpu.memory_space<vmem>>) semaphore(%arg14 : memref<!tpu.dma_semaphore, #tpu.memory_space<semaphore_mem>>)
      %add3A_1026 = arith.constant 2 : i32
      %add3A_1027 = arith.addi %mul3A_963, %add3A_1026 : i32
      %dma_wait3A_1028 = arith.constant 0 : i32
      %dma_wait3A_1029 = tpu.memref_slice %arg7[%add3A_1027, %dma_wait3A_1028] : memref<32x80xi32, #tpu.memory_space<vmem>> -> memref<1x80xi32, #tpu.memory_space<vmem>>
      %dma_wait3A_1030 = tpu.memref_squeeze %dma_wait3A_1029 : memref<1x80xi32, #tpu.memory_space<vmem>> -> memref<80xi32, #tpu.memory_space<vmem>>
      %dma_wait3A_1031 = arith.constant 0 : i32
      %dma_wait3A_1032 = arith.constant 0 : i32
      %dma_wait3A_1033 = tpu.memref_slice %arg2[%dma_wait3A_1031, %dma_wait3A_1032] : memref<20000x128xf32, #tpu.memory_space<hbm>> -> memref<20000x128xf32, #tpu.memory_space<hbm>>
      tpu.wait_indirect_dma semaphore(%arg16 : memref<!tpu.dma_semaphore, #tpu.memory_space<semaphore_mem>>) src(%dma_wait3A_1033 : memref<20000x128xf32, #tpu.memory_space<hbm>>) dst(%arg11 : memref<80x128xf32, #tpu.memory_space<vmem>>)
      %dma_start3A_1034 = arith.constant 0 : i32
      %dma_start3A_1035 = tpu.memref_slice %arg8[%add3A_1027, %dma_start3A_1034] : memref<32x80xi32, #tpu.memory_space<vmem>> -> memref<1x80xi32, #tpu.memory_space<vmem>>
      %dma_start3A_1036 = tpu.memref_squeeze %dma_start3A_1035 : memref<1x80xi32, #tpu.memory_space<vmem>> -> memref<80xi32, #tpu.memory_space<vmem>>
      %dma_start3A_1037 = arith.constant 0 : i32
      %dma_start3A_1038 = arith.constant 0 : i32
      %dma_start3A_1039 = tpu.memref_slice %arg13[%dma_start3A_1037, %dma_start3A_1038] : memref<10000x128xf32, #tpu.memory_space<vmem_shared>> -> memref<10000x128xf32, #tpu.memory_space<vmem_shared>>
      tpu.enqueue_indirect_dma source(%arg11 : memref<80x128xf32, #tpu.memory_space<vmem>>) target(%dma_start3A_1039 : memref<10000x128xf32, #tpu.memory_space<vmem_shared>>) offsets(%dma_start3A_1036 : memref<80xi32, #tpu.memory_space<vmem>>) semaphore(%arg20 : memref<!tpu.dma_semaphore, #tpu.memory_space<semaphore_mem>>) {add = true}
      %sub3A_1040 = arith.constant 1 : i32
      %sub3A_1041 = arith.subi %add3A_1027, %sub3A_1040 : i32
      %dma_wait3A_1042 = arith.constant 0 : i32
      %dma_wait3A_1043 = tpu.memref_slice %arg8[%sub3A_1041, %dma_wait3A_1042] : memref<32x80xi32, #tpu.memory_space<vmem>> -> memref<1x80xi32, #tpu.memory_space<vmem>>
      %dma_wait3A_1044 = tpu.memref_squeeze %dma_wait3A_1043 : memref<1x80xi32, #tpu.memory_space<vmem>> -> memref<80xi32, #tpu.memory_space<vmem>>
      %dma_wait3A_1045 = arith.constant 0 : i32
      %dma_wait3A_1046 = arith.constant 0 : i32
      %dma_wait3A_1047 = tpu.memref_slice %arg13[%dma_wait3A_1045, %dma_wait3A_1046] : memref<10000x128xf32, #tpu.memory_space<vmem_shared>> -> memref<10000x128xf32, #tpu.memory_space<vmem_shared>>
      tpu.wait_indirect_dma semaphore(%arg19 : memref<!tpu.dma_semaphore, #tpu.memory_space<semaphore_mem>>) src(%arg10 : memref<80x128xf32, #tpu.memory_space<vmem>>) dst(%dma_wait3A_1047 : memref<10000x128xf32, #tpu.memory_space<vmem_shared>>)
      %add3A_1048 = arith.constant 4 : i32
      %add3A_1049 = arith.addi %add3A_1027, %add3A_1048 : i32
      %sub3A_1050 = arith.constant 1 : i32
      %sub3A_1051 = arith.subi %add3A_1049, %sub3A_1050 : i32
      %dma_start3A_1052 = arith.constant 0 : i32
      %dma_start3A_1053 = tpu.memref_slice %arg7[%sub3A_1051, %dma_start3A_1052] : memref<32x80xi32, #tpu.memory_space<vmem>> -> memref<1x80xi32, #tpu.memory_space<vmem>>
      %dma_start3A_1054 = tpu.memref_squeeze %dma_start3A_1053 : memref<1x80xi32, #tpu.memory_space<vmem>> -> memref<80xi32, #tpu.memory_space<vmem>>
      %dma_start3A_1055 = arith.constant 0 : i32
      %dma_start3A_1056 = arith.constant 0 : i32
      %dma_start3A_1057 = tpu.memref_slice %arg2[%dma_start3A_1055, %dma_start3A_1056] : memref<20000x128xf32, #tpu.memory_space<hbm>> -> memref<20000x128xf32, #tpu.memory_space<hbm>>
      tpu.enqueue_indirect_dma source(%dma_start3A_1057 : memref<20000x128xf32, #tpu.memory_space<hbm>>) target(%arg10 : memref<80x128xf32, #tpu.memory_space<vmem>>) offsets(%dma_start3A_1054 : memref<80xi32, #tpu.memory_space<vmem>>) semaphore(%arg15 : memref<!tpu.dma_semaphore, #tpu.memory_space<semaphore_mem>>)
      %add3A_1058 = arith.constant 3 : i32
      %add3A_1059 = arith.addi %mul3A_963, %add3A_1058 : i32
      %dma_wait3A_1060 = arith.constant 0 : i32
      %dma_wait3A_1061 = tpu.memref_slice %arg7[%add3A_1059, %dma_wait3A_1060] : memref<32x80xi32, #tpu.memory_space<vmem>> -> memref<1x80xi32, #tpu.memory_space<vmem>>
      %dma_wait3A_1062 = tpu.memref_squeeze %dma_wait3A_1061 : memref<1x80xi32, #tpu.memory_space<vmem>> -> memref<80xi32, #tpu.memory_space<vmem>>
      %dma_wait3A_1063 = arith.constant 0 : i32
      %dma_wait3A_1064 = arith.constant 0 : i32
      %dma_wait3A_1065 = tpu.memref_slice %arg2[%dma_wait3A_1063, %dma_wait3A_1064] : memref<20000x128xf32, #tpu.memory_space<hbm>> -> memref<20000x128xf32, #tpu.memory_space<hbm>>
      tpu.wait_indirect_dma semaphore(%arg17 : memref<!tpu.dma_semaphore, #tpu.memory_space<semaphore_mem>>) src(%dma_wait3A_1065 : memref<20000x128xf32, #tpu.memory_space<hbm>>) dst(%arg12 : memref<80x128xf32, #tpu.memory_space<vmem>>)
      %dma_start3A_1066 = arith.constant 0 : i32
      %dma_start3A_1067 = tpu.memref_slice %arg8[%add3A_1059, %dma_start3A_1066] : memref<32x80xi32, #tpu.memory_space<vmem>> -> memref<1x80xi32, #tpu.memory_space<vmem>>
      %dma_start3A_1068 = tpu.memref_squeeze %dma_start3A_1067 : memref<1x80xi32, #tpu.memory_space<vmem>> -> memref<80xi32, #tpu.memory_space<vmem>>
      %dma_start3A_1069 = arith.constant 0 : i32
      %dma_start3A_1070 = arith.constant 0 : i32
      %dma_start3A_1071 = tpu.memref_slice %arg13[%dma_start3A_1069, %dma_start3A_1070] : memref<10000x128xf32, #tpu.memory_space<vmem_shared>> -> memref<10000x128xf32, #tpu.memory_space<vmem_shared>>
      tpu.enqueue_indirect_dma source(%arg12 : memref<80x128xf32, #tpu.memory_space<vmem>>) target(%dma_start3A_1071 : memref<10000x128xf32, #tpu.memory_space<vmem_shared>>) offsets(%dma_start3A_1068 : memref<80xi32, #tpu.memory_space<vmem>>) semaphore(%arg21 : memref<!tpu.dma_semaphore, #tpu.memory_space<semaphore_mem>>) {add = true}
      %sub3A_1072 = arith.constant 1 : i32
      %sub3A_1073 = arith.subi %add3A_1059, %sub3A_1072 : i32
      %dma_wait3A_1074 = arith.constant 0 : i32
      %dma_wait3A_1075 = tpu.memref_slice %arg8[%sub3A_1073, %dma_wait3A_1074] : memref<32x80xi32, #tpu.memory_space<vmem>> -> memref<1x80xi32, #tpu.memory_space<vmem>>
      %dma_wait3A_1076 = tpu.memref_squeeze %dma_wait3A_1075 : memref<1x80xi32, #tpu.memory_space<vmem>> -> memref<80xi32, #tpu.memory_space<vmem>>
      %dma_wait3A_1077 = arith.constant 0 : i32
      %dma_wait3A_1078 = arith.constant 0 : i32
      %dma_wait3A_1079 = tpu.memref_slice %arg13[%dma_wait3A_1077, %dma_wait3A_1078] : memref<10000x128xf32, #tpu.memory_space<vmem_shared>> -> memref<10000x128xf32, #tpu.memory_space<vmem_shared>>
      tpu.wait_indirect_dma semaphore(%arg20 : memref<!tpu.dma_semaphore, #tpu.memory_space<semaphore_mem>>) src(%arg11 : memref<80x128xf32, #tpu.memory_space<vmem>>) dst(%dma_wait3A_1079 : memref<10000x128xf32, #tpu.memory_space<vmem_shared>>)
      %add3A_1080 = arith.constant 4 : i32
      %add3A_1081 = arith.addi %add3A_1059, %add3A_1080 : i32
      %sub3A_1082 = arith.constant 1 : i32
      %sub3A_1083 = arith.subi %add3A_1081, %sub3A_1082 : i32
      %dma_start3A_1084 = arith.constant 0 : i32
      %dma_start3A_1085 = tpu.memref_slice %arg7[%sub3A_1083, %dma_start3A_1084] : memref<32x80xi32, #tpu.memory_space<vmem>> -> memref<1x80xi32, #tpu.memory_space<vmem>>
      %dma_start3A_1086 = tpu.memref_squeeze %dma_start3A_1085 : memref<1x80xi32, #tpu.memory_space<vmem>> -> memref<80xi32, #tpu.memory_space<vmem>>
      %dma_start3A_1087 = arith.constant 0 : i32
      %dma_start3A_1088 = arith.constant 0 : i32
      %dma_start3A_1089 = tpu.memref_slice %arg2[%dma_start3A_1087, %dma_start3A_1088] : memref<20000x128xf32, #tpu.memory_space<hbm>> -> memref<20000x128xf32, #tpu.memory_space<hbm>>
      tpu.enqueue_indirect_dma source(%dma_start3A_1089 : memref<20000x128xf32, #tpu.memory_space<hbm>>) target(%arg11 : memref<80x128xf32, #tpu.memory_space<vmem>>) offsets(%dma_start3A_1086 : memref<80xi32, #tpu.memory_space<vmem>>) semaphore(%arg16 : memref<!tpu.dma_semaphore, #tpu.memory_space<semaphore_mem>>)
    }
    %scan3A_134 = arith.constant 6 : i32
    %dma_wait3A_135 = arith.constant 28 : i32
    %dma_wait3A_136 = arith.constant 0 : i32
    %dma_wait3A_137 = tpu.memref_slice %arg7[%dma_wait3A_135, %dma_wait3A_136] : memref<32x80xi32, #tpu.memory_space<vmem>> -> memref<1x80xi32, #tpu.memory_space<vmem>>
    %dma_wait3A_138 = tpu.memref_squeeze %dma_wait3A_137 : memref<1x80xi32, #tpu.memory_space<vmem>> -> memref<80xi32, #tpu.memory_space<vmem>>
    %dma_wait3A_139 = arith.constant 0 : i32
    %dma_wait3A_140 = arith.constant 0 : i32
    %dma_wait3A_141 = tpu.memref_slice %arg2[%dma_wait3A_139, %dma_wait3A_140] : memref<20000x128xf32, #tpu.memory_space<hbm>> -> memref<20000x128xf32, #tpu.memory_space<hbm>>
    tpu.wait_indirect_dma semaphore(%arg14 : memref<!tpu.dma_semaphore, #tpu.memory_space<semaphore_mem>>) src(%dma_wait3A_141 : memref<20000x128xf32, #tpu.memory_space<hbm>>) dst(%arg9 : memref<80x128xf32, #tpu.memory_space<vmem>>)
    %dma_start3A_142 = arith.constant 28 : i32
    %dma_start3A_143 = arith.constant 0 : i32
    %dma_start3A_144 = tpu.memref_slice %arg8[%dma_start3A_142, %dma_start3A_143] : memref<32x80xi32, #tpu.memory_space<vmem>> -> memref<1x80xi32, #tpu.memory_space<vmem>>
    %dma_start3A_145 = tpu.memref_squeeze %dma_start3A_144 : memref<1x80xi32, #tpu.memory_space<vmem>> -> memref<80xi32, #tpu.memory_space<vmem>>
    %dma_start3A_146 = arith.constant 0 : i32
    %dma_start3A_147 = arith.constant 0 : i32
    %dma_start3A_148 = tpu.memref_slice %arg13[%dma_start3A_146, %dma_start3A_147] : memref<10000x128xf32, #tpu.memory_space<vmem_shared>> -> memref<10000x128xf32, #tpu.memory_space<vmem_shared>>
    tpu.enqueue_indirect_dma source(%arg9 : memref<80x128xf32, #tpu.memory_space<vmem>>) target(%dma_start3A_148 : memref<10000x128xf32, #tpu.memory_space<vmem_shared>>) offsets(%dma_start3A_145 : memref<80xi32, #tpu.memory_space<vmem>>) semaphore(%arg18 : memref<!tpu.dma_semaphore, #tpu.memory_space<semaphore_mem>>) {add = true}
    %dma_wait3A_149 = arith.constant 27 : i32
    %dma_wait3A_150 = arith.constant 0 : i32
    %dma_wait3A_151 = tpu.memref_slice %arg8[%dma_wait3A_149, %dma_wait3A_150] : memref<32x80xi32, #tpu.memory_space<vmem>> -> memref<1x80xi32, #tpu.memory_space<vmem>>
    %dma_wait3A_152 = tpu.memref_squeeze %dma_wait3A_151 : memref<1x80xi32, #tpu.memory_space<vmem>> -> memref<80xi32, #tpu.memory_space<vmem>>
    %dma_wait3A_153 = arith.constant 0 : i32
    %dma_wait3A_154 = arith.constant 0 : i32
    %dma_wait3A_155 = tpu.memref_slice %arg13[%dma_wait3A_153, %dma_wait3A_154] : memref<10000x128xf32, #tpu.memory_space<vmem_shared>> -> memref<10000x128xf32, #tpu.memory_space<vmem_shared>>
    tpu.wait_indirect_dma semaphore(%arg21 : memref<!tpu.dma_semaphore, #tpu.memory_space<semaphore_mem>>) src(%arg12 : memref<80x128xf32, #tpu.memory_space<vmem>>) dst(%dma_wait3A_155 : memref<10000x128xf32, #tpu.memory_space<vmem_shared>>)
    %dma_start3A_156 = arith.constant 31 : i32
    %dma_start3A_157 = arith.constant 0 : i32
    %dma_start3A_158 = tpu.memref_slice %arg7[%dma_start3A_156, %dma_start3A_157] : memref<32x80xi32, #tpu.memory_space<vmem>> -> memref<1x80xi32, #tpu.memory_space<vmem>>
    %dma_start3A_159 = tpu.memref_squeeze %dma_start3A_158 : memref<1x80xi32, #tpu.memory_space<vmem>> -> memref<80xi32, #tpu.memory_space<vmem>>
    %dma_start3A_160 = arith.constant 0 : i32
    %dma_start3A_161 = arith.constant 0 : i32
    %dma_start3A_162 = tpu.memref_slice %arg2[%dma_start3A_160, %dma_start3A_161] : memref<20000x128xf32, #tpu.memory_space<hbm>> -> memref<20000x128xf32, #tpu.memory_space<hbm>>
    tpu.enqueue_indirect_dma source(%dma_start3A_162 : memref<20000x128xf32, #tpu.memory_space<hbm>>) target(%arg12 : memref<80x128xf32, #tpu.memory_space<vmem>>) offsets(%dma_start3A_159 : memref<80xi32, #tpu.memory_space<vmem>>) semaphore(%arg17 : memref<!tpu.dma_semaphore, #tpu.memory_space<semaphore_mem>>)
    %dma_wait3A_163 = arith.constant 29 : i32
    %dma_wait3A_164 = arith.constant 0 : i32
    %dma_wait3A_165 = tpu.memref_slice %arg7[%dma_wait3A_163, %dma_wait3A_164] : memref<32x80xi32, #tpu.memory_space<vmem>> -> memref<1x80xi32, #tpu.memory_space<vmem>>
    %dma_wait3A_166 = tpu.memref_squeeze %dma_wait3A_165 : memref<1x80xi32, #tpu.memory_space<vmem>> -> memref<80xi32, #tpu.memory_space<vmem>>
    %dma_wait3A_167 = arith.constant 0 : i32
    %dma_wait3A_168 = arith.constant 0 : i32
    %dma_wait3A_169 = tpu.memref_slice %arg2[%dma_wait3A_167, %dma_wait3A_168] : memref<20000x128xf32, #tpu.memory_space<hbm>> -> memref<20000x128xf32, #tpu.memory_space<hbm>>
    tpu.wait_indirect_dma semaphore(%arg15 : memref<!tpu.dma_semaphore, #tpu.memory_space<semaphore_mem>>) src(%dma_wait3A_169 : memref<20000x128xf32, #tpu.memory_space<hbm>>) dst(%arg10 : memref<80x128xf32, #tpu.memory_space<vmem>>)
    %dma_start3A_170 = arith.constant 29 : i32
    %dma_start3A_171 = arith.constant 0 : i32
    %dma_start3A_172 = tpu.memref_slice %arg8[%dma_start3A_170, %dma_start3A_171] : memref<32x80xi32, #tpu.memory_space<vmem>> -> memref<1x80xi32, #tpu.memory_space<vmem>>
    %dma_start3A_173 = tpu.memref_squeeze %dma_start3A_172 : memref<1x80xi32, #tpu.memory_space<vmem>> -> memref<80xi32, #tpu.memory_space<vmem>>
    %dma_start3A_174 = arith.constant 0 : i32
    %dma_start3A_175 = arith.constant 0 : i32
    %dma_start3A_176 = tpu.memref_slice %arg13[%dma_start3A_174, %dma_start3A_175] : memref<10000x128xf32, #tpu.memory_space<vmem_shared>> -> memref<10000x128xf32, #tpu.memory_space<vmem_shared>>
    tpu.enqueue_indirect_dma source(%arg10 : memref<80x128xf32, #tpu.memory_space<vmem>>) target(%dma_start3A_176 : memref<10000x128xf32, #tpu.memory_space<vmem_shared>>) offsets(%dma_start3A_173 : memref<80xi32, #tpu.memory_space<vmem>>) semaphore(%arg19 : memref<!tpu.dma_semaphore, #tpu.memory_space<semaphore_mem>>) {add = true}
    %dma_wait3A_177 = arith.constant 30 : i32
    %dma_wait3A_178 = arith.constant 0 : i32
    %dma_wait3A_179 = tpu.memref_slice %arg7[%dma_wait3A_177, %dma_wait3A_178] : memref<32x80xi32, #tpu.memory_space<vmem>> -> memref<1x80xi32, #tpu.memory_space<vmem>>
    %dma_wait3A_180 = tpu.memref_squeeze %dma_wait3A_179 : memref<1x80xi32, #tpu.memory_space<vmem>> -> memref<80xi32, #tpu.memory_space<vmem>>
    %dma_wait3A_181 = arith.constant 0 : i32
    %dma_wait3A_182 = arith.constant 0 : i32
    %dma_wait3A_183 = tpu.memref_slice %arg2[%dma_wait3A_181, %dma_wait3A_182] : memref<20000x128xf32, #tpu.memory_space<hbm>> -> memref<20000x128xf32, #tpu.memory_space<hbm>>
    tpu.wait_indirect_dma semaphore(%arg16 : memref<!tpu.dma_semaphore, #tpu.memory_space<semaphore_mem>>) src(%dma_wait3A_183 : memref<20000x128xf32, #tpu.memory_space<hbm>>) dst(%arg11 : memref<80x128xf32, #tpu.memory_space<vmem>>)
    %dma_start3A_184 = arith.constant 30 : i32
    %dma_start3A_185 = arith.constant 0 : i32
    %dma_start3A_186 = tpu.memref_slice %arg8[%dma_start3A_184, %dma_start3A_185] : memref<32x80xi32, #tpu.memory_space<vmem>> -> memref<1x80xi32, #tpu.memory_space<vmem>>
    %dma_start3A_187 = tpu.memref_squeeze %dma_start3A_186 : memref<1x80xi32, #tpu.memory_space<vmem>> -> memref<80xi32, #tpu.memory_space<vmem>>
    %dma_start3A_188 = arith.constant 0 : i32
    %dma_start3A_189 = arith.constant 0 : i32
    %dma_start3A_190 = tpu.memref_slice %arg13[%dma_start3A_188, %dma_start3A_189] : memref<10000x128xf32, #tpu.memory_space<vmem_shared>> -> memref<10000x128xf32, #tpu.memory_space<vmem_shared>>
    tpu.enqueue_indirect_dma source(%arg11 : memref<80x128xf32, #tpu.memory_space<vmem>>) target(%dma_start3A_190 : memref<10000x128xf32, #tpu.memory_space<vmem_shared>>) offsets(%dma_start3A_187 : memref<80xi32, #tpu.memory_space<vmem>>) semaphore(%arg20 : memref<!tpu.dma_semaphore, #tpu.memory_space<semaphore_mem>>) {add = true}
    %dma_wait3A_191 = arith.constant 31 : i32
    %dma_wait3A_192 = arith.constant 0 : i32
    %dma_wait3A_193 = tpu.memref_slice %arg7[%dma_wait3A_191, %dma_wait3A_192] : memref<32x80xi32, #tpu.memory_space<vmem>> -> memref<1x80xi32, #tpu.memory_space<vmem>>
    %dma_wait3A_194 = tpu.memref_squeeze %dma_wait3A_193 : memref<1x80xi32, #tpu.memory_space<vmem>> -> memref<80xi32, #tpu.memory_space<vmem>>
    %dma_wait3A_195 = arith.constant 0 : i32
    %dma_wait3A_196 = arith.constant 0 : i32
    %dma_wait3A_197 = tpu.memref_slice %arg2[%dma_wait3A_195, %dma_wait3A_196] : memref<20000x128xf32, #tpu.memory_space<hbm>> -> memref<20000x128xf32, #tpu.memory_space<hbm>>
    tpu.wait_indirect_dma semaphore(%arg17 : memref<!tpu.dma_semaphore, #tpu.memory_space<semaphore_mem>>) src(%dma_wait3A_197 : memref<20000x128xf32, #tpu.memory_space<hbm>>) dst(%arg12 : memref<80x128xf32, #tpu.memory_space<vmem>>)
    %dma_start3A_198 = arith.constant 31 : i32
    %dma_start3A_199 = arith.constant 0 : i32
    %dma_start3A_200 = tpu.memref_slice %arg8[%dma_start3A_198, %dma_start3A_199] : memref<32x80xi32, #tpu.memory_space<vmem>> -> memref<1x80xi32, #tpu.memory_space<vmem>>
    %dma_start3A_201 = tpu.memref_squeeze %dma_start3A_200 : memref<1x80xi32, #tpu.memory_space<vmem>> -> memref<80xi32, #tpu.memory_space<vmem>>
    %dma_start3A_202 = arith.constant 0 : i32
    %dma_start3A_203 = arith.constant 0 : i32
    %dma_start3A_204 = tpu.memref_slice %arg13[%dma_start3A_202, %dma_start3A_203] : memref<10000x128xf32, #tpu.memory_space<vmem_shared>> -> memref<10000x128xf32, #tpu.memory_space<vmem_shared>>
    tpu.enqueue_indirect_dma source(%arg12 : memref<80x128xf32, #tpu.memory_space<vmem>>) target(%dma_start3A_204 : memref<10000x128xf32, #tpu.memory_space<vmem_shared>>) offsets(%dma_start3A_201 : memref<80xi32, #tpu.memory_space<vmem>>) semaphore(%arg21 : memref<!tpu.dma_semaphore, #tpu.memory_space<semaphore_mem>>) {add = true}
    %dma_wait3A_205 = arith.constant 28 : i32
    %dma_wait3A_206 = arith.constant 0 : i32
    %dma_wait3A_207 = tpu.memref_slice %arg8[%dma_wait3A_205, %dma_wait3A_206] : memref<32x80xi32, #tpu.memory_space<vmem>> -> memref<1x80xi32, #tpu.memory_space<vmem>>
    %dma_wait3A_208 = tpu.memref_squeeze %dma_wait3A_207 : memref<1x80xi32, #tpu.memory_space<vmem>> -> memref<80xi32, #tpu.memory_space<vmem>>
    %dma_wait3A_209 = arith.constant 0 : i32
    %dma_wait3A_210 = arith.constant 0 : i32
    %dma_wait3A_211 = tpu.memref_slice %arg13[%dma_wait3A_209, %dma_wait3A_210] : memref<10000x128xf32, #tpu.memory_space<vmem_shared>> -> memref<10000x128xf32, #tpu.memory_space<vmem_shared>>
    tpu.wait_indirect_dma semaphore(%arg18 : memref<!tpu.dma_semaphore, #tpu.memory_space<semaphore_mem>>) src(%arg9 : memref<80x128xf32, #tpu.memory_space<vmem>>) dst(%dma_wait3A_211 : memref<10000x128xf32, #tpu.memory_space<vmem_shared>>)
    %dma_wait3A_212 = arith.constant 29 : i32
    %dma_wait3A_213 = arith.constant 0 : i32
    %dma_wait3A_214 = tpu.memref_slice %arg8[%dma_wait3A_212, %dma_wait3A_213] : memref<32x80xi32, #tpu.memory_space<vmem>> -> memref<1x80xi32, #tpu.memory_space<vmem>>
    %dma_wait3A_215 = tpu.memref_squeeze %dma_wait3A_214 : memref<1x80xi32, #tpu.memory_space<vmem>> -> memref<80xi32, #tpu.memory_space<vmem>>
    %dma_wait3A_216 = arith.constant 0 : i32
    %dma_wait3A_217 = arith.constant 0 : i32
    %dma_wait3A_218 = tpu.memref_slice %arg13[%dma_wait3A_216, %dma_wait3A_217] : memref<10000x128xf32, #tpu.memory_space<vmem_shared>> -> memref<10000x128xf32, #tpu.memory_space<vmem_shared>>
    tpu.wait_indirect_dma semaphore(%arg19 : memref<!tpu.dma_semaphore, #tpu.memory_space<semaphore_mem>>) src(%arg10 : memref<80x128xf32, #tpu.memory_space<vmem>>) dst(%dma_wait3A_218 : memref<10000x128xf32, #tpu.memory_space<vmem_shared>>)
    %dma_wait3A_219 = arith.constant 30 : i32
    %dma_wait3A_220 = arith.constant 0 : i32
    %dma_wait3A_221 = tpu.memref_slice %arg8[%dma_wait3A_219, %dma_wait3A_220] : memref<32x80xi32, #tpu.memory_space<vmem>> -> memref<1x80xi32, #tpu.memory_space<vmem>>
    %dma_wait3A_222 = tpu.memref_squeeze %dma_wait3A_221 : memref<1x80xi32, #tpu.memory_space<vmem>> -> memref<80xi32, #tpu.memory_space<vmem>>
    %dma_wait3A_223 = arith.constant 0 : i32
    %dma_wait3A_224 = arith.constant 0 : i32
    %dma_wait3A_225 = tpu.memref_slice %arg13[%dma_wait3A_223, %dma_wait3A_224] : memref<10000x128xf32, #tpu.memory_space<vmem_shared>> -> memref<10000x128xf32, #tpu.memory_space<vmem_shared>>
    tpu.wait_indirect_dma semaphore(%arg20 : memref<!tpu.dma_semaphore, #tpu.memory_space<semaphore_mem>>) src(%arg11 : memref<80x128xf32, #tpu.memory_space<vmem>>) dst(%dma_wait3A_225 : memref<10000x128xf32, #tpu.memory_space<vmem_shared>>)
    %dma_wait3A_226 = arith.constant 31 : i32
    %dma_wait3A_227 = arith.constant 0 : i32
    %dma_wait3A_228 = tpu.memref_slice %arg8[%dma_wait3A_226, %dma_wait3A_227] : memref<32x80xi32, #tpu.memory_space<vmem>> -> memref<1x80xi32, #tpu.memory_space<vmem>>
    %dma_wait3A_229 = tpu.memref_squeeze %dma_wait3A_228 : memref<1x80xi32, #tpu.memory_space<vmem>> -> memref<80xi32, #tpu.memory_space<vmem>>
    %dma_wait3A_230 = arith.constant 0 : i32
    %dma_wait3A_231 = arith.constant 0 : i32
    %dma_wait3A_232 = tpu.memref_slice %arg13[%dma_wait3A_230, %dma_wait3A_231] : memref<10000x128xf32, #tpu.memory_space<vmem_shared>> -> memref<10000x128xf32, #tpu.memory_space<vmem_shared>>
    tpu.wait_indirect_dma semaphore(%arg21 : memref<!tpu.dma_semaphore, #tpu.memory_space<semaphore_mem>>) src(%arg12 : memref<80x128xf32, #tpu.memory_space<vmem>>) dst(%dma_wait3A_232 : memref<10000x128xf32, #tpu.memory_space<vmem_shared>>)
    "tpu.region"() ({
      %run_scoped3A = tpu.sem_alloc : memref<!tpu.dma_semaphore, #tpu.memory_space<semaphore_mem>>
      %dma_start3A_962 = arith.constant 0 : i32
      %dma_start3A_963 = arith.constant 0 : i32
      %dma_start3A_964 = tpu.memref_slice %arg7[%dma_start3A_962, %dma_start3A_963] : memref<32x80xi32, #tpu.memory_space<vmem>> -> memref<32x80xi32, #tpu.memory_space<vmem>>
      %dma_start3A_965 = arith.constant 32 : i32
      %dma_start3A_966 = arith.constant 0 : i32
      %dma_start3A_967 = tpu.memref_slice %arg3[%arg0, %arg1, %dma_start3A_965, %dma_start3A_966] : memref<2x16x125x80xi32, #tpu.memory_space<hbm>> -> memref<1x1x32x80xi32, #tpu.memory_space<hbm>>
      %dma_start3A_968 = tpu.memref_squeeze %dma_start3A_967 : memref<1x1x32x80xi32, #tpu.memory_space<hbm>> -> memref<32x80xi32, #tpu.memory_space<hbm>>
      %dma_start3A_969 = arith.constant 0 : i32
      %dma_start3A_970 = arith.constant 0 : i32
      %dma_start3A_971 = tpu.memref_slice %arg7[%dma_start3A_969, %dma_start3A_970] : memref<32x80xi32, #tpu.memory_space<vmem>> -> memref<32x80xi32, #tpu.memory_space<vmem>>
      %dma_start3A_972 = arith.constant 32 : i32
      %dma_start3A_973 = arith.constant 0 : i32
      %dma_start3A_974 = tpu.memref_slice %arg3[%arg0, %arg1, %dma_start3A_972, %dma_start3A_973] : memref<2x16x125x80xi32, #tpu.memory_space<hbm>> -> memref<1x1x32x80xi32, #tpu.memory_space<hbm>>
      %dma_start3A_975 = tpu.memref_squeeze %dma_start3A_974 : memref<1x1x32x80xi32, #tpu.memory_space<hbm>> -> memref<32x80xi32, #tpu.memory_space<hbm>>
      tpu.enqueue_dma source(%dma_start3A_975 : memref<32x80xi32, #tpu.memory_space<hbm>>) target(%dma_start3A_971 : memref<32x80xi32, #tpu.memory_space<vmem>>) target_semaphore(%run_scoped3A : memref<!tpu.dma_semaphore, #tpu.memory_space<semaphore_mem>>)
      %dma_wait3A_976 = arith.constant 0 : i32
      %dma_wait3A_977 = arith.constant 0 : i32
      %dma_wait3A_978 = tpu.memref_slice %arg7[%dma_wait3A_976, %dma_wait3A_977] : memref<32x80xi32, #tpu.memory_space<vmem>> -> memref<32x80xi32, #tpu.memory_space<vmem>>
      %dma_wait3A_979 = arith.constant 32 : i32
      %dma_wait3A_980 = arith.constant 0 : i32
      %dma_wait3A_981 = tpu.memref_slice %arg3[%arg0, %arg1, %dma_wait3A_979, %dma_wait3A_980] : memref<2x16x125x80xi32, #tpu.memory_space<hbm>> -> memref<1x1x32x80xi32, #tpu.memory_space<hbm>>
      %dma_wait3A_982 = tpu.memref_squeeze %dma_wait3A_981 : memref<1x1x32x80xi32, #tpu.memory_space<hbm>> -> memref<32x80xi32, #tpu.memory_space<hbm>>
      %dma_wait3A_983 = arith.constant 0 : i32
      %dma_wait3A_984 = arith.constant 0 : i32
      %dma_wait3A_985 = tpu.memref_slice %arg7[%dma_wait3A_983, %dma_wait3A_984] : memref<32x80xi32, #tpu.memory_space<vmem>> -> memref<32x80xi32, #tpu.memory_space<vmem>>
      %dma_wait3A_986 = arith.constant 32 : i32
      %dma_wait3A_987 = arith.constant 0 : i32
      %dma_wait3A_988 = tpu.memref_slice %arg3[%arg0, %arg1, %dma_wait3A_986, %dma_wait3A_987] : memref<2x16x125x80xi32, #tpu.memory_space<hbm>> -> memref<1x1x32x80xi32, #tpu.memory_space<hbm>>
      %dma_wait3A_989 = tpu.memref_squeeze %dma_wait3A_988 : memref<1x1x32x80xi32, #tpu.memory_space<hbm>> -> memref<32x80xi32, #tpu.memory_space<hbm>>
      tpu.wait_dma2 semaphore(%run_scoped3A : memref<!tpu.dma_semaphore, #tpu.memory_space<semaphore_mem>>) src(%dma_wait3A_989 : memref<32x80xi32, #tpu.memory_space<hbm>>) dst(%dma_wait3A_985 : memref<32x80xi32, #tpu.memory_space<vmem>>)
      tpu.yield
    }) : () -> ()
    "tpu.region"() ({
      %run_scoped3A = tpu.sem_alloc : memref<!tpu.dma_semaphore, #tpu.memory_space<semaphore_mem>>
      %dma_start3A_962 = arith.constant 0 : i32
      %dma_start3A_963 = arith.constant 0 : i32
      %dma_start3A_964 = tpu.memref_slice %arg8[%dma_start3A_962, %dma_start3A_963] : memref<32x80xi32, #tpu.memory_space<vmem>> -> memref<32x80xi32, #tpu.memory_space<vmem>>
      %dma_start3A_965 = arith.constant 32 : i32
      %dma_start3A_966 = arith.constant 0 : i32
      %dma_start3A_967 = tpu.memref_slice %arg4[%arg1, %dma_start3A_965, %dma_start3A_966] : memref<16x125x80xi32, #tpu.memory_space<hbm>> -> memref<1x32x80xi32, #tpu.memory_space<hbm>>
      %dma_start3A_968 = tpu.memref_squeeze %dma_start3A_967 : memref<1x32x80xi32, #tpu.memory_space<hbm>> -> memref<32x80xi32, #tpu.memory_space<hbm>>
      %dma_start3A_969 = arith.constant 0 : i32
      %dma_start3A_970 = arith.constant 0 : i32
      %dma_start3A_971 = tpu.memref_slice %arg8[%dma_start3A_969, %dma_start3A_970] : memref<32x80xi32, #tpu.memory_space<vmem>> -> memref<32x80xi32, #tpu.memory_space<vmem>>
      %dma_start3A_972 = arith.constant 32 : i32
      %dma_start3A_973 = arith.constant 0 : i32
      %dma_start3A_974 = tpu.memref_slice %arg4[%arg1, %dma_start3A_972, %dma_start3A_973] : memref<16x125x80xi32, #tpu.memory_space<hbm>> -> memref<1x32x80xi32, #tpu.memory_space<hbm>>
      %dma_start3A_975 = tpu.memref_squeeze %dma_start3A_974 : memref<1x32x80xi32, #tpu.memory_space<hbm>> -> memref<32x80xi32, #tpu.memory_space<hbm>>
      tpu.enqueue_dma source(%dma_start3A_975 : memref<32x80xi32, #tpu.memory_space<hbm>>) target(%dma_start3A_971 : memref<32x80xi32, #tpu.memory_space<vmem>>) target_semaphore(%run_scoped3A : memref<!tpu.dma_semaphore, #tpu.memory_space<semaphore_mem>>)
      %dma_wait3A_976 = arith.constant 0 : i32
      %dma_wait3A_977 = arith.constant 0 : i32
      %dma_wait3A_978 = tpu.memref_slice %arg8[%dma_wait3A_976, %dma_wait3A_977] : memref<32x80xi32, #tpu.memory_space<vmem>> -> memref<32x80xi32, #tpu.memory_space<vmem>>
      %dma_wait3A_979 = arith.constant 32 : i32
      %dma_wait3A_980 = arith.constant 0 : i32
      %dma_wait3A_981 = tpu.memref_slice %arg4[%arg1, %dma_wait3A_979, %dma_wait3A_980] : memref<16x125x80xi32, #tpu.memory_space<hbm>> -> memref<1x32x80xi32, #tpu.memory_space<hbm>>
      %dma_wait3A_982 = tpu.memref_squeeze %dma_wait3A_981 : memref<1x32x80xi32, #tpu.memory_space<hbm>> -> memref<32x80xi32, #tpu.memory_space<hbm>>
      %dma_wait3A_983 = arith.constant 0 : i32
      %dma_wait3A_984 = arith.constant 0 : i32
      %dma_wait3A_985 = tpu.memref_slice %arg8[%dma_wait3A_983, %dma_wait3A_984] : memref<32x80xi32, #tpu.memory_space<vmem>> -> memref<32x80xi32, #tpu.memory_space<vmem>>
      %dma_wait3A_986 = arith.constant 32 : i32
      %dma_wait3A_987 = arith.constant 0 : i32
      %dma_wait3A_988 = tpu.memref_slice %arg4[%arg1, %dma_wait3A_986, %dma_wait3A_987] : memref<16x125x80xi32, #tpu.memory_space<hbm>> -> memref<1x32x80xi32, #tpu.memory_space<hbm>>
      %dma_wait3A_989 = tpu.memref_squeeze %dma_wait3A_988 : memref<1x32x80xi32, #tpu.memory_space<hbm>> -> memref<32x80xi32, #tpu.memory_space<hbm>>
      tpu.wait_dma2 semaphore(%run_scoped3A : memref<!tpu.dma_semaphore, #tpu.memory_space<semaphore_mem>>) src(%dma_wait3A_989 : memref<32x80xi32, #tpu.memory_space<hbm>>) dst(%dma_wait3A_985 : memref<32x80xi32, #tpu.memory_space<vmem>>)
      tpu.yield
    }) : () -> ()
    %dma_start3A_233 = arith.constant 0 : i32
    %dma_start3A_234 = arith.constant 0 : i32
    %dma_start3A_235 = tpu.memref_slice %arg7[%dma_start3A_233, %dma_start3A_234] : memref<32x80xi32, #tpu.memory_space<vmem>> -> memref<1x80xi32, #tpu.memory_space<vmem>>
    %dma_start3A_236 = tpu.memref_squeeze %dma_start3A_235 : memref<1x80xi32, #tpu.memory_space<vmem>> -> memref<80xi32, #tpu.memory_space<vmem>>
    %dma_start3A_237 = arith.constant 0 : i32
    %dma_start3A_238 = arith.constant 0 : i32
    %dma_start3A_239 = tpu.memref_slice %arg2[%dma_start3A_237, %dma_start3A_238] : memref<20000x128xf32, #tpu.memory_space<hbm>> -> memref<20000x128xf32, #tpu.memory_space<hbm>>
    tpu.enqueue_indirect_dma source(%dma_start3A_239 : memref<20000x128xf32, #tpu.memory_space<hbm>>) target(%arg9 : memref<80x128xf32, #tpu.memory_space<vmem>>) offsets(%dma_start3A_236 : memref<80xi32, #tpu.memory_space<vmem>>) semaphore(%arg14 : memref<!tpu.dma_semaphore, #tpu.memory_space<semaphore_mem>>)
    %dma_start3A_240 = arith.constant 1 : i32
    %dma_start3A_241 = arith.constant 0 : i32
    %dma_start3A_242 = tpu.memref_slice %arg7[%dma_start3A_240, %dma_start3A_241] : memref<32x80xi32, #tpu.memory_space<vmem>> -> memref<1x80xi32, #tpu.memory_space<vmem>>
    %dma_start3A_243 = tpu.memref_squeeze %dma_start3A_242 : memref<1x80xi32, #tpu.memory_space<vmem>> -> memref<80xi32, #tpu.memory_space<vmem>>
    %dma_start3A_244 = arith.constant 0 : i32
    %dma_start3A_245 = arith.constant 0 : i32
    %dma_start3A_246 = tpu.memref_slice %arg2[%dma_start3A_244, %dma_start3A_245] : memref<20000x128xf32, #tpu.memory_space<hbm>> -> memref<20000x128xf32, #tpu.memory_space<hbm>>
    tpu.enqueue_indirect_dma source(%dma_start3A_246 : memref<20000x128xf32, #tpu.memory_space<hbm>>) target(%arg10 : memref<80x128xf32, #tpu.memory_space<vmem>>) offsets(%dma_start3A_243 : memref<80xi32, #tpu.memory_space<vmem>>) semaphore(%arg15 : memref<!tpu.dma_semaphore, #tpu.memory_space<semaphore_mem>>)
    %dma_start3A_247 = arith.constant 2 : i32
    %dma_start3A_248 = arith.constant 0 : i32
    %dma_start3A_249 = tpu.memref_slice %arg7[%dma_start3A_247, %dma_start3A_248] : memref<32x80xi32, #tpu.memory_space<vmem>> -> memref<1x80xi32, #tpu.memory_space<vmem>>
    %dma_start3A_250 = tpu.memref_squeeze %dma_start3A_249 : memref<1x80xi32, #tpu.memory_space<vmem>> -> memref<80xi32, #tpu.memory_space<vmem>>
    %dma_start3A_251 = arith.constant 0 : i32
    %dma_start3A_252 = arith.constant 0 : i32
    %dma_start3A_253 = tpu.memref_slice %arg2[%dma_start3A_251, %dma_start3A_252] : memref<20000x128xf32, #tpu.memory_space<hbm>> -> memref<20000x128xf32, #tpu.memory_space<hbm>>
    tpu.enqueue_indirect_dma source(%dma_start3A_253 : memref<20000x128xf32, #tpu.memory_space<hbm>>) target(%arg11 : memref<80x128xf32, #tpu.memory_space<vmem>>) offsets(%dma_start3A_250 : memref<80xi32, #tpu.memory_space<vmem>>) semaphore(%arg16 : memref<!tpu.dma_semaphore, #tpu.memory_space<semaphore_mem>>)
    %dma_wait3A_254 = arith.constant 0 : i32
    %dma_wait3A_255 = arith.constant 0 : i32
    %dma_wait3A_256 = tpu.memref_slice %arg7[%dma_wait3A_254, %dma_wait3A_255] : memref<32x80xi32, #tpu.memory_space<vmem>> -> memref<1x80xi32, #tpu.memory_space<vmem>>
    %dma_wait3A_257 = tpu.memref_squeeze %dma_wait3A_256 : memref<1x80xi32, #tpu.memory_space<vmem>> -> memref<80xi32, #tpu.memory_space<vmem>>
    %dma_wait3A_258 = arith.constant 0 : i32
    %dma_wait3A_259 = arith.constant 0 : i32
    %dma_wait3A_260 = tpu.memref_slice %arg2[%dma_wait3A_258, %dma_wait3A_259] : memref<20000x128xf32, #tpu.memory_space<hbm>> -> memref<20000x128xf32, #tpu.memory_space<hbm>>
    tpu.wait_indirect_dma semaphore(%arg14 : memref<!tpu.dma_semaphore, #tpu.memory_space<semaphore_mem>>) src(%dma_wait3A_260 : memref<20000x128xf32, #tpu.memory_space<hbm>>) dst(%arg9 : memref<80x128xf32, #tpu.memory_space<vmem>>)
    %dma_start3A_261 = arith.constant 0 : i32
    %dma_start3A_262 = arith.constant 0 : i32
    %dma_start3A_263 = tpu.memref_slice %arg8[%dma_start3A_261, %dma_start3A_262] : memref<32x80xi32, #tpu.memory_space<vmem>> -> memref<1x80xi32, #tpu.memory_space<vmem>>
    %dma_start3A_264 = tpu.memref_squeeze %dma_start3A_263 : memref<1x80xi32, #tpu.memory_space<vmem>> -> memref<80xi32, #tpu.memory_space<vmem>>
    %dma_start3A_265 = arith.constant 0 : i32
    %dma_start3A_266 = arith.constant 0 : i32
    %dma_start3A_267 = tpu.memref_slice %arg13[%dma_start3A_265, %dma_start3A_266] : memref<10000x128xf32, #tpu.memory_space<vmem_shared>> -> memref<10000x128xf32, #tpu.memory_space<vmem_shared>>
    tpu.enqueue_indirect_dma source(%arg9 : memref<80x128xf32, #tpu.memory_space<vmem>>) target(%dma_start3A_267 : memref<10000x128xf32, #tpu.memory_space<vmem_shared>>) offsets(%dma_start3A_264 : memref<80xi32, #tpu.memory_space<vmem>>) semaphore(%arg18 : memref<!tpu.dma_semaphore, #tpu.memory_space<semaphore_mem>>) {add = true}
    %dma_start3A_268 = arith.constant 3 : i32
    %dma_start3A_269 = arith.constant 0 : i32
    %dma_start3A_270 = tpu.memref_slice %arg7[%dma_start3A_268, %dma_start3A_269] : memref<32x80xi32, #tpu.memory_space<vmem>> -> memref<1x80xi32, #tpu.memory_space<vmem>>
    %dma_start3A_271 = tpu.memref_squeeze %dma_start3A_270 : memref<1x80xi32, #tpu.memory_space<vmem>> -> memref<80xi32, #tpu.memory_space<vmem>>
    %dma_start3A_272 = arith.constant 0 : i32
    %dma_start3A_273 = arith.constant 0 : i32
    %dma_start3A_274 = tpu.memref_slice %arg2[%dma_start3A_272, %dma_start3A_273] : memref<20000x128xf32, #tpu.memory_space<hbm>> -> memref<20000x128xf32, #tpu.memory_space<hbm>>
    tpu.enqueue_indirect_dma source(%dma_start3A_274 : memref<20000x128xf32, #tpu.memory_space<hbm>>) target(%arg12 : memref<80x128xf32, #tpu.memory_space<vmem>>) offsets(%dma_start3A_271 : memref<80xi32, #tpu.memory_space<vmem>>) semaphore(%arg17 : memref<!tpu.dma_semaphore, #tpu.memory_space<semaphore_mem>>)
    %dma_wait3A_275 = arith.constant 1 : i32
    %dma_wait3A_276 = arith.constant 0 : i32
    %dma_wait3A_277 = tpu.memref_slice %arg7[%dma_wait3A_275, %dma_wait3A_276] : memref<32x80xi32, #tpu.memory_space<vmem>> -> memref<1x80xi32, #tpu.memory_space<vmem>>
    %dma_wait3A_278 = tpu.memref_squeeze %dma_wait3A_277 : memref<1x80xi32, #tpu.memory_space<vmem>> -> memref<80xi32, #tpu.memory_space<vmem>>
    %dma_wait3A_279 = arith.constant 0 : i32
    %dma_wait3A_280 = arith.constant 0 : i32
    %dma_wait3A_281 = tpu.memref_slice %arg2[%dma_wait3A_279, %dma_wait3A_280] : memref<20000x128xf32, #tpu.memory_space<hbm>> -> memref<20000x128xf32, #tpu.memory_space<hbm>>
    tpu.wait_indirect_dma semaphore(%arg15 : memref<!tpu.dma_semaphore, #tpu.memory_space<semaphore_mem>>) src(%dma_wait3A_281 : memref<20000x128xf32, #tpu.memory_space<hbm>>) dst(%arg10 : memref<80x128xf32, #tpu.memory_space<vmem>>)
    %dma_start3A_282 = arith.constant 1 : i32
    %dma_start3A_283 = arith.constant 0 : i32
    %dma_start3A_284 = tpu.memref_slice %arg8[%dma_start3A_282, %dma_start3A_283] : memref<32x80xi32, #tpu.memory_space<vmem>> -> memref<1x80xi32, #tpu.memory_space<vmem>>
    %dma_start3A_285 = tpu.memref_squeeze %dma_start3A_284 : memref<1x80xi32, #tpu.memory_space<vmem>> -> memref<80xi32, #tpu.memory_space<vmem>>
    %dma_start3A_286 = arith.constant 0 : i32
    %dma_start3A_287 = arith.constant 0 : i32
    %dma_start3A_288 = tpu.memref_slice %arg13[%dma_start3A_286, %dma_start3A_287] : memref<10000x128xf32, #tpu.memory_space<vmem_shared>> -> memref<10000x128xf32, #tpu.memory_space<vmem_shared>>
    tpu.enqueue_indirect_dma source(%arg10 : memref<80x128xf32, #tpu.memory_space<vmem>>) target(%dma_start3A_288 : memref<10000x128xf32, #tpu.memory_space<vmem_shared>>) offsets(%dma_start3A_285 : memref<80xi32, #tpu.memory_space<vmem>>) semaphore(%arg19 : memref<!tpu.dma_semaphore, #tpu.memory_space<semaphore_mem>>) {add = true}
    %dma_wait3A_289 = arith.constant 0 : i32
    %dma_wait3A_290 = arith.constant 0 : i32
    %dma_wait3A_291 = tpu.memref_slice %arg8[%dma_wait3A_289, %dma_wait3A_290] : memref<32x80xi32, #tpu.memory_space<vmem>> -> memref<1x80xi32, #tpu.memory_space<vmem>>
    %dma_wait3A_292 = tpu.memref_squeeze %dma_wait3A_291 : memref<1x80xi32, #tpu.memory_space<vmem>> -> memref<80xi32, #tpu.memory_space<vmem>>
    %dma_wait3A_293 = arith.constant 0 : i32
    %dma_wait3A_294 = arith.constant 0 : i32
    %dma_wait3A_295 = tpu.memref_slice %arg13[%dma_wait3A_293, %dma_wait3A_294] : memref<10000x128xf32, #tpu.memory_space<vmem_shared>> -> memref<10000x128xf32, #tpu.memory_space<vmem_shared>>
    tpu.wait_indirect_dma semaphore(%arg18 : memref<!tpu.dma_semaphore, #tpu.memory_space<semaphore_mem>>) src(%arg9 : memref<80x128xf32, #tpu.memory_space<vmem>>) dst(%dma_wait3A_295 : memref<10000x128xf32, #tpu.memory_space<vmem_shared>>)
    %dma_start3A_296 = arith.constant 4 : i32
    %dma_start3A_297 = arith.constant 0 : i32
    %dma_start3A_298 = tpu.memref_slice %arg7[%dma_start3A_296, %dma_start3A_297] : memref<32x80xi32, #tpu.memory_space<vmem>> -> memref<1x80xi32, #tpu.memory_space<vmem>>
    %dma_start3A_299 = tpu.memref_squeeze %dma_start3A_298 : memref<1x80xi32, #tpu.memory_space<vmem>> -> memref<80xi32, #tpu.memory_space<vmem>>
    %dma_start3A_300 = arith.constant 0 : i32
    %dma_start3A_301 = arith.constant 0 : i32
    %dma_start3A_302 = tpu.memref_slice %arg2[%dma_start3A_300, %dma_start3A_301] : memref<20000x128xf32, #tpu.memory_space<hbm>> -> memref<20000x128xf32, #tpu.memory_space<hbm>>
    tpu.enqueue_indirect_dma source(%dma_start3A_302 : memref<20000x128xf32, #tpu.memory_space<hbm>>) target(%arg9 : memref<80x128xf32, #tpu.memory_space<vmem>>) offsets(%dma_start3A_299 : memref<80xi32, #tpu.memory_space<vmem>>) semaphore(%arg14 : memref<!tpu.dma_semaphore, #tpu.memory_space<semaphore_mem>>)
    %dma_wait3A_303 = arith.constant 2 : i32
    %dma_wait3A_304 = arith.constant 0 : i32
    %dma_wait3A_305 = tpu.memref_slice %arg7[%dma_wait3A_303, %dma_wait3A_304] : memref<32x80xi32, #tpu.memory_space<vmem>> -> memref<1x80xi32, #tpu.memory_space<vmem>>
    %dma_wait3A_306 = tpu.memref_squeeze %dma_wait3A_305 : memref<1x80xi32, #tpu.memory_space<vmem>> -> memref<80xi32, #tpu.memory_space<vmem>>
    %dma_wait3A_307 = arith.constant 0 : i32
    %dma_wait3A_308 = arith.constant 0 : i32
    %dma_wait3A_309 = tpu.memref_slice %arg2[%dma_wait3A_307, %dma_wait3A_308] : memref<20000x128xf32, #tpu.memory_space<hbm>> -> memref<20000x128xf32, #tpu.memory_space<hbm>>
    tpu.wait_indirect_dma semaphore(%arg16 : memref<!tpu.dma_semaphore, #tpu.memory_space<semaphore_mem>>) src(%dma_wait3A_309 : memref<20000x128xf32, #tpu.memory_space<hbm>>) dst(%arg11 : memref<80x128xf32, #tpu.memory_space<vmem>>)
    %dma_start3A_310 = arith.constant 2 : i32
    %dma_start3A_311 = arith.constant 0 : i32
    %dma_start3A_312 = tpu.memref_slice %arg8[%dma_start3A_310, %dma_start3A_311] : memref<32x80xi32, #tpu.memory_space<vmem>> -> memref<1x80xi32, #tpu.memory_space<vmem>>
    %dma_start3A_313 = tpu.memref_squeeze %dma_start3A_312 : memref<1x80xi32, #tpu.memory_space<vmem>> -> memref<80xi32, #tpu.memory_space<vmem>>
    %dma_start3A_314 = arith.constant 0 : i32
    %dma_start3A_315 = arith.constant 0 : i32
    %dma_start3A_316 = tpu.memref_slice %arg13[%dma_start3A_314, %dma_start3A_315] : memref<10000x128xf32, #tpu.memory_space<vmem_shared>> -> memref<10000x128xf32, #tpu.memory_space<vmem_shared>>
    tpu.enqueue_indirect_dma source(%arg11 : memref<80x128xf32, #tpu.memory_space<vmem>>) target(%dma_start3A_316 : memref<10000x128xf32, #tpu.memory_space<vmem_shared>>) offsets(%dma_start3A_313 : memref<80xi32, #tpu.memory_space<vmem>>) semaphore(%arg20 : memref<!tpu.dma_semaphore, #tpu.memory_space<semaphore_mem>>) {add = true}
    %dma_wait3A_317 = arith.constant 1 : i32
    %dma_wait3A_318 = arith.constant 0 : i32
    %dma_wait3A_319 = tpu.memref_slice %arg8[%dma_wait3A_317, %dma_wait3A_318] : memref<32x80xi32, #tpu.memory_space<vmem>> -> memref<1x80xi32, #tpu.memory_space<vmem>>
    %dma_wait3A_320 = tpu.memref_squeeze %dma_wait3A_319 : memref<1x80xi32, #tpu.memory_space<vmem>> -> memref<80xi32, #tpu.memory_space<vmem>>
    %dma_wait3A_321 = arith.constant 0 : i32
    %dma_wait3A_322 = arith.constant 0 : i32
    %dma_wait3A_323 = tpu.memref_slice %arg13[%dma_wait3A_321, %dma_wait3A_322] : memref<10000x128xf32, #tpu.memory_space<vmem_shared>> -> memref<10000x128xf32, #tpu.memory_space<vmem_shared>>
    tpu.wait_indirect_dma semaphore(%arg19 : memref<!tpu.dma_semaphore, #tpu.memory_space<semaphore_mem>>) src(%arg10 : memref<80x128xf32, #tpu.memory_space<vmem>>) dst(%dma_wait3A_323 : memref<10000x128xf32, #tpu.memory_space<vmem_shared>>)
    %dma_start3A_324 = arith.constant 5 : i32
    %dma_start3A_325 = arith.constant 0 : i32
    %dma_start3A_326 = tpu.memref_slice %arg7[%dma_start3A_324, %dma_start3A_325] : memref<32x80xi32, #tpu.memory_space<vmem>> -> memref<1x80xi32, #tpu.memory_space<vmem>>
    %dma_start3A_327 = tpu.memref_squeeze %dma_start3A_326 : memref<1x80xi32, #tpu.memory_space<vmem>> -> memref<80xi32, #tpu.memory_space<vmem>>
    %dma_start3A_328 = arith.constant 0 : i32
    %dma_start3A_329 = arith.constant 0 : i32
    %dma_start3A_330 = tpu.memref_slice %arg2[%dma_start3A_328, %dma_start3A_329] : memref<20000x128xf32, #tpu.memory_space<hbm>> -> memref<20000x128xf32, #tpu.memory_space<hbm>>
    tpu.enqueue_indirect_dma source(%dma_start3A_330 : memref<20000x128xf32, #tpu.memory_space<hbm>>) target(%arg10 : memref<80x128xf32, #tpu.memory_space<vmem>>) offsets(%dma_start3A_327 : memref<80xi32, #tpu.memory_space<vmem>>) semaphore(%arg15 : memref<!tpu.dma_semaphore, #tpu.memory_space<semaphore_mem>>)
    %dma_wait3A_331 = arith.constant 3 : i32
    %dma_wait3A_332 = arith.constant 0 : i32
    %dma_wait3A_333 = tpu.memref_slice %arg7[%dma_wait3A_331, %dma_wait3A_332] : memref<32x80xi32, #tpu.memory_space<vmem>> -> memref<1x80xi32, #tpu.memory_space<vmem>>
    %dma_wait3A_334 = tpu.memref_squeeze %dma_wait3A_333 : memref<1x80xi32, #tpu.memory_space<vmem>> -> memref<80xi32, #tpu.memory_space<vmem>>
    %dma_wait3A_335 = arith.constant 0 : i32
    %dma_wait3A_336 = arith.constant 0 : i32
    %dma_wait3A_337 = tpu.memref_slice %arg2[%dma_wait3A_335, %dma_wait3A_336] : memref<20000x128xf32, #tpu.memory_space<hbm>> -> memref<20000x128xf32, #tpu.memory_space<hbm>>
    tpu.wait_indirect_dma semaphore(%arg17 : memref<!tpu.dma_semaphore, #tpu.memory_space<semaphore_mem>>) src(%dma_wait3A_337 : memref<20000x128xf32, #tpu.memory_space<hbm>>) dst(%arg12 : memref<80x128xf32, #tpu.memory_space<vmem>>)
    %dma_start3A_338 = arith.constant 3 : i32
    %dma_start3A_339 = arith.constant 0 : i32
    %dma_start3A_340 = tpu.memref_slice %arg8[%dma_start3A_338, %dma_start3A_339] : memref<32x80xi32, #tpu.memory_space<vmem>> -> memref<1x80xi32, #tpu.memory_space<vmem>>
    %dma_start3A_341 = tpu.memref_squeeze %dma_start3A_340 : memref<1x80xi32, #tpu.memory_space<vmem>> -> memref<80xi32, #tpu.memory_space<vmem>>
    %dma_start3A_342 = arith.constant 0 : i32
    %dma_start3A_343 = arith.constant 0 : i32
    %dma_start3A_344 = tpu.memref_slice %arg13[%dma_start3A_342, %dma_start3A_343] : memref<10000x128xf32, #tpu.memory_space<vmem_shared>> -> memref<10000x128xf32, #tpu.memory_space<vmem_shared>>
    tpu.enqueue_indirect_dma source(%arg12 : memref<80x128xf32, #tpu.memory_space<vmem>>) target(%dma_start3A_344 : memref<10000x128xf32, #tpu.memory_space<vmem_shared>>) offsets(%dma_start3A_341 : memref<80xi32, #tpu.memory_space<vmem>>) semaphore(%arg21 : memref<!tpu.dma_semaphore, #tpu.memory_space<semaphore_mem>>) {add = true}
    %dma_wait3A_345 = arith.constant 2 : i32
    %dma_wait3A_346 = arith.constant 0 : i32
    %dma_wait3A_347 = tpu.memref_slice %arg8[%dma_wait3A_345, %dma_wait3A_346] : memref<32x80xi32, #tpu.memory_space<vmem>> -> memref<1x80xi32, #tpu.memory_space<vmem>>
    %dma_wait3A_348 = tpu.memref_squeeze %dma_wait3A_347 : memref<1x80xi32, #tpu.memory_space<vmem>> -> memref<80xi32, #tpu.memory_space<vmem>>
    %dma_wait3A_349 = arith.constant 0 : i32
    %dma_wait3A_350 = arith.constant 0 : i32
    %dma_wait3A_351 = tpu.memref_slice %arg13[%dma_wait3A_349, %dma_wait3A_350] : memref<10000x128xf32, #tpu.memory_space<vmem_shared>> -> memref<10000x128xf32, #tpu.memory_space<vmem_shared>>
    tpu.wait_indirect_dma semaphore(%arg20 : memref<!tpu.dma_semaphore, #tpu.memory_space<semaphore_mem>>) src(%arg11 : memref<80x128xf32, #tpu.memory_space<vmem>>) dst(%dma_wait3A_351 : memref<10000x128xf32, #tpu.memory_space<vmem_shared>>)
    %dma_start3A_352 = arith.constant 6 : i32
    %dma_start3A_353 = arith.constant 0 : i32
    %dma_start3A_354 = tpu.memref_slice %arg7[%dma_start3A_352, %dma_start3A_353] : memref<32x80xi32, #tpu.memory_space<vmem>> -> memref<1x80xi32, #tpu.memory_space<vmem>>
    %dma_start3A_355 = tpu.memref_squeeze %dma_start3A_354 : memref<1x80xi32, #tpu.memory_space<vmem>> -> memref<80xi32, #tpu.memory_space<vmem>>
    %dma_start3A_356 = arith.constant 0 : i32
    %dma_start3A_357 = arith.constant 0 : i32
    %dma_start3A_358 = tpu.memref_slice %arg2[%dma_start3A_356, %dma_start3A_357] : memref<20000x128xf32, #tpu.memory_space<hbm>> -> memref<20000x128xf32, #tpu.memory_space<hbm>>
    tpu.enqueue_indirect_dma source(%dma_start3A_358 : memref<20000x128xf32, #tpu.memory_space<hbm>>) target(%arg11 : memref<80x128xf32, #tpu.memory_space<vmem>>) offsets(%dma_start3A_355 : memref<80xi32, #tpu.memory_space<vmem>>) semaphore(%arg16 : memref<!tpu.dma_semaphore, #tpu.memory_space<semaphore_mem>>)
    %scan3A_359 = arith.constant 0 : i32
    %scan3A_360 = arith.constant 1 : i32
    %scan3A_361 = arith.constant 6 : i32
    %scan3A_362 = arith.addi %scan3A_360, %scan3A_361 : i32
    %scan3A_363 = arith.constant 1 : i32
    scf.for %scan3A_962 = %scan3A_360 to %scan3A_362 step %scan3A_363  : i32 {
      %mul3A = arith.constant 4 : i32
      %mul3A_963 = arith.muli %mul3A, %scan3A_962 : i32
      %add3A = arith.constant 0 : i32
      %add3A_964 = arith.addi %mul3A_963, %add3A : i32
      %dma_wait3A_965 = arith.constant 0 : i32
      %dma_wait3A_966 = tpu.memref_slice %arg7[%add3A_964, %dma_wait3A_965] : memref<32x80xi32, #tpu.memory_space<vmem>> -> memref<1x80xi32, #tpu.memory_space<vmem>>
      %dma_wait3A_967 = tpu.memref_squeeze %dma_wait3A_966 : memref<1x80xi32, #tpu.memory_space<vmem>> -> memref<80xi32, #tpu.memory_space<vmem>>
      %dma_wait3A_968 = arith.constant 0 : i32
      %dma_wait3A_969 = arith.constant 0 : i32
      %dma_wait3A_970 = tpu.memref_slice %arg2[%dma_wait3A_968, %dma_wait3A_969] : memref<20000x128xf32, #tpu.memory_space<hbm>> -> memref<20000x128xf32, #tpu.memory_space<hbm>>
      tpu.wait_indirect_dma semaphore(%arg14 : memref<!tpu.dma_semaphore, #tpu.memory_space<semaphore_mem>>) src(%dma_wait3A_970 : memref<20000x128xf32, #tpu.memory_space<hbm>>) dst(%arg9 : memref<80x128xf32, #tpu.memory_space<vmem>>)
      %dma_start3A_971 = arith.constant 0 : i32
      %dma_start3A_972 = tpu.memref_slice %arg8[%add3A_964, %dma_start3A_971] : memref<32x80xi32, #tpu.memory_space<vmem>> -> memref<1x80xi32, #tpu.memory_space<vmem>>
      %dma_start3A_973 = tpu.memref_squeeze %dma_start3A_972 : memref<1x80xi32, #tpu.memory_space<vmem>> -> memref<80xi32, #tpu.memory_space<vmem>>
      %dma_start3A_974 = arith.constant 0 : i32
      %dma_start3A_975 = arith.constant 0 : i32
      %dma_start3A_976 = tpu.memref_slice %arg13[%dma_start3A_974, %dma_start3A_975] : memref<10000x128xf32, #tpu.memory_space<vmem_shared>> -> memref<10000x128xf32, #tpu.memory_space<vmem_shared>>
      tpu.enqueue_indirect_dma source(%arg9 : memref<80x128xf32, #tpu.memory_space<vmem>>) target(%dma_start3A_976 : memref<10000x128xf32, #tpu.memory_space<vmem_shared>>) offsets(%dma_start3A_973 : memref<80xi32, #tpu.memory_space<vmem>>) semaphore(%arg18 : memref<!tpu.dma_semaphore, #tpu.memory_space<semaphore_mem>>) {add = true}
      %sub3A = arith.constant 1 : i32
      %sub3A_977 = arith.subi %add3A_964, %sub3A : i32
      %dma_wait3A_978 = arith.constant 0 : i32
      %dma_wait3A_979 = tpu.memref_slice %arg8[%sub3A_977, %dma_wait3A_978] : memref<32x80xi32, #tpu.memory_space<vmem>> -> memref<1x80xi32, #tpu.memory_space<vmem>>
      %dma_wait3A_980 = tpu.memref_squeeze %dma_wait3A_979 : memref<1x80xi32, #tpu.memory_space<vmem>> -> memref<80xi32, #tpu.memory_space<vmem>>
      %dma_wait3A_981 = arith.constant 0 : i32
      %dma_wait3A_982 = arith.constant 0 : i32
      %dma_wait3A_983 = tpu.memref_slice %arg13[%dma_wait3A_981, %dma_wait3A_982] : memref<10000x128xf32, #tpu.memory_space<vmem_shared>> -> memref<10000x128xf32, #tpu.memory_space<vmem_shared>>
      tpu.wait_indirect_dma semaphore(%arg21 : memref<!tpu.dma_semaphore, #tpu.memory_space<semaphore_mem>>) src(%arg12 : memref<80x128xf32, #tpu.memory_space<vmem>>) dst(%dma_wait3A_983 : memref<10000x128xf32, #tpu.memory_space<vmem_shared>>)
      %add3A_984 = arith.constant 4 : i32
      %add3A_985 = arith.addi %add3A_964, %add3A_984 : i32
      %sub3A_986 = arith.constant 1 : i32
      %sub3A_987 = arith.subi %add3A_985, %sub3A_986 : i32
      %dma_start3A_988 = arith.constant 0 : i32
      %dma_start3A_989 = tpu.memref_slice %arg7[%sub3A_987, %dma_start3A_988] : memref<32x80xi32, #tpu.memory_space<vmem>> -> memref<1x80xi32, #tpu.memory_space<vmem>>
      %dma_start3A_990 = tpu.memref_squeeze %dma_start3A_989 : memref<1x80xi32, #tpu.memory_space<vmem>> -> memref<80xi32, #tpu.memory_space<vmem>>
      %dma_start3A_991 = arith.constant 0 : i32
      %dma_start3A_992 = arith.constant 0 : i32
      %dma_start3A_993 = tpu.memref_slice %arg2[%dma_start3A_991, %dma_start3A_992] : memref<20000x128xf32, #tpu.memory_space<hbm>> -> memref<20000x128xf32, #tpu.memory_space<hbm>>
      tpu.enqueue_indirect_dma source(%dma_start3A_993 : memref<20000x128xf32, #tpu.memory_space<hbm>>) target(%arg12 : memref<80x128xf32, #tpu.memory_space<vmem>>) offsets(%dma_start3A_990 : memref<80xi32, #tpu.memory_space<vmem>>) semaphore(%arg17 : memref<!tpu.dma_semaphore, #tpu.memory_space<semaphore_mem>>)
      %add3A_994 = arith.constant 1 : i32
      %add3A_995 = arith.addi %mul3A_963, %add3A_994 : i32
      %dma_wait3A_996 = arith.constant 0 : i32
      %dma_wait3A_997 = tpu.memref_slice %arg7[%add3A_995, %dma_wait3A_996] : memref<32x80xi32, #tpu.memory_space<vmem>> -> memref<1x80xi32, #tpu.memory_space<vmem>>
      %dma_wait3A_998 = tpu.memref_squeeze %dma_wait3A_997 : memref<1x80xi32, #tpu.memory_space<vmem>> -> memref<80xi32, #tpu.memory_space<vmem>>
      %dma_wait3A_999 = arith.constant 0 : i32
      %dma_wait3A_1000 = arith.constant 0 : i32
      %dma_wait3A_1001 = tpu.memref_slice %arg2[%dma_wait3A_999, %dma_wait3A_1000] : memref<20000x128xf32, #tpu.memory_space<hbm>> -> memref<20000x128xf32, #tpu.memory_space<hbm>>
      tpu.wait_indirect_dma semaphore(%arg15 : memref<!tpu.dma_semaphore, #tpu.memory_space<semaphore_mem>>) src(%dma_wait3A_1001 : memref<20000x128xf32, #tpu.memory_space<hbm>>) dst(%arg10 : memref<80x128xf32, #tpu.memory_space<vmem>>)
      %dma_start3A_1002 = arith.constant 0 : i32
      %dma_start3A_1003 = tpu.memref_slice %arg8[%add3A_995, %dma_start3A_1002] : memref<32x80xi32, #tpu.memory_space<vmem>> -> memref<1x80xi32, #tpu.memory_space<vmem>>
      %dma_start3A_1004 = tpu.memref_squeeze %dma_start3A_1003 : memref<1x80xi32, #tpu.memory_space<vmem>> -> memref<80xi32, #tpu.memory_space<vmem>>
      %dma_start3A_1005 = arith.constant 0 : i32
      %dma_start3A_1006 = arith.constant 0 : i32
      %dma_start3A_1007 = tpu.memref_slice %arg13[%dma_start3A_1005, %dma_start3A_1006] : memref<10000x128xf32, #tpu.memory_space<vmem_shared>> -> memref<10000x128xf32, #tpu.memory_space<vmem_shared>>
      tpu.enqueue_indirect_dma source(%arg10 : memref<80x128xf32, #tpu.memory_space<vmem>>) target(%dma_start3A_1007 : memref<10000x128xf32, #tpu.memory_space<vmem_shared>>) offsets(%dma_start3A_1004 : memref<80xi32, #tpu.memory_space<vmem>>) semaphore(%arg19 : memref<!tpu.dma_semaphore, #tpu.memory_space<semaphore_mem>>) {add = true}
      %sub3A_1008 = arith.constant 1 : i32
      %sub3A_1009 = arith.subi %add3A_995, %sub3A_1008 : i32
      %dma_wait3A_1010 = arith.constant 0 : i32
      %dma_wait3A_1011 = tpu.memref_slice %arg8[%sub3A_1009, %dma_wait3A_1010] : memref<32x80xi32, #tpu.memory_space<vmem>> -> memref<1x80xi32, #tpu.memory_space<vmem>>
      %dma_wait3A_1012 = tpu.memref_squeeze %dma_wait3A_1011 : memref<1x80xi32, #tpu.memory_space<vmem>> -> memref<80xi32, #tpu.memory_space<vmem>>
      %dma_wait3A_1013 = arith.constant 0 : i32
      %dma_wait3A_1014 = arith.constant 0 : i32
      %dma_wait3A_1015 = tpu.memref_slice %arg13[%dma_wait3A_1013, %dma_wait3A_1014] : memref<10000x128xf32, #tpu.memory_space<vmem_shared>> -> memref<10000x128xf32, #tpu.memory_space<vmem_shared>>
      tpu.wait_indirect_dma semaphore(%arg18 : memref<!tpu.dma_semaphore, #tpu.memory_space<semaphore_mem>>) src(%arg9 : memref<80x128xf32, #tpu.memory_space<vmem>>) dst(%dma_wait3A_1015 : memref<10000x128xf32, #tpu.memory_space<vmem_shared>>)
      %add3A_1016 = arith.constant 4 : i32
      %add3A_1017 = arith.addi %add3A_995, %add3A_1016 : i32
      %sub3A_1018 = arith.constant 1 : i32
      %sub3A_1019 = arith.subi %add3A_1017, %sub3A_1018 : i32
      %dma_start3A_1020 = arith.constant 0 : i32
      %dma_start3A_1021 = tpu.memref_slice %arg7[%sub3A_1019, %dma_start3A_1020] : memref<32x80xi32, #tpu.memory_space<vmem>> -> memref<1x80xi32, #tpu.memory_space<vmem>>
      %dma_start3A_1022 = tpu.memref_squeeze %dma_start3A_1021 : memref<1x80xi32, #tpu.memory_space<vmem>> -> memref<80xi32, #tpu.memory_space<vmem>>
      %dma_start3A_1023 = arith.constant 0 : i32
      %dma_start3A_1024 = arith.constant 0 : i32
      %dma_start3A_1025 = tpu.memref_slice %arg2[%dma_start3A_1023, %dma_start3A_1024] : memref<20000x128xf32, #tpu.memory_space<hbm>> -> memref<20000x128xf32, #tpu.memory_space<hbm>>
      tpu.enqueue_indirect_dma source(%dma_start3A_1025 : memref<20000x128xf32, #tpu.memory_space<hbm>>) target(%arg9 : memref<80x128xf32, #tpu.memory_space<vmem>>) offsets(%dma_start3A_1022 : memref<80xi32, #tpu.memory_space<vmem>>) semaphore(%arg14 : memref<!tpu.dma_semaphore, #tpu.memory_space<semaphore_mem>>)
      %add3A_1026 = arith.constant 2 : i32
      %add3A_1027 = arith.addi %mul3A_963, %add3A_1026 : i32
      %dma_wait3A_1028 = arith.constant 0 : i32
      %dma_wait3A_1029 = tpu.memref_slice %arg7[%add3A_1027, %dma_wait3A_1028] : memref<32x80xi32, #tpu.memory_space<vmem>> -> memref<1x80xi32, #tpu.memory_space<vmem>>
      %dma_wait3A_1030 = tpu.memref_squeeze %dma_wait3A_1029 : memref<1x80xi32, #tpu.memory_space<vmem>> -> memref<80xi32, #tpu.memory_space<vmem>>
      %dma_wait3A_1031 = arith.constant 0 : i32
      %dma_wait3A_1032 = arith.constant 0 : i32
      %dma_wait3A_1033 = tpu.memref_slice %arg2[%dma_wait3A_1031, %dma_wait3A_1032] : memref<20000x128xf32, #tpu.memory_space<hbm>> -> memref<20000x128xf32, #tpu.memory_space<hbm>>
      tpu.wait_indirect_dma semaphore(%arg16 : memref<!tpu.dma_semaphore, #tpu.memory_space<semaphore_mem>>) src(%dma_wait3A_1033 : memref<20000x128xf32, #tpu.memory_space<hbm>>) dst(%arg11 : memref<80x128xf32, #tpu.memory_space<vmem>>)
      %dma_start3A_1034 = arith.constant 0 : i32
      %dma_start3A_1035 = tpu.memref_slice %arg8[%add3A_1027, %dma_start3A_1034] : memref<32x80xi32, #tpu.memory_space<vmem>> -> memref<1x80xi32, #tpu.memory_space<vmem>>
      %dma_start3A_1036 = tpu.memref_squeeze %dma_start3A_1035 : memref<1x80xi32, #tpu.memory_space<vmem>> -> memref<80xi32, #tpu.memory_space<vmem>>
      %dma_start3A_1037 = arith.constant 0 : i32
      %dma_start3A_1038 = arith.constant 0 : i32
      %dma_start3A_1039 = tpu.memref_slice %arg13[%dma_start3A_1037, %dma_start3A_1038] : memref<10000x128xf32, #tpu.memory_space<vmem_shared>> -> memref<10000x128xf32, #tpu.memory_space<vmem_shared>>
      tpu.enqueue_indirect_dma source(%arg11 : memref<80x128xf32, #tpu.memory_space<vmem>>) target(%dma_start3A_1039 : memref<10000x128xf32, #tpu.memory_space<vmem_shared>>) offsets(%dma_start3A_1036 : memref<80xi32, #tpu.memory_space<vmem>>) semaphore(%arg20 : memref<!tpu.dma_semaphore, #tpu.memory_space<semaphore_mem>>) {add = true}
      %sub3A_1040 = arith.constant 1 : i32
      %sub3A_1041 = arith.subi %add3A_1027, %sub3A_1040 : i32
      %dma_wait3A_1042 = arith.constant 0 : i32
      %dma_wait3A_1043 = tpu.memref_slice %arg8[%sub3A_1041, %dma_wait3A_1042] : memref<32x80xi32, #tpu.memory_space<vmem>> -> memref<1x80xi32, #tpu.memory_space<vmem>>
      %dma_wait3A_1044 = tpu.memref_squeeze %dma_wait3A_1043 : memref<1x80xi32, #tpu.memory_space<vmem>> -> memref<80xi32, #tpu.memory_space<vmem>>
      %dma_wait3A_1045 = arith.constant 0 : i32
      %dma_wait3A_1046 = arith.constant 0 : i32
      %dma_wait3A_1047 = tpu.memref_slice %arg13[%dma_wait3A_1045, %dma_wait3A_1046] : memref<10000x128xf32, #tpu.memory_space<vmem_shared>> -> memref<10000x128xf32, #tpu.memory_space<vmem_shared>>
      tpu.wait_indirect_dma semaphore(%arg19 : memref<!tpu.dma_semaphore, #tpu.memory_space<semaphore_mem>>) src(%arg10 : memref<80x128xf32, #tpu.memory_space<vmem>>) dst(%dma_wait3A_1047 : memref<10000x128xf32, #tpu.memory_space<vmem_shared>>)
      %add3A_1048 = arith.constant 4 : i32
      %add3A_1049 = arith.addi %add3A_1027, %add3A_1048 : i32
      %sub3A_1050 = arith.constant 1 : i32
      %sub3A_1051 = arith.subi %add3A_1049, %sub3A_1050 : i32
      %dma_start3A_1052 = arith.constant 0 : i32
      %dma_start3A_1053 = tpu.memref_slice %arg7[%sub3A_1051, %dma_start3A_1052] : memref<32x80xi32, #tpu.memory_space<vmem>> -> memref<1x80xi32, #tpu.memory_space<vmem>>
      %dma_start3A_1054 = tpu.memref_squeeze %dma_start3A_1053 : memref<1x80xi32, #tpu.memory_space<vmem>> -> memref<80xi32, #tpu.memory_space<vmem>>
      %dma_start3A_1055 = arith.constant 0 : i32
      %dma_start3A_1056 = arith.constant 0 : i32
      %dma_start3A_1057 = tpu.memref_slice %arg2[%dma_start3A_1055, %dma_start3A_1056] : memref<20000x128xf32, #tpu.memory_space<hbm>> -> memref<20000x128xf32, #tpu.memory_space<hbm>>
      tpu.enqueue_indirect_dma source(%dma_start3A_1057 : memref<20000x128xf32, #tpu.memory_space<hbm>>) target(%arg10 : memref<80x128xf32, #tpu.memory_space<vmem>>) offsets(%dma_start3A_1054 : memref<80xi32, #tpu.memory_space<vmem>>) semaphore(%arg15 : memref<!tpu.dma_semaphore, #tpu.memory_space<semaphore_mem>>)
      %add3A_1058 = arith.constant 3 : i32
      %add3A_1059 = arith.addi %mul3A_963, %add3A_1058 : i32
      %dma_wait3A_1060 = arith.constant 0 : i32
      %dma_wait3A_1061 = tpu.memref_slice %arg7[%add3A_1059, %dma_wait3A_1060] : memref<32x80xi32, #tpu.memory_space<vmem>> -> memref<1x80xi32, #tpu.memory_space<vmem>>
      %dma_wait3A_1062 = tpu.memref_squeeze %dma_wait3A_1061 : memref<1x80xi32, #tpu.memory_space<vmem>> -> memref<80xi32, #tpu.memory_space<vmem>>
      %dma_wait3A_1063 = arith.constant 0 : i32
      %dma_wait3A_1064 = arith.constant 0 : i32
      %dma_wait3A_1065 = tpu.memref_slice %arg2[%dma_wait3A_1063, %dma_wait3A_1064] : memref<20000x128xf32, #tpu.memory_space<hbm>> -> memref<20000x128xf32, #tpu.memory_space<hbm>>
      tpu.wait_indirect_dma semaphore(%arg17 : memref<!tpu.dma_semaphore, #tpu.memory_space<semaphore_mem>>) src(%dma_wait3A_1065 : memref<20000x128xf32, #tpu.memory_space<hbm>>) dst(%arg12 : memref<80x128xf32, #tpu.memory_space<vmem>>)
      %dma_start3A_1066 = arith.constant 0 : i32
      %dma_start3A_1067 = tpu.memref_slice %arg8[%add3A_1059, %dma_start3A_1066] : memref<32x80xi32, #tpu.memory_space<vmem>> -> memref<1x80xi32, #tpu.memory_space<vmem>>
      %dma_start3A_1068 = tpu.memref_squeeze %dma_start3A_1067 : memref<1x80xi32, #tpu.memory_space<vmem>> -> memref<80xi32, #tpu.memory_space<vmem>>
      %dma_start3A_1069 = arith.constant 0 : i32
      %dma_start3A_1070 = arith.constant 0 : i32
      %dma_start3A_1071 = tpu.memref_slice %arg13[%dma_start3A_1069, %dma_start3A_1070] : memref<10000x128xf32, #tpu.memory_space<vmem_shared>> -> memref<10000x128xf32, #tpu.memory_space<vmem_shared>>
      tpu.enqueue_indirect_dma source(%arg12 : memref<80x128xf32, #tpu.memory_space<vmem>>) target(%dma_start3A_1071 : memref<10000x128xf32, #tpu.memory_space<vmem_shared>>) offsets(%dma_start3A_1068 : memref<80xi32, #tpu.memory_space<vmem>>) semaphore(%arg21 : memref<!tpu.dma_semaphore, #tpu.memory_space<semaphore_mem>>) {add = true}
      %sub3A_1072 = arith.constant 1 : i32
      %sub3A_1073 = arith.subi %add3A_1059, %sub3A_1072 : i32
      %dma_wait3A_1074 = arith.constant 0 : i32
      %dma_wait3A_1075 = tpu.memref_slice %arg8[%sub3A_1073, %dma_wait3A_1074] : memref<32x80xi32, #tpu.memory_space<vmem>> -> memref<1x80xi32, #tpu.memory_space<vmem>>
      %dma_wait3A_1076 = tpu.memref_squeeze %dma_wait3A_1075 : memref<1x80xi32, #tpu.memory_space<vmem>> -> memref<80xi32, #tpu.memory_space<vmem>>
      %dma_wait3A_1077 = arith.constant 0 : i32
      %dma_wait3A_1078 = arith.constant 0 : i32
      %dma_wait3A_1079 = tpu.memref_slice %arg13[%dma_wait3A_1077, %dma_wait3A_1078] : memref<10000x128xf32, #tpu.memory_space<vmem_shared>> -> memref<10000x128xf32, #tpu.memory_space<vmem_shared>>
      tpu.wait_indirect_dma semaphore(%arg20 : memref<!tpu.dma_semaphore, #tpu.memory_space<semaphore_mem>>) src(%arg11 : memref<80x128xf32, #tpu.memory_space<vmem>>) dst(%dma_wait3A_1079 : memref<10000x128xf32, #tpu.memory_space<vmem_shared>>)
      %add3A_1080 = arith.constant 4 : i32
      %add3A_1081 = arith.addi %add3A_1059, %add3A_1080 : i32
      %sub3A_1082 = arith.constant 1 : i32
      %sub3A_1083 = arith.subi %add3A_1081, %sub3A_1082 : i32
      %dma_start3A_1084 = arith.constant 0 : i32
      %dma_start3A_1085 = tpu.memref_slice %arg7[%sub3A_1083, %dma_start3A_1084] : memref<32x80xi32, #tpu.memory_space<vmem>> -> memref<1x80xi32, #tpu.memory_space<vmem>>
      %dma_start3A_1086 = tpu.memref_squeeze %dma_start3A_1085 : memref<1x80xi32, #tpu.memory_space<vmem>> -> memref<80xi32, #tpu.memory_space<vmem>>
      %dma_start3A_1087 = arith.constant 0 : i32
      %dma_start3A_1088 = arith.constant 0 : i32
      %dma_start3A_1089 = tpu.memref_slice %arg2[%dma_start3A_1087, %dma_start3A_1088] : memref<20000x128xf32, #tpu.memory_space<hbm>> -> memref<20000x128xf32, #tpu.memory_space<hbm>>
      tpu.enqueue_indirect_dma source(%dma_start3A_1089 : memref<20000x128xf32, #tpu.memory_space<hbm>>) target(%arg11 : memref<80x128xf32, #tpu.memory_space<vmem>>) offsets(%dma_start3A_1086 : memref<80xi32, #tpu.memory_space<vmem>>) semaphore(%arg16 : memref<!tpu.dma_semaphore, #tpu.memory_space<semaphore_mem>>)
    }
    %scan3A_364 = arith.constant 6 : i32
    %dma_wait3A_365 = arith.constant 28 : i32
    %dma_wait3A_366 = arith.constant 0 : i32
    %dma_wait3A_367 = tpu.memref_slice %arg7[%dma_wait3A_365, %dma_wait3A_366] : memref<32x80xi32, #tpu.memory_space<vmem>> -> memref<1x80xi32, #tpu.memory_space<vmem>>
    %dma_wait3A_368 = tpu.memref_squeeze %dma_wait3A_367 : memref<1x80xi32, #tpu.memory_space<vmem>> -> memref<80xi32, #tpu.memory_space<vmem>>
    %dma_wait3A_369 = arith.constant 0 : i32
    %dma_wait3A_370 = arith.constant 0 : i32
    %dma_wait3A_371 = tpu.memref_slice %arg2[%dma_wait3A_369, %dma_wait3A_370] : memref<20000x128xf32, #tpu.memory_space<hbm>> -> memref<20000x128xf32, #tpu.memory_space<hbm>>
    tpu.wait_indirect_dma semaphore(%arg14 : memref<!tpu.dma_semaphore, #tpu.memory_space<semaphore_mem>>) src(%dma_wait3A_371 : memref<20000x128xf32, #tpu.memory_space<hbm>>) dst(%arg9 : memref<80x128xf32, #tpu.memory_space<vmem>>)
    %dma_start3A_372 = arith.constant 28 : i32
    %dma_start3A_373 = arith.constant 0 : i32
    %dma_start3A_374 = tpu.memref_slice %arg8[%dma_start3A_372, %dma_start3A_373] : memref<32x80xi32, #tpu.memory_space<vmem>> -> memref<1x80xi32, #tpu.memory_space<vmem>>
    %dma_start3A_375 = tpu.memref_squeeze %dma_start3A_374 : memref<1x80xi32, #tpu.memory_space<vmem>> -> memref<80xi32, #tpu.memory_space<vmem>>
    %dma_start3A_376 = arith.constant 0 : i32
    %dma_start3A_377 = arith.constant 0 : i32
    %dma_start3A_378 = tpu.memref_slice %arg13[%dma_start3A_376, %dma_start3A_377] : memref<10000x128xf32, #tpu.memory_space<vmem_shared>> -> memref<10000x128xf32, #tpu.memory_space<vmem_shared>>
    tpu.enqueue_indirect_dma source(%arg9 : memref<80x128xf32, #tpu.memory_space<vmem>>) target(%dma_start3A_378 : memref<10000x128xf32, #tpu.memory_space<vmem_shared>>) offsets(%dma_start3A_375 : memref<80xi32, #tpu.memory_space<vmem>>) semaphore(%arg18 : memref<!tpu.dma_semaphore, #tpu.memory_space<semaphore_mem>>) {add = true}
    %dma_wait3A_379 = arith.constant 27 : i32
    %dma_wait3A_380 = arith.constant 0 : i32
    %dma_wait3A_381 = tpu.memref_slice %arg8[%dma_wait3A_379, %dma_wait3A_380] : memref<32x80xi32, #tpu.memory_space<vmem>> -> memref<1x80xi32, #tpu.memory_space<vmem>>
    %dma_wait3A_382 = tpu.memref_squeeze %dma_wait3A_381 : memref<1x80xi32, #tpu.memory_space<vmem>> -> memref<80xi32, #tpu.memory_space<vmem>>
    %dma_wait3A_383 = arith.constant 0 : i32
    %dma_wait3A_384 = arith.constant 0 : i32
    %dma_wait3A_385 = tpu.memref_slice %arg13[%dma_wait3A_383, %dma_wait3A_384] : memref<10000x128xf32, #tpu.memory_space<vmem_shared>> -> memref<10000x128xf32, #tpu.memory_space<vmem_shared>>
    tpu.wait_indirect_dma semaphore(%arg21 : memref<!tpu.dma_semaphore, #tpu.memory_space<semaphore_mem>>) src(%arg12 : memref<80x128xf32, #tpu.memory_space<vmem>>) dst(%dma_wait3A_385 : memref<10000x128xf32, #tpu.memory_space<vmem_shared>>)
    %dma_start3A_386 = arith.constant 31 : i32
    %dma_start3A_387 = arith.constant 0 : i32
    %dma_start3A_388 = tpu.memref_slice %arg7[%dma_start3A_386, %dma_start3A_387] : memref<32x80xi32, #tpu.memory_space<vmem>> -> memref<1x80xi32, #tpu.memory_space<vmem>>
    %dma_start3A_389 = tpu.memref_squeeze %dma_start3A_388 : memref<1x80xi32, #tpu.memory_space<vmem>> -> memref<80xi32, #tpu.memory_space<vmem>>
    %dma_start3A_390 = arith.constant 0 : i32
    %dma_start3A_391 = arith.constant 0 : i32
    %dma_start3A_392 = tpu.memref_slice %arg2[%dma_start3A_390, %dma_start3A_391] : memref<20000x128xf32, #tpu.memory_space<hbm>> -> memref<20000x128xf32, #tpu.memory_space<hbm>>
    tpu.enqueue_indirect_dma source(%dma_start3A_392 : memref<20000x128xf32, #tpu.memory_space<hbm>>) target(%arg12 : memref<80x128xf32, #tpu.memory_space<vmem>>) offsets(%dma_start3A_389 : memref<80xi32, #tpu.memory_space<vmem>>) semaphore(%arg17 : memref<!tpu.dma_semaphore, #tpu.memory_space<semaphore_mem>>)
    %dma_wait3A_393 = arith.constant 29 : i32
    %dma_wait3A_394 = arith.constant 0 : i32
    %dma_wait3A_395 = tpu.memref_slice %arg7[%dma_wait3A_393, %dma_wait3A_394] : memref<32x80xi32, #tpu.memory_space<vmem>> -> memref<1x80xi32, #tpu.memory_space<vmem>>
    %dma_wait3A_396 = tpu.memref_squeeze %dma_wait3A_395 : memref<1x80xi32, #tpu.memory_space<vmem>> -> memref<80xi32, #tpu.memory_space<vmem>>
    %dma_wait3A_397 = arith.constant 0 : i32
    %dma_wait3A_398 = arith.constant 0 : i32
    %dma_wait3A_399 = tpu.memref_slice %arg2[%dma_wait3A_397, %dma_wait3A_398] : memref<20000x128xf32, #tpu.memory_space<hbm>> -> memref<20000x128xf32, #tpu.memory_space<hbm>>
    tpu.wait_indirect_dma semaphore(%arg15 : memref<!tpu.dma_semaphore, #tpu.memory_space<semaphore_mem>>) src(%dma_wait3A_399 : memref<20000x128xf32, #tpu.memory_space<hbm>>) dst(%arg10 : memref<80x128xf32, #tpu.memory_space<vmem>>)
    %dma_start3A_400 = arith.constant 29 : i32
    %dma_start3A_401 = arith.constant 0 : i32
    %dma_start3A_402 = tpu.memref_slice %arg8[%dma_start3A_400, %dma_start3A_401] : memref<32x80xi32, #tpu.memory_space<vmem>> -> memref<1x80xi32, #tpu.memory_space<vmem>>
    %dma_start3A_403 = tpu.memref_squeeze %dma_start3A_402 : memref<1x80xi32, #tpu.memory_space<vmem>> -> memref<80xi32, #tpu.memory_space<vmem>>
    %dma_start3A_404 = arith.constant 0 : i32
    %dma_start3A_405 = arith.constant 0 : i32
    %dma_start3A_406 = tpu.memref_slice %arg13[%dma_start3A_404, %dma_start3A_405] : memref<10000x128xf32, #tpu.memory_space<vmem_shared>> -> memref<10000x128xf32, #tpu.memory_space<vmem_shared>>
    tpu.enqueue_indirect_dma source(%arg10 : memref<80x128xf32, #tpu.memory_space<vmem>>) target(%dma_start3A_406 : memref<10000x128xf32, #tpu.memory_space<vmem_shared>>) offsets(%dma_start3A_403 : memref<80xi32, #tpu.memory_space<vmem>>) semaphore(%arg19 : memref<!tpu.dma_semaphore, #tpu.memory_space<semaphore_mem>>) {add = true}
    %dma_wait3A_407 = arith.constant 30 : i32
    %dma_wait3A_408 = arith.constant 0 : i32
    %dma_wait3A_409 = tpu.memref_slice %arg7[%dma_wait3A_407, %dma_wait3A_408] : memref<32x80xi32, #tpu.memory_space<vmem>> -> memref<1x80xi32, #tpu.memory_space<vmem>>
    %dma_wait3A_410 = tpu.memref_squeeze %dma_wait3A_409 : memref<1x80xi32, #tpu.memory_space<vmem>> -> memref<80xi32, #tpu.memory_space<vmem>>
    %dma_wait3A_411 = arith.constant 0 : i32
    %dma_wait3A_412 = arith.constant 0 : i32
    %dma_wait3A_413 = tpu.memref_slice %arg2[%dma_wait3A_411, %dma_wait3A_412] : memref<20000x128xf32, #tpu.memory_space<hbm>> -> memref<20000x128xf32, #tpu.memory_space<hbm>>
    tpu.wait_indirect_dma semaphore(%arg16 : memref<!tpu.dma_semaphore, #tpu.memory_space<semaphore_mem>>) src(%dma_wait3A_413 : memref<20000x128xf32, #tpu.memory_space<hbm>>) dst(%arg11 : memref<80x128xf32, #tpu.memory_space<vmem>>)
    %dma_start3A_414 = arith.constant 30 : i32
    %dma_start3A_415 = arith.constant 0 : i32
    %dma_start3A_416 = tpu.memref_slice %arg8[%dma_start3A_414, %dma_start3A_415] : memref<32x80xi32, #tpu.memory_space<vmem>> -> memref<1x80xi32, #tpu.memory_space<vmem>>
    %dma_start3A_417 = tpu.memref_squeeze %dma_start3A_416 : memref<1x80xi32, #tpu.memory_space<vmem>> -> memref<80xi32, #tpu.memory_space<vmem>>
    %dma_start3A_418 = arith.constant 0 : i32
    %dma_start3A_419 = arith.constant 0 : i32
    %dma_start3A_420 = tpu.memref_slice %arg13[%dma_start3A_418, %dma_start3A_419] : memref<10000x128xf32, #tpu.memory_space<vmem_shared>> -> memref<10000x128xf32, #tpu.memory_space<vmem_shared>>
    tpu.enqueue_indirect_dma source(%arg11 : memref<80x128xf32, #tpu.memory_space<vmem>>) target(%dma_start3A_420 : memref<10000x128xf32, #tpu.memory_space<vmem_shared>>) offsets(%dma_start3A_417 : memref<80xi32, #tpu.memory_space<vmem>>) semaphore(%arg20 : memref<!tpu.dma_semaphore, #tpu.memory_space<semaphore_mem>>) {add = true}
    %dma_wait3A_421 = arith.constant 31 : i32
    %dma_wait3A_422 = arith.constant 0 : i32
    %dma_wait3A_423 = tpu.memref_slice %arg7[%dma_wait3A_421, %dma_wait3A_422] : memref<32x80xi32, #tpu.memory_space<vmem>> -> memref<1x80xi32, #tpu.memory_space<vmem>>
    %dma_wait3A_424 = tpu.memref_squeeze %dma_wait3A_423 : memref<1x80xi32, #tpu.memory_space<vmem>> -> memref<80xi32, #tpu.memory_space<vmem>>
    %dma_wait3A_425 = arith.constant 0 : i32
    %dma_wait3A_426 = arith.constant 0 : i32
    %dma_wait3A_427 = tpu.memref_slice %arg2[%dma_wait3A_425, %dma_wait3A_426] : memref<20000x128xf32, #tpu.memory_space<hbm>> -> memref<20000x128xf32, #tpu.memory_space<hbm>>
    tpu.wait_indirect_dma semaphore(%arg17 : memref<!tpu.dma_semaphore, #tpu.memory_space<semaphore_mem>>) src(%dma_wait3A_427 : memref<20000x128xf32, #tpu.memory_space<hbm>>) dst(%arg12 : memref<80x128xf32, #tpu.memory_space<vmem>>)
    %dma_start3A_428 = arith.constant 31 : i32
    %dma_start3A_429 = arith.constant 0 : i32
    %dma_start3A_430 = tpu.memref_slice %arg8[%dma_start3A_428, %dma_start3A_429] : memref<32x80xi32, #tpu.memory_space<vmem>> -> memref<1x80xi32, #tpu.memory_space<vmem>>
    %dma_start3A_431 = tpu.memref_squeeze %dma_start3A_430 : memref<1x80xi32, #tpu.memory_space<vmem>> -> memref<80xi32, #tpu.memory_space<vmem>>
    %dma_start3A_432 = arith.constant 0 : i32
    %dma_start3A_433 = arith.constant 0 : i32
    %dma_start3A_434 = tpu.memref_slice %arg13[%dma_start3A_432, %dma_start3A_433] : memref<10000x128xf32, #tpu.memory_space<vmem_shared>> -> memref<10000x128xf32, #tpu.memory_space<vmem_shared>>
    tpu.enqueue_indirect_dma source(%arg12 : memref<80x128xf32, #tpu.memory_space<vmem>>) target(%dma_start3A_434 : memref<10000x128xf32, #tpu.memory_space<vmem_shared>>) offsets(%dma_start3A_431 : memref<80xi32, #tpu.memory_space<vmem>>) semaphore(%arg21 : memref<!tpu.dma_semaphore, #tpu.memory_space<semaphore_mem>>) {add = true}
    %dma_wait3A_435 = arith.constant 28 : i32
    %dma_wait3A_436 = arith.constant 0 : i32
    %dma_wait3A_437 = tpu.memref_slice %arg8[%dma_wait3A_435, %dma_wait3A_436] : memref<32x80xi32, #tpu.memory_space<vmem>> -> memref<1x80xi32, #tpu.memory_space<vmem>>
    %dma_wait3A_438 = tpu.memref_squeeze %dma_wait3A_437 : memref<1x80xi32, #tpu.memory_space<vmem>> -> memref<80xi32, #tpu.memory_space<vmem>>
    %dma_wait3A_439 = arith.constant 0 : i32
    %dma_wait3A_440 = arith.constant 0 : i32
    %dma_wait3A_441 = tpu.memref_slice %arg13[%dma_wait3A_439, %dma_wait3A_440] : memref<10000x128xf32, #tpu.memory_space<vmem_shared>> -> memref<10000x128xf32, #tpu.memory_space<vmem_shared>>
    tpu.wait_indirect_dma semaphore(%arg18 : memref<!tpu.dma_semaphore, #tpu.memory_space<semaphore_mem>>) src(%arg9 : memref<80x128xf32, #tpu.memory_space<vmem>>) dst(%dma_wait3A_441 : memref<10000x128xf32, #tpu.memory_space<vmem_shared>>)
    %dma_wait3A_442 = arith.constant 29 : i32
    %dma_wait3A_443 = arith.constant 0 : i32
    %dma_wait3A_444 = tpu.memref_slice %arg8[%dma_wait3A_442, %dma_wait3A_443] : memref<32x80xi32, #tpu.memory_space<vmem>> -> memref<1x80xi32, #tpu.memory_space<vmem>>
    %dma_wait3A_445 = tpu.memref_squeeze %dma_wait3A_444 : memref<1x80xi32, #tpu.memory_space<vmem>> -> memref<80xi32, #tpu.memory_space<vmem>>
    %dma_wait3A_446 = arith.constant 0 : i32
    %dma_wait3A_447 = arith.constant 0 : i32
    %dma_wait3A_448 = tpu.memref_slice %arg13[%dma_wait3A_446, %dma_wait3A_447] : memref<10000x128xf32, #tpu.memory_space<vmem_shared>> -> memref<10000x128xf32, #tpu.memory_space<vmem_shared>>
    tpu.wait_indirect_dma semaphore(%arg19 : memref<!tpu.dma_semaphore, #tpu.memory_space<semaphore_mem>>) src(%arg10 : memref<80x128xf32, #tpu.memory_space<vmem>>) dst(%dma_wait3A_448 : memref<10000x128xf32, #tpu.memory_space<vmem_shared>>)
    %dma_wait3A_449 = arith.constant 30 : i32
    %dma_wait3A_450 = arith.constant 0 : i32
    %dma_wait3A_451 = tpu.memref_slice %arg8[%dma_wait3A_449, %dma_wait3A_450] : memref<32x80xi32, #tpu.memory_space<vmem>> -> memref<1x80xi32, #tpu.memory_space<vmem>>
    %dma_wait3A_452 = tpu.memref_squeeze %dma_wait3A_451 : memref<1x80xi32, #tpu.memory_space<vmem>> -> memref<80xi32, #tpu.memory_space<vmem>>
    %dma_wait3A_453 = arith.constant 0 : i32
    %dma_wait3A_454 = arith.constant 0 : i32
    %dma_wait3A_455 = tpu.memref_slice %arg13[%dma_wait3A_453, %dma_wait3A_454] : memref<10000x128xf32, #tpu.memory_space<vmem_shared>> -> memref<10000x128xf32, #tpu.memory_space<vmem_shared>>
    tpu.wait_indirect_dma semaphore(%arg20 : memref<!tpu.dma_semaphore, #tpu.memory_space<semaphore_mem>>) src(%arg11 : memref<80x128xf32, #tpu.memory_space<vmem>>) dst(%dma_wait3A_455 : memref<10000x128xf32, #tpu.memory_space<vmem_shared>>)
    %dma_wait3A_456 = arith.constant 31 : i32
    %dma_wait3A_457 = arith.constant 0 : i32
    %dma_wait3A_458 = tpu.memref_slice %arg8[%dma_wait3A_456, %dma_wait3A_457] : memref<32x80xi32, #tpu.memory_space<vmem>> -> memref<1x80xi32, #tpu.memory_space<vmem>>
    %dma_wait3A_459 = tpu.memref_squeeze %dma_wait3A_458 : memref<1x80xi32, #tpu.memory_space<vmem>> -> memref<80xi32, #tpu.memory_space<vmem>>
    %dma_wait3A_460 = arith.constant 0 : i32
    %dma_wait3A_461 = arith.constant 0 : i32
    %dma_wait3A_462 = tpu.memref_slice %arg13[%dma_wait3A_460, %dma_wait3A_461] : memref<10000x128xf32, #tpu.memory_space<vmem_shared>> -> memref<10000x128xf32, #tpu.memory_space<vmem_shared>>
    tpu.wait_indirect_dma semaphore(%arg21 : memref<!tpu.dma_semaphore, #tpu.memory_space<semaphore_mem>>) src(%arg12 : memref<80x128xf32, #tpu.memory_space<vmem>>) dst(%dma_wait3A_462 : memref<10000x128xf32, #tpu.memory_space<vmem_shared>>)
    "tpu.region"() ({
      %run_scoped3A = tpu.sem_alloc : memref<!tpu.dma_semaphore, #tpu.memory_space<semaphore_mem>>
      %dma_start3A_962 = arith.constant 0 : i32
      %dma_start3A_963 = arith.constant 0 : i32
      %dma_start3A_964 = tpu.memref_slice %arg7[%dma_start3A_962, %dma_start3A_963] : memref<32x80xi32, #tpu.memory_space<vmem>> -> memref<32x80xi32, #tpu.memory_space<vmem>>
      %dma_start3A_965 = arith.constant 64 : i32
      %dma_start3A_966 = arith.constant 0 : i32
      %dma_start3A_967 = tpu.memref_slice %arg3[%arg0, %arg1, %dma_start3A_965, %dma_start3A_966] : memref<2x16x125x80xi32, #tpu.memory_space<hbm>> -> memref<1x1x32x80xi32, #tpu.memory_space<hbm>>
      %dma_start3A_968 = tpu.memref_squeeze %dma_start3A_967 : memref<1x1x32x80xi32, #tpu.memory_space<hbm>> -> memref<32x80xi32, #tpu.memory_space<hbm>>
      %dma_start3A_969 = arith.constant 0 : i32
      %dma_start3A_970 = arith.constant 0 : i32
      %dma_start3A_971 = tpu.memref_slice %arg7[%dma_start3A_969, %dma_start3A_970] : memref<32x80xi32, #tpu.memory_space<vmem>> -> memref<32x80xi32, #tpu.memory_space<vmem>>
      %dma_start3A_972 = arith.constant 64 : i32
      %dma_start3A_973 = arith.constant 0 : i32
      %dma_start3A_974 = tpu.memref_slice %arg3[%arg0, %arg1, %dma_start3A_972, %dma_start3A_973] : memref<2x16x125x80xi32, #tpu.memory_space<hbm>> -> memref<1x1x32x80xi32, #tpu.memory_space<hbm>>
      %dma_start3A_975 = tpu.memref_squeeze %dma_start3A_974 : memref<1x1x32x80xi32, #tpu.memory_space<hbm>> -> memref<32x80xi32, #tpu.memory_space<hbm>>
      tpu.enqueue_dma source(%dma_start3A_975 : memref<32x80xi32, #tpu.memory_space<hbm>>) target(%dma_start3A_971 : memref<32x80xi32, #tpu.memory_space<vmem>>) target_semaphore(%run_scoped3A : memref<!tpu.dma_semaphore, #tpu.memory_space<semaphore_mem>>)
      %dma_wait3A_976 = arith.constant 0 : i32
      %dma_wait3A_977 = arith.constant 0 : i32
      %dma_wait3A_978 = tpu.memref_slice %arg7[%dma_wait3A_976, %dma_wait3A_977] : memref<32x80xi32, #tpu.memory_space<vmem>> -> memref<32x80xi32, #tpu.memory_space<vmem>>
      %dma_wait3A_979 = arith.constant 64 : i32
      %dma_wait3A_980 = arith.constant 0 : i32
      %dma_wait3A_981 = tpu.memref_slice %arg3[%arg0, %arg1, %dma_wait3A_979, %dma_wait3A_980] : memref<2x16x125x80xi32, #tpu.memory_space<hbm>> -> memref<1x1x32x80xi32, #tpu.memory_space<hbm>>
      %dma_wait3A_982 = tpu.memref_squeeze %dma_wait3A_981 : memref<1x1x32x80xi32, #tpu.memory_space<hbm>> -> memref<32x80xi32, #tpu.memory_space<hbm>>
      %dma_wait3A_983 = arith.constant 0 : i32
      %dma_wait3A_984 = arith.constant 0 : i32
      %dma_wait3A_985 = tpu.memref_slice %arg7[%dma_wait3A_983, %dma_wait3A_984] : memref<32x80xi32, #tpu.memory_space<vmem>> -> memref<32x80xi32, #tpu.memory_space<vmem>>
      %dma_wait3A_986 = arith.constant 64 : i32
      %dma_wait3A_987 = arith.constant 0 : i32
      %dma_wait3A_988 = tpu.memref_slice %arg3[%arg0, %arg1, %dma_wait3A_986, %dma_wait3A_987] : memref<2x16x125x80xi32, #tpu.memory_space<hbm>> -> memref<1x1x32x80xi32, #tpu.memory_space<hbm>>
      %dma_wait3A_989 = tpu.memref_squeeze %dma_wait3A_988 : memref<1x1x32x80xi32, #tpu.memory_space<hbm>> -> memref<32x80xi32, #tpu.memory_space<hbm>>
      tpu.wait_dma2 semaphore(%run_scoped3A : memref<!tpu.dma_semaphore, #tpu.memory_space<semaphore_mem>>) src(%dma_wait3A_989 : memref<32x80xi32, #tpu.memory_space<hbm>>) dst(%dma_wait3A_985 : memref<32x80xi32, #tpu.memory_space<vmem>>)
      tpu.yield
    }) : () -> ()
    "tpu.region"() ({
      %run_scoped3A = tpu.sem_alloc : memref<!tpu.dma_semaphore, #tpu.memory_space<semaphore_mem>>
      %dma_start3A_962 = arith.constant 0 : i32
      %dma_start3A_963 = arith.constant 0 : i32
      %dma_start3A_964 = tpu.memref_slice %arg8[%dma_start3A_962, %dma_start3A_963] : memref<32x80xi32, #tpu.memory_space<vmem>> -> memref<32x80xi32, #tpu.memory_space<vmem>>
      %dma_start3A_965 = arith.constant 64 : i32
      %dma_start3A_966 = arith.constant 0 : i32
      %dma_start3A_967 = tpu.memref_slice %arg4[%arg1, %dma_start3A_965, %dma_start3A_966] : memref<16x125x80xi32, #tpu.memory_space<hbm>> -> memref<1x32x80xi32, #tpu.memory_space<hbm>>
      %dma_start3A_968 = tpu.memref_squeeze %dma_start3A_967 : memref<1x32x80xi32, #tpu.memory_space<hbm>> -> memref<32x80xi32, #tpu.memory_space<hbm>>
      %dma_start3A_969 = arith.constant 0 : i32
      %dma_start3A_970 = arith.constant 0 : i32
      %dma_start3A_971 = tpu.memref_slice %arg8[%dma_start3A_969, %dma_start3A_970] : memref<32x80xi32, #tpu.memory_space<vmem>> -> memref<32x80xi32, #tpu.memory_space<vmem>>
      %dma_start3A_972 = arith.constant 64 : i32
      %dma_start3A_973 = arith.constant 0 : i32
      %dma_start3A_974 = tpu.memref_slice %arg4[%arg1, %dma_start3A_972, %dma_start3A_973] : memref<16x125x80xi32, #tpu.memory_space<hbm>> -> memref<1x32x80xi32, #tpu.memory_space<hbm>>
      %dma_start3A_975 = tpu.memref_squeeze %dma_start3A_974 : memref<1x32x80xi32, #tpu.memory_space<hbm>> -> memref<32x80xi32, #tpu.memory_space<hbm>>
      tpu.enqueue_dma source(%dma_start3A_975 : memref<32x80xi32, #tpu.memory_space<hbm>>) target(%dma_start3A_971 : memref<32x80xi32, #tpu.memory_space<vmem>>) target_semaphore(%run_scoped3A : memref<!tpu.dma_semaphore, #tpu.memory_space<semaphore_mem>>)
      %dma_wait3A_976 = arith.constant 0 : i32
      %dma_wait3A_977 = arith.constant 0 : i32
      %dma_wait3A_978 = tpu.memref_slice %arg8[%dma_wait3A_976, %dma_wait3A_977] : memref<32x80xi32, #tpu.memory_space<vmem>> -> memref<32x80xi32, #tpu.memory_space<vmem>>
      %dma_wait3A_979 = arith.constant 64 : i32
      %dma_wait3A_980 = arith.constant 0 : i32
      %dma_wait3A_981 = tpu.memref_slice %arg4[%arg1, %dma_wait3A_979, %dma_wait3A_980] : memref<16x125x80xi32, #tpu.memory_space<hbm>> -> memref<1x32x80xi32, #tpu.memory_space<hbm>>
      %dma_wait3A_982 = tpu.memref_squeeze %dma_wait3A_981 : memref<1x32x80xi32, #tpu.memory_space<hbm>> -> memref<32x80xi32, #tpu.memory_space<hbm>>
      %dma_wait3A_983 = arith.constant 0 : i32
      %dma_wait3A_984 = arith.constant 0 : i32
      %dma_wait3A_985 = tpu.memref_slice %arg8[%dma_wait3A_983, %dma_wait3A_984] : memref<32x80xi32, #tpu.memory_space<vmem>> -> memref<32x80xi32, #tpu.memory_space<vmem>>
      %dma_wait3A_986 = arith.constant 64 : i32
      %dma_wait3A_987 = arith.constant 0 : i32
      %dma_wait3A_988 = tpu.memref_slice %arg4[%arg1, %dma_wait3A_986, %dma_wait3A_987] : memref<16x125x80xi32, #tpu.memory_space<hbm>> -> memref<1x32x80xi32, #tpu.memory_space<hbm>>
      %dma_wait3A_989 = tpu.memref_squeeze %dma_wait3A_988 : memref<1x32x80xi32, #tpu.memory_space<hbm>> -> memref<32x80xi32, #tpu.memory_space<hbm>>
      tpu.wait_dma2 semaphore(%run_scoped3A : memref<!tpu.dma_semaphore, #tpu.memory_space<semaphore_mem>>) src(%dma_wait3A_989 : memref<32x80xi32, #tpu.memory_space<hbm>>) dst(%dma_wait3A_985 : memref<32x80xi32, #tpu.memory_space<vmem>>)
      tpu.yield
    }) : () -> ()
    %dma_start3A_463 = arith.constant 0 : i32
    %dma_start3A_464 = arith.constant 0 : i32
    %dma_start3A_465 = tpu.memref_slice %arg7[%dma_start3A_463, %dma_start3A_464] : memref<32x80xi32, #tpu.memory_space<vmem>> -> memref<1x80xi32, #tpu.memory_space<vmem>>
    %dma_start3A_466 = tpu.memref_squeeze %dma_start3A_465 : memref<1x80xi32, #tpu.memory_space<vmem>> -> memref<80xi32, #tpu.memory_space<vmem>>
    %dma_start3A_467 = arith.constant 0 : i32
    %dma_start3A_468 = arith.constant 0 : i32
    %dma_start3A_469 = tpu.memref_slice %arg2[%dma_start3A_467, %dma_start3A_468] : memref<20000x128xf32, #tpu.memory_space<hbm>> -> memref<20000x128xf32, #tpu.memory_space<hbm>>
    tpu.enqueue_indirect_dma source(%dma_start3A_469 : memref<20000x128xf32, #tpu.memory_space<hbm>>) target(%arg9 : memref<80x128xf32, #tpu.memory_space<vmem>>) offsets(%dma_start3A_466 : memref<80xi32, #tpu.memory_space<vmem>>) semaphore(%arg14 : memref<!tpu.dma_semaphore, #tpu.memory_space<semaphore_mem>>)
    %dma_start3A_470 = arith.constant 1 : i32
    %dma_start3A_471 = arith.constant 0 : i32
    %dma_start3A_472 = tpu.memref_slice %arg7[%dma_start3A_470, %dma_start3A_471] : memref<32x80xi32, #tpu.memory_space<vmem>> -> memref<1x80xi32, #tpu.memory_space<vmem>>
    %dma_start3A_473 = tpu.memref_squeeze %dma_start3A_472 : memref<1x80xi32, #tpu.memory_space<vmem>> -> memref<80xi32, #tpu.memory_space<vmem>>
    %dma_start3A_474 = arith.constant 0 : i32
    %dma_start3A_475 = arith.constant 0 : i32
    %dma_start3A_476 = tpu.memref_slice %arg2[%dma_start3A_474, %dma_start3A_475] : memref<20000x128xf32, #tpu.memory_space<hbm>> -> memref<20000x128xf32, #tpu.memory_space<hbm>>
    tpu.enqueue_indirect_dma source(%dma_start3A_476 : memref<20000x128xf32, #tpu.memory_space<hbm>>) target(%arg10 : memref<80x128xf32, #tpu.memory_space<vmem>>) offsets(%dma_start3A_473 : memref<80xi32, #tpu.memory_space<vmem>>) semaphore(%arg15 : memref<!tpu.dma_semaphore, #tpu.memory_space<semaphore_mem>>)
    %dma_start3A_477 = arith.constant 2 : i32
    %dma_start3A_478 = arith.constant 0 : i32
    %dma_start3A_479 = tpu.memref_slice %arg7[%dma_start3A_477, %dma_start3A_478] : memref<32x80xi32, #tpu.memory_space<vmem>> -> memref<1x80xi32, #tpu.memory_space<vmem>>
    %dma_start3A_480 = tpu.memref_squeeze %dma_start3A_479 : memref<1x80xi32, #tpu.memory_space<vmem>> -> memref<80xi32, #tpu.memory_space<vmem>>
    %dma_start3A_481 = arith.constant 0 : i32
    %dma_start3A_482 = arith.constant 0 : i32
    %dma_start3A_483 = tpu.memref_slice %arg2[%dma_start3A_481, %dma_start3A_482] : memref<20000x128xf32, #tpu.memory_space<hbm>> -> memref<20000x128xf32, #tpu.memory_space<hbm>>
    tpu.enqueue_indirect_dma source(%dma_start3A_483 : memref<20000x128xf32, #tpu.memory_space<hbm>>) target(%arg11 : memref<80x128xf32, #tpu.memory_space<vmem>>) offsets(%dma_start3A_480 : memref<80xi32, #tpu.memory_space<vmem>>) semaphore(%arg16 : memref<!tpu.dma_semaphore, #tpu.memory_space<semaphore_mem>>)
    %dma_wait3A_484 = arith.constant 0 : i32
    %dma_wait3A_485 = arith.constant 0 : i32
    %dma_wait3A_486 = tpu.memref_slice %arg7[%dma_wait3A_484, %dma_wait3A_485] : memref<32x80xi32, #tpu.memory_space<vmem>> -> memref<1x80xi32, #tpu.memory_space<vmem>>
    %dma_wait3A_487 = tpu.memref_squeeze %dma_wait3A_486 : memref<1x80xi32, #tpu.memory_space<vmem>> -> memref<80xi32, #tpu.memory_space<vmem>>
    %dma_wait3A_488 = arith.constant 0 : i32
    %dma_wait3A_489 = arith.constant 0 : i32
    %dma_wait3A_490 = tpu.memref_slice %arg2[%dma_wait3A_488, %dma_wait3A_489] : memref<20000x128xf32, #tpu.memory_space<hbm>> -> memref<20000x128xf32, #tpu.memory_space<hbm>>
    tpu.wait_indirect_dma semaphore(%arg14 : memref<!tpu.dma_semaphore, #tpu.memory_space<semaphore_mem>>) src(%dma_wait3A_490 : memref<20000x128xf32, #tpu.memory_space<hbm>>) dst(%arg9 : memref<80x128xf32, #tpu.memory_space<vmem>>)
    %dma_start3A_491 = arith.constant 0 : i32
    %dma_start3A_492 = arith.constant 0 : i32
    %dma_start3A_493 = tpu.memref_slice %arg8[%dma_start3A_491, %dma_start3A_492] : memref<32x80xi32, #tpu.memory_space<vmem>> -> memref<1x80xi32, #tpu.memory_space<vmem>>
    %dma_start3A_494 = tpu.memref_squeeze %dma_start3A_493 : memref<1x80xi32, #tpu.memory_space<vmem>> -> memref<80xi32, #tpu.memory_space<vmem>>
    %dma_start3A_495 = arith.constant 0 : i32
    %dma_start3A_496 = arith.constant 0 : i32
    %dma_start3A_497 = tpu.memref_slice %arg13[%dma_start3A_495, %dma_start3A_496] : memref<10000x128xf32, #tpu.memory_space<vmem_shared>> -> memref<10000x128xf32, #tpu.memory_space<vmem_shared>>
    tpu.enqueue_indirect_dma source(%arg9 : memref<80x128xf32, #tpu.memory_space<vmem>>) target(%dma_start3A_497 : memref<10000x128xf32, #tpu.memory_space<vmem_shared>>) offsets(%dma_start3A_494 : memref<80xi32, #tpu.memory_space<vmem>>) semaphore(%arg18 : memref<!tpu.dma_semaphore, #tpu.memory_space<semaphore_mem>>) {add = true}
    %dma_start3A_498 = arith.constant 3 : i32
    %dma_start3A_499 = arith.constant 0 : i32
    %dma_start3A_500 = tpu.memref_slice %arg7[%dma_start3A_498, %dma_start3A_499] : memref<32x80xi32, #tpu.memory_space<vmem>> -> memref<1x80xi32, #tpu.memory_space<vmem>>
    %dma_start3A_501 = tpu.memref_squeeze %dma_start3A_500 : memref<1x80xi32, #tpu.memory_space<vmem>> -> memref<80xi32, #tpu.memory_space<vmem>>
    %dma_start3A_502 = arith.constant 0 : i32
    %dma_start3A_503 = arith.constant 0 : i32
    %dma_start3A_504 = tpu.memref_slice %arg2[%dma_start3A_502, %dma_start3A_503] : memref<20000x128xf32, #tpu.memory_space<hbm>> -> memref<20000x128xf32, #tpu.memory_space<hbm>>
    tpu.enqueue_indirect_dma source(%dma_start3A_504 : memref<20000x128xf32, #tpu.memory_space<hbm>>) target(%arg12 : memref<80x128xf32, #tpu.memory_space<vmem>>) offsets(%dma_start3A_501 : memref<80xi32, #tpu.memory_space<vmem>>) semaphore(%arg17 : memref<!tpu.dma_semaphore, #tpu.memory_space<semaphore_mem>>)
    %dma_wait3A_505 = arith.constant 1 : i32
    %dma_wait3A_506 = arith.constant 0 : i32
    %dma_wait3A_507 = tpu.memref_slice %arg7[%dma_wait3A_505, %dma_wait3A_506] : memref<32x80xi32, #tpu.memory_space<vmem>> -> memref<1x80xi32, #tpu.memory_space<vmem>>
    %dma_wait3A_508 = tpu.memref_squeeze %dma_wait3A_507 : memref<1x80xi32, #tpu.memory_space<vmem>> -> memref<80xi32, #tpu.memory_space<vmem>>
    %dma_wait3A_509 = arith.constant 0 : i32
    %dma_wait3A_510 = arith.constant 0 : i32
    %dma_wait3A_511 = tpu.memref_slice %arg2[%dma_wait3A_509, %dma_wait3A_510] : memref<20000x128xf32, #tpu.memory_space<hbm>> -> memref<20000x128xf32, #tpu.memory_space<hbm>>
    tpu.wait_indirect_dma semaphore(%arg15 : memref<!tpu.dma_semaphore, #tpu.memory_space<semaphore_mem>>) src(%dma_wait3A_511 : memref<20000x128xf32, #tpu.memory_space<hbm>>) dst(%arg10 : memref<80x128xf32, #tpu.memory_space<vmem>>)
    %dma_start3A_512 = arith.constant 1 : i32
    %dma_start3A_513 = arith.constant 0 : i32
    %dma_start3A_514 = tpu.memref_slice %arg8[%dma_start3A_512, %dma_start3A_513] : memref<32x80xi32, #tpu.memory_space<vmem>> -> memref<1x80xi32, #tpu.memory_space<vmem>>
    %dma_start3A_515 = tpu.memref_squeeze %dma_start3A_514 : memref<1x80xi32, #tpu.memory_space<vmem>> -> memref<80xi32, #tpu.memory_space<vmem>>
    %dma_start3A_516 = arith.constant 0 : i32
    %dma_start3A_517 = arith.constant 0 : i32
    %dma_start3A_518 = tpu.memref_slice %arg13[%dma_start3A_516, %dma_start3A_517] : memref<10000x128xf32, #tpu.memory_space<vmem_shared>> -> memref<10000x128xf32, #tpu.memory_space<vmem_shared>>
    tpu.enqueue_indirect_dma source(%arg10 : memref<80x128xf32, #tpu.memory_space<vmem>>) target(%dma_start3A_518 : memref<10000x128xf32, #tpu.memory_space<vmem_shared>>) offsets(%dma_start3A_515 : memref<80xi32, #tpu.memory_space<vmem>>) semaphore(%arg19 : memref<!tpu.dma_semaphore, #tpu.memory_space<semaphore_mem>>) {add = true}
    %dma_wait3A_519 = arith.constant 0 : i32
    %dma_wait3A_520 = arith.constant 0 : i32
    %dma_wait3A_521 = tpu.memref_slice %arg8[%dma_wait3A_519, %dma_wait3A_520] : memref<32x80xi32, #tpu.memory_space<vmem>> -> memref<1x80xi32, #tpu.memory_space<vmem>>
    %dma_wait3A_522 = tpu.memref_squeeze %dma_wait3A_521 : memref<1x80xi32, #tpu.memory_space<vmem>> -> memref<80xi32, #tpu.memory_space<vmem>>
    %dma_wait3A_523 = arith.constant 0 : i32
    %dma_wait3A_524 = arith.constant 0 : i32
    %dma_wait3A_525 = tpu.memref_slice %arg13[%dma_wait3A_523, %dma_wait3A_524] : memref<10000x128xf32, #tpu.memory_space<vmem_shared>> -> memref<10000x128xf32, #tpu.memory_space<vmem_shared>>
    tpu.wait_indirect_dma semaphore(%arg18 : memref<!tpu.dma_semaphore, #tpu.memory_space<semaphore_mem>>) src(%arg9 : memref<80x128xf32, #tpu.memory_space<vmem>>) dst(%dma_wait3A_525 : memref<10000x128xf32, #tpu.memory_space<vmem_shared>>)
    %dma_start3A_526 = arith.constant 4 : i32
    %dma_start3A_527 = arith.constant 0 : i32
    %dma_start3A_528 = tpu.memref_slice %arg7[%dma_start3A_526, %dma_start3A_527] : memref<32x80xi32, #tpu.memory_space<vmem>> -> memref<1x80xi32, #tpu.memory_space<vmem>>
    %dma_start3A_529 = tpu.memref_squeeze %dma_start3A_528 : memref<1x80xi32, #tpu.memory_space<vmem>> -> memref<80xi32, #tpu.memory_space<vmem>>
    %dma_start3A_530 = arith.constant 0 : i32
    %dma_start3A_531 = arith.constant 0 : i32
    %dma_start3A_532 = tpu.memref_slice %arg2[%dma_start3A_530, %dma_start3A_531] : memref<20000x128xf32, #tpu.memory_space<hbm>> -> memref<20000x128xf32, #tpu.memory_space<hbm>>
    tpu.enqueue_indirect_dma source(%dma_start3A_532 : memref<20000x128xf32, #tpu.memory_space<hbm>>) target(%arg9 : memref<80x128xf32, #tpu.memory_space<vmem>>) offsets(%dma_start3A_529 : memref<80xi32, #tpu.memory_space<vmem>>) semaphore(%arg14 : memref<!tpu.dma_semaphore, #tpu.memory_space<semaphore_mem>>)
    %dma_wait3A_533 = arith.constant 2 : i32
    %dma_wait3A_534 = arith.constant 0 : i32
    %dma_wait3A_535 = tpu.memref_slice %arg7[%dma_wait3A_533, %dma_wait3A_534] : memref<32x80xi32, #tpu.memory_space<vmem>> -> memref<1x80xi32, #tpu.memory_space<vmem>>
    %dma_wait3A_536 = tpu.memref_squeeze %dma_wait3A_535 : memref<1x80xi32, #tpu.memory_space<vmem>> -> memref<80xi32, #tpu.memory_space<vmem>>
    %dma_wait3A_537 = arith.constant 0 : i32
    %dma_wait3A_538 = arith.constant 0 : i32
    %dma_wait3A_539 = tpu.memref_slice %arg2[%dma_wait3A_537, %dma_wait3A_538] : memref<20000x128xf32, #tpu.memory_space<hbm>> -> memref<20000x128xf32, #tpu.memory_space<hbm>>
    tpu.wait_indirect_dma semaphore(%arg16 : memref<!tpu.dma_semaphore, #tpu.memory_space<semaphore_mem>>) src(%dma_wait3A_539 : memref<20000x128xf32, #tpu.memory_space<hbm>>) dst(%arg11 : memref<80x128xf32, #tpu.memory_space<vmem>>)
    %dma_start3A_540 = arith.constant 2 : i32
    %dma_start3A_541 = arith.constant 0 : i32
    %dma_start3A_542 = tpu.memref_slice %arg8[%dma_start3A_540, %dma_start3A_541] : memref<32x80xi32, #tpu.memory_space<vmem>> -> memref<1x80xi32, #tpu.memory_space<vmem>>
    %dma_start3A_543 = tpu.memref_squeeze %dma_start3A_542 : memref<1x80xi32, #tpu.memory_space<vmem>> -> memref<80xi32, #tpu.memory_space<vmem>>
    %dma_start3A_544 = arith.constant 0 : i32
    %dma_start3A_545 = arith.constant 0 : i32
    %dma_start3A_546 = tpu.memref_slice %arg13[%dma_start3A_544, %dma_start3A_545] : memref<10000x128xf32, #tpu.memory_space<vmem_shared>> -> memref<10000x128xf32, #tpu.memory_space<vmem_shared>>
    tpu.enqueue_indirect_dma source(%arg11 : memref<80x128xf32, #tpu.memory_space<vmem>>) target(%dma_start3A_546 : memref<10000x128xf32, #tpu.memory_space<vmem_shared>>) offsets(%dma_start3A_543 : memref<80xi32, #tpu.memory_space<vmem>>) semaphore(%arg20 : memref<!tpu.dma_semaphore, #tpu.memory_space<semaphore_mem>>) {add = true}
    %dma_wait3A_547 = arith.constant 1 : i32
    %dma_wait3A_548 = arith.constant 0 : i32
    %dma_wait3A_549 = tpu.memref_slice %arg8[%dma_wait3A_547, %dma_wait3A_548] : memref<32x80xi32, #tpu.memory_space<vmem>> -> memref<1x80xi32, #tpu.memory_space<vmem>>
    %dma_wait3A_550 = tpu.memref_squeeze %dma_wait3A_549 : memref<1x80xi32, #tpu.memory_space<vmem>> -> memref<80xi32, #tpu.memory_space<vmem>>
    %dma_wait3A_551 = arith.constant 0 : i32
    %dma_wait3A_552 = arith.constant 0 : i32
    %dma_wait3A_553 = tpu.memref_slice %arg13[%dma_wait3A_551, %dma_wait3A_552] : memref<10000x128xf32, #tpu.memory_space<vmem_shared>> -> memref<10000x128xf32, #tpu.memory_space<vmem_shared>>
    tpu.wait_indirect_dma semaphore(%arg19 : memref<!tpu.dma_semaphore, #tpu.memory_space<semaphore_mem>>) src(%arg10 : memref<80x128xf32, #tpu.memory_space<vmem>>) dst(%dma_wait3A_553 : memref<10000x128xf32, #tpu.memory_space<vmem_shared>>)
    %dma_start3A_554 = arith.constant 5 : i32
    %dma_start3A_555 = arith.constant 0 : i32
    %dma_start3A_556 = tpu.memref_slice %arg7[%dma_start3A_554, %dma_start3A_555] : memref<32x80xi32, #tpu.memory_space<vmem>> -> memref<1x80xi32, #tpu.memory_space<vmem>>
    %dma_start3A_557 = tpu.memref_squeeze %dma_start3A_556 : memref<1x80xi32, #tpu.memory_space<vmem>> -> memref<80xi32, #tpu.memory_space<vmem>>
    %dma_start3A_558 = arith.constant 0 : i32
    %dma_start3A_559 = arith.constant 0 : i32
    %dma_start3A_560 = tpu.memref_slice %arg2[%dma_start3A_558, %dma_start3A_559] : memref<20000x128xf32, #tpu.memory_space<hbm>> -> memref<20000x128xf32, #tpu.memory_space<hbm>>
    tpu.enqueue_indirect_dma source(%dma_start3A_560 : memref<20000x128xf32, #tpu.memory_space<hbm>>) target(%arg10 : memref<80x128xf32, #tpu.memory_space<vmem>>) offsets(%dma_start3A_557 : memref<80xi32, #tpu.memory_space<vmem>>) semaphore(%arg15 : memref<!tpu.dma_semaphore, #tpu.memory_space<semaphore_mem>>)
    %dma_wait3A_561 = arith.constant 3 : i32
    %dma_wait3A_562 = arith.constant 0 : i32
    %dma_wait3A_563 = tpu.memref_slice %arg7[%dma_wait3A_561, %dma_wait3A_562] : memref<32x80xi32, #tpu.memory_space<vmem>> -> memref<1x80xi32, #tpu.memory_space<vmem>>
    %dma_wait3A_564 = tpu.memref_squeeze %dma_wait3A_563 : memref<1x80xi32, #tpu.memory_space<vmem>> -> memref<80xi32, #tpu.memory_space<vmem>>
    %dma_wait3A_565 = arith.constant 0 : i32
    %dma_wait3A_566 = arith.constant 0 : i32
    %dma_wait3A_567 = tpu.memref_slice %arg2[%dma_wait3A_565, %dma_wait3A_566] : memref<20000x128xf32, #tpu.memory_space<hbm>> -> memref<20000x128xf32, #tpu.memory_space<hbm>>
    tpu.wait_indirect_dma semaphore(%arg17 : memref<!tpu.dma_semaphore, #tpu.memory_space<semaphore_mem>>) src(%dma_wait3A_567 : memref<20000x128xf32, #tpu.memory_space<hbm>>) dst(%arg12 : memref<80x128xf32, #tpu.memory_space<vmem>>)
    %dma_start3A_568 = arith.constant 3 : i32
    %dma_start3A_569 = arith.constant 0 : i32
    %dma_start3A_570 = tpu.memref_slice %arg8[%dma_start3A_568, %dma_start3A_569] : memref<32x80xi32, #tpu.memory_space<vmem>> -> memref<1x80xi32, #tpu.memory_space<vmem>>
    %dma_start3A_571 = tpu.memref_squeeze %dma_start3A_570 : memref<1x80xi32, #tpu.memory_space<vmem>> -> memref<80xi32, #tpu.memory_space<vmem>>
    %dma_start3A_572 = arith.constant 0 : i32
    %dma_start3A_573 = arith.constant 0 : i32
    %dma_start3A_574 = tpu.memref_slice %arg13[%dma_start3A_572, %dma_start3A_573] : memref<10000x128xf32, #tpu.memory_space<vmem_shared>> -> memref<10000x128xf32, #tpu.memory_space<vmem_shared>>
    tpu.enqueue_indirect_dma source(%arg12 : memref<80x128xf32, #tpu.memory_space<vmem>>) target(%dma_start3A_574 : memref<10000x128xf32, #tpu.memory_space<vmem_shared>>) offsets(%dma_start3A_571 : memref<80xi32, #tpu.memory_space<vmem>>) semaphore(%arg21 : memref<!tpu.dma_semaphore, #tpu.memory_space<semaphore_mem>>) {add = true}
    %dma_wait3A_575 = arith.constant 2 : i32
    %dma_wait3A_576 = arith.constant 0 : i32
    %dma_wait3A_577 = tpu.memref_slice %arg8[%dma_wait3A_575, %dma_wait3A_576] : memref<32x80xi32, #tpu.memory_space<vmem>> -> memref<1x80xi32, #tpu.memory_space<vmem>>
    %dma_wait3A_578 = tpu.memref_squeeze %dma_wait3A_577 : memref<1x80xi32, #tpu.memory_space<vmem>> -> memref<80xi32, #tpu.memory_space<vmem>>
    %dma_wait3A_579 = arith.constant 0 : i32
    %dma_wait3A_580 = arith.constant 0 : i32
    %dma_wait3A_581 = tpu.memref_slice %arg13[%dma_wait3A_579, %dma_wait3A_580] : memref<10000x128xf32, #tpu.memory_space<vmem_shared>> -> memref<10000x128xf32, #tpu.memory_space<vmem_shared>>
    tpu.wait_indirect_dma semaphore(%arg20 : memref<!tpu.dma_semaphore, #tpu.memory_space<semaphore_mem>>) src(%arg11 : memref<80x128xf32, #tpu.memory_space<vmem>>) dst(%dma_wait3A_581 : memref<10000x128xf32, #tpu.memory_space<vmem_shared>>)
    %dma_start3A_582 = arith.constant 6 : i32
    %dma_start3A_583 = arith.constant 0 : i32
    %dma_start3A_584 = tpu.memref_slice %arg7[%dma_start3A_582, %dma_start3A_583] : memref<32x80xi32, #tpu.memory_space<vmem>> -> memref<1x80xi32, #tpu.memory_space<vmem>>
    %dma_start3A_585 = tpu.memref_squeeze %dma_start3A_584 : memref<1x80xi32, #tpu.memory_space<vmem>> -> memref<80xi32, #tpu.memory_space<vmem>>
    %dma_start3A_586 = arith.constant 0 : i32
    %dma_start3A_587 = arith.constant 0 : i32
    %dma_start3A_588 = tpu.memref_slice %arg2[%dma_start3A_586, %dma_start3A_587] : memref<20000x128xf32, #tpu.memory_space<hbm>> -> memref<20000x128xf32, #tpu.memory_space<hbm>>
    tpu.enqueue_indirect_dma source(%dma_start3A_588 : memref<20000x128xf32, #tpu.memory_space<hbm>>) target(%arg11 : memref<80x128xf32, #tpu.memory_space<vmem>>) offsets(%dma_start3A_585 : memref<80xi32, #tpu.memory_space<vmem>>) semaphore(%arg16 : memref<!tpu.dma_semaphore, #tpu.memory_space<semaphore_mem>>)
    %scan3A_589 = arith.constant 0 : i32
    %scan3A_590 = arith.constant 1 : i32
    %scan3A_591 = arith.constant 6 : i32
    %scan3A_592 = arith.addi %scan3A_590, %scan3A_591 : i32
    %scan3A_593 = arith.constant 1 : i32
    scf.for %scan3A_962 = %scan3A_590 to %scan3A_592 step %scan3A_593  : i32 {
      %mul3A = arith.constant 4 : i32
      %mul3A_963 = arith.muli %mul3A, %scan3A_962 : i32
      %add3A = arith.constant 0 : i32
      %add3A_964 = arith.addi %mul3A_963, %add3A : i32
      %dma_wait3A_965 = arith.constant 0 : i32
      %dma_wait3A_966 = tpu.memref_slice %arg7[%add3A_964, %dma_wait3A_965] : memref<32x80xi32, #tpu.memory_space<vmem>> -> memref<1x80xi32, #tpu.memory_space<vmem>>
      %dma_wait3A_967 = tpu.memref_squeeze %dma_wait3A_966 : memref<1x80xi32, #tpu.memory_space<vmem>> -> memref<80xi32, #tpu.memory_space<vmem>>
      %dma_wait3A_968 = arith.constant 0 : i32
      %dma_wait3A_969 = arith.constant 0 : i32
      %dma_wait3A_970 = tpu.memref_slice %arg2[%dma_wait3A_968, %dma_wait3A_969] : memref<20000x128xf32, #tpu.memory_space<hbm>> -> memref<20000x128xf32, #tpu.memory_space<hbm>>
      tpu.wait_indirect_dma semaphore(%arg14 : memref<!tpu.dma_semaphore, #tpu.memory_space<semaphore_mem>>) src(%dma_wait3A_970 : memref<20000x128xf32, #tpu.memory_space<hbm>>) dst(%arg9 : memref<80x128xf32, #tpu.memory_space<vmem>>)
      %dma_start3A_971 = arith.constant 0 : i32
      %dma_start3A_972 = tpu.memref_slice %arg8[%add3A_964, %dma_start3A_971] : memref<32x80xi32, #tpu.memory_space<vmem>> -> memref<1x80xi32, #tpu.memory_space<vmem>>
      %dma_start3A_973 = tpu.memref_squeeze %dma_start3A_972 : memref<1x80xi32, #tpu.memory_space<vmem>> -> memref<80xi32, #tpu.memory_space<vmem>>
      %dma_start3A_974 = arith.constant 0 : i32
      %dma_start3A_975 = arith.constant 0 : i32
      %dma_start3A_976 = tpu.memref_slice %arg13[%dma_start3A_974, %dma_start3A_975] : memref<10000x128xf32, #tpu.memory_space<vmem_shared>> -> memref<10000x128xf32, #tpu.memory_space<vmem_shared>>
      tpu.enqueue_indirect_dma source(%arg9 : memref<80x128xf32, #tpu.memory_space<vmem>>) target(%dma_start3A_976 : memref<10000x128xf32, #tpu.memory_space<vmem_shared>>) offsets(%dma_start3A_973 : memref<80xi32, #tpu.memory_space<vmem>>) semaphore(%arg18 : memref<!tpu.dma_semaphore, #tpu.memory_space<semaphore_mem>>) {add = true}
      %sub3A = arith.constant 1 : i32
      %sub3A_977 = arith.subi %add3A_964, %sub3A : i32
      %dma_wait3A_978 = arith.constant 0 : i32
      %dma_wait3A_979 = tpu.memref_slice %arg8[%sub3A_977, %dma_wait3A_978] : memref<32x80xi32, #tpu.memory_space<vmem>> -> memref<1x80xi32, #tpu.memory_space<vmem>>
      %dma_wait3A_980 = tpu.memref_squeeze %dma_wait3A_979 : memref<1x80xi32, #tpu.memory_space<vmem>> -> memref<80xi32, #tpu.memory_space<vmem>>
      %dma_wait3A_981 = arith.constant 0 : i32
      %dma_wait3A_982 = arith.constant 0 : i32
      %dma_wait3A_983 = tpu.memref_slice %arg13[%dma_wait3A_981, %dma_wait3A_982] : memref<10000x128xf32, #tpu.memory_space<vmem_shared>> -> memref<10000x128xf32, #tpu.memory_space<vmem_shared>>
      tpu.wait_indirect_dma semaphore(%arg21 : memref<!tpu.dma_semaphore, #tpu.memory_space<semaphore_mem>>) src(%arg12 : memref<80x128xf32, #tpu.memory_space<vmem>>) dst(%dma_wait3A_983 : memref<10000x128xf32, #tpu.memory_space<vmem_shared>>)
      %add3A_984 = arith.constant 4 : i32
      %add3A_985 = arith.addi %add3A_964, %add3A_984 : i32
      %sub3A_986 = arith.constant 1 : i32
      %sub3A_987 = arith.subi %add3A_985, %sub3A_986 : i32
      %dma_start3A_988 = arith.constant 0 : i32
      %dma_start3A_989 = tpu.memref_slice %arg7[%sub3A_987, %dma_start3A_988] : memref<32x80xi32, #tpu.memory_space<vmem>> -> memref<1x80xi32, #tpu.memory_space<vmem>>
      %dma_start3A_990 = tpu.memref_squeeze %dma_start3A_989 : memref<1x80xi32, #tpu.memory_space<vmem>> -> memref<80xi32, #tpu.memory_space<vmem>>
      %dma_start3A_991 = arith.constant 0 : i32
      %dma_start3A_992 = arith.constant 0 : i32
      %dma_start3A_993 = tpu.memref_slice %arg2[%dma_start3A_991, %dma_start3A_992] : memref<20000x128xf32, #tpu.memory_space<hbm>> -> memref<20000x128xf32, #tpu.memory_space<hbm>>
      tpu.enqueue_indirect_dma source(%dma_start3A_993 : memref<20000x128xf32, #tpu.memory_space<hbm>>) target(%arg12 : memref<80x128xf32, #tpu.memory_space<vmem>>) offsets(%dma_start3A_990 : memref<80xi32, #tpu.memory_space<vmem>>) semaphore(%arg17 : memref<!tpu.dma_semaphore, #tpu.memory_space<semaphore_mem>>)
      %add3A_994 = arith.constant 1 : i32
      %add3A_995 = arith.addi %mul3A_963, %add3A_994 : i32
      %dma_wait3A_996 = arith.constant 0 : i32
      %dma_wait3A_997 = tpu.memref_slice %arg7[%add3A_995, %dma_wait3A_996] : memref<32x80xi32, #tpu.memory_space<vmem>> -> memref<1x80xi32, #tpu.memory_space<vmem>>
      %dma_wait3A_998 = tpu.memref_squeeze %dma_wait3A_997 : memref<1x80xi32, #tpu.memory_space<vmem>> -> memref<80xi32, #tpu.memory_space<vmem>>
      %dma_wait3A_999 = arith.constant 0 : i32
      %dma_wait3A_1000 = arith.constant 0 : i32
      %dma_wait3A_1001 = tpu.memref_slice %arg2[%dma_wait3A_999, %dma_wait3A_1000] : memref<20000x128xf32, #tpu.memory_space<hbm>> -> memref<20000x128xf32, #tpu.memory_space<hbm>>
      tpu.wait_indirect_dma semaphore(%arg15 : memref<!tpu.dma_semaphore, #tpu.memory_space<semaphore_mem>>) src(%dma_wait3A_1001 : memref<20000x128xf32, #tpu.memory_space<hbm>>) dst(%arg10 : memref<80x128xf32, #tpu.memory_space<vmem>>)
      %dma_start3A_1002 = arith.constant 0 : i32
      %dma_start3A_1003 = tpu.memref_slice %arg8[%add3A_995, %dma_start3A_1002] : memref<32x80xi32, #tpu.memory_space<vmem>> -> memref<1x80xi32, #tpu.memory_space<vmem>>
      %dma_start3A_1004 = tpu.memref_squeeze %dma_start3A_1003 : memref<1x80xi32, #tpu.memory_space<vmem>> -> memref<80xi32, #tpu.memory_space<vmem>>
      %dma_start3A_1005 = arith.constant 0 : i32
      %dma_start3A_1006 = arith.constant 0 : i32
      %dma_start3A_1007 = tpu.memref_slice %arg13[%dma_start3A_1005, %dma_start3A_1006] : memref<10000x128xf32, #tpu.memory_space<vmem_shared>> -> memref<10000x128xf32, #tpu.memory_space<vmem_shared>>
      tpu.enqueue_indirect_dma source(%arg10 : memref<80x128xf32, #tpu.memory_space<vmem>>) target(%dma_start3A_1007 : memref<10000x128xf32, #tpu.memory_space<vmem_shared>>) offsets(%dma_start3A_1004 : memref<80xi32, #tpu.memory_space<vmem>>) semaphore(%arg19 : memref<!tpu.dma_semaphore, #tpu.memory_space<semaphore_mem>>) {add = true}
      %sub3A_1008 = arith.constant 1 : i32
      %sub3A_1009 = arith.subi %add3A_995, %sub3A_1008 : i32
      %dma_wait3A_1010 = arith.constant 0 : i32
      %dma_wait3A_1011 = tpu.memref_slice %arg8[%sub3A_1009, %dma_wait3A_1010] : memref<32x80xi32, #tpu.memory_space<vmem>> -> memref<1x80xi32, #tpu.memory_space<vmem>>
      %dma_wait3A_1012 = tpu.memref_squeeze %dma_wait3A_1011 : memref<1x80xi32, #tpu.memory_space<vmem>> -> memref<80xi32, #tpu.memory_space<vmem>>
      %dma_wait3A_1013 = arith.constant 0 : i32
      %dma_wait3A_1014 = arith.constant 0 : i32
      %dma_wait3A_1015 = tpu.memref_slice %arg13[%dma_wait3A_1013, %dma_wait3A_1014] : memref<10000x128xf32, #tpu.memory_space<vmem_shared>> -> memref<10000x128xf32, #tpu.memory_space<vmem_shared>>
      tpu.wait_indirect_dma semaphore(%arg18 : memref<!tpu.dma_semaphore, #tpu.memory_space<semaphore_mem>>) src(%arg9 : memref<80x128xf32, #tpu.memory_space<vmem>>) dst(%dma_wait3A_1015 : memref<10000x128xf32, #tpu.memory_space<vmem_shared>>)
      %add3A_1016 = arith.constant 4 : i32
      %add3A_1017 = arith.addi %add3A_995, %add3A_1016 : i32
      %sub3A_1018 = arith.constant 1 : i32
      %sub3A_1019 = arith.subi %add3A_1017, %sub3A_1018 : i32
      %dma_start3A_1020 = arith.constant 0 : i32
      %dma_start3A_1021 = tpu.memref_slice %arg7[%sub3A_1019, %dma_start3A_1020] : memref<32x80xi32, #tpu.memory_space<vmem>> -> memref<1x80xi32, #tpu.memory_space<vmem>>
      %dma_start3A_1022 = tpu.memref_squeeze %dma_start3A_1021 : memref<1x80xi32, #tpu.memory_space<vmem>> -> memref<80xi32, #tpu.memory_space<vmem>>
      %dma_start3A_1023 = arith.constant 0 : i32
      %dma_start3A_1024 = arith.constant 0 : i32
      %dma_start3A_1025 = tpu.memref_slice %arg2[%dma_start3A_1023, %dma_start3A_1024] : memref<20000x128xf32, #tpu.memory_space<hbm>> -> memref<20000x128xf32, #tpu.memory_space<hbm>>
      tpu.enqueue_indirect_dma source(%dma_start3A_1025 : memref<20000x128xf32, #tpu.memory_space<hbm>>) target(%arg9 : memref<80x128xf32, #tpu.memory_space<vmem>>) offsets(%dma_start3A_1022 : memref<80xi32, #tpu.memory_space<vmem>>) semaphore(%arg14 : memref<!tpu.dma_semaphore, #tpu.memory_space<semaphore_mem>>)
      %add3A_1026 = arith.constant 2 : i32
      %add3A_1027 = arith.addi %mul3A_963, %add3A_1026 : i32
      %dma_wait3A_1028 = arith.constant 0 : i32
      %dma_wait3A_1029 = tpu.memref_slice %arg7[%add3A_1027, %dma_wait3A_1028] : memref<32x80xi32, #tpu.memory_space<vmem>> -> memref<1x80xi32, #tpu.memory_space<vmem>>
      %dma_wait3A_1030 = tpu.memref_squeeze %dma_wait3A_1029 : memref<1x80xi32, #tpu.memory_space<vmem>> -> memref<80xi32, #tpu.memory_space<vmem>>
      %dma_wait3A_1031 = arith.constant 0 : i32
      %dma_wait3A_1032 = arith.constant 0 : i32
      %dma_wait3A_1033 = tpu.memref_slice %arg2[%dma_wait3A_1031, %dma_wait3A_1032] : memref<20000x128xf32, #tpu.memory_space<hbm>> -> memref<20000x128xf32, #tpu.memory_space<hbm>>
      tpu.wait_indirect_dma semaphore(%arg16 : memref<!tpu.dma_semaphore, #tpu.memory_space<semaphore_mem>>) src(%dma_wait3A_1033 : memref<20000x128xf32, #tpu.memory_space<hbm>>) dst(%arg11 : memref<80x128xf32, #tpu.memory_space<vmem>>)
      %dma_start3A_1034 = arith.constant 0 : i32
      %dma_start3A_1035 = tpu.memref_slice %arg8[%add3A_1027, %dma_start3A_1034] : memref<32x80xi32, #tpu.memory_space<vmem>> -> memref<1x80xi32, #tpu.memory_space<vmem>>
      %dma_start3A_1036 = tpu.memref_squeeze %dma_start3A_1035 : memref<1x80xi32, #tpu.memory_space<vmem>> -> memref<80xi32, #tpu.memory_space<vmem>>
      %dma_start3A_1037 = arith.constant 0 : i32
      %dma_start3A_1038 = arith.constant 0 : i32
      %dma_start3A_1039 = tpu.memref_slice %arg13[%dma_start3A_1037, %dma_start3A_1038] : memref<10000x128xf32, #tpu.memory_space<vmem_shared>> -> memref<10000x128xf32, #tpu.memory_space<vmem_shared>>
      tpu.enqueue_indirect_dma source(%arg11 : memref<80x128xf32, #tpu.memory_space<vmem>>) target(%dma_start3A_1039 : memref<10000x128xf32, #tpu.memory_space<vmem_shared>>) offsets(%dma_start3A_1036 : memref<80xi32, #tpu.memory_space<vmem>>) semaphore(%arg20 : memref<!tpu.dma_semaphore, #tpu.memory_space<semaphore_mem>>) {add = true}
      %sub3A_1040 = arith.constant 1 : i32
      %sub3A_1041 = arith.subi %add3A_1027, %sub3A_1040 : i32
      %dma_wait3A_1042 = arith.constant 0 : i32
      %dma_wait3A_1043 = tpu.memref_slice %arg8[%sub3A_1041, %dma_wait3A_1042] : memref<32x80xi32, #tpu.memory_space<vmem>> -> memref<1x80xi32, #tpu.memory_space<vmem>>
      %dma_wait3A_1044 = tpu.memref_squeeze %dma_wait3A_1043 : memref<1x80xi32, #tpu.memory_space<vmem>> -> memref<80xi32, #tpu.memory_space<vmem>>
      %dma_wait3A_1045 = arith.constant 0 : i32
      %dma_wait3A_1046 = arith.constant 0 : i32
      %dma_wait3A_1047 = tpu.memref_slice %arg13[%dma_wait3A_1045, %dma_wait3A_1046] : memref<10000x128xf32, #tpu.memory_space<vmem_shared>> -> memref<10000x128xf32, #tpu.memory_space<vmem_shared>>
      tpu.wait_indirect_dma semaphore(%arg19 : memref<!tpu.dma_semaphore, #tpu.memory_space<semaphore_mem>>) src(%arg10 : memref<80x128xf32, #tpu.memory_space<vmem>>) dst(%dma_wait3A_1047 : memref<10000x128xf32, #tpu.memory_space<vmem_shared>>)
      %add3A_1048 = arith.constant 4 : i32
      %add3A_1049 = arith.addi %add3A_1027, %add3A_1048 : i32
      %sub3A_1050 = arith.constant 1 : i32
      %sub3A_1051 = arith.subi %add3A_1049, %sub3A_1050 : i32
      %dma_start3A_1052 = arith.constant 0 : i32
      %dma_start3A_1053 = tpu.memref_slice %arg7[%sub3A_1051, %dma_start3A_1052] : memref<32x80xi32, #tpu.memory_space<vmem>> -> memref<1x80xi32, #tpu.memory_space<vmem>>
      %dma_start3A_1054 = tpu.memref_squeeze %dma_start3A_1053 : memref<1x80xi32, #tpu.memory_space<vmem>> -> memref<80xi32, #tpu.memory_space<vmem>>
      %dma_start3A_1055 = arith.constant 0 : i32
      %dma_start3A_1056 = arith.constant 0 : i32
      %dma_start3A_1057 = tpu.memref_slice %arg2[%dma_start3A_1055, %dma_start3A_1056] : memref<20000x128xf32, #tpu.memory_space<hbm>> -> memref<20000x128xf32, #tpu.memory_space<hbm>>
      tpu.enqueue_indirect_dma source(%dma_start3A_1057 : memref<20000x128xf32, #tpu.memory_space<hbm>>) target(%arg10 : memref<80x128xf32, #tpu.memory_space<vmem>>) offsets(%dma_start3A_1054 : memref<80xi32, #tpu.memory_space<vmem>>) semaphore(%arg15 : memref<!tpu.dma_semaphore, #tpu.memory_space<semaphore_mem>>)
      %add3A_1058 = arith.constant 3 : i32
      %add3A_1059 = arith.addi %mul3A_963, %add3A_1058 : i32
      %dma_wait3A_1060 = arith.constant 0 : i32
      %dma_wait3A_1061 = tpu.memref_slice %arg7[%add3A_1059, %dma_wait3A_1060] : memref<32x80xi32, #tpu.memory_space<vmem>> -> memref<1x80xi32, #tpu.memory_space<vmem>>
      %dma_wait3A_1062 = tpu.memref_squeeze %dma_wait3A_1061 : memref<1x80xi32, #tpu.memory_space<vmem>> -> memref<80xi32, #tpu.memory_space<vmem>>
      %dma_wait3A_1063 = arith.constant 0 : i32
      %dma_wait3A_1064 = arith.constant 0 : i32
      %dma_wait3A_1065 = tpu.memref_slice %arg2[%dma_wait3A_1063, %dma_wait3A_1064] : memref<20000x128xf32, #tpu.memory_space<hbm>> -> memref<20000x128xf32, #tpu.memory_space<hbm>>
      tpu.wait_indirect_dma semaphore(%arg17 : memref<!tpu.dma_semaphore, #tpu.memory_space<semaphore_mem>>) src(%dma_wait3A_1065 : memref<20000x128xf32, #tpu.memory_space<hbm>>) dst(%arg12 : memref<80x128xf32, #tpu.memory_space<vmem>>)
      %dma_start3A_1066 = arith.constant 0 : i32
      %dma_start3A_1067 = tpu.memref_slice %arg8[%add3A_1059, %dma_start3A_1066] : memref<32x80xi32, #tpu.memory_space<vmem>> -> memref<1x80xi32, #tpu.memory_space<vmem>>
      %dma_start3A_1068 = tpu.memref_squeeze %dma_start3A_1067 : memref<1x80xi32, #tpu.memory_space<vmem>> -> memref<80xi32, #tpu.memory_space<vmem>>
      %dma_start3A_1069 = arith.constant 0 : i32
      %dma_start3A_1070 = arith.constant 0 : i32
      %dma_start3A_1071 = tpu.memref_slice %arg13[%dma_start3A_1069, %dma_start3A_1070] : memref<10000x128xf32, #tpu.memory_space<vmem_shared>> -> memref<10000x128xf32, #tpu.memory_space<vmem_shared>>
      tpu.enqueue_indirect_dma source(%arg12 : memref<80x128xf32, #tpu.memory_space<vmem>>) target(%dma_start3A_1071 : memref<10000x128xf32, #tpu.memory_space<vmem_shared>>) offsets(%dma_start3A_1068 : memref<80xi32, #tpu.memory_space<vmem>>) semaphore(%arg21 : memref<!tpu.dma_semaphore, #tpu.memory_space<semaphore_mem>>) {add = true}
      %sub3A_1072 = arith.constant 1 : i32
      %sub3A_1073 = arith.subi %add3A_1059, %sub3A_1072 : i32
      %dma_wait3A_1074 = arith.constant 0 : i32
      %dma_wait3A_1075 = tpu.memref_slice %arg8[%sub3A_1073, %dma_wait3A_1074] : memref<32x80xi32, #tpu.memory_space<vmem>> -> memref<1x80xi32, #tpu.memory_space<vmem>>
      %dma_wait3A_1076 = tpu.memref_squeeze %dma_wait3A_1075 : memref<1x80xi32, #tpu.memory_space<vmem>> -> memref<80xi32, #tpu.memory_space<vmem>>
      %dma_wait3A_1077 = arith.constant 0 : i32
      %dma_wait3A_1078 = arith.constant 0 : i32
      %dma_wait3A_1079 = tpu.memref_slice %arg13[%dma_wait3A_1077, %dma_wait3A_1078] : memref<10000x128xf32, #tpu.memory_space<vmem_shared>> -> memref<10000x128xf32, #tpu.memory_space<vmem_shared>>
      tpu.wait_indirect_dma semaphore(%arg20 : memref<!tpu.dma_semaphore, #tpu.memory_space<semaphore_mem>>) src(%arg11 : memref<80x128xf32, #tpu.memory_space<vmem>>) dst(%dma_wait3A_1079 : memref<10000x128xf32, #tpu.memory_space<vmem_shared>>)
      %add3A_1080 = arith.constant 4 : i32
      %add3A_1081 = arith.addi %add3A_1059, %add3A_1080 : i32
      %sub3A_1082 = arith.constant 1 : i32
      %sub3A_1083 = arith.subi %add3A_1081, %sub3A_1082 : i32
      %dma_start3A_1084 = arith.constant 0 : i32
      %dma_start3A_1085 = tpu.memref_slice %arg7[%sub3A_1083, %dma_start3A_1084] : memref<32x80xi32, #tpu.memory_space<vmem>> -> memref<1x80xi32, #tpu.memory_space<vmem>>
      %dma_start3A_1086 = tpu.memref_squeeze %dma_start3A_1085 : memref<1x80xi32, #tpu.memory_space<vmem>> -> memref<80xi32, #tpu.memory_space<vmem>>
      %dma_start3A_1087 = arith.constant 0 : i32
      %dma_start3A_1088 = arith.constant 0 : i32
      %dma_start3A_1089 = tpu.memref_slice %arg2[%dma_start3A_1087, %dma_start3A_1088] : memref<20000x128xf32, #tpu.memory_space<hbm>> -> memref<20000x128xf32, #tpu.memory_space<hbm>>
      tpu.enqueue_indirect_dma source(%dma_start3A_1089 : memref<20000x128xf32, #tpu.memory_space<hbm>>) target(%arg11 : memref<80x128xf32, #tpu.memory_space<vmem>>) offsets(%dma_start3A_1086 : memref<80xi32, #tpu.memory_space<vmem>>) semaphore(%arg16 : memref<!tpu.dma_semaphore, #tpu.memory_space<semaphore_mem>>)
    }
    %scan3A_594 = arith.constant 6 : i32
    %dma_wait3A_595 = arith.constant 28 : i32
    %dma_wait3A_596 = arith.constant 0 : i32
    %dma_wait3A_597 = tpu.memref_slice %arg7[%dma_wait3A_595, %dma_wait3A_596] : memref<32x80xi32, #tpu.memory_space<vmem>> -> memref<1x80xi32, #tpu.memory_space<vmem>>
    %dma_wait3A_598 = tpu.memref_squeeze %dma_wait3A_597 : memref<1x80xi32, #tpu.memory_space<vmem>> -> memref<80xi32, #tpu.memory_space<vmem>>
    %dma_wait3A_599 = arith.constant 0 : i32
    %dma_wait3A_600 = arith.constant 0 : i32
    %dma_wait3A_601 = tpu.memref_slice %arg2[%dma_wait3A_599, %dma_wait3A_600] : memref<20000x128xf32, #tpu.memory_space<hbm>> -> memref<20000x128xf32, #tpu.memory_space<hbm>>
    tpu.wait_indirect_dma semaphore(%arg14 : memref<!tpu.dma_semaphore, #tpu.memory_space<semaphore_mem>>) src(%dma_wait3A_601 : memref<20000x128xf32, #tpu.memory_space<hbm>>) dst(%arg9 : memref<80x128xf32, #tpu.memory_space<vmem>>)
    %dma_start3A_602 = arith.constant 28 : i32
    %dma_start3A_603 = arith.constant 0 : i32
    %dma_start3A_604 = tpu.memref_slice %arg8[%dma_start3A_602, %dma_start3A_603] : memref<32x80xi32, #tpu.memory_space<vmem>> -> memref<1x80xi32, #tpu.memory_space<vmem>>
    %dma_start3A_605 = tpu.memref_squeeze %dma_start3A_604 : memref<1x80xi32, #tpu.memory_space<vmem>> -> memref<80xi32, #tpu.memory_space<vmem>>
    %dma_start3A_606 = arith.constant 0 : i32
    %dma_start3A_607 = arith.constant 0 : i32
    %dma_start3A_608 = tpu.memref_slice %arg13[%dma_start3A_606, %dma_start3A_607] : memref<10000x128xf32, #tpu.memory_space<vmem_shared>> -> memref<10000x128xf32, #tpu.memory_space<vmem_shared>>
    tpu.enqueue_indirect_dma source(%arg9 : memref<80x128xf32, #tpu.memory_space<vmem>>) target(%dma_start3A_608 : memref<10000x128xf32, #tpu.memory_space<vmem_shared>>) offsets(%dma_start3A_605 : memref<80xi32, #tpu.memory_space<vmem>>) semaphore(%arg18 : memref<!tpu.dma_semaphore, #tpu.memory_space<semaphore_mem>>) {add = true}
    %dma_wait3A_609 = arith.constant 27 : i32
    %dma_wait3A_610 = arith.constant 0 : i32
    %dma_wait3A_611 = tpu.memref_slice %arg8[%dma_wait3A_609, %dma_wait3A_610] : memref<32x80xi32, #tpu.memory_space<vmem>> -> memref<1x80xi32, #tpu.memory_space<vmem>>
    %dma_wait3A_612 = tpu.memref_squeeze %dma_wait3A_611 : memref<1x80xi32, #tpu.memory_space<vmem>> -> memref<80xi32, #tpu.memory_space<vmem>>
    %dma_wait3A_613 = arith.constant 0 : i32
    %dma_wait3A_614 = arith.constant 0 : i32
    %dma_wait3A_615 = tpu.memref_slice %arg13[%dma_wait3A_613, %dma_wait3A_614] : memref<10000x128xf32, #tpu.memory_space<vmem_shared>> -> memref<10000x128xf32, #tpu.memory_space<vmem_shared>>
    tpu.wait_indirect_dma semaphore(%arg21 : memref<!tpu.dma_semaphore, #tpu.memory_space<semaphore_mem>>) src(%arg12 : memref<80x128xf32, #tpu.memory_space<vmem>>) dst(%dma_wait3A_615 : memref<10000x128xf32, #tpu.memory_space<vmem_shared>>)
    %dma_start3A_616 = arith.constant 31 : i32
    %dma_start3A_617 = arith.constant 0 : i32
    %dma_start3A_618 = tpu.memref_slice %arg7[%dma_start3A_616, %dma_start3A_617] : memref<32x80xi32, #tpu.memory_space<vmem>> -> memref<1x80xi32, #tpu.memory_space<vmem>>
    %dma_start3A_619 = tpu.memref_squeeze %dma_start3A_618 : memref<1x80xi32, #tpu.memory_space<vmem>> -> memref<80xi32, #tpu.memory_space<vmem>>
    %dma_start3A_620 = arith.constant 0 : i32
    %dma_start3A_621 = arith.constant 0 : i32
    %dma_start3A_622 = tpu.memref_slice %arg2[%dma_start3A_620, %dma_start3A_621] : memref<20000x128xf32, #tpu.memory_space<hbm>> -> memref<20000x128xf32, #tpu.memory_space<hbm>>
    tpu.enqueue_indirect_dma source(%dma_start3A_622 : memref<20000x128xf32, #tpu.memory_space<hbm>>) target(%arg12 : memref<80x128xf32, #tpu.memory_space<vmem>>) offsets(%dma_start3A_619 : memref<80xi32, #tpu.memory_space<vmem>>) semaphore(%arg17 : memref<!tpu.dma_semaphore, #tpu.memory_space<semaphore_mem>>)
    %dma_wait3A_623 = arith.constant 29 : i32
    %dma_wait3A_624 = arith.constant 0 : i32
    %dma_wait3A_625 = tpu.memref_slice %arg7[%dma_wait3A_623, %dma_wait3A_624] : memref<32x80xi32, #tpu.memory_space<vmem>> -> memref<1x80xi32, #tpu.memory_space<vmem>>
    %dma_wait3A_626 = tpu.memref_squeeze %dma_wait3A_625 : memref<1x80xi32, #tpu.memory_space<vmem>> -> memref<80xi32, #tpu.memory_space<vmem>>
    %dma_wait3A_627 = arith.constant 0 : i32
    %dma_wait3A_628 = arith.constant 0 : i32
    %dma_wait3A_629 = tpu.memref_slice %arg2[%dma_wait3A_627, %dma_wait3A_628] : memref<20000x128xf32, #tpu.memory_space<hbm>> -> memref<20000x128xf32, #tpu.memory_space<hbm>>
    tpu.wait_indirect_dma semaphore(%arg15 : memref<!tpu.dma_semaphore, #tpu.memory_space<semaphore_mem>>) src(%dma_wait3A_629 : memref<20000x128xf32, #tpu.memory_space<hbm>>) dst(%arg10 : memref<80x128xf32, #tpu.memory_space<vmem>>)
    %dma_start3A_630 = arith.constant 29 : i32
    %dma_start3A_631 = arith.constant 0 : i32
    %dma_start3A_632 = tpu.memref_slice %arg8[%dma_start3A_630, %dma_start3A_631] : memref<32x80xi32, #tpu.memory_space<vmem>> -> memref<1x80xi32, #tpu.memory_space<vmem>>
    %dma_start3A_633 = tpu.memref_squeeze %dma_start3A_632 : memref<1x80xi32, #tpu.memory_space<vmem>> -> memref<80xi32, #tpu.memory_space<vmem>>
    %dma_start3A_634 = arith.constant 0 : i32
    %dma_start3A_635 = arith.constant 0 : i32
    %dma_start3A_636 = tpu.memref_slice %arg13[%dma_start3A_634, %dma_start3A_635] : memref<10000x128xf32, #tpu.memory_space<vmem_shared>> -> memref<10000x128xf32, #tpu.memory_space<vmem_shared>>
    tpu.enqueue_indirect_dma source(%arg10 : memref<80x128xf32, #tpu.memory_space<vmem>>) target(%dma_start3A_636 : memref<10000x128xf32, #tpu.memory_space<vmem_shared>>) offsets(%dma_start3A_633 : memref<80xi32, #tpu.memory_space<vmem>>) semaphore(%arg19 : memref<!tpu.dma_semaphore, #tpu.memory_space<semaphore_mem>>) {add = true}
    %dma_wait3A_637 = arith.constant 30 : i32
    %dma_wait3A_638 = arith.constant 0 : i32
    %dma_wait3A_639 = tpu.memref_slice %arg7[%dma_wait3A_637, %dma_wait3A_638] : memref<32x80xi32, #tpu.memory_space<vmem>> -> memref<1x80xi32, #tpu.memory_space<vmem>>
    %dma_wait3A_640 = tpu.memref_squeeze %dma_wait3A_639 : memref<1x80xi32, #tpu.memory_space<vmem>> -> memref<80xi32, #tpu.memory_space<vmem>>
    %dma_wait3A_641 = arith.constant 0 : i32
    %dma_wait3A_642 = arith.constant 0 : i32
    %dma_wait3A_643 = tpu.memref_slice %arg2[%dma_wait3A_641, %dma_wait3A_642] : memref<20000x128xf32, #tpu.memory_space<hbm>> -> memref<20000x128xf32, #tpu.memory_space<hbm>>
    tpu.wait_indirect_dma semaphore(%arg16 : memref<!tpu.dma_semaphore, #tpu.memory_space<semaphore_mem>>) src(%dma_wait3A_643 : memref<20000x128xf32, #tpu.memory_space<hbm>>) dst(%arg11 : memref<80x128xf32, #tpu.memory_space<vmem>>)
    %dma_start3A_644 = arith.constant 30 : i32
    %dma_start3A_645 = arith.constant 0 : i32
    %dma_start3A_646 = tpu.memref_slice %arg8[%dma_start3A_644, %dma_start3A_645] : memref<32x80xi32, #tpu.memory_space<vmem>> -> memref<1x80xi32, #tpu.memory_space<vmem>>
    %dma_start3A_647 = tpu.memref_squeeze %dma_start3A_646 : memref<1x80xi32, #tpu.memory_space<vmem>> -> memref<80xi32, #tpu.memory_space<vmem>>
    %dma_start3A_648 = arith.constant 0 : i32
    %dma_start3A_649 = arith.constant 0 : i32
    %dma_start3A_650 = tpu.memref_slice %arg13[%dma_start3A_648, %dma_start3A_649] : memref<10000x128xf32, #tpu.memory_space<vmem_shared>> -> memref<10000x128xf32, #tpu.memory_space<vmem_shared>>
    tpu.enqueue_indirect_dma source(%arg11 : memref<80x128xf32, #tpu.memory_space<vmem>>) target(%dma_start3A_650 : memref<10000x128xf32, #tpu.memory_space<vmem_shared>>) offsets(%dma_start3A_647 : memref<80xi32, #tpu.memory_space<vmem>>) semaphore(%arg20 : memref<!tpu.dma_semaphore, #tpu.memory_space<semaphore_mem>>) {add = true}
    %dma_wait3A_651 = arith.constant 31 : i32
    %dma_wait3A_652 = arith.constant 0 : i32
    %dma_wait3A_653 = tpu.memref_slice %arg7[%dma_wait3A_651, %dma_wait3A_652] : memref<32x80xi32, #tpu.memory_space<vmem>> -> memref<1x80xi32, #tpu.memory_space<vmem>>
    %dma_wait3A_654 = tpu.memref_squeeze %dma_wait3A_653 : memref<1x80xi32, #tpu.memory_space<vmem>> -> memref<80xi32, #tpu.memory_space<vmem>>
    %dma_wait3A_655 = arith.constant 0 : i32
    %dma_wait3A_656 = arith.constant 0 : i32
    %dma_wait3A_657 = tpu.memref_slice %arg2[%dma_wait3A_655, %dma_wait3A_656] : memref<20000x128xf32, #tpu.memory_space<hbm>> -> memref<20000x128xf32, #tpu.memory_space<hbm>>
    tpu.wait_indirect_dma semaphore(%arg17 : memref<!tpu.dma_semaphore, #tpu.memory_space<semaphore_mem>>) src(%dma_wait3A_657 : memref<20000x128xf32, #tpu.memory_space<hbm>>) dst(%arg12 : memref<80x128xf32, #tpu.memory_space<vmem>>)
    %dma_start3A_658 = arith.constant 31 : i32
    %dma_start3A_659 = arith.constant 0 : i32
    %dma_start3A_660 = tpu.memref_slice %arg8[%dma_start3A_658, %dma_start3A_659] : memref<32x80xi32, #tpu.memory_space<vmem>> -> memref<1x80xi32, #tpu.memory_space<vmem>>
    %dma_start3A_661 = tpu.memref_squeeze %dma_start3A_660 : memref<1x80xi32, #tpu.memory_space<vmem>> -> memref<80xi32, #tpu.memory_space<vmem>>
    %dma_start3A_662 = arith.constant 0 : i32
    %dma_start3A_663 = arith.constant 0 : i32
    %dma_start3A_664 = tpu.memref_slice %arg13[%dma_start3A_662, %dma_start3A_663] : memref<10000x128xf32, #tpu.memory_space<vmem_shared>> -> memref<10000x128xf32, #tpu.memory_space<vmem_shared>>
    tpu.enqueue_indirect_dma source(%arg12 : memref<80x128xf32, #tpu.memory_space<vmem>>) target(%dma_start3A_664 : memref<10000x128xf32, #tpu.memory_space<vmem_shared>>) offsets(%dma_start3A_661 : memref<80xi32, #tpu.memory_space<vmem>>) semaphore(%arg21 : memref<!tpu.dma_semaphore, #tpu.memory_space<semaphore_mem>>) {add = true}
    %dma_wait3A_665 = arith.constant 28 : i32
    %dma_wait3A_666 = arith.constant 0 : i32
    %dma_wait3A_667 = tpu.memref_slice %arg8[%dma_wait3A_665, %dma_wait3A_666] : memref<32x80xi32, #tpu.memory_space<vmem>> -> memref<1x80xi32, #tpu.memory_space<vmem>>
    %dma_wait3A_668 = tpu.memref_squeeze %dma_wait3A_667 : memref<1x80xi32, #tpu.memory_space<vmem>> -> memref<80xi32, #tpu.memory_space<vmem>>
    %dma_wait3A_669 = arith.constant 0 : i32
    %dma_wait3A_670 = arith.constant 0 : i32
    %dma_wait3A_671 = tpu.memref_slice %arg13[%dma_wait3A_669, %dma_wait3A_670] : memref<10000x128xf32, #tpu.memory_space<vmem_shared>> -> memref<10000x128xf32, #tpu.memory_space<vmem_shared>>
    tpu.wait_indirect_dma semaphore(%arg18 : memref<!tpu.dma_semaphore, #tpu.memory_space<semaphore_mem>>) src(%arg9 : memref<80x128xf32, #tpu.memory_space<vmem>>) dst(%dma_wait3A_671 : memref<10000x128xf32, #tpu.memory_space<vmem_shared>>)
    %dma_wait3A_672 = arith.constant 29 : i32
    %dma_wait3A_673 = arith.constant 0 : i32
    %dma_wait3A_674 = tpu.memref_slice %arg8[%dma_wait3A_672, %dma_wait3A_673] : memref<32x80xi32, #tpu.memory_space<vmem>> -> memref<1x80xi32, #tpu.memory_space<vmem>>
    %dma_wait3A_675 = tpu.memref_squeeze %dma_wait3A_674 : memref<1x80xi32, #tpu.memory_space<vmem>> -> memref<80xi32, #tpu.memory_space<vmem>>
    %dma_wait3A_676 = arith.constant 0 : i32
    %dma_wait3A_677 = arith.constant 0 : i32
    %dma_wait3A_678 = tpu.memref_slice %arg13[%dma_wait3A_676, %dma_wait3A_677] : memref<10000x128xf32, #tpu.memory_space<vmem_shared>> -> memref<10000x128xf32, #tpu.memory_space<vmem_shared>>
    tpu.wait_indirect_dma semaphore(%arg19 : memref<!tpu.dma_semaphore, #tpu.memory_space<semaphore_mem>>) src(%arg10 : memref<80x128xf32, #tpu.memory_space<vmem>>) dst(%dma_wait3A_678 : memref<10000x128xf32, #tpu.memory_space<vmem_shared>>)
    %dma_wait3A_679 = arith.constant 30 : i32
    %dma_wait3A_680 = arith.constant 0 : i32
    %dma_wait3A_681 = tpu.memref_slice %arg8[%dma_wait3A_679, %dma_wait3A_680] : memref<32x80xi32, #tpu.memory_space<vmem>> -> memref<1x80xi32, #tpu.memory_space<vmem>>
    %dma_wait3A_682 = tpu.memref_squeeze %dma_wait3A_681 : memref<1x80xi32, #tpu.memory_space<vmem>> -> memref<80xi32, #tpu.memory_space<vmem>>
    %dma_wait3A_683 = arith.constant 0 : i32
    %dma_wait3A_684 = arith.constant 0 : i32
    %dma_wait3A_685 = tpu.memref_slice %arg13[%dma_wait3A_683, %dma_wait3A_684] : memref<10000x128xf32, #tpu.memory_space<vmem_shared>> -> memref<10000x128xf32, #tpu.memory_space<vmem_shared>>
    tpu.wait_indirect_dma semaphore(%arg20 : memref<!tpu.dma_semaphore, #tpu.memory_space<semaphore_mem>>) src(%arg11 : memref<80x128xf32, #tpu.memory_space<vmem>>) dst(%dma_wait3A_685 : memref<10000x128xf32, #tpu.memory_space<vmem_shared>>)
    %dma_wait3A_686 = arith.constant 31 : i32
    %dma_wait3A_687 = arith.constant 0 : i32
    %dma_wait3A_688 = tpu.memref_slice %arg8[%dma_wait3A_686, %dma_wait3A_687] : memref<32x80xi32, #tpu.memory_space<vmem>> -> memref<1x80xi32, #tpu.memory_space<vmem>>
    %dma_wait3A_689 = tpu.memref_squeeze %dma_wait3A_688 : memref<1x80xi32, #tpu.memory_space<vmem>> -> memref<80xi32, #tpu.memory_space<vmem>>
    %dma_wait3A_690 = arith.constant 0 : i32
    %dma_wait3A_691 = arith.constant 0 : i32
    %dma_wait3A_692 = tpu.memref_slice %arg13[%dma_wait3A_690, %dma_wait3A_691] : memref<10000x128xf32, #tpu.memory_space<vmem_shared>> -> memref<10000x128xf32, #tpu.memory_space<vmem_shared>>
    tpu.wait_indirect_dma semaphore(%arg21 : memref<!tpu.dma_semaphore, #tpu.memory_space<semaphore_mem>>) src(%arg12 : memref<80x128xf32, #tpu.memory_space<vmem>>) dst(%dma_wait3A_692 : memref<10000x128xf32, #tpu.memory_space<vmem_shared>>)
    "tpu.region"() ({
      %run_scoped3A = tpu.sem_alloc : memref<!tpu.dma_semaphore, #tpu.memory_space<semaphore_mem>>
      %dma_start3A_962 = arith.constant 0 : i32
      %dma_start3A_963 = arith.constant 0 : i32
      %dma_start3A_964 = tpu.memref_slice %arg7[%dma_start3A_962, %dma_start3A_963] : memref<32x80xi32, #tpu.memory_space<vmem>> -> memref<29x80xi32, #tpu.memory_space<vmem>>
      %dma_start3A_965 = arith.constant 96 : i32
      %dma_start3A_966 = arith.constant 0 : i32
      %dma_start3A_967 = tpu.memref_slice %arg3[%arg0, %arg1, %dma_start3A_965, %dma_start3A_966] : memref<2x16x125x80xi32, #tpu.memory_space<hbm>> -> memref<1x1x29x80xi32, #tpu.memory_space<hbm>>
      %dma_start3A_968 = tpu.memref_squeeze %dma_start3A_967 : memref<1x1x29x80xi32, #tpu.memory_space<hbm>> -> memref<29x80xi32, #tpu.memory_space<hbm>>
      %dma_start3A_969 = arith.constant 0 : i32
      %dma_start3A_970 = arith.constant 0 : i32
      %dma_start3A_971 = tpu.memref_slice %arg7[%dma_start3A_969, %dma_start3A_970] : memref<32x80xi32, #tpu.memory_space<vmem>> -> memref<29x80xi32, #tpu.memory_space<vmem>>
      %dma_start3A_972 = arith.constant 96 : i32
      %dma_start3A_973 = arith.constant 0 : i32
      %dma_start3A_974 = tpu.memref_slice %arg3[%arg0, %arg1, %dma_start3A_972, %dma_start3A_973] : memref<2x16x125x80xi32, #tpu.memory_space<hbm>> -> memref<1x1x29x80xi32, #tpu.memory_space<hbm>>
      %dma_start3A_975 = tpu.memref_squeeze %dma_start3A_974 : memref<1x1x29x80xi32, #tpu.memory_space<hbm>> -> memref<29x80xi32, #tpu.memory_space<hbm>>
      tpu.enqueue_dma source(%dma_start3A_975 : memref<29x80xi32, #tpu.memory_space<hbm>>) target(%dma_start3A_971 : memref<29x80xi32, #tpu.memory_space<vmem>>) target_semaphore(%run_scoped3A : memref<!tpu.dma_semaphore, #tpu.memory_space<semaphore_mem>>)
      %dma_wait3A_976 = arith.constant 0 : i32
      %dma_wait3A_977 = arith.constant 0 : i32
      %dma_wait3A_978 = tpu.memref_slice %arg7[%dma_wait3A_976, %dma_wait3A_977] : memref<32x80xi32, #tpu.memory_space<vmem>> -> memref<29x80xi32, #tpu.memory_space<vmem>>
      %dma_wait3A_979 = arith.constant 96 : i32
      %dma_wait3A_980 = arith.constant 0 : i32
      %dma_wait3A_981 = tpu.memref_slice %arg3[%arg0, %arg1, %dma_wait3A_979, %dma_wait3A_980] : memref<2x16x125x80xi32, #tpu.memory_space<hbm>> -> memref<1x1x29x80xi32, #tpu.memory_space<hbm>>
      %dma_wait3A_982 = tpu.memref_squeeze %dma_wait3A_981 : memref<1x1x29x80xi32, #tpu.memory_space<hbm>> -> memref<29x80xi32, #tpu.memory_space<hbm>>
      %dma_wait3A_983 = arith.constant 0 : i32
      %dma_wait3A_984 = arith.constant 0 : i32
      %dma_wait3A_985 = tpu.memref_slice %arg7[%dma_wait3A_983, %dma_wait3A_984] : memref<32x80xi32, #tpu.memory_space<vmem>> -> memref<29x80xi32, #tpu.memory_space<vmem>>
      %dma_wait3A_986 = arith.constant 96 : i32
      %dma_wait3A_987 = arith.constant 0 : i32
      %dma_wait3A_988 = tpu.memref_slice %arg3[%arg0, %arg1, %dma_wait3A_986, %dma_wait3A_987] : memref<2x16x125x80xi32, #tpu.memory_space<hbm>> -> memref<1x1x29x80xi32, #tpu.memory_space<hbm>>
      %dma_wait3A_989 = tpu.memref_squeeze %dma_wait3A_988 : memref<1x1x29x80xi32, #tpu.memory_space<hbm>> -> memref<29x80xi32, #tpu.memory_space<hbm>>
      tpu.wait_dma2 semaphore(%run_scoped3A : memref<!tpu.dma_semaphore, #tpu.memory_space<semaphore_mem>>) src(%dma_wait3A_989 : memref<29x80xi32, #tpu.memory_space<hbm>>) dst(%dma_wait3A_985 : memref<29x80xi32, #tpu.memory_space<vmem>>)
      tpu.yield
    }) : () -> ()
    "tpu.region"() ({
      %run_scoped3A = tpu.sem_alloc : memref<!tpu.dma_semaphore, #tpu.memory_space<semaphore_mem>>
      %dma_start3A_962 = arith.constant 0 : i32
      %dma_start3A_963 = arith.constant 0 : i32
      %dma_start3A_964 = tpu.memref_slice %arg8[%dma_start3A_962, %dma_start3A_963] : memref<32x80xi32, #tpu.memory_space<vmem>> -> memref<29x80xi32, #tpu.memory_space<vmem>>
      %dma_start3A_965 = arith.constant 96 : i32
      %dma_start3A_966 = arith.constant 0 : i32
      %dma_start3A_967 = tpu.memref_slice %arg4[%arg1, %dma_start3A_965, %dma_start3A_966] : memref<16x125x80xi32, #tpu.memory_space<hbm>> -> memref<1x29x80xi32, #tpu.memory_space<hbm>>
      %dma_start3A_968 = tpu.memref_squeeze %dma_start3A_967 : memref<1x29x80xi32, #tpu.memory_space<hbm>> -> memref<29x80xi32, #tpu.memory_space<hbm>>
      %dma_start3A_969 = arith.constant 0 : i32
      %dma_start3A_970 = arith.constant 0 : i32
      %dma_start3A_971 = tpu.memref_slice %arg8[%dma_start3A_969, %dma_start3A_970] : memref<32x80xi32, #tpu.memory_space<vmem>> -> memref<29x80xi32, #tpu.memory_space<vmem>>
      %dma_start3A_972 = arith.constant 96 : i32
      %dma_start3A_973 = arith.constant 0 : i32
      %dma_start3A_974 = tpu.memref_slice %arg4[%arg1, %dma_start3A_972, %dma_start3A_973] : memref<16x125x80xi32, #tpu.memory_space<hbm>> -> memref<1x29x80xi32, #tpu.memory_space<hbm>>
      %dma_start3A_975 = tpu.memref_squeeze %dma_start3A_974 : memref<1x29x80xi32, #tpu.memory_space<hbm>> -> memref<29x80xi32, #tpu.memory_space<hbm>>
      tpu.enqueue_dma source(%dma_start3A_975 : memref<29x80xi32, #tpu.memory_space<hbm>>) target(%dma_start3A_971 : memref<29x80xi32, #tpu.memory_space<vmem>>) target_semaphore(%run_scoped3A : memref<!tpu.dma_semaphore, #tpu.memory_space<semaphore_mem>>)
      %dma_wait3A_976 = arith.constant 0 : i32
      %dma_wait3A_977 = arith.constant 0 : i32
      %dma_wait3A_978 = tpu.memref_slice %arg8[%dma_wait3A_976, %dma_wait3A_977] : memref<32x80xi32, #tpu.memory_space<vmem>> -> memref<29x80xi32, #tpu.memory_space<vmem>>
      %dma_wait3A_979 = arith.constant 96 : i32
      %dma_wait3A_980 = arith.constant 0 : i32
      %dma_wait3A_981 = tpu.memref_slice %arg4[%arg1, %dma_wait3A_979, %dma_wait3A_980] : memref<16x125x80xi32, #tpu.memory_space<hbm>> -> memref<1x29x80xi32, #tpu.memory_space<hbm>>
      %dma_wait3A_982 = tpu.memref_squeeze %dma_wait3A_981 : memref<1x29x80xi32, #tpu.memory_space<hbm>> -> memref<29x80xi32, #tpu.memory_space<hbm>>
      %dma_wait3A_983 = arith.constant 0 : i32
      %dma_wait3A_984 = arith.constant 0 : i32
      %dma_wait3A_985 = tpu.memref_slice %arg8[%dma_wait3A_983, %dma_wait3A_984] : memref<32x80xi32, #tpu.memory_space<vmem>> -> memref<29x80xi32, #tpu.memory_space<vmem>>
      %dma_wait3A_986 = arith.constant 96 : i32
      %dma_wait3A_987 = arith.constant 0 : i32
      %dma_wait3A_988 = tpu.memref_slice %arg4[%arg1, %dma_wait3A_986, %dma_wait3A_987] : memref<16x125x80xi32, #tpu.memory_space<hbm>> -> memref<1x29x80xi32, #tpu.memory_space<hbm>>
      %dma_wait3A_989 = tpu.memref_squeeze %dma_wait3A_988 : memref<1x29x80xi32, #tpu.memory_space<hbm>> -> memref<29x80xi32, #tpu.memory_space<hbm>>
      tpu.wait_dma2 semaphore(%run_scoped3A : memref<!tpu.dma_semaphore, #tpu.memory_space<semaphore_mem>>) src(%dma_wait3A_989 : memref<29x80xi32, #tpu.memory_space<hbm>>) dst(%dma_wait3A_985 : memref<29x80xi32, #tpu.memory_space<vmem>>)
      tpu.yield
    }) : () -> ()
    %dma_start3A_693 = arith.constant 0 : i32
    %dma_start3A_694 = arith.constant 0 : i32
    %dma_start3A_695 = tpu.memref_slice %arg7[%dma_start3A_693, %dma_start3A_694] : memref<32x80xi32, #tpu.memory_space<vmem>> -> memref<1x80xi32, #tpu.memory_space<vmem>>
    %dma_start3A_696 = tpu.memref_squeeze %dma_start3A_695 : memref<1x80xi32, #tpu.memory_space<vmem>> -> memref<80xi32, #tpu.memory_space<vmem>>
    %dma_start3A_697 = arith.constant 0 : i32
    %dma_start3A_698 = arith.constant 0 : i32
    %dma_start3A_699 = tpu.memref_slice %arg2[%dma_start3A_697, %dma_start3A_698] : memref<20000x128xf32, #tpu.memory_space<hbm>> -> memref<20000x128xf32, #tpu.memory_space<hbm>>
    tpu.enqueue_indirect_dma source(%dma_start3A_699 : memref<20000x128xf32, #tpu.memory_space<hbm>>) target(%arg9 : memref<80x128xf32, #tpu.memory_space<vmem>>) offsets(%dma_start3A_696 : memref<80xi32, #tpu.memory_space<vmem>>) semaphore(%arg14 : memref<!tpu.dma_semaphore, #tpu.memory_space<semaphore_mem>>)
    %dma_start3A_700 = arith.constant 1 : i32
    %dma_start3A_701 = arith.constant 0 : i32
    %dma_start3A_702 = tpu.memref_slice %arg7[%dma_start3A_700, %dma_start3A_701] : memref<32x80xi32, #tpu.memory_space<vmem>> -> memref<1x80xi32, #tpu.memory_space<vmem>>
    %dma_start3A_703 = tpu.memref_squeeze %dma_start3A_702 : memref<1x80xi32, #tpu.memory_space<vmem>> -> memref<80xi32, #tpu.memory_space<vmem>>
    %dma_start3A_704 = arith.constant 0 : i32
    %dma_start3A_705 = arith.constant 0 : i32
    %dma_start3A_706 = tpu.memref_slice %arg2[%dma_start3A_704, %dma_start3A_705] : memref<20000x128xf32, #tpu.memory_space<hbm>> -> memref<20000x128xf32, #tpu.memory_space<hbm>>
    tpu.enqueue_indirect_dma source(%dma_start3A_706 : memref<20000x128xf32, #tpu.memory_space<hbm>>) target(%arg10 : memref<80x128xf32, #tpu.memory_space<vmem>>) offsets(%dma_start3A_703 : memref<80xi32, #tpu.memory_space<vmem>>) semaphore(%arg15 : memref<!tpu.dma_semaphore, #tpu.memory_space<semaphore_mem>>)
    %dma_start3A_707 = arith.constant 2 : i32
    %dma_start3A_708 = arith.constant 0 : i32
    %dma_start3A_709 = tpu.memref_slice %arg7[%dma_start3A_707, %dma_start3A_708] : memref<32x80xi32, #tpu.memory_space<vmem>> -> memref<1x80xi32, #tpu.memory_space<vmem>>
    %dma_start3A_710 = tpu.memref_squeeze %dma_start3A_709 : memref<1x80xi32, #tpu.memory_space<vmem>> -> memref<80xi32, #tpu.memory_space<vmem>>
    %dma_start3A_711 = arith.constant 0 : i32
    %dma_start3A_712 = arith.constant 0 : i32
    %dma_start3A_713 = tpu.memref_slice %arg2[%dma_start3A_711, %dma_start3A_712] : memref<20000x128xf32, #tpu.memory_space<hbm>> -> memref<20000x128xf32, #tpu.memory_space<hbm>>
    tpu.enqueue_indirect_dma source(%dma_start3A_713 : memref<20000x128xf32, #tpu.memory_space<hbm>>) target(%arg11 : memref<80x128xf32, #tpu.memory_space<vmem>>) offsets(%dma_start3A_710 : memref<80xi32, #tpu.memory_space<vmem>>) semaphore(%arg16 : memref<!tpu.dma_semaphore, #tpu.memory_space<semaphore_mem>>)
    %dma_wait3A_714 = arith.constant 0 : i32
    %dma_wait3A_715 = arith.constant 0 : i32
    %dma_wait3A_716 = tpu.memref_slice %arg7[%dma_wait3A_714, %dma_wait3A_715] : memref<32x80xi32, #tpu.memory_space<vmem>> -> memref<1x80xi32, #tpu.memory_space<vmem>>
    %dma_wait3A_717 = tpu.memref_squeeze %dma_wait3A_716 : memref<1x80xi32, #tpu.memory_space<vmem>> -> memref<80xi32, #tpu.memory_space<vmem>>
    %dma_wait3A_718 = arith.constant 0 : i32
    %dma_wait3A_719 = arith.constant 0 : i32
    %dma_wait3A_720 = tpu.memref_slice %arg2[%dma_wait3A_718, %dma_wait3A_719] : memref<20000x128xf32, #tpu.memory_space<hbm>> -> memref<20000x128xf32, #tpu.memory_space<hbm>>
    tpu.wait_indirect_dma semaphore(%arg14 : memref<!tpu.dma_semaphore, #tpu.memory_space<semaphore_mem>>) src(%dma_wait3A_720 : memref<20000x128xf32, #tpu.memory_space<hbm>>) dst(%arg9 : memref<80x128xf32, #tpu.memory_space<vmem>>)
    %dma_start3A_721 = arith.constant 0 : i32
    %dma_start3A_722 = arith.constant 0 : i32
    %dma_start3A_723 = tpu.memref_slice %arg8[%dma_start3A_721, %dma_start3A_722] : memref<32x80xi32, #tpu.memory_space<vmem>> -> memref<1x80xi32, #tpu.memory_space<vmem>>
    %dma_start3A_724 = tpu.memref_squeeze %dma_start3A_723 : memref<1x80xi32, #tpu.memory_space<vmem>> -> memref<80xi32, #tpu.memory_space<vmem>>
    %dma_start3A_725 = arith.constant 0 : i32
    %dma_start3A_726 = arith.constant 0 : i32
    %dma_start3A_727 = tpu.memref_slice %arg13[%dma_start3A_725, %dma_start3A_726] : memref<10000x128xf32, #tpu.memory_space<vmem_shared>> -> memref<10000x128xf32, #tpu.memory_space<vmem_shared>>
    tpu.enqueue_indirect_dma source(%arg9 : memref<80x128xf32, #tpu.memory_space<vmem>>) target(%dma_start3A_727 : memref<10000x128xf32, #tpu.memory_space<vmem_shared>>) offsets(%dma_start3A_724 : memref<80xi32, #tpu.memory_space<vmem>>) semaphore(%arg18 : memref<!tpu.dma_semaphore, #tpu.memory_space<semaphore_mem>>) {add = true}
    %dma_start3A_728 = arith.constant 3 : i32
    %dma_start3A_729 = arith.constant 0 : i32
    %dma_start3A_730 = tpu.memref_slice %arg7[%dma_start3A_728, %dma_start3A_729] : memref<32x80xi32, #tpu.memory_space<vmem>> -> memref<1x80xi32, #tpu.memory_space<vmem>>
    %dma_start3A_731 = tpu.memref_squeeze %dma_start3A_730 : memref<1x80xi32, #tpu.memory_space<vmem>> -> memref<80xi32, #tpu.memory_space<vmem>>
    %dma_start3A_732 = arith.constant 0 : i32
    %dma_start3A_733 = arith.constant 0 : i32
    %dma_start3A_734 = tpu.memref_slice %arg2[%dma_start3A_732, %dma_start3A_733] : memref<20000x128xf32, #tpu.memory_space<hbm>> -> memref<20000x128xf32, #tpu.memory_space<hbm>>
    tpu.enqueue_indirect_dma source(%dma_start3A_734 : memref<20000x128xf32, #tpu.memory_space<hbm>>) target(%arg12 : memref<80x128xf32, #tpu.memory_space<vmem>>) offsets(%dma_start3A_731 : memref<80xi32, #tpu.memory_space<vmem>>) semaphore(%arg17 : memref<!tpu.dma_semaphore, #tpu.memory_space<semaphore_mem>>)
    %dma_wait3A_735 = arith.constant 1 : i32
    %dma_wait3A_736 = arith.constant 0 : i32
    %dma_wait3A_737 = tpu.memref_slice %arg7[%dma_wait3A_735, %dma_wait3A_736] : memref<32x80xi32, #tpu.memory_space<vmem>> -> memref<1x80xi32, #tpu.memory_space<vmem>>
    %dma_wait3A_738 = tpu.memref_squeeze %dma_wait3A_737 : memref<1x80xi32, #tpu.memory_space<vmem>> -> memref<80xi32, #tpu.memory_space<vmem>>
    %dma_wait3A_739 = arith.constant 0 : i32
    %dma_wait3A_740 = arith.constant 0 : i32
    %dma_wait3A_741 = tpu.memref_slice %arg2[%dma_wait3A_739, %dma_wait3A_740] : memref<20000x128xf32, #tpu.memory_space<hbm>> -> memref<20000x128xf32, #tpu.memory_space<hbm>>
    tpu.wait_indirect_dma semaphore(%arg15 : memref<!tpu.dma_semaphore, #tpu.memory_space<semaphore_mem>>) src(%dma_wait3A_741 : memref<20000x128xf32, #tpu.memory_space<hbm>>) dst(%arg10 : memref<80x128xf32, #tpu.memory_space<vmem>>)
    %dma_start3A_742 = arith.constant 1 : i32
    %dma_start3A_743 = arith.constant 0 : i32
    %dma_start3A_744 = tpu.memref_slice %arg8[%dma_start3A_742, %dma_start3A_743] : memref<32x80xi32, #tpu.memory_space<vmem>> -> memref<1x80xi32, #tpu.memory_space<vmem>>
    %dma_start3A_745 = tpu.memref_squeeze %dma_start3A_744 : memref<1x80xi32, #tpu.memory_space<vmem>> -> memref<80xi32, #tpu.memory_space<vmem>>
    %dma_start3A_746 = arith.constant 0 : i32
    %dma_start3A_747 = arith.constant 0 : i32
    %dma_start3A_748 = tpu.memref_slice %arg13[%dma_start3A_746, %dma_start3A_747] : memref<10000x128xf32, #tpu.memory_space<vmem_shared>> -> memref<10000x128xf32, #tpu.memory_space<vmem_shared>>
    tpu.enqueue_indirect_dma source(%arg10 : memref<80x128xf32, #tpu.memory_space<vmem>>) target(%dma_start3A_748 : memref<10000x128xf32, #tpu.memory_space<vmem_shared>>) offsets(%dma_start3A_745 : memref<80xi32, #tpu.memory_space<vmem>>) semaphore(%arg19 : memref<!tpu.dma_semaphore, #tpu.memory_space<semaphore_mem>>) {add = true}
    %dma_wait3A_749 = arith.constant 0 : i32
    %dma_wait3A_750 = arith.constant 0 : i32
    %dma_wait3A_751 = tpu.memref_slice %arg8[%dma_wait3A_749, %dma_wait3A_750] : memref<32x80xi32, #tpu.memory_space<vmem>> -> memref<1x80xi32, #tpu.memory_space<vmem>>
    %dma_wait3A_752 = tpu.memref_squeeze %dma_wait3A_751 : memref<1x80xi32, #tpu.memory_space<vmem>> -> memref<80xi32, #tpu.memory_space<vmem>>
    %dma_wait3A_753 = arith.constant 0 : i32
    %dma_wait3A_754 = arith.constant 0 : i32
    %dma_wait3A_755 = tpu.memref_slice %arg13[%dma_wait3A_753, %dma_wait3A_754] : memref<10000x128xf32, #tpu.memory_space<vmem_shared>> -> memref<10000x128xf32, #tpu.memory_space<vmem_shared>>
    tpu.wait_indirect_dma semaphore(%arg18 : memref<!tpu.dma_semaphore, #tpu.memory_space<semaphore_mem>>) src(%arg9 : memref<80x128xf32, #tpu.memory_space<vmem>>) dst(%dma_wait3A_755 : memref<10000x128xf32, #tpu.memory_space<vmem_shared>>)
    %dma_start3A_756 = arith.constant 4 : i32
    %dma_start3A_757 = arith.constant 0 : i32
    %dma_start3A_758 = tpu.memref_slice %arg7[%dma_start3A_756, %dma_start3A_757] : memref<32x80xi32, #tpu.memory_space<vmem>> -> memref<1x80xi32, #tpu.memory_space<vmem>>
    %dma_start3A_759 = tpu.memref_squeeze %dma_start3A_758 : memref<1x80xi32, #tpu.memory_space<vmem>> -> memref<80xi32, #tpu.memory_space<vmem>>
    %dma_start3A_760 = arith.constant 0 : i32
    %dma_start3A_761 = arith.constant 0 : i32
    %dma_start3A_762 = tpu.memref_slice %arg2[%dma_start3A_760, %dma_start3A_761] : memref<20000x128xf32, #tpu.memory_space<hbm>> -> memref<20000x128xf32, #tpu.memory_space<hbm>>
    tpu.enqueue_indirect_dma source(%dma_start3A_762 : memref<20000x128xf32, #tpu.memory_space<hbm>>) target(%arg9 : memref<80x128xf32, #tpu.memory_space<vmem>>) offsets(%dma_start3A_759 : memref<80xi32, #tpu.memory_space<vmem>>) semaphore(%arg14 : memref<!tpu.dma_semaphore, #tpu.memory_space<semaphore_mem>>)
    %dma_wait3A_763 = arith.constant 2 : i32
    %dma_wait3A_764 = arith.constant 0 : i32
    %dma_wait3A_765 = tpu.memref_slice %arg7[%dma_wait3A_763, %dma_wait3A_764] : memref<32x80xi32, #tpu.memory_space<vmem>> -> memref<1x80xi32, #tpu.memory_space<vmem>>
    %dma_wait3A_766 = tpu.memref_squeeze %dma_wait3A_765 : memref<1x80xi32, #tpu.memory_space<vmem>> -> memref<80xi32, #tpu.memory_space<vmem>>
    %dma_wait3A_767 = arith.constant 0 : i32
    %dma_wait3A_768 = arith.constant 0 : i32
    %dma_wait3A_769 = tpu.memref_slice %arg2[%dma_wait3A_767, %dma_wait3A_768] : memref<20000x128xf32, #tpu.memory_space<hbm>> -> memref<20000x128xf32, #tpu.memory_space<hbm>>
    tpu.wait_indirect_dma semaphore(%arg16 : memref<!tpu.dma_semaphore, #tpu.memory_space<semaphore_mem>>) src(%dma_wait3A_769 : memref<20000x128xf32, #tpu.memory_space<hbm>>) dst(%arg11 : memref<80x128xf32, #tpu.memory_space<vmem>>)
    %dma_start3A_770 = arith.constant 2 : i32
    %dma_start3A_771 = arith.constant 0 : i32
    %dma_start3A_772 = tpu.memref_slice %arg8[%dma_start3A_770, %dma_start3A_771] : memref<32x80xi32, #tpu.memory_space<vmem>> -> memref<1x80xi32, #tpu.memory_space<vmem>>
    %dma_start3A_773 = tpu.memref_squeeze %dma_start3A_772 : memref<1x80xi32, #tpu.memory_space<vmem>> -> memref<80xi32, #tpu.memory_space<vmem>>
    %dma_start3A_774 = arith.constant 0 : i32
    %dma_start3A_775 = arith.constant 0 : i32
    %dma_start3A_776 = tpu.memref_slice %arg13[%dma_start3A_774, %dma_start3A_775] : memref<10000x128xf32, #tpu.memory_space<vmem_shared>> -> memref<10000x128xf32, #tpu.memory_space<vmem_shared>>
    tpu.enqueue_indirect_dma source(%arg11 : memref<80x128xf32, #tpu.memory_space<vmem>>) target(%dma_start3A_776 : memref<10000x128xf32, #tpu.memory_space<vmem_shared>>) offsets(%dma_start3A_773 : memref<80xi32, #tpu.memory_space<vmem>>) semaphore(%arg20 : memref<!tpu.dma_semaphore, #tpu.memory_space<semaphore_mem>>) {add = true}
    %dma_wait3A_777 = arith.constant 1 : i32
    %dma_wait3A_778 = arith.constant 0 : i32
    %dma_wait3A_779 = tpu.memref_slice %arg8[%dma_wait3A_777, %dma_wait3A_778] : memref<32x80xi32, #tpu.memory_space<vmem>> -> memref<1x80xi32, #tpu.memory_space<vmem>>
    %dma_wait3A_780 = tpu.memref_squeeze %dma_wait3A_779 : memref<1x80xi32, #tpu.memory_space<vmem>> -> memref<80xi32, #tpu.memory_space<vmem>>
    %dma_wait3A_781 = arith.constant 0 : i32
    %dma_wait3A_782 = arith.constant 0 : i32
    %dma_wait3A_783 = tpu.memref_slice %arg13[%dma_wait3A_781, %dma_wait3A_782] : memref<10000x128xf32, #tpu.memory_space<vmem_shared>> -> memref<10000x128xf32, #tpu.memory_space<vmem_shared>>
    tpu.wait_indirect_dma semaphore(%arg19 : memref<!tpu.dma_semaphore, #tpu.memory_space<semaphore_mem>>) src(%arg10 : memref<80x128xf32, #tpu.memory_space<vmem>>) dst(%dma_wait3A_783 : memref<10000x128xf32, #tpu.memory_space<vmem_shared>>)
    %dma_start3A_784 = arith.constant 5 : i32
    %dma_start3A_785 = arith.constant 0 : i32
    %dma_start3A_786 = tpu.memref_slice %arg7[%dma_start3A_784, %dma_start3A_785] : memref<32x80xi32, #tpu.memory_space<vmem>> -> memref<1x80xi32, #tpu.memory_space<vmem>>
    %dma_start3A_787 = tpu.memref_squeeze %dma_start3A_786 : memref<1x80xi32, #tpu.memory_space<vmem>> -> memref<80xi32, #tpu.memory_space<vmem>>
    %dma_start3A_788 = arith.constant 0 : i32
    %dma_start3A_789 = arith.constant 0 : i32
    %dma_start3A_790 = tpu.memref_slice %arg2[%dma_start3A_788, %dma_start3A_789] : memref<20000x128xf32, #tpu.memory_space<hbm>> -> memref<20000x128xf32, #tpu.memory_space<hbm>>
    tpu.enqueue_indirect_dma source(%dma_start3A_790 : memref<20000x128xf32, #tpu.memory_space<hbm>>) target(%arg10 : memref<80x128xf32, #tpu.memory_space<vmem>>) offsets(%dma_start3A_787 : memref<80xi32, #tpu.memory_space<vmem>>) semaphore(%arg15 : memref<!tpu.dma_semaphore, #tpu.memory_space<semaphore_mem>>)
    %dma_wait3A_791 = arith.constant 3 : i32
    %dma_wait3A_792 = arith.constant 0 : i32
    %dma_wait3A_793 = tpu.memref_slice %arg7[%dma_wait3A_791, %dma_wait3A_792] : memref<32x80xi32, #tpu.memory_space<vmem>> -> memref<1x80xi32, #tpu.memory_space<vmem>>
    %dma_wait3A_794 = tpu.memref_squeeze %dma_wait3A_793 : memref<1x80xi32, #tpu.memory_space<vmem>> -> memref<80xi32, #tpu.memory_space<vmem>>
    %dma_wait3A_795 = arith.constant 0 : i32
    %dma_wait3A_796 = arith.constant 0 : i32
    %dma_wait3A_797 = tpu.memref_slice %arg2[%dma_wait3A_795, %dma_wait3A_796] : memref<20000x128xf32, #tpu.memory_space<hbm>> -> memref<20000x128xf32, #tpu.memory_space<hbm>>
    tpu.wait_indirect_dma semaphore(%arg17 : memref<!tpu.dma_semaphore, #tpu.memory_space<semaphore_mem>>) src(%dma_wait3A_797 : memref<20000x128xf32, #tpu.memory_space<hbm>>) dst(%arg12 : memref<80x128xf32, #tpu.memory_space<vmem>>)
    %dma_start3A_798 = arith.constant 3 : i32
    %dma_start3A_799 = arith.constant 0 : i32
    %dma_start3A_800 = tpu.memref_slice %arg8[%dma_start3A_798, %dma_start3A_799] : memref<32x80xi32, #tpu.memory_space<vmem>> -> memref<1x80xi32, #tpu.memory_space<vmem>>
    %dma_start3A_801 = tpu.memref_squeeze %dma_start3A_800 : memref<1x80xi32, #tpu.memory_space<vmem>> -> memref<80xi32, #tpu.memory_space<vmem>>
    %dma_start3A_802 = arith.constant 0 : i32
    %dma_start3A_803 = arith.constant 0 : i32
    %dma_start3A_804 = tpu.memref_slice %arg13[%dma_start3A_802, %dma_start3A_803] : memref<10000x128xf32, #tpu.memory_space<vmem_shared>> -> memref<10000x128xf32, #tpu.memory_space<vmem_shared>>
    tpu.enqueue_indirect_dma source(%arg12 : memref<80x128xf32, #tpu.memory_space<vmem>>) target(%dma_start3A_804 : memref<10000x128xf32, #tpu.memory_space<vmem_shared>>) offsets(%dma_start3A_801 : memref<80xi32, #tpu.memory_space<vmem>>) semaphore(%arg21 : memref<!tpu.dma_semaphore, #tpu.memory_space<semaphore_mem>>) {add = true}
    %dma_wait3A_805 = arith.constant 2 : i32
    %dma_wait3A_806 = arith.constant 0 : i32
    %dma_wait3A_807 = tpu.memref_slice %arg8[%dma_wait3A_805, %dma_wait3A_806] : memref<32x80xi32, #tpu.memory_space<vmem>> -> memref<1x80xi32, #tpu.memory_space<vmem>>
    %dma_wait3A_808 = tpu.memref_squeeze %dma_wait3A_807 : memref<1x80xi32, #tpu.memory_space<vmem>> -> memref<80xi32, #tpu.memory_space<vmem>>
    %dma_wait3A_809 = arith.constant 0 : i32
    %dma_wait3A_810 = arith.constant 0 : i32
    %dma_wait3A_811 = tpu.memref_slice %arg13[%dma_wait3A_809, %dma_wait3A_810] : memref<10000x128xf32, #tpu.memory_space<vmem_shared>> -> memref<10000x128xf32, #tpu.memory_space<vmem_shared>>
    tpu.wait_indirect_dma semaphore(%arg20 : memref<!tpu.dma_semaphore, #tpu.memory_space<semaphore_mem>>) src(%arg11 : memref<80x128xf32, #tpu.memory_space<vmem>>) dst(%dma_wait3A_811 : memref<10000x128xf32, #tpu.memory_space<vmem_shared>>)
    %dma_start3A_812 = arith.constant 6 : i32
    %dma_start3A_813 = arith.constant 0 : i32
    %dma_start3A_814 = tpu.memref_slice %arg7[%dma_start3A_812, %dma_start3A_813] : memref<32x80xi32, #tpu.memory_space<vmem>> -> memref<1x80xi32, #tpu.memory_space<vmem>>
    %dma_start3A_815 = tpu.memref_squeeze %dma_start3A_814 : memref<1x80xi32, #tpu.memory_space<vmem>> -> memref<80xi32, #tpu.memory_space<vmem>>
    %dma_start3A_816 = arith.constant 0 : i32
    %dma_start3A_817 = arith.constant 0 : i32
    %dma_start3A_818 = tpu.memref_slice %arg2[%dma_start3A_816, %dma_start3A_817] : memref<20000x128xf32, #tpu.memory_space<hbm>> -> memref<20000x128xf32, #tpu.memory_space<hbm>>
    tpu.enqueue_indirect_dma source(%dma_start3A_818 : memref<20000x128xf32, #tpu.memory_space<hbm>>) target(%arg11 : memref<80x128xf32, #tpu.memory_space<vmem>>) offsets(%dma_start3A_815 : memref<80xi32, #tpu.memory_space<vmem>>) semaphore(%arg16 : memref<!tpu.dma_semaphore, #tpu.memory_space<semaphore_mem>>)
    %scan3A_819 = arith.constant 0 : i32
    %scan3A_820 = arith.constant 1 : i32
    %scan3A_821 = arith.constant 5 : i32
    %scan3A_822 = arith.addi %scan3A_820, %scan3A_821 : i32
    %scan3A_823 = arith.constant 1 : i32
    scf.for %scan3A_962 = %scan3A_820 to %scan3A_822 step %scan3A_823  : i32 {
      %mul3A = arith.constant 4 : i32
      %mul3A_963 = arith.muli %mul3A, %scan3A_962 : i32
      %add3A = arith.constant 0 : i32
      %add3A_964 = arith.addi %mul3A_963, %add3A : i32
      %dma_wait3A_965 = arith.constant 0 : i32
      %dma_wait3A_966 = tpu.memref_slice %arg7[%add3A_964, %dma_wait3A_965] : memref<32x80xi32, #tpu.memory_space<vmem>> -> memref<1x80xi32, #tpu.memory_space<vmem>>
      %dma_wait3A_967 = tpu.memref_squeeze %dma_wait3A_966 : memref<1x80xi32, #tpu.memory_space<vmem>> -> memref<80xi32, #tpu.memory_space<vmem>>
      %dma_wait3A_968 = arith.constant 0 : i32
      %dma_wait3A_969 = arith.constant 0 : i32
      %dma_wait3A_970 = tpu.memref_slice %arg2[%dma_wait3A_968, %dma_wait3A_969] : memref<20000x128xf32, #tpu.memory_space<hbm>> -> memref<20000x128xf32, #tpu.memory_space<hbm>>
      tpu.wait_indirect_dma semaphore(%arg14 : memref<!tpu.dma_semaphore, #tpu.memory_space<semaphore_mem>>) src(%dma_wait3A_970 : memref<20000x128xf32, #tpu.memory_space<hbm>>) dst(%arg9 : memref<80x128xf32, #tpu.memory_space<vmem>>)
      %dma_start3A_971 = arith.constant 0 : i32
      %dma_start3A_972 = tpu.memref_slice %arg8[%add3A_964, %dma_start3A_971] : memref<32x80xi32, #tpu.memory_space<vmem>> -> memref<1x80xi32, #tpu.memory_space<vmem>>
      %dma_start3A_973 = tpu.memref_squeeze %dma_start3A_972 : memref<1x80xi32, #tpu.memory_space<vmem>> -> memref<80xi32, #tpu.memory_space<vmem>>
      %dma_start3A_974 = arith.constant 0 : i32
      %dma_start3A_975 = arith.constant 0 : i32
      %dma_start3A_976 = tpu.memref_slice %arg13[%dma_start3A_974, %dma_start3A_975] : memref<10000x128xf32, #tpu.memory_space<vmem_shared>> -> memref<10000x128xf32, #tpu.memory_space<vmem_shared>>
      tpu.enqueue_indirect_dma source(%arg9 : memref<80x128xf32, #tpu.memory_space<vmem>>) target(%dma_start3A_976 : memref<10000x128xf32, #tpu.memory_space<vmem_shared>>) offsets(%dma_start3A_973 : memref<80xi32, #tpu.memory_space<vmem>>) semaphore(%arg18 : memref<!tpu.dma_semaphore, #tpu.memory_space<semaphore_mem>>) {add = true}
      %sub3A = arith.constant 1 : i32
      %sub3A_977 = arith.subi %add3A_964, %sub3A : i32
      %dma_wait3A_978 = arith.constant 0 : i32
      %dma_wait3A_979 = tpu.memref_slice %arg8[%sub3A_977, %dma_wait3A_978] : memref<32x80xi32, #tpu.memory_space<vmem>> -> memref<1x80xi32, #tpu.memory_space<vmem>>
      %dma_wait3A_980 = tpu.memref_squeeze %dma_wait3A_979 : memref<1x80xi32, #tpu.memory_space<vmem>> -> memref<80xi32, #tpu.memory_space<vmem>>
      %dma_wait3A_981 = arith.constant 0 : i32
      %dma_wait3A_982 = arith.constant 0 : i32
      %dma_wait3A_983 = tpu.memref_slice %arg13[%dma_wait3A_981, %dma_wait3A_982] : memref<10000x128xf32, #tpu.memory_space<vmem_shared>> -> memref<10000x128xf32, #tpu.memory_space<vmem_shared>>
      tpu.wait_indirect_dma semaphore(%arg21 : memref<!tpu.dma_semaphore, #tpu.memory_space<semaphore_mem>>) src(%arg12 : memref<80x128xf32, #tpu.memory_space<vmem>>) dst(%dma_wait3A_983 : memref<10000x128xf32, #tpu.memory_space<vmem_shared>>)
      %add3A_984 = arith.constant 4 : i32
      %add3A_985 = arith.addi %add3A_964, %add3A_984 : i32
      %sub3A_986 = arith.constant 1 : i32
      %sub3A_987 = arith.subi %add3A_985, %sub3A_986 : i32
      %dma_start3A_988 = arith.constant 0 : i32
      %dma_start3A_989 = tpu.memref_slice %arg7[%sub3A_987, %dma_start3A_988] : memref<32x80xi32, #tpu.memory_space<vmem>> -> memref<1x80xi32, #tpu.memory_space<vmem>>
      %dma_start3A_990 = tpu.memref_squeeze %dma_start3A_989 : memref<1x80xi32, #tpu.memory_space<vmem>> -> memref<80xi32, #tpu.memory_space<vmem>>
      %dma_start3A_991 = arith.constant 0 : i32
      %dma_start3A_992 = arith.constant 0 : i32
      %dma_start3A_993 = tpu.memref_slice %arg2[%dma_start3A_991, %dma_start3A_992] : memref<20000x128xf32, #tpu.memory_space<hbm>> -> memref<20000x128xf32, #tpu.memory_space<hbm>>
      tpu.enqueue_indirect_dma source(%dma_start3A_993 : memref<20000x128xf32, #tpu.memory_space<hbm>>) target(%arg12 : memref<80x128xf32, #tpu.memory_space<vmem>>) offsets(%dma_start3A_990 : memref<80xi32, #tpu.memory_space<vmem>>) semaphore(%arg17 : memref<!tpu.dma_semaphore, #tpu.memory_space<semaphore_mem>>)
      %add3A_994 = arith.constant 1 : i32
      %add3A_995 = arith.addi %mul3A_963, %add3A_994 : i32
      %dma_wait3A_996 = arith.constant 0 : i32
      %dma_wait3A_997 = tpu.memref_slice %arg7[%add3A_995, %dma_wait3A_996] : memref<32x80xi32, #tpu.memory_space<vmem>> -> memref<1x80xi32, #tpu.memory_space<vmem>>
      %dma_wait3A_998 = tpu.memref_squeeze %dma_wait3A_997 : memref<1x80xi32, #tpu.memory_space<vmem>> -> memref<80xi32, #tpu.memory_space<vmem>>
      %dma_wait3A_999 = arith.constant 0 : i32
      %dma_wait3A_1000 = arith.constant 0 : i32
      %dma_wait3A_1001 = tpu.memref_slice %arg2[%dma_wait3A_999, %dma_wait3A_1000] : memref<20000x128xf32, #tpu.memory_space<hbm>> -> memref<20000x128xf32, #tpu.memory_space<hbm>>
      tpu.wait_indirect_dma semaphore(%arg15 : memref<!tpu.dma_semaphore, #tpu.memory_space<semaphore_mem>>) src(%dma_wait3A_1001 : memref<20000x128xf32, #tpu.memory_space<hbm>>) dst(%arg10 : memref<80x128xf32, #tpu.memory_space<vmem>>)
      %dma_start3A_1002 = arith.constant 0 : i32
      %dma_start3A_1003 = tpu.memref_slice %arg8[%add3A_995, %dma_start3A_1002] : memref<32x80xi32, #tpu.memory_space<vmem>> -> memref<1x80xi32, #tpu.memory_space<vmem>>
      %dma_start3A_1004 = tpu.memref_squeeze %dma_start3A_1003 : memref<1x80xi32, #tpu.memory_space<vmem>> -> memref<80xi32, #tpu.memory_space<vmem>>
      %dma_start3A_1005 = arith.constant 0 : i32
      %dma_start3A_1006 = arith.constant 0 : i32
      %dma_start3A_1007 = tpu.memref_slice %arg13[%dma_start3A_1005, %dma_start3A_1006] : memref<10000x128xf32, #tpu.memory_space<vmem_shared>> -> memref<10000x128xf32, #tpu.memory_space<vmem_shared>>
      tpu.enqueue_indirect_dma source(%arg10 : memref<80x128xf32, #tpu.memory_space<vmem>>) target(%dma_start3A_1007 : memref<10000x128xf32, #tpu.memory_space<vmem_shared>>) offsets(%dma_start3A_1004 : memref<80xi32, #tpu.memory_space<vmem>>) semaphore(%arg19 : memref<!tpu.dma_semaphore, #tpu.memory_space<semaphore_mem>>) {add = true}
      %sub3A_1008 = arith.constant 1 : i32
      %sub3A_1009 = arith.subi %add3A_995, %sub3A_1008 : i32
      %dma_wait3A_1010 = arith.constant 0 : i32
      %dma_wait3A_1011 = tpu.memref_slice %arg8[%sub3A_1009, %dma_wait3A_1010] : memref<32x80xi32, #tpu.memory_space<vmem>> -> memref<1x80xi32, #tpu.memory_space<vmem>>
      %dma_wait3A_1012 = tpu.memref_squeeze %dma_wait3A_1011 : memref<1x80xi32, #tpu.memory_space<vmem>> -> memref<80xi32, #tpu.memory_space<vmem>>
      %dma_wait3A_1013 = arith.constant 0 : i32
      %dma_wait3A_1014 = arith.constant 0 : i32
      %dma_wait3A_1015 = tpu.memref_slice %arg13[%dma_wait3A_1013, %dma_wait3A_1014] : memref<10000x128xf32, #tpu.memory_space<vmem_shared>> -> memref<10000x128xf32, #tpu.memory_space<vmem_shared>>
      tpu.wait_indirect_dma semaphore(%arg18 : memref<!tpu.dma_semaphore, #tpu.memory_space<semaphore_mem>>) src(%arg9 : memref<80x128xf32, #tpu.memory_space<vmem>>) dst(%dma_wait3A_1015 : memref<10000x128xf32, #tpu.memory_space<vmem_shared>>)
      %add3A_1016 = arith.constant 4 : i32
      %add3A_1017 = arith.addi %add3A_995, %add3A_1016 : i32
      %sub3A_1018 = arith.constant 1 : i32
      %sub3A_1019 = arith.subi %add3A_1017, %sub3A_1018 : i32
      %dma_start3A_1020 = arith.constant 0 : i32
      %dma_start3A_1021 = tpu.memref_slice %arg7[%sub3A_1019, %dma_start3A_1020] : memref<32x80xi32, #tpu.memory_space<vmem>> -> memref<1x80xi32, #tpu.memory_space<vmem>>
      %dma_start3A_1022 = tpu.memref_squeeze %dma_start3A_1021 : memref<1x80xi32, #tpu.memory_space<vmem>> -> memref<80xi32, #tpu.memory_space<vmem>>
      %dma_start3A_1023 = arith.constant 0 : i32
      %dma_start3A_1024 = arith.constant 0 : i32
      %dma_start3A_1025 = tpu.memref_slice %arg2[%dma_start3A_1023, %dma_start3A_1024] : memref<20000x128xf32, #tpu.memory_space<hbm>> -> memref<20000x128xf32, #tpu.memory_space<hbm>>
      tpu.enqueue_indirect_dma source(%dma_start3A_1025 : memref<20000x128xf32, #tpu.memory_space<hbm>>) target(%arg9 : memref<80x128xf32, #tpu.memory_space<vmem>>) offsets(%dma_start3A_1022 : memref<80xi32, #tpu.memory_space<vmem>>) semaphore(%arg14 : memref<!tpu.dma_semaphore, #tpu.memory_space<semaphore_mem>>)
      %add3A_1026 = arith.constant 2 : i32
      %add3A_1027 = arith.addi %mul3A_963, %add3A_1026 : i32
      %dma_wait3A_1028 = arith.constant 0 : i32
      %dma_wait3A_1029 = tpu.memref_slice %arg7[%add3A_1027, %dma_wait3A_1028] : memref<32x80xi32, #tpu.memory_space<vmem>> -> memref<1x80xi32, #tpu.memory_space<vmem>>
      %dma_wait3A_1030 = tpu.memref_squeeze %dma_wait3A_1029 : memref<1x80xi32, #tpu.memory_space<vmem>> -> memref<80xi32, #tpu.memory_space<vmem>>
      %dma_wait3A_1031 = arith.constant 0 : i32
      %dma_wait3A_1032 = arith.constant 0 : i32
      %dma_wait3A_1033 = tpu.memref_slice %arg2[%dma_wait3A_1031, %dma_wait3A_1032] : memref<20000x128xf32, #tpu.memory_space<hbm>> -> memref<20000x128xf32, #tpu.memory_space<hbm>>
      tpu.wait_indirect_dma semaphore(%arg16 : memref<!tpu.dma_semaphore, #tpu.memory_space<semaphore_mem>>) src(%dma_wait3A_1033 : memref<20000x128xf32, #tpu.memory_space<hbm>>) dst(%arg11 : memref<80x128xf32, #tpu.memory_space<vmem>>)
      %dma_start3A_1034 = arith.constant 0 : i32
      %dma_start3A_1035 = tpu.memref_slice %arg8[%add3A_1027, %dma_start3A_1034] : memref<32x80xi32, #tpu.memory_space<vmem>> -> memref<1x80xi32, #tpu.memory_space<vmem>>
      %dma_start3A_1036 = tpu.memref_squeeze %dma_start3A_1035 : memref<1x80xi32, #tpu.memory_space<vmem>> -> memref<80xi32, #tpu.memory_space<vmem>>
      %dma_start3A_1037 = arith.constant 0 : i32
      %dma_start3A_1038 = arith.constant 0 : i32
      %dma_start3A_1039 = tpu.memref_slice %arg13[%dma_start3A_1037, %dma_start3A_1038] : memref<10000x128xf32, #tpu.memory_space<vmem_shared>> -> memref<10000x128xf32, #tpu.memory_space<vmem_shared>>
      tpu.enqueue_indirect_dma source(%arg11 : memref<80x128xf32, #tpu.memory_space<vmem>>) target(%dma_start3A_1039 : memref<10000x128xf32, #tpu.memory_space<vmem_shared>>) offsets(%dma_start3A_1036 : memref<80xi32, #tpu.memory_space<vmem>>) semaphore(%arg20 : memref<!tpu.dma_semaphore, #tpu.memory_space<semaphore_mem>>) {add = true}
      %sub3A_1040 = arith.constant 1 : i32
      %sub3A_1041 = arith.subi %add3A_1027, %sub3A_1040 : i32
      %dma_wait3A_1042 = arith.constant 0 : i32
      %dma_wait3A_1043 = tpu.memref_slice %arg8[%sub3A_1041, %dma_wait3A_1042] : memref<32x80xi32, #tpu.memory_space<vmem>> -> memref<1x80xi32, #tpu.memory_space<vmem>>
      %dma_wait3A_1044 = tpu.memref_squeeze %dma_wait3A_1043 : memref<1x80xi32, #tpu.memory_space<vmem>> -> memref<80xi32, #tpu.memory_space<vmem>>
      %dma_wait3A_1045 = arith.constant 0 : i32
      %dma_wait3A_1046 = arith.constant 0 : i32
      %dma_wait3A_1047 = tpu.memref_slice %arg13[%dma_wait3A_1045, %dma_wait3A_1046] : memref<10000x128xf32, #tpu.memory_space<vmem_shared>> -> memref<10000x128xf32, #tpu.memory_space<vmem_shared>>
      tpu.wait_indirect_dma semaphore(%arg19 : memref<!tpu.dma_semaphore, #tpu.memory_space<semaphore_mem>>) src(%arg10 : memref<80x128xf32, #tpu.memory_space<vmem>>) dst(%dma_wait3A_1047 : memref<10000x128xf32, #tpu.memory_space<vmem_shared>>)
      %add3A_1048 = arith.constant 4 : i32
      %add3A_1049 = arith.addi %add3A_1027, %add3A_1048 : i32
      %sub3A_1050 = arith.constant 1 : i32
      %sub3A_1051 = arith.subi %add3A_1049, %sub3A_1050 : i32
      %dma_start3A_1052 = arith.constant 0 : i32
      %dma_start3A_1053 = tpu.memref_slice %arg7[%sub3A_1051, %dma_start3A_1052] : memref<32x80xi32, #tpu.memory_space<vmem>> -> memref<1x80xi32, #tpu.memory_space<vmem>>
      %dma_start3A_1054 = tpu.memref_squeeze %dma_start3A_1053 : memref<1x80xi32, #tpu.memory_space<vmem>> -> memref<80xi32, #tpu.memory_space<vmem>>
      %dma_start3A_1055 = arith.constant 0 : i32
      %dma_start3A_1056 = arith.constant 0 : i32
      %dma_start3A_1057 = tpu.memref_slice %arg2[%dma_start3A_1055, %dma_start3A_1056] : memref<20000x128xf32, #tpu.memory_space<hbm>> -> memref<20000x128xf32, #tpu.memory_space<hbm>>
      tpu.enqueue_indirect_dma source(%dma_start3A_1057 : memref<20000x128xf32, #tpu.memory_space<hbm>>) target(%arg10 : memref<80x128xf32, #tpu.memory_space<vmem>>) offsets(%dma_start3A_1054 : memref<80xi32, #tpu.memory_space<vmem>>) semaphore(%arg15 : memref<!tpu.dma_semaphore, #tpu.memory_space<semaphore_mem>>)
      %add3A_1058 = arith.constant 3 : i32
      %add3A_1059 = arith.addi %mul3A_963, %add3A_1058 : i32
      %dma_wait3A_1060 = arith.constant 0 : i32
      %dma_wait3A_1061 = tpu.memref_slice %arg7[%add3A_1059, %dma_wait3A_1060] : memref<32x80xi32, #tpu.memory_space<vmem>> -> memref<1x80xi32, #tpu.memory_space<vmem>>
      %dma_wait3A_1062 = tpu.memref_squeeze %dma_wait3A_1061 : memref<1x80xi32, #tpu.memory_space<vmem>> -> memref<80xi32, #tpu.memory_space<vmem>>
      %dma_wait3A_1063 = arith.constant 0 : i32
      %dma_wait3A_1064 = arith.constant 0 : i32
      %dma_wait3A_1065 = tpu.memref_slice %arg2[%dma_wait3A_1063, %dma_wait3A_1064] : memref<20000x128xf32, #tpu.memory_space<hbm>> -> memref<20000x128xf32, #tpu.memory_space<hbm>>
      tpu.wait_indirect_dma semaphore(%arg17 : memref<!tpu.dma_semaphore, #tpu.memory_space<semaphore_mem>>) src(%dma_wait3A_1065 : memref<20000x128xf32, #tpu.memory_space<hbm>>) dst(%arg12 : memref<80x128xf32, #tpu.memory_space<vmem>>)
      %dma_start3A_1066 = arith.constant 0 : i32
      %dma_start3A_1067 = tpu.memref_slice %arg8[%add3A_1059, %dma_start3A_1066] : memref<32x80xi32, #tpu.memory_space<vmem>> -> memref<1x80xi32, #tpu.memory_space<vmem>>
      %dma_start3A_1068 = tpu.memref_squeeze %dma_start3A_1067 : memref<1x80xi32, #tpu.memory_space<vmem>> -> memref<80xi32, #tpu.memory_space<vmem>>
      %dma_start3A_1069 = arith.constant 0 : i32
      %dma_start3A_1070 = arith.constant 0 : i32
      %dma_start3A_1071 = tpu.memref_slice %arg13[%dma_start3A_1069, %dma_start3A_1070] : memref<10000x128xf32, #tpu.memory_space<vmem_shared>> -> memref<10000x128xf32, #tpu.memory_space<vmem_shared>>
      tpu.enqueue_indirect_dma source(%arg12 : memref<80x128xf32, #tpu.memory_space<vmem>>) target(%dma_start3A_1071 : memref<10000x128xf32, #tpu.memory_space<vmem_shared>>) offsets(%dma_start3A_1068 : memref<80xi32, #tpu.memory_space<vmem>>) semaphore(%arg21 : memref<!tpu.dma_semaphore, #tpu.memory_space<semaphore_mem>>) {add = true}
      %sub3A_1072 = arith.constant 1 : i32
      %sub3A_1073 = arith.subi %add3A_1059, %sub3A_1072 : i32
      %dma_wait3A_1074 = arith.constant 0 : i32
      %dma_wait3A_1075 = tpu.memref_slice %arg8[%sub3A_1073, %dma_wait3A_1074] : memref<32x80xi32, #tpu.memory_space<vmem>> -> memref<1x80xi32, #tpu.memory_space<vmem>>
      %dma_wait3A_1076 = tpu.memref_squeeze %dma_wait3A_1075 : memref<1x80xi32, #tpu.memory_space<vmem>> -> memref<80xi32, #tpu.memory_space<vmem>>
      %dma_wait3A_1077 = arith.constant 0 : i32
      %dma_wait3A_1078 = arith.constant 0 : i32
      %dma_wait3A_1079 = tpu.memref_slice %arg13[%dma_wait3A_1077, %dma_wait3A_1078] : memref<10000x128xf32, #tpu.memory_space<vmem_shared>> -> memref<10000x128xf32, #tpu.memory_space<vmem_shared>>
      tpu.wait_indirect_dma semaphore(%arg20 : memref<!tpu.dma_semaphore, #tpu.memory_space<semaphore_mem>>) src(%arg11 : memref<80x128xf32, #tpu.memory_space<vmem>>) dst(%dma_wait3A_1079 : memref<10000x128xf32, #tpu.memory_space<vmem_shared>>)
      %add3A_1080 = arith.constant 4 : i32
      %add3A_1081 = arith.addi %add3A_1059, %add3A_1080 : i32
      %sub3A_1082 = arith.constant 1 : i32
      %sub3A_1083 = arith.subi %add3A_1081, %sub3A_1082 : i32
      %dma_start3A_1084 = arith.constant 0 : i32
      %dma_start3A_1085 = tpu.memref_slice %arg7[%sub3A_1083, %dma_start3A_1084] : memref<32x80xi32, #tpu.memory_space<vmem>> -> memref<1x80xi32, #tpu.memory_space<vmem>>
      %dma_start3A_1086 = tpu.memref_squeeze %dma_start3A_1085 : memref<1x80xi32, #tpu.memory_space<vmem>> -> memref<80xi32, #tpu.memory_space<vmem>>
      %dma_start3A_1087 = arith.constant 0 : i32
      %dma_start3A_1088 = arith.constant 0 : i32
      %dma_start3A_1089 = tpu.memref_slice %arg2[%dma_start3A_1087, %dma_start3A_1088] : memref<20000x128xf32, #tpu.memory_space<hbm>> -> memref<20000x128xf32, #tpu.memory_space<hbm>>
      tpu.enqueue_indirect_dma source(%dma_start3A_1089 : memref<20000x128xf32, #tpu.memory_space<hbm>>) target(%arg11 : memref<80x128xf32, #tpu.memory_space<vmem>>) offsets(%dma_start3A_1086 : memref<80xi32, #tpu.memory_space<vmem>>) semaphore(%arg16 : memref<!tpu.dma_semaphore, #tpu.memory_space<semaphore_mem>>)
    }
    %scan3A_824 = arith.constant 5 : i32
    %dma_wait3A_825 = arith.constant 24 : i32
    %dma_wait3A_826 = arith.constant 0 : i32
    %dma_wait3A_827 = tpu.memref_slice %arg7[%dma_wait3A_825, %dma_wait3A_826] : memref<32x80xi32, #tpu.memory_space<vmem>> -> memref<1x80xi32, #tpu.memory_space<vmem>>
    %dma_wait3A_828 = tpu.memref_squeeze %dma_wait3A_827 : memref<1x80xi32, #tpu.memory_space<vmem>> -> memref<80xi32, #tpu.memory_space<vmem>>
    %dma_wait3A_829 = arith.constant 0 : i32
    %dma_wait3A_830 = arith.constant 0 : i32
    %dma_wait3A_831 = tpu.memref_slice %arg2[%dma_wait3A_829, %dma_wait3A_830] : memref<20000x128xf32, #tpu.memory_space<hbm>> -> memref<20000x128xf32, #tpu.memory_space<hbm>>
    tpu.wait_indirect_dma semaphore(%arg14 : memref<!tpu.dma_semaphore, #tpu.memory_space<semaphore_mem>>) src(%dma_wait3A_831 : memref<20000x128xf32, #tpu.memory_space<hbm>>) dst(%arg9 : memref<80x128xf32, #tpu.memory_space<vmem>>)
    %dma_start3A_832 = arith.constant 24 : i32
    %dma_start3A_833 = arith.constant 0 : i32
    %dma_start3A_834 = tpu.memref_slice %arg8[%dma_start3A_832, %dma_start3A_833] : memref<32x80xi32, #tpu.memory_space<vmem>> -> memref<1x80xi32, #tpu.memory_space<vmem>>
    %dma_start3A_835 = tpu.memref_squeeze %dma_start3A_834 : memref<1x80xi32, #tpu.memory_space<vmem>> -> memref<80xi32, #tpu.memory_space<vmem>>
    %dma_start3A_836 = arith.constant 0 : i32
    %dma_start3A_837 = arith.constant 0 : i32
    %dma_start3A_838 = tpu.memref_slice %arg13[%dma_start3A_836, %dma_start3A_837] : memref<10000x128xf32, #tpu.memory_space<vmem_shared>> -> memref<10000x128xf32, #tpu.memory_space<vmem_shared>>
    tpu.enqueue_indirect_dma source(%arg9 : memref<80x128xf32, #tpu.memory_space<vmem>>) target(%dma_start3A_838 : memref<10000x128xf32, #tpu.memory_space<vmem_shared>>) offsets(%dma_start3A_835 : memref<80xi32, #tpu.memory_space<vmem>>) semaphore(%arg18 : memref<!tpu.dma_semaphore, #tpu.memory_space<semaphore_mem>>) {add = true}
    %dma_wait3A_839 = arith.constant 23 : i32
    %dma_wait3A_840 = arith.constant 0 : i32
    %dma_wait3A_841 = tpu.memref_slice %arg8[%dma_wait3A_839, %dma_wait3A_840] : memref<32x80xi32, #tpu.memory_space<vmem>> -> memref<1x80xi32, #tpu.memory_space<vmem>>
    %dma_wait3A_842 = tpu.memref_squeeze %dma_wait3A_841 : memref<1x80xi32, #tpu.memory_space<vmem>> -> memref<80xi32, #tpu.memory_space<vmem>>
    %dma_wait3A_843 = arith.constant 0 : i32
    %dma_wait3A_844 = arith.constant 0 : i32
    %dma_wait3A_845 = tpu.memref_slice %arg13[%dma_wait3A_843, %dma_wait3A_844] : memref<10000x128xf32, #tpu.memory_space<vmem_shared>> -> memref<10000x128xf32, #tpu.memory_space<vmem_shared>>
    tpu.wait_indirect_dma semaphore(%arg21 : memref<!tpu.dma_semaphore, #tpu.memory_space<semaphore_mem>>) src(%arg12 : memref<80x128xf32, #tpu.memory_space<vmem>>) dst(%dma_wait3A_845 : memref<10000x128xf32, #tpu.memory_space<vmem_shared>>)
    %dma_start3A_846 = arith.constant 27 : i32
    %dma_start3A_847 = arith.constant 0 : i32
    %dma_start3A_848 = tpu.memref_slice %arg7[%dma_start3A_846, %dma_start3A_847] : memref<32x80xi32, #tpu.memory_space<vmem>> -> memref<1x80xi32, #tpu.memory_space<vmem>>
    %dma_start3A_849 = tpu.memref_squeeze %dma_start3A_848 : memref<1x80xi32, #tpu.memory_space<vmem>> -> memref<80xi32, #tpu.memory_space<vmem>>
    %dma_start3A_850 = arith.constant 0 : i32
    %dma_start3A_851 = arith.constant 0 : i32
    %dma_start3A_852 = tpu.memref_slice %arg2[%dma_start3A_850, %dma_start3A_851] : memref<20000x128xf32, #tpu.memory_space<hbm>> -> memref<20000x128xf32, #tpu.memory_space<hbm>>
    tpu.enqueue_indirect_dma source(%dma_start3A_852 : memref<20000x128xf32, #tpu.memory_space<hbm>>) target(%arg12 : memref<80x128xf32, #tpu.memory_space<vmem>>) offsets(%dma_start3A_849 : memref<80xi32, #tpu.memory_space<vmem>>) semaphore(%arg17 : memref<!tpu.dma_semaphore, #tpu.memory_space<semaphore_mem>>)
    %dma_wait3A_853 = arith.constant 25 : i32
    %dma_wait3A_854 = arith.constant 0 : i32
    %dma_wait3A_855 = tpu.memref_slice %arg7[%dma_wait3A_853, %dma_wait3A_854] : memref<32x80xi32, #tpu.memory_space<vmem>> -> memref<1x80xi32, #tpu.memory_space<vmem>>
    %dma_wait3A_856 = tpu.memref_squeeze %dma_wait3A_855 : memref<1x80xi32, #tpu.memory_space<vmem>> -> memref<80xi32, #tpu.memory_space<vmem>>
    %dma_wait3A_857 = arith.constant 0 : i32
    %dma_wait3A_858 = arith.constant 0 : i32
    %dma_wait3A_859 = tpu.memref_slice %arg2[%dma_wait3A_857, %dma_wait3A_858] : memref<20000x128xf32, #tpu.memory_space<hbm>> -> memref<20000x128xf32, #tpu.memory_space<hbm>>
    tpu.wait_indirect_dma semaphore(%arg15 : memref<!tpu.dma_semaphore, #tpu.memory_space<semaphore_mem>>) src(%dma_wait3A_859 : memref<20000x128xf32, #tpu.memory_space<hbm>>) dst(%arg10 : memref<80x128xf32, #tpu.memory_space<vmem>>)
    %dma_start3A_860 = arith.constant 25 : i32
    %dma_start3A_861 = arith.constant 0 : i32
    %dma_start3A_862 = tpu.memref_slice %arg8[%dma_start3A_860, %dma_start3A_861] : memref<32x80xi32, #tpu.memory_space<vmem>> -> memref<1x80xi32, #tpu.memory_space<vmem>>
    %dma_start3A_863 = tpu.memref_squeeze %dma_start3A_862 : memref<1x80xi32, #tpu.memory_space<vmem>> -> memref<80xi32, #tpu.memory_space<vmem>>
    %dma_start3A_864 = arith.constant 0 : i32
    %dma_start3A_865 = arith.constant 0 : i32
    %dma_start3A_866 = tpu.memref_slice %arg13[%dma_start3A_864, %dma_start3A_865] : memref<10000x128xf32, #tpu.memory_space<vmem_shared>> -> memref<10000x128xf32, #tpu.memory_space<vmem_shared>>
    tpu.enqueue_indirect_dma source(%arg10 : memref<80x128xf32, #tpu.memory_space<vmem>>) target(%dma_start3A_866 : memref<10000x128xf32, #tpu.memory_space<vmem_shared>>) offsets(%dma_start3A_863 : memref<80xi32, #tpu.memory_space<vmem>>) semaphore(%arg19 : memref<!tpu.dma_semaphore, #tpu.memory_space<semaphore_mem>>) {add = true}
    %dma_wait3A_867 = arith.constant 24 : i32
    %dma_wait3A_868 = arith.constant 0 : i32
    %dma_wait3A_869 = tpu.memref_slice %arg8[%dma_wait3A_867, %dma_wait3A_868] : memref<32x80xi32, #tpu.memory_space<vmem>> -> memref<1x80xi32, #tpu.memory_space<vmem>>
    %dma_wait3A_870 = tpu.memref_squeeze %dma_wait3A_869 : memref<1x80xi32, #tpu.memory_space<vmem>> -> memref<80xi32, #tpu.memory_space<vmem>>
    %dma_wait3A_871 = arith.constant 0 : i32
    %dma_wait3A_872 = arith.constant 0 : i32
    %dma_wait3A_873 = tpu.memref_slice %arg13[%dma_wait3A_871, %dma_wait3A_872] : memref<10000x128xf32, #tpu.memory_space<vmem_shared>> -> memref<10000x128xf32, #tpu.memory_space<vmem_shared>>
    tpu.wait_indirect_dma semaphore(%arg18 : memref<!tpu.dma_semaphore, #tpu.memory_space<semaphore_mem>>) src(%arg9 : memref<80x128xf32, #tpu.memory_space<vmem>>) dst(%dma_wait3A_873 : memref<10000x128xf32, #tpu.memory_space<vmem_shared>>)
    %dma_start3A_874 = arith.constant 28 : i32
    %dma_start3A_875 = arith.constant 0 : i32
    %dma_start3A_876 = tpu.memref_slice %arg7[%dma_start3A_874, %dma_start3A_875] : memref<32x80xi32, #tpu.memory_space<vmem>> -> memref<1x80xi32, #tpu.memory_space<vmem>>
    %dma_start3A_877 = tpu.memref_squeeze %dma_start3A_876 : memref<1x80xi32, #tpu.memory_space<vmem>> -> memref<80xi32, #tpu.memory_space<vmem>>
    %dma_start3A_878 = arith.constant 0 : i32
    %dma_start3A_879 = arith.constant 0 : i32
    %dma_start3A_880 = tpu.memref_slice %arg2[%dma_start3A_878, %dma_start3A_879] : memref<20000x128xf32, #tpu.memory_space<hbm>> -> memref<20000x128xf32, #tpu.memory_space<hbm>>
    tpu.enqueue_indirect_dma source(%dma_start3A_880 : memref<20000x128xf32, #tpu.memory_space<hbm>>) target(%arg9 : memref<80x128xf32, #tpu.memory_space<vmem>>) offsets(%dma_start3A_877 : memref<80xi32, #tpu.memory_space<vmem>>) semaphore(%arg14 : memref<!tpu.dma_semaphore, #tpu.memory_space<semaphore_mem>>)
    %dma_wait3A_881 = arith.constant 26 : i32
    %dma_wait3A_882 = arith.constant 0 : i32
    %dma_wait3A_883 = tpu.memref_slice %arg7[%dma_wait3A_881, %dma_wait3A_882] : memref<32x80xi32, #tpu.memory_space<vmem>> -> memref<1x80xi32, #tpu.memory_space<vmem>>
    %dma_wait3A_884 = tpu.memref_squeeze %dma_wait3A_883 : memref<1x80xi32, #tpu.memory_space<vmem>> -> memref<80xi32, #tpu.memory_space<vmem>>
    %dma_wait3A_885 = arith.constant 0 : i32
    %dma_wait3A_886 = arith.constant 0 : i32
    %dma_wait3A_887 = tpu.memref_slice %arg2[%dma_wait3A_885, %dma_wait3A_886] : memref<20000x128xf32, #tpu.memory_space<hbm>> -> memref<20000x128xf32, #tpu.memory_space<hbm>>
    tpu.wait_indirect_dma semaphore(%arg16 : memref<!tpu.dma_semaphore, #tpu.memory_space<semaphore_mem>>) src(%dma_wait3A_887 : memref<20000x128xf32, #tpu.memory_space<hbm>>) dst(%arg11 : memref<80x128xf32, #tpu.memory_space<vmem>>)
    %dma_start3A_888 = arith.constant 26 : i32
    %dma_start3A_889 = arith.constant 0 : i32
    %dma_start3A_890 = tpu.memref_slice %arg8[%dma_start3A_888, %dma_start3A_889] : memref<32x80xi32, #tpu.memory_space<vmem>> -> memref<1x80xi32, #tpu.memory_space<vmem>>
    %dma_start3A_891 = tpu.memref_squeeze %dma_start3A_890 : memref<1x80xi32, #tpu.memory_space<vmem>> -> memref<80xi32, #tpu.memory_space<vmem>>
    %dma_start3A_892 = arith.constant 0 : i32
    %dma_start3A_893 = arith.constant 0 : i32
    %dma_start3A_894 = tpu.memref_slice %arg13[%dma_start3A_892, %dma_start3A_893] : memref<10000x128xf32, #tpu.memory_space<vmem_shared>> -> memref<10000x128xf32, #tpu.memory_space<vmem_shared>>
    tpu.enqueue_indirect_dma source(%arg11 : memref<80x128xf32, #tpu.memory_space<vmem>>) target(%dma_start3A_894 : memref<10000x128xf32, #tpu.memory_space<vmem_shared>>) offsets(%dma_start3A_891 : memref<80xi32, #tpu.memory_space<vmem>>) semaphore(%arg20 : memref<!tpu.dma_semaphore, #tpu.memory_space<semaphore_mem>>) {add = true}
    %dma_wait3A_895 = arith.constant 27 : i32
    %dma_wait3A_896 = arith.constant 0 : i32
    %dma_wait3A_897 = tpu.memref_slice %arg7[%dma_wait3A_895, %dma_wait3A_896] : memref<32x80xi32, #tpu.memory_space<vmem>> -> memref<1x80xi32, #tpu.memory_space<vmem>>
    %dma_wait3A_898 = tpu.memref_squeeze %dma_wait3A_897 : memref<1x80xi32, #tpu.memory_space<vmem>> -> memref<80xi32, #tpu.memory_space<vmem>>
    %dma_wait3A_899 = arith.constant 0 : i32
    %dma_wait3A_900 = arith.constant 0 : i32
    %dma_wait3A_901 = tpu.memref_slice %arg2[%dma_wait3A_899, %dma_wait3A_900] : memref<20000x128xf32, #tpu.memory_space<hbm>> -> memref<20000x128xf32, #tpu.memory_space<hbm>>
    tpu.wait_indirect_dma semaphore(%arg17 : memref<!tpu.dma_semaphore, #tpu.memory_space<semaphore_mem>>) src(%dma_wait3A_901 : memref<20000x128xf32, #tpu.memory_space<hbm>>) dst(%arg12 : memref<80x128xf32, #tpu.memory_space<vmem>>)
    %dma_start3A_902 = arith.constant 27 : i32
    %dma_start3A_903 = arith.constant 0 : i32
    %dma_start3A_904 = tpu.memref_slice %arg8[%dma_start3A_902, %dma_start3A_903] : memref<32x80xi32, #tpu.memory_space<vmem>> -> memref<1x80xi32, #tpu.memory_space<vmem>>
    %dma_start3A_905 = tpu.memref_squeeze %dma_start3A_904 : memref<1x80xi32, #tpu.memory_space<vmem>> -> memref<80xi32, #tpu.memory_space<vmem>>
    %dma_start3A_906 = arith.constant 0 : i32
    %dma_start3A_907 = arith.constant 0 : i32
    %dma_start3A_908 = tpu.memref_slice %arg13[%dma_start3A_906, %dma_start3A_907] : memref<10000x128xf32, #tpu.memory_space<vmem_shared>> -> memref<10000x128xf32, #tpu.memory_space<vmem_shared>>
    tpu.enqueue_indirect_dma source(%arg12 : memref<80x128xf32, #tpu.memory_space<vmem>>) target(%dma_start3A_908 : memref<10000x128xf32, #tpu.memory_space<vmem_shared>>) offsets(%dma_start3A_905 : memref<80xi32, #tpu.memory_space<vmem>>) semaphore(%arg21 : memref<!tpu.dma_semaphore, #tpu.memory_space<semaphore_mem>>) {add = true}
    %dma_wait3A_909 = arith.constant 28 : i32
    %dma_wait3A_910 = arith.constant 0 : i32
    %dma_wait3A_911 = tpu.memref_slice %arg7[%dma_wait3A_909, %dma_wait3A_910] : memref<32x80xi32, #tpu.memory_space<vmem>> -> memref<1x80xi32, #tpu.memory_space<vmem>>
    %dma_wait3A_912 = tpu.memref_squeeze %dma_wait3A_911 : memref<1x80xi32, #tpu.memory_space<vmem>> -> memref<80xi32, #tpu.memory_space<vmem>>
    %dma_wait3A_913 = arith.constant 0 : i32
    %dma_wait3A_914 = arith.constant 0 : i32
    %dma_wait3A_915 = tpu.memref_slice %arg2[%dma_wait3A_913, %dma_wait3A_914] : memref<20000x128xf32, #tpu.memory_space<hbm>> -> memref<20000x128xf32, #tpu.memory_space<hbm>>
    tpu.wait_indirect_dma semaphore(%arg14 : memref<!tpu.dma_semaphore, #tpu.memory_space<semaphore_mem>>) src(%dma_wait3A_915 : memref<20000x128xf32, #tpu.memory_space<hbm>>) dst(%arg9 : memref<80x128xf32, #tpu.memory_space<vmem>>)
    %dma_start3A_916 = arith.constant 28 : i32
    %dma_start3A_917 = arith.constant 0 : i32
    %dma_start3A_918 = tpu.memref_slice %arg8[%dma_start3A_916, %dma_start3A_917] : memref<32x80xi32, #tpu.memory_space<vmem>> -> memref<1x80xi32, #tpu.memory_space<vmem>>
    %dma_start3A_919 = tpu.memref_squeeze %dma_start3A_918 : memref<1x80xi32, #tpu.memory_space<vmem>> -> memref<80xi32, #tpu.memory_space<vmem>>
    %dma_start3A_920 = arith.constant 0 : i32
    %dma_start3A_921 = arith.constant 0 : i32
    %dma_start3A_922 = tpu.memref_slice %arg13[%dma_start3A_920, %dma_start3A_921] : memref<10000x128xf32, #tpu.memory_space<vmem_shared>> -> memref<10000x128xf32, #tpu.memory_space<vmem_shared>>
    tpu.enqueue_indirect_dma source(%arg9 : memref<80x128xf32, #tpu.memory_space<vmem>>) target(%dma_start3A_922 : memref<10000x128xf32, #tpu.memory_space<vmem_shared>>) offsets(%dma_start3A_919 : memref<80xi32, #tpu.memory_space<vmem>>) semaphore(%arg18 : memref<!tpu.dma_semaphore, #tpu.memory_space<semaphore_mem>>) {add = true}
    %dma_wait3A_923 = arith.constant 25 : i32
    %dma_wait3A_924 = arith.constant 0 : i32
    %dma_wait3A_925 = tpu.memref_slice %arg8[%dma_wait3A_923, %dma_wait3A_924] : memref<32x80xi32, #tpu.memory_space<vmem>> -> memref<1x80xi32, #tpu.memory_space<vmem>>
    %dma_wait3A_926 = tpu.memref_squeeze %dma_wait3A_925 : memref<1x80xi32, #tpu.memory_space<vmem>> -> memref<80xi32, #tpu.memory_space<vmem>>
    %dma_wait3A_927 = arith.constant 0 : i32
    %dma_wait3A_928 = arith.constant 0 : i32
    %dma_wait3A_929 = tpu.memref_slice %arg13[%dma_wait3A_927, %dma_wait3A_928] : memref<10000x128xf32, #tpu.memory_space<vmem_shared>> -> memref<10000x128xf32, #tpu.memory_space<vmem_shared>>
    tpu.wait_indirect_dma semaphore(%arg19 : memref<!tpu.dma_semaphore, #tpu.memory_space<semaphore_mem>>) src(%arg10 : memref<80x128xf32, #tpu.memory_space<vmem>>) dst(%dma_wait3A_929 : memref<10000x128xf32, #tpu.memory_space<vmem_shared>>)
    %dma_wait3A_930 = arith.constant 26 : i32
    %dma_wait3A_931 = arith.constant 0 : i32
    %dma_wait3A_932 = tpu.memref_slice %arg8[%dma_wait3A_930, %dma_wait3A_931] : memref<32x80xi32, #tpu.memory_space<vmem>> -> memref<1x80xi32, #tpu.memory_space<vmem>>
    %dma_wait3A_933 = tpu.memref_squeeze %dma_wait3A_932 : memref<1x80xi32, #tpu.memory_space<vmem>> -> memref<80xi32, #tpu.memory_space<vmem>>
    %dma_wait3A_934 = arith.constant 0 : i32
    %dma_wait3A_935 = arith.constant 0 : i32
    %dma_wait3A_936 = tpu.memref_slice %arg13[%dma_wait3A_934, %dma_wait3A_935] : memref<10000x128xf32, #tpu.memory_space<vmem_shared>> -> memref<10000x128xf32, #tpu.memory_space<vmem_shared>>
    tpu.wait_indirect_dma semaphore(%arg20 : memref<!tpu.dma_semaphore, #tpu.memory_space<semaphore_mem>>) src(%arg11 : memref<80x128xf32, #tpu.memory_space<vmem>>) dst(%dma_wait3A_936 : memref<10000x128xf32, #tpu.memory_space<vmem_shared>>)
    %dma_wait3A_937 = arith.constant 27 : i32
    %dma_wait3A_938 = arith.constant 0 : i32
    %dma_wait3A_939 = tpu.memref_slice %arg8[%dma_wait3A_937, %dma_wait3A_938] : memref<32x80xi32, #tpu.memory_space<vmem>> -> memref<1x80xi32, #tpu.memory_space<vmem>>
    %dma_wait3A_940 = tpu.memref_squeeze %dma_wait3A_939 : memref<1x80xi32, #tpu.memory_space<vmem>> -> memref<80xi32, #tpu.memory_space<vmem>>
    %dma_wait3A_941 = arith.constant 0 : i32
    %dma_wait3A_942 = arith.constant 0 : i32
    %dma_wait3A_943 = tpu.memref_slice %arg13[%dma_wait3A_941, %dma_wait3A_942] : memref<10000x128xf32, #tpu.memory_space<vmem_shared>> -> memref<10000x128xf32, #tpu.memory_space<vmem_shared>>
    tpu.wait_indirect_dma semaphore(%arg21 : memref<!tpu.dma_semaphore, #tpu.memory_space<semaphore_mem>>) src(%arg12 : memref<80x128xf32, #tpu.memory_space<vmem>>) dst(%dma_wait3A_943 : memref<10000x128xf32, #tpu.memory_space<vmem_shared>>)
    %dma_wait3A_944 = arith.constant 28 : i32
    %dma_wait3A_945 = arith.constant 0 : i32
    %dma_wait3A_946 = tpu.memref_slice %arg8[%dma_wait3A_944, %dma_wait3A_945] : memref<32x80xi32, #tpu.memory_space<vmem>> -> memref<1x80xi32, #tpu.memory_space<vmem>>
    %dma_wait3A_947 = tpu.memref_squeeze %dma_wait3A_946 : memref<1x80xi32, #tpu.memory_space<vmem>> -> memref<80xi32, #tpu.memory_space<vmem>>
    %dma_wait3A_948 = arith.constant 0 : i32
    %dma_wait3A_949 = arith.constant 0 : i32
    %dma_wait3A_950 = tpu.memref_slice %arg13[%dma_wait3A_948, %dma_wait3A_949] : memref<10000x128xf32, #tpu.memory_space<vmem_shared>> -> memref<10000x128xf32, #tpu.memory_space<vmem_shared>>
    tpu.wait_indirect_dma semaphore(%arg18 : memref<!tpu.dma_semaphore, #tpu.memory_space<semaphore_mem>>) src(%arg9 : memref<80x128xf32, #tpu.memory_space<vmem>>) dst(%dma_wait3A_950 : memref<10000x128xf32, #tpu.memory_space<vmem_shared>>)
    %barrier3A_951 = arith.constant 0 : index
    tpu.barrier barrier_id(%barrier3A_951)
    %lt3A_952 = arith.constant 15 : i32
    %lt3A_953 = arith.cmpi slt, %arg1, %lt3A_952 : i32
    %convert_element_type3A_954 = arith.extui %lt3A_953 : i1 to i32
    %cond3A_955 = arith.constant 0 : i32
    %cond3A_956 = arith.cmpi ne, %convert_element_type3A_954, %cond3A_955 : i32
    scf.if %cond3A_956 {
      %mul3A = arith.constant 640 : i32
      %mul3A_962 = arith.muli %arg1, %mul3A : i32
      %mul3A_963 = arith.constant 10000 : i32
      %mul3A_964 = arith.muli %arg0, %mul3A_963 : i32
      %add3A = arith.addi %mul3A_964, %mul3A_962 : i32
      "tpu.region"() ({
        %run_scoped3A = tpu.sem_alloc : memref<!tpu.dma_semaphore, #tpu.memory_space<semaphore_mem>>
        %dma_start3A_965 = arith.constant 0 : i32
        %dma_start3A_966 = tpu.memref_slice %arg6[%add3A, %dma_start3A_965] : memref<20000x128xf32, #tpu.memory_space<hbm>> -> memref<640x128xf32, #tpu.memory_space<hbm>>
        %dma_start3A_967 = arith.constant 0 : i32
        %dma_start3A_968 = tpu.memref_slice %arg13[%mul3A_962, %dma_start3A_967] : memref<10000x128xf32, #tpu.memory_space<vmem_shared>> -> memref<640x128xf32, #tpu.memory_space<vmem_shared>>
        tpu.enqueue_dma source(%dma_start3A_968 : memref<640x128xf32, #tpu.memory_space<vmem_shared>>) target(%dma_start3A_966 : memref<640x128xf32, #tpu.memory_space<hbm>>) target_semaphore(%run_scoped3A : memref<!tpu.dma_semaphore, #tpu.memory_space<semaphore_mem>>)
        %dma_wait3A_969 = arith.constant 0 : i32
        %dma_wait3A_970 = tpu.memref_slice %arg6[%add3A, %dma_wait3A_969] : memref<20000x128xf32, #tpu.memory_space<hbm>> -> memref<640x128xf32, #tpu.memory_space<hbm>>
        %dma_wait3A_971 = arith.constant 0 : i32
        %dma_wait3A_972 = tpu.memref_slice %arg13[%mul3A_962, %dma_wait3A_971] : memref<10000x128xf32, #tpu.memory_space<vmem_shared>> -> memref<640x128xf32, #tpu.memory_space<vmem_shared>>
        tpu.wait_dma2 semaphore(%run_scoped3A : memref<!tpu.dma_semaphore, #tpu.memory_space<semaphore_mem>>) src(%dma_wait3A_972 : memref<640x128xf32, #tpu.memory_space<vmem_shared>>) dst(%dma_wait3A_970 : memref<640x128xf32, #tpu.memory_space<hbm>>)
        tpu.yield
      }) : () -> ()
    } else {
    }
    %eq3A_957 = arith.constant 15 : i32
    %eq3A_958 = arith.cmpi eq, %arg1, %eq3A_957 : i32
    %convert_element_type3A_959 = arith.extui %eq3A_958 : i1 to i32
    %cond3A_960 = arith.constant 0 : i32
    %cond3A_961 = arith.cmpi ne, %convert_element_type3A_959, %cond3A_960 : i32
    scf.if %cond3A_961 {
      %mul3A = arith.constant 10000 : i32
      %mul3A_962 = arith.muli %arg0, %mul3A : i32
      %add3A = arith.constant 9600 : i32
      %add3A_963 = arith.addi %mul3A_962, %add3A : i32
      "tpu.region"() ({
        %run_scoped3A = tpu.sem_alloc : memref<!tpu.dma_semaphore, #tpu.memory_space<semaphore_mem>>
        %dma_start3A_964 = arith.constant 0 : i32
        %dma_start3A_965 = tpu.memref_slice %arg6[%add3A_963, %dma_start3A_964] : memref<20000x128xf32, #tpu.memory_space<hbm>> -> memref<400x128xf32, #tpu.memory_space<hbm>>
        %dma_start3A_966 = arith.constant 9600 : i32
        %dma_start3A_967 = arith.constant 0 : i32
        %dma_start3A_968 = tpu.memref_slice %arg13[%dma_start3A_966, %dma_start3A_967] : memref<10000x128xf32, #tpu.memory_space<vmem_shared>> -> memref<400x128xf32, #tpu.memory_space<vmem_shared>>
        tpu.enqueue_dma source(%dma_start3A_968 : memref<400x128xf32, #tpu.memory_space<vmem_shared>>) target(%dma_start3A_965 : memref<400x128xf32, #tpu.memory_space<hbm>>) target_semaphore(%run_scoped3A : memref<!tpu.dma_semaphore, #tpu.memory_space<semaphore_mem>>)
        %dma_wait3A_969 = arith.constant 0 : i32
        %dma_wait3A_970 = tpu.memref_slice %arg6[%add3A_963, %dma_wait3A_969] : memref<20000x128xf32, #tpu.memory_space<hbm>> -> memref<400x128xf32, #tpu.memory_space<hbm>>
        %dma_wait3A_971 = arith.constant 9600 : i32
        %dma_wait3A_972 = arith.constant 0 : i32
        %dma_wait3A_973 = tpu.memref_slice %arg13[%dma_wait3A_971, %dma_wait3A_972] : memref<10000x128xf32, #tpu.memory_space<vmem_shared>> -> memref<400x128xf32, #tpu.memory_space<vmem_shared>>
        tpu.wait_dma2 semaphore(%run_scoped3A : memref<!tpu.dma_semaphore, #tpu.memory_space<semaphore_mem>>) src(%dma_wait3A_973 : memref<400x128xf32, #tpu.memory_space<vmem_shared>>) dst(%dma_wait3A_970 : memref<400x128xf32, #tpu.memory_space<hbm>>)
        tpu.yield
      }) : () -> ()
    } else {
    }
    return
  }
}

module attributes {stable_mosaic.version = 14 : i64} {
  func.func @body(%arg0: i32, %arg1: memref<1000x128xf32, #tpu.memory_space<vmem>>, %arg2: memref<1000x1xf32, #tpu.memory_space<vmem>>, %arg3: memref<1x128xf32, #tpu.memory_space<vmem>>, %arg4: memref<1000x128xf32, #tpu.memory_space<vmem>>) attributes {dimension_semantics = [#tpu.dimension_semantics<arbitrary>], iteration_bounds = array<i64: 20>, scalar_prefetch = 0 : i64, scratch_operands = 0 : i64, tpu.core_type = #tpu.core_type<tc>, window_params = [{transform_indices = @transform_0, window_bounds = array<i64: 1000, 128>}, {transform_indices = @transform_1, window_bounds = array<i64: 1000, 1>}, {transform_indices = @transform_2, window_bounds = array<i64: 1, 128>}, {transform_indices = @transform_3, window_bounds = array<i64: 1000, 128>}]} {
    %get3A = arith.constant 0 : index
    %get3A_0 = arith.constant 0 : index
    %get3A_1 = vector.load %arg2[%get3A, %get3A_0] : memref<1000x1xf32, #tpu.memory_space<vmem>>, vector<1000x1xf32>
    %gt3A = arith.constant 0.000000e+00 : f32
    %gt3A_2 = vector.broadcast %gt3A : f32 to vector<1000x1xf32>
    %gt3A_3 = arith.cmpf ogt, %get3A_1, %gt3A_2 : vector<1000x1xf32>
    %get3A_4 = arith.constant 0 : index
    %get3A_5 = arith.constant 0 : index
    %get3A_6 = vector.load %arg3[%get3A_4, %get3A_5] : memref<1x128xf32, #tpu.memory_space<vmem>>, vector<1x128xf32>
    %get3A_7 = arith.constant 0 : index
    %get3A_8 = arith.constant 0 : index
    %get3A_9 = vector.load %arg1[%get3A_7, %get3A_8] : memref<1000x128xf32, #tpu.memory_space<vmem>>, vector<1000x128xf32>
    %broadcast_in_dim3A = vector.shape_cast %gt3A_3 : vector<1000x1xi1> to vector<1000x1xi1>
    %broadcast_in_dim3A_10 = vector.broadcast %broadcast_in_dim3A : vector<1000x1xi1> to vector<1000x128xi1>
    %broadcast_in_dim3A_11 = vector.shape_cast %get3A_6 : vector<1x128xf32> to vector<1x128xf32>
    %broadcast_in_dim3A_12 = vector.broadcast %broadcast_in_dim3A_11 : vector<1x128xf32> to vector<1000x128xf32>
    %select_n3A = arith.select %broadcast_in_dim3A_10, %broadcast_in_dim3A_12, %get3A_9 : vector<1000x128xi1>, vector<1000x128xf32>
    %swap3A = arith.constant 0 : index
    %swap3A_13 = arith.constant 0 : index
    %swap3A_14 = vector.load %arg4[%swap3A, %swap3A_13] : memref<1000x128xf32, #tpu.memory_space<vmem>>, vector<1000x128xf32>
    tpu.vector_store %arg4[%swap3A, %swap3A_13], %select_n3A {strides = array<i32>} : memref<1000x128xf32, #tpu.memory_space<vmem>>, vector<1000x128xf32>,
    return
  }
  func.func @transform_0(%arg0: i32) -> (i32, i32) {
    %jit3A = arith.constant 10 : i32
    %eq3A = arith.constant 0 : i32
    %eq3A_0 = arith.cmpi eq, %jit3A, %eq3A : i32
    %jit3A_1 = arith.constant 1 : i32
    %select_n3A = arith.select %eq3A_0, %jit3A_1, %jit3A : i32
    %rem3A = arith.remsi %arg0, %select_n3A : i32
    %ne3A = arith.constant 0 : i32
    %ne3A_2 = arith.cmpi ne, %rem3A, %ne3A : i32
    %lt3A = arith.constant 0 : i32
    %lt3A_3 = arith.cmpi slt, %rem3A, %lt3A : i32
    %lt3A_4 = arith.constant 0 : i32
    %lt3A_5 = arith.cmpi slt, %select_n3A, %lt3A_4 : i32
    %ne3A_6 = arith.xori %lt3A_3, %lt3A_5 : i1
    %and3A = arith.andi %ne3A_6, %ne3A_2 : i1
    %add3A = arith.addi %rem3A, %select_n3A : i32
    %select_n3A_7 = arith.select %and3A, %add3A, %rem3A : i32
    %jit3A_8 = arith.constant 10 : i32
    %div3A = arith.divsi %arg0, %jit3A_8 : i32
    %sign3A = arith.constant 0 : i32
    %sign3A_9 = arith.cmpi sgt, %arg0, %sign3A : i32
    %sign3A_10 = arith.extui %sign3A_9 : i1 to i32
    %sign3A_11 = arith.constant 0 : i32
    %sign3A_12 = arith.cmpi slt, %arg0, %sign3A_11 : i32
    %sign3A_13 = arith.extui %sign3A_12 : i1 to i32
    %sign3A_14 = arith.subi %sign3A_10, %sign3A_13 : i32
    %sign3A_15 = arith.constant 0 : i32
    %sign3A_16 = arith.cmpi sgt, %jit3A_8, %sign3A_15 : i32
    %sign3A_17 = arith.extui %sign3A_16 : i1 to i32
    %sign3A_18 = arith.constant 0 : i32
    %sign3A_19 = arith.cmpi slt, %jit3A_8, %sign3A_18 : i32
    %sign3A_20 = arith.extui %sign3A_19 : i1 to i32
    %sign3A_21 = arith.subi %sign3A_17, %sign3A_20 : i32
    %ne3A_22 = arith.cmpi ne, %sign3A_14, %sign3A_21 : i32
    %rem3A_23 = arith.remsi %arg0, %jit3A_8 : i32
    %ne3A_24 = arith.constant 0 : i32
    %ne3A_25 = arith.cmpi ne, %rem3A_23, %ne3A_24 : i32
    %and3A_26 = arith.andi %ne3A_22, %ne3A_25 : i1
    %sub3A = arith.constant 1 : i32
    %sub3A_27 = arith.subi %div3A, %sub3A : i32
    %select_n3A_28 = arith.select %and3A_26, %sub3A_27, %div3A : i32
    %c0_i32 = arith.constant 0 : i32
    return %select_n3A_7, %select_n3A_28 : i32, i32
  }
  func.func @transform_1(%arg0: i32) -> (i32, i32) {
    %jit3A = arith.constant 10 : i32
    %eq3A = arith.constant 0 : i32
    %eq3A_0 = arith.cmpi eq, %jit3A, %eq3A : i32
    %jit3A_1 = arith.constant 1 : i32
    %select_n3A = arith.select %eq3A_0, %jit3A_1, %jit3A : i32
    %rem3A = arith.remsi %arg0, %select_n3A : i32
    %ne3A = arith.constant 0 : i32
    %ne3A_2 = arith.cmpi ne, %rem3A, %ne3A : i32
    %lt3A = arith.constant 0 : i32
    %lt3A_3 = arith.cmpi slt, %rem3A, %lt3A : i32
    %lt3A_4 = arith.constant 0 : i32
    %lt3A_5 = arith.cmpi slt, %select_n3A, %lt3A_4 : i32
    %ne3A_6 = arith.xori %lt3A_3, %lt3A_5 : i1
    %and3A = arith.andi %ne3A_6, %ne3A_2 : i1
    %add3A = arith.addi %rem3A, %select_n3A : i32
    %select_n3A_7 = arith.select %and3A, %add3A, %rem3A : i32
    %c0_i32 = arith.constant 0 : i32
    %c0_i32_8 = arith.constant 0 : i32
    return %select_n3A_7, %c0_i32 : i32, i32
  }
  func.func @transform_2(%arg0: i32) -> (i32, i32) {
    %jit3A = arith.constant 10 : i32
    %div3A = arith.divsi %arg0, %jit3A : i32
    %sign3A = arith.constant 0 : i32
    %sign3A_0 = arith.cmpi sgt, %arg0, %sign3A : i32
    %sign3A_1 = arith.extui %sign3A_0 : i1 to i32
    %sign3A_2 = arith.constant 0 : i32
    %sign3A_3 = arith.cmpi slt, %arg0, %sign3A_2 : i32
    %sign3A_4 = arith.extui %sign3A_3 : i1 to i32
    %sign3A_5 = arith.subi %sign3A_1, %sign3A_4 : i32
    %sign3A_6 = arith.constant 0 : i32
    %sign3A_7 = arith.cmpi sgt, %jit3A, %sign3A_6 : i32
    %sign3A_8 = arith.extui %sign3A_7 : i1 to i32
    %sign3A_9 = arith.constant 0 : i32
    %sign3A_10 = arith.cmpi slt, %jit3A, %sign3A_9 : i32
    %sign3A_11 = arith.extui %sign3A_10 : i1 to i32
    %sign3A_12 = arith.subi %sign3A_8, %sign3A_11 : i32
    %ne3A = arith.cmpi ne, %sign3A_5, %sign3A_12 : i32
    %rem3A = arith.remsi %arg0, %jit3A : i32
    %ne3A_13 = arith.constant 0 : i32
    %ne3A_14 = arith.cmpi ne, %rem3A, %ne3A_13 : i32
    %and3A = arith.andi %ne3A, %ne3A_14 : i1
    %sub3A = arith.constant 1 : i32
    %sub3A_15 = arith.subi %div3A, %sub3A : i32
    %select_n3A = arith.select %and3A, %sub3A_15, %div3A : i32
    %c0_i32 = arith.constant 0 : i32
    %c0_i32_16 = arith.constant 0 : i32
    return %c0_i32, %select_n3A : i32, i32
  }
  func.func @transform_3(%arg0: i32) -> (i32, i32) {
    %c0_i32 = arith.constant 0 : i32
    %c0_i32_0 = arith.constant 0 : i32
    return %arg0, %c0_i32 : i32, i32
  }
}

module attributes {stable_mosaic.version = 14 : i64} {
  func.func @body(%arg0: i32, %arg1: memref<1000x128xf32, #tpu.memory_space<vmem>>, %arg2: memref<1000x128xf32, #tpu.memory_space<vmem>>, %arg3: memref<1000x128xf32, #tpu.memory_space<vmem>>, %arg4: memref<1000x128xf32, #tpu.memory_space<vmem>>, %arg5: memref<1000x256xf32, #tpu.memory_space<vmem>>, %arg6: memref<1000x1xf32, #tpu.memory_space<vmem>>, %arg7: memref<256x256xf32, #tpu.memory_space<vmem>>, %arg8: memref<1x256xf32, #tpu.memory_space<vmem>>, %arg9: memref<256x256xf32, #tpu.memory_space<vmem>>, %arg10: memref<1x256xf32, #tpu.memory_space<vmem>>, %arg11: memref<1x1xf32, #tpu.memory_space<vmem>>, %arg12: memref<256x256xf32, #tpu.memory_space<vmem>>, %arg13: memref<1x256xf32, #tpu.memory_space<vmem>>, %arg14: memref<1x1xf32, #tpu.memory_space<smem>>, %arg15: memref<1x1xf32, #tpu.memory_space<smem>>) attributes {dimension_semantics = [#tpu.dimension_semantics<arbitrary>], iteration_bounds = array<i64: 10>, scalar_prefetch = 0 : i64, scratch_operands = 0 : i64, tpu.core_type = #tpu.core_type<tc>, window_params = [{transform_indices = @transform_0, window_bounds = array<i64: 1000, 128>}, {transform_indices = @transform_1, window_bounds = array<i64: 1000, 128>}, {transform_indices = @transform_2, window_bounds = array<i64: 1000, 128>}, {transform_indices = @transform_3, window_bounds = array<i64: 1000, 128>}, {transform_indices = @transform_4, window_bounds = array<i64: 1000, 256>}, {transform_indices = @transform_5, window_bounds = array<i64: 1000, 1>}, {pipeline_mode = #tpu.pipeline_mode<synchronous>, transform_indices = @transform_6, window_bounds = array<i64: 256, 256>}, {pipeline_mode = #tpu.pipeline_mode<synchronous>, transform_indices = @transform_7, window_bounds = array<i64: 1, 256>}, {pipeline_mode = #tpu.pipeline_mode<synchronous>, transform_indices = @transform_8, window_bounds = array<i64: 256, 256>}, {pipeline_mode = #tpu.pipeline_mode<synchronous>, transform_indices = @transform_9, window_bounds = array<i64: 1, 256>}, {pipeline_mode = #tpu.pipeline_mode<synchronous>, transform_indices = @transform_10, window_bounds = array<i64: 1, 1>}, {pipeline_mode = #tpu.pipeline_mode<synchronous>, transform_indices = @transform_11, window_bounds = array<i64: 256, 256>}, {pipeline_mode = #tpu.pipeline_mode<synchronous>, transform_indices = @transform_12, window_bounds = array<i64: 1, 256>}, {transform_indices = @transform_13, window_bounds = array<i64: 1, 1>}, {transform_indices = @transform_14, window_bounds = array<i64: 1, 1>}]} {
    %get3A = arith.constant 0 : index
    %get3A_0 = arith.constant 0 : index
    %get3A_1 = vector.load %arg1[%get3A, %get3A_0] : memref<1000x128xf32, #tpu.memory_space<vmem>>, vector<1000x128xf32>
    %get3A_2 = arith.constant 0 : index
    %get3A_3 = arith.constant 0 : index
    %get3A_4 = vector.load %arg2[%get3A_2, %get3A_3] : memref<1000x128xf32, #tpu.memory_space<vmem>>, vector<1000x128xf32>
    %concatenate3A = tpu.concatenate %get3A_1, %get3A_4 in 1 : vector<1000x128xf32>, vector<1000x128xf32> -> vector<1000x256xf32>
    %get3A_5 = arith.constant 0 : index
    %get3A_6 = arith.constant 0 : index
    %get3A_7 = vector.load %arg3[%get3A_5, %get3A_6] : memref<1000x128xf32, #tpu.memory_space<vmem>>, vector<1000x128xf32>
    %get3A_8 = arith.constant 0 : index
    %get3A_9 = arith.constant 0 : index
    %get3A_10 = vector.load %arg4[%get3A_8, %get3A_9] : memref<1000x128xf32, #tpu.memory_space<vmem>>, vector<1000x128xf32>
    %concatenate3A_11 = tpu.concatenate %get3A_7, %get3A_10 in 1 : vector<1000x128xf32>, vector<1000x128xf32> -> vector<1000x256xf32>
    %add3A = arith.addf %concatenate3A, %concatenate3A_11 : vector<1000x256xf32>
    %get3A_12 = arith.constant 0 : index
    %get3A_13 = arith.constant 0 : index
    %get3A_14 = vector.load %arg7[%get3A_12, %get3A_13] : memref<256x256xf32, #tpu.memory_space<vmem>>, vector<256x256xf32>
    %dot_general3A = arith.constant dense<0.000000e+00> : vector<1000x256xf32>
    %dot_general3A_15 = tpu.matmul %add3A, %get3A_14, %dot_general3A {dimension_numbers = #tpu.dot_dimension_numbers<[1], [0], [0], [1], [0, 0, 1, 1], [], []>, transpose_lhs_hint = false} : vector<1000x256xf32>, vector<256x256xf32>, vector<1000x256xf32> -> vector<1000x256xf32>
    %get3A_16 = arith.constant 0 : index
    %get3A_17 = arith.constant 0 : index
    %get3A_18 = vector.load %arg8[%get3A_16, %get3A_17] : memref<1x256xf32, #tpu.memory_space<vmem>>, vector<1x256xf32>
    %add3A_19 = vector.broadcast %get3A_18 : vector<1x256xf32> to vector<1000x256xf32>
    %add3A_20 = arith.addf %dot_general3A_15, %add3A_19 : vector<1000x256xf32>
    %max3A = arith.constant 0.000000e+00 : f32
    %max3A_21 = vector.broadcast %max3A : f32 to vector<1000x256xf32>
    %max3A_22 = arith.maximumf %add3A_20, %max3A_21 : vector<1000x256xf32>
    %get3A_23 = arith.constant 0 : index
    %get3A_24 = arith.constant 0 : index
    %get3A_25 = vector.load %arg9[%get3A_23, %get3A_24] : memref<256x256xf32, #tpu.memory_space<vmem>>, vector<256x256xf32>
    %dot_general3A_26 = arith.constant dense<0.000000e+00> : vector<1000x256xf32>
    %dot_general3A_27 = tpu.matmul %max3A_22, %get3A_25, %dot_general3A_26 {dimension_numbers = #tpu.dot_dimension_numbers<[1], [0], [0], [1], [0, 0, 1, 1], [], []>, transpose_lhs_hint = false} : vector<1000x256xf32>, vector<256x256xf32>, vector<1000x256xf32> -> vector<1000x256xf32>
    %get3A_28 = arith.constant 0 : index
    %get3A_29 = arith.constant 0 : index
    %get3A_30 = vector.load %arg10[%get3A_28, %get3A_29] : memref<1x256xf32, #tpu.memory_space<vmem>>, vector<1x256xf32>
    %add3A_31 = vector.broadcast %get3A_30 : vector<1x256xf32> to vector<1000x256xf32>
    %add3A_32 = arith.addf %dot_general3A_27, %add3A_31 : vector<1000x256xf32>
    %get3A_33 = arith.constant 0 : index
    %get3A_34 = arith.constant 0 : index
    %get3A_35 = vector.load %arg11[%get3A_33, %get3A_34] : memref<1x1xf32, #tpu.memory_space<vmem>>, vector<1x1xf32>
    %get3A_36 = vector.extract %get3A_35[0, 0] : f32 from vector<1x1xf32>
    %max3A_37 = arith.constant 0.000000e+00 : f32
    %max3A_38 = vector.broadcast %max3A_37 : f32 to vector<1000x256xf32>
    %max3A_39 = arith.maximumf %add3A_32, %max3A_38 : vector<1000x256xf32>
    %min3A = arith.constant 0.000000e+00 : f32
    %min3A_40 = vector.broadcast %min3A : f32 to vector<1000x256xf32>
    %min3A_41 = arith.minimumf %add3A_32, %min3A_40 : vector<1000x256xf32>
    %mul3A = vector.broadcast %get3A_36 : f32 to vector<1000x256xf32>
    %mul3A_42 = arith.mulf %mul3A, %min3A_41 : vector<1000x256xf32>
    %add3A_43 = arith.addf %max3A_39, %mul3A_42 : vector<1000x256xf32>
    %get3A_44 = arith.constant 0 : index
    %get3A_45 = arith.constant 0 : index
    %get3A_46 = vector.load %arg12[%get3A_44, %get3A_45] : memref<256x256xf32, #tpu.memory_space<vmem>>, vector<256x256xf32>
    %dot_general3A_47 = arith.constant dense<0.000000e+00> : vector<1000x256xf32>
    %dot_general3A_48 = tpu.matmul %add3A_43, %get3A_46, %dot_general3A_47 {dimension_numbers = #tpu.dot_dimension_numbers<[1], [0], [0], [1], [0, 0, 1, 1], [], []>, transpose_lhs_hint = false} : vector<1000x256xf32>, vector<256x256xf32>, vector<1000x256xf32> -> vector<1000x256xf32>
    %get3A_49 = arith.constant 0 : index
    %get3A_50 = arith.constant 0 : index
    %get3A_51 = vector.load %arg13[%get3A_49, %get3A_50] : memref<1x256xf32, #tpu.memory_space<vmem>>, vector<1x256xf32>
    %add3A_52 = vector.broadcast %get3A_51 : vector<1x256xf32> to vector<1000x256xf32>
    %add3A_53 = arith.addf %dot_general3A_48, %add3A_52 : vector<1000x256xf32>
    %get3A_54 = arith.constant 0 : index
    %get3A_55 = arith.constant 0 : index
    %get3A_56 = vector.load %arg5[%get3A_54, %get3A_55] : memref<1000x256xf32, #tpu.memory_space<vmem>>, vector<1000x256xf32>
    %sub3A = arith.subf %add3A_53, %get3A_56 : vector<1000x256xf32>
    %get3A_57 = arith.constant 0 : index
    %get3A_58 = arith.constant 0 : index
    %get3A_59 = vector.load %arg6[%get3A_57, %get3A_58] : memref<1000x1xf32, #tpu.memory_space<vmem>>, vector<1000x1xf32>
    %mul3A_60 = arith.mulf %sub3A, %sub3A : vector<1000x256xf32>
    %mul3A_61 = vector.broadcast %get3A_59 : vector<1000x1xf32> to vector<1000x256xf32>
    %mul3A_62 = arith.mulf %mul3A_60, %mul3A_61 : vector<1000x256xf32>
    %reduce_sum3A = vector.shape_cast %mul3A_62 : vector<1000x256xf32> to vector<1x1000x256xf32>
    %reduce_sum3A_63 = arith.constant dense<0.000000e+00> : vector<1xf32>
    %reduce_sum3A_64 = vector.multi_reduction <add>, %reduce_sum3A, %reduce_sum3A_63 [1, 2] : vector<1x1000x256xf32> to vector<1xf32>
    %reduce_sum3A_65 = vector.shape_cast %reduce_sum3A_64 : vector<1xf32> to vector<1x1x1xf32>
    %reduce_sum3A_66 = vector.extract %reduce_sum3A_65[0, 0, 0] : f32 from vector<1x1x1xf32>
    %reduce_sum3A_67 = vector.shape_cast %get3A_59 : vector<1000x1xf32> to vector<1x1000x1xf32>
    %reduce_sum3A_68 = arith.constant dense<0.000000e+00> : vector<1xf32>
    %reduce_sum3A_69 = vector.multi_reduction <add>, %reduce_sum3A_67, %reduce_sum3A_68 [1, 2] : vector<1x1000x1xf32> to vector<1xf32>
    %reduce_sum3A_70 = vector.shape_cast %reduce_sum3A_69 : vector<1xf32> to vector<1x1x1xf32>
    %reduce_sum3A_71 = vector.extract %reduce_sum3A_70[0, 0, 0] : f32 from vector<1x1x1xf32>
    %eq3A = arith.constant 0 : i32
    %eq3A_72 = arith.cmpi eq, %arg0, %eq3A : i32
    %convert_element_type3A = arith.extui %eq3A_72 : i1 to i32
    %cond3A = arith.constant 0 : i32
    %cond3A_73 = arith.cmpi ne, %convert_element_type3A, %cond3A : i32
    scf.if %cond3A_73 {
      %swap3A = arith.constant 0 : index
      %swap3A_83 = arith.constant 0 : index
      %swap3A_84 = memref.load %arg14[%swap3A, %swap3A_83] : memref<1x1xf32, #tpu.memory_space<smem>>
      memref.store %reduce_sum3A_66, %arg14[%swap3A, %swap3A_83] : memref<1x1xf32, #tpu.memory_space<smem>>
      %swap3A_85 = arith.constant 0 : index
      %swap3A_86 = arith.constant 0 : index
      %swap3A_87 = memref.load %arg15[%swap3A_85, %swap3A_86] : memref<1x1xf32, #tpu.memory_space<smem>>
      memref.store %reduce_sum3A_71, %arg15[%swap3A_85, %swap3A_86] : memref<1x1xf32, #tpu.memory_space<smem>>
    } else {
    }
    %gt3A = arith.constant 0 : i32
    %gt3A_74 = arith.cmpi sgt, %arg0, %gt3A : i32
    %convert_element_type3A_75 = arith.extui %gt3A_74 : i1 to i32
    %cond3A_76 = arith.constant 0 : i32
    %cond3A_77 = arith.cmpi ne, %convert_element_type3A_75, %cond3A_76 : i32
    scf.if %cond3A_77 {
      %get3A_83 = arith.constant 0 : index
      %get3A_84 = arith.constant 0 : index
      %get3A_85 = memref.load %arg14[%get3A_83, %get3A_84] : memref<1x1xf32, #tpu.memory_space<smem>>
      %add3A_86 = arith.addf %get3A_85, %reduce_sum3A_66 : f32
      %swap3A = arith.constant 0 : index
      %swap3A_87 = arith.constant 0 : index
      %swap3A_88 = memref.load %arg14[%swap3A, %swap3A_87] : memref<1x1xf32, #tpu.memory_space<smem>>
      memref.store %add3A_86, %arg14[%swap3A, %swap3A_87] : memref<1x1xf32, #tpu.memory_space<smem>>
      %get3A_89 = arith.constant 0 : index
      %get3A_90 = arith.constant 0 : index
      %get3A_91 = memref.load %arg15[%get3A_89, %get3A_90] : memref<1x1xf32, #tpu.memory_space<smem>>
      %add3A_92 = arith.addf %get3A_91, %reduce_sum3A_71 : f32
      %swap3A_93 = arith.constant 0 : index
      %swap3A_94 = arith.constant 0 : index
      %swap3A_95 = memref.load %arg15[%swap3A_93, %swap3A_94] : memref<1x1xf32, #tpu.memory_space<smem>>
      memref.store %add3A_92, %arg15[%swap3A_93, %swap3A_94] : memref<1x1xf32, #tpu.memory_space<smem>>
    } else {
    }
    %eq3A_78 = arith.constant 9 : i32
    %eq3A_79 = arith.cmpi eq, %arg0, %eq3A_78 : i32
    %convert_element_type3A_80 = arith.extui %eq3A_79 : i1 to i32
    %cond3A_81 = arith.constant 0 : i32
    %cond3A_82 = arith.cmpi ne, %convert_element_type3A_80, %cond3A_81 : i32
    scf.if %cond3A_82 {
      %get3A_83 = arith.constant 0 : index
      %get3A_84 = arith.constant 0 : index
      %get3A_85 = memref.load %arg14[%get3A_83, %get3A_84] : memref<1x1xf32, #tpu.memory_space<smem>>
      %get3A_86 = arith.constant 0 : index
      %get3A_87 = arith.constant 0 : index
      %get3A_88 = memref.load %arg15[%get3A_86, %get3A_87] : memref<1x1xf32, #tpu.memory_space<smem>>
      %mul3A_89 = arith.constant 2.560000e+02 : f32
      %mul3A_90 = arith.mulf %get3A_88, %mul3A_89 : f32
      %div3A = arith.divf %get3A_85, %mul3A_90 : f32
      %swap3A = arith.constant 0 : index
      %swap3A_91 = arith.constant 0 : index
      %swap3A_92 = memref.load %arg14[%swap3A, %swap3A_91] : memref<1x1xf32, #tpu.memory_space<smem>>
      memref.store %div3A, %arg14[%swap3A, %swap3A_91] : memref<1x1xf32, #tpu.memory_space<smem>>
    } else {
    }
    return
  }
  func.func @transform_0(%arg0: i32) -> (i32, i32) {
    %c0_i32 = arith.constant 0 : i32
    %c0_i32_0 = arith.constant 0 : i32
    return %arg0, %c0_i32 : i32, i32
  }
  func.func @transform_1(%arg0: i32) -> (i32, i32) {
    %add3A = arith.constant 10 : i32
    %add3A_0 = arith.addi %add3A, %arg0 : i32
    %c0_i32 = arith.constant 0 : i32
    %c0_i32_1 = arith.constant 0 : i32
    return %add3A_0, %c0_i32 : i32, i32
  }
  func.func @transform_2(%arg0: i32) -> (i32, i32) {
    %c0_i32 = arith.constant 0 : i32
    %c0_i32_0 = arith.constant 0 : i32
    return %arg0, %c0_i32 : i32, i32
  }
  func.func @transform_3(%arg0: i32) -> (i32, i32) {
    %add3A = arith.constant 10 : i32
    %add3A_0 = arith.addi %add3A, %arg0 : i32
    %c0_i32 = arith.constant 0 : i32
    %c0_i32_1 = arith.constant 0 : i32
    return %add3A_0, %c0_i32 : i32, i32
  }
  func.func @transform_4(%arg0: i32) -> (i32, i32) {
    %c0_i32 = arith.constant 0 : i32
    %c0_i32_0 = arith.constant 0 : i32
    return %arg0, %c0_i32 : i32, i32
  }
  func.func @transform_5(%arg0: i32) -> (i32, i32) {
    %c0_i32 = arith.constant 0 : i32
    %c0_i32_0 = arith.constant 0 : i32
    return %arg0, %c0_i32 : i32, i32
  }
  func.func @transform_6(%arg0: i32) -> (i32, i32) {
    %c0_i32 = arith.constant 0 : i32
    %c0_i32_0 = arith.constant 0 : i32
    %c0_i32_1 = arith.constant 0 : i32
    return %c0_i32, %c0_i32_0 : i32, i32
  }
  func.func @transform_7(%arg0: i32) -> (i32, i32) {
    %c0_i32 = arith.constant 0 : i32
    %c0_i32_0 = arith.constant 0 : i32
    %c0_i32_1 = arith.constant 0 : i32
    return %c0_i32, %c0_i32_0 : i32, i32
  }
  func.func @transform_8(%arg0: i32) -> (i32, i32) {
    %c0_i32 = arith.constant 0 : i32
    %c0_i32_0 = arith.constant 0 : i32
    %c0_i32_1 = arith.constant 0 : i32
    return %c0_i32, %c0_i32_0 : i32, i32
  }
  func.func @transform_9(%arg0: i32) -> (i32, i32) {
    %c0_i32 = arith.constant 0 : i32
    %c0_i32_0 = arith.constant 0 : i32
    %c0_i32_1 = arith.constant 0 : i32
    return %c0_i32, %c0_i32_0 : i32, i32
  }
  func.func @transform_10(%arg0: i32) -> (i32, i32) {
    %c0_i32 = arith.constant 0 : i32
    %c0_i32_0 = arith.constant 0 : i32
    %c0_i32_1 = arith.constant 0 : i32
    return %c0_i32, %c0_i32_0 : i32, i32
  }
  func.func @transform_11(%arg0: i32) -> (i32, i32) {
    %c0_i32 = arith.constant 0 : i32
    %c0_i32_0 = arith.constant 0 : i32
    %c0_i32_1 = arith.constant 0 : i32
    return %c0_i32, %c0_i32_0 : i32, i32
  }
  func.func @transform_12(%arg0: i32) -> (i32, i32) {
    %c0_i32 = arith.constant 0 : i32
    %c0_i32_0 = arith.constant 0 : i32
    %c0_i32_1 = arith.constant 0 : i32
    return %c0_i32, %c0_i32_0 : i32, i32
  }
  func.func @transform_13(%arg0: i32) -> (i32, i32) {
    %c0_i32 = arith.constant 0 : i32
    %c0_i32_0 = arith.constant 0 : i32
    %c0_i32_1 = arith.constant 0 : i32
    return %c0_i32, %c0_i32_0 : i32, i32
  }
  func.func @transform_14(%arg0: i32) -> (i32, i32) {
    %c0_i32 = arith.constant 0 : i32
    %c0_i32_0 = arith.constant 0 : i32
    %c0_i32_1 = arith.constant 0 : i32
    return %c0_i32, %c0_i32_0 : i32, i32
  }
}

</mosaic_0001>

<sc_bundles>
// kernel: kernel.5.cloned.1.call-start
scs
__scs_entry_jumppad:
0x0: {  	(pc) =	sbr.rel $0x88, $3  }
0x1: {  	(tag) =	ssettag $0x0;
	lr =	simm.s32 $0x1  }
0x2: {  	[smem:$0x3F97] =	sst lr;
	_ =	strace $0xD0000000  }
0x3: {  	_ = 	snop  }
0x4: {  	_ = 	snop  }
0x5: {  	_ = 	snop  }
0x6: {  	_ = 	snop  }
0x7: {  	_ = 	snop  }
__scs_overlays_trampoline_lowered:
0x8: {  	[smem:$0x3FA6] =	sst s0  }
0x9: {  	[smem:$0x3FA7] =	sst s1  }
0xa: {  	[smem:$0x3FA8] =	sst s2  }
0xb: {  	[smem:$0x3FA9] =	sst s3  }
0xc: {  	[smem:$0x3FAA] =	sst s4  }
0xd: {  	[smem:$0x3FAB] =	sst s5  }
0xe: {  	[smem:$0x3FAC] =	sst s6  }
0xf: {  	[smem:$0x3FAD] =	sst s7  }
0x10: {  	[smem:$0x3FAE] =	sst s8  }
0x11: {  	[smem:$0x3FAF] =	sst s9;
	s0 =	simm.s32 @!p0 $0x0  }
0x12: {  	s1 =	sld [smem:$0x3F95];
	s0 =	simm.s32 @p0 $0x1  }
0x13: {  	[smem:$0x3FB0] =	sst s0;
	s0 =	simm.s32 @!p1 $0x0  }
0x14: {  	s2 =	sld [smem:$0x3F94];
	s0 =	simm.s32 @p1 $0x1  }
0x15: {  	[smem:$0x3FB1] =	sst s0;
	s0 =	simm.s32 @!p2 $0x0  }
0x16: {  	s3 =	sld [smem:$0x3FDB];
	s0 =	simm.s32 @p2 $0x1  }
0x17: {  	s4 =	simm.s32 $0x1BF5;
	[smem:$0x3FB3] =	sst s0  }
0x18: {  	s0 =	sld [smem:$0x3F96];
	_ =	swait.ge [sflag:s4], $0x0  }
0x19: {  	s7 =	sld [smem:$0x3F97]  }
0x1a: {  	s8 =	sadd.s32 $0xFFFFE003, lr  }
0x1b: {  	s9 =	sadd.s32 $0xFFFFFEF7, lr;
	s5 =	simm.s32 $0xFFFFFFFF;
	p2 =	slt.u32 s8, $0xFFFFF086  }
0x1c: {  	p1 =	slt.u32 s9, $0xF7A;
	s5 =	simm.s32 @!p2 $0x0  }
0x1d: {  	s5 =	simm.s32 @p1 $0x1;
	p0 =	seq.s32 s7, s2  }
0x1e: {  	s7 =	smul.u32 @!p0 $0xF7A, s2;
	p2 =	seq.s32 @!p0 s5, $0x0  }
0x1f: {  	s9 =	smul.u32 $0xF7A, s1;
	s8 =	simm.s32 @!p0 $0x1BF5;
	p2 =	por !p2, p0  }
0x20: {  	[sflag:s8] =	ssyncset.s32 @!p0 $0xFFFFF086;
	s6 =	sadd.s32 @!p0 s3, s7;
	s7 =	simm.s32 @!p0 $0x108  }
0x21: {  	s3 =	sadd.s32 s3, s9;
	s6 =	sadd.s32 @!p0 $0x88, s6;
	s7 =	simm.s32 @p2 $0x1082  }
0x22: {  	[simem:s7], [sflag:s8] =	dma.local @!p0 [hbm:s6], $0xF7A  }
0x23: {  	s9 =	sor.u32 $0xD0000000, s2;
	s6 =	simm.s32 $0x108;
	_ =	swait.ge @!p0 [sflag:s8], $0x0  }
0x24: {  	s3 =	sadd.s32 $0x88, s3;
	s6 =	simm.s32 @!p1 $0x1082;
	[sflag:s4] =	ssyncset.s32 $0xFFFFF086  }
0x25: {  	[simem:s6], [sflag:s4] =	dma.local [hbm:s3], $0xF7A  }
0x26: {  	[smem:$0x3F97] =	sst s1;
	(tag) =	ssettag s2;
	_ =	strace s9  }
0x27: {  	s1 =	sld [smem:$0x3FA7]  }
0x28: {  	s2 =	sld [smem:$0x3FA8]  }
0x29: {  	s4 =	sld [smem:$0x3FAA]  }
0x2a: {  	p0 =	seq.s32 s5, $0x0;
	s5 =	sld [smem:$0x3FAB]  }
0x2b: {  	s6 =	sld [smem:$0x3FAC]  }
0x2c: {  	s7 =	sld [smem:$0x3FAD]  }
0x2d: {  	s3 =	simm.s32 $0x108;
	s8 =	sld [smem:$0x3FAE]  }
0x2e: {  	s3 =	simm.s32 @!p0 $0x1082;
	s9 =	sld [smem:$0x3FAF]  }
0x2f: {  	lr =	sadd.s32 s0, s3;
	s0 =	sld [smem:$0x3FA6]  }
0x30: {  	s3 =	sld [smem:$0x3FA9]  }
0x31: {  	[smem:$0x3FB2] =	sst s10  }
0x32: {  	s10 =	sld [smem:$0x3FB0];
	_ =	sdelay $0x3  }
0x33: {  	p0 =	seq.s32 s10, $0x1;
	s10 =	sld [smem:$0x3FB2];
	_ =	sdelay $0x3  }
0x34: {  	[smem:$0x3FB2] =	sst s10  }
0x35: {  	s10 =	sld [smem:$0x3FB1];
	_ =	sdelay $0x3  }
0x36: {  	p1 =	seq.s32 s10, $0x1;
	s10 =	sld [smem:$0x3FB2];
	_ =	sdelay $0x3  }
0x37: {  	[smem:$0x3FB2] =	sst s10  }
0x38: {  	s10 =	sld [smem:$0x3FB3]  }
0x39: {  	_ = 	snop;
	(pc) =	sbr.ind lr, $3  }
0x3a: {  	_ = 	snop  }
0x3b: {  	_ = 	snop  }
0x3c: {  	p2 =	seq.s32 s10, $0x1;
	s10 =	sld [smem:$0x3FB2]  }
0x3d: {  	_ =	shalt  }
0x3e: {  	_ =	shalt  }
0x3f: {  	_ =	shalt  }
0x40: {  	_ =	shalt  }
0x41: {  	_ =	shalt  }
0x42: {  	_ =	shalt  }
0x43: {  	_ =	shalt  }
0x44: {  	_ =	shalt  }
0x45: {  	_ =	shalt  }
0x46: {  	_ =	shalt  }
0x47: {  	_ =	shalt  }
0x48: {  	_ =	shalt  }
0x49: {  	_ =	shalt  }
0x4a: {  	_ =	shalt  }
0x4b: {  	_ =	shalt  }
0x4c: {  	_ =	shalt  }
0x4d: {  	_ =	shalt  }
0x4e: {  	_ =	shalt  }
0x4f: {  	_ =	shalt  }
0x50: {  	_ =	shalt  }
0x51: {  	_ =	shalt  }
0x52: {  	_ =	shalt  }
0x53: {  	_ =	shalt  }
0x54: {  	_ =	shalt  }
0x55: {  	_ =	shalt  }
0x56: {  	_ =	shalt  }
0x57: {  	_ =	shalt  }
0x58: {  	_ =	shalt  }
0x59: {  	_ =	shalt  }
0x5a: {  	_ =	shalt  }
0x5b: {  	_ =	shalt  }
0x5c: {  	_ =	shalt  }
0x5d: {  	_ =	shalt  }
0x5e: {  	_ =	shalt  }
0x5f: {  	_ =	shalt  }
0x60: {  	_ =	shalt  }
0x61: {  	_ =	shalt  }
0x62: {  	_ =	shalt  }
0x63: {  	_ =	shalt  }
0x64: {  	_ =	shalt  }
0x65: {  	_ =	shalt  }
0x66: {  	_ =	shalt  }
0x67: {  	_ =	shalt  }
0x68: {  	_ =	shalt  }
0x69: {  	_ =	shalt  }
0x6a: {  	_ =	shalt  }
0x6b: {  	_ =	shalt  }
0x6c: {  	_ =	shalt  }
0x6d: {  	_ =	shalt  }
0x6e: {  	_ =	shalt  }
0x6f: {  	_ =	shalt  }
0x70: {  	_ =	shalt  }
0x71: {  	_ =	shalt  }
0x72: {  	_ =	shalt  }
0x73: {  	_ =	shalt  }
0x74: {  	_ =	shalt  }
0x75: {  	_ =	shalt  }
0x76: {  	_ =	shalt  }
0x77: {  	_ =	shalt  }
0x78: {  	_ =	shalt  }
0x79: {  	_ =	shalt  }
0x7a: {  	_ =	shalt  }
0x7b: {  	_ =	shalt  }
0x7c: {  	_ =	shalt  }
0x7d: {  	_ =	shalt  }
0x7e: {  	_ =	shalt  }
0x7f: {  	_ =	shalt  }
0x80: {  	_ =	shalt  }
0x81: {  	_ =	shalt  }
0x82: {  	_ =	shalt  }
0x83: {  	_ =	shalt  }
0x84: {  	_ =	shalt  }
0x85: {  	_ =	shalt  }
0x86: {  	_ =	shalt  }
0x87: {  	_ =	shalt  }
.Lfunc_end0:
.L_simem_size_0:
called_computation_lowered:
.L_overlay_start_0:
0x88: {  	s2 =	sld [smem:$0x3FD9]  }
0x89: {  	s3 =	sld [smem:$0x3FFE];
	_ =	sdelay $0x1  }
0x8a: {  	s1 =	srdreg.scid  }
0x8b: {  	s0 =	sand.u32 $0x1, s1  }
0x8c: {  	s16 =	sshll.u32 s0, $0xA;
	s2 =	sadd.s32 s3, s2  }
0x8d: {  	s2 =	sadd.s32 s2, s16  }
0x8e: {  	[smem:$0x3FBE] =	sst s2  }
0x8f: {  	_ = 	snop  }
0x90: {  	(tm) =	ssettm $0x1  }
0x91: {  	s17 =	sld [smem:$0x3FFB];
	_ =	sdelay $0x3  }
0x92: {  	_ =	strace s17  }
0x93: {  	s2 =	sld [smem:$0x3FFC];
	_ =	sdelay $0x3  }
0x94: {  	_ =	strace s2  }
0x95: {  	s2 =	sld [smem:$0x3FFD];
	_ =	sdelay $0x3  }
0x96: {  	_ =	strace s2  }
0x97: {  	_ =	strace $0x8FFFFFFF  }
0x98: {  	s18 =	sld [smem:$0x3FDB];
	_ =	sdelay $0x1  }
0x99: {  	s19 =	simm.s32 $_scs_section_size  }
0x9a: {  	s4 =	simm.s32 $_size__tile_overlayer_lowered;
	s5 =	simm.s32 $_tile_overlayer_lowered  }
0x9b: {  	s22 =	simm.s32 $0x1BFF;
	s21 =	sshll.u32 s5, $0x1;
	s2 =	sadd.s32 s19, s18  }
0x9c: {  	s6 =	simm.s32 $0x0;
	s20 =	sshll.u32 s4, $0x1;
	s4 =	sadd.s32 s21, s2  }
0x9d: {  	[timem:s6], [sflag:s22] =	dma.local [hbm:s4], s20  }
0x9e: {  	_ =	swait.ge [sflag:s22], s20  }
0x9f: {  	s3 =	ssub.s32 $0x0, s20;
	[sflag:s22] =	ssyncset.done $0x0  }
0xa0: {  	[sflag:s22] =	ssyncadd.s32 s3;
	_ =	sdelay $0x1  }
0xa1: {  	s23 =	simm.s32 $0x1B8B  }
0xa2: {  	_ =	swait.ge [sflag:s23], $0x1  }
0xa3: {  	[sflag:s23] =	ssyncset.done $0x0  }
0xa4: {  	s25 =	simm.s32 $0x1B8E;
	s24 =	sld [smem:$0x3FFE];
	[sflag:s23] =	ssyncadd.s32 $0xFFFFFFFF  }
0xa5: {  	s26 =	simm.s32 $execute0_lowered;
	[smem:$0x3FD2] =	sst s25  }
0xa6: {  	s4 =	sshll.u32 s26, $0x1;
	_ =	strace $0x80000046;
	[dreg:$0x1] =	wrdreg $0xFFFFFFFF  }
0xa7: {  	s28 =	simm.s32 $_size_execute0_lowered;
	s2 =	sadd.s32 s2, s4;
	[dreg:$0x0] =	wrdreg $0x0  }
0xa8: {  	s4 =	sshll.u32 s28, $0x1;
	[dreg:$0x2] =	wrdreg s2  }
0xa9: {  	[dreg:$0x3] =	wrdreg s4  }
0xaa: {  	[dreg:$0x4] =	wrdreg $0xC0  }
0xab: {  	_ =	task [dreg:s6], $0x5FFFF  }
0xac: {  	[dreg:$0x1] =	wrdreg $0xFFFFFFFF  }
0xad: {  	[dreg:$0x0] =	wrdreg $0x60  }
0xae: {  	[dreg:$0x2] =	wrdreg s24  }
0xaf: {  	[dreg:$0x3] =	wrdreg $0xC0000  }
0xb0: {  	[dreg:$0x4] =	wrdreg $0x9  }
0xb1: {  	_ =	task.clear_ibuf [dreg:s6], $0x5FFFF;
	_ =	strace $0x90000046  }
0xb2: {  	s29 =	simm.s32 $0x9;
	_ =	strace $0x80000048  }
0xb3: {  	_ =	swait.ge [sflag:s29], $0x1  }
0xb4: {  	[sflag:s29] =	ssyncadd.s32 $0xFFFFFFFF  }
0xb5: {  	_ =	strace $0x90000048  }
0xb6: {  	_ =	sfence  }
0xb7: {  	s30 =	sld [smem:$0x0];
	_ =	sdelay $0x2  }
0xb8: {  	s31 =	sshll.u32 s1, $0xD;
	s1 =	sshrl.u32 s1, $0x2  }
0xb9: {  	s3 =	sand.u32 $0x4000, s31;
	s1 =	sadd.s32 s1, s30  }
0xba: {  	s0 =	sor.u32 s3, s0;
	s1 =	sshll.u32 s1, $0x11  }
0xbb: {  	s0 =	sor.u32 s1, s0  }
0xbc: {  	s0 =	sadd.s32 $0x8F2B, s0  }
0xbd: {  	[sflag:s0] =	ssyncadd.remote.s32 $0x1  }
0xbe: {  	_ =	sfence.sel $0xFFFF  }
0xbf: {  	[dreg:$0x0] =	wrdreg $0xFFFFFFFF;
	(pc) =	sbr.abs _section_cstart, $3  }
0xc0: {  	[dreg:$0x1] =	wrdreg $0xFFFFFFFF  }
0xc1: {  	_ =	task.clear_ibuf [dreg:s6], $0x2FFFF;
	_ =	strace $0x9FFFFFFF  }
0xc2: {  	(tm) =	ssettm $0x7FFFFFFF  }
0xc3: {  	_ =	shalt  }
tec
execute0_lowered:
.L_overlay_start_1:
0x0: {  	(tag) =	ssettag $0x1  }
0x1: {  	s0 =	rddreg [dreg:$0x0]  }
0x2: {  	s1 =	rddreg [dreg:$0x1];
	s21 =	simm.s32 $0x0  }
0x3: {  	s2 =	srdreg.scid;
	s12 =	stileid.u32;
	s28 =	simm.s32 $0x7000  }
0x4: {  	s29 =	simm.s32 $0x1;
	s31 =	simm.s32 $0x9800;
	s15 =	simm.s32 $0x1080  }
0x5: {  	s14 =	simm.s32 $0x7;
	s3 =	simm.s32 $0x300;
	[smem:$0x7FF] =	sst s21  }
0x6: {  	s2 =	sand.u32 $0x1, s2;
	s6 =	sshll.u32 s12, $0xB;
	s7 =	smul.u32 $0x50000, s12  }
0x7: {  	s4 =	sadd.s32 $0x19600, s0;
	s9 =	sadd.s32 $0x67800, s0;
	s22 =	smul.u32 $0x2800, s12  }
0x8: {  	p0 =	seq.s32 s12, $0xF;
	_ =	strace $0x80000047;
	s5 =	sshll.u32 s2, $0xF  }
0x9: {  	s8 =	ssub.s32 $0x2, s2;
	[dreg:$0x3] =	wrdreg s9;
	s17 =	smul.u32 $0x27100, s2  }
0xa: {  	s9 =	sadd.s32 $0x12C000, s1;
	s2 =	smul.u32 $0x138800, s2;
	s5 =	sor.u32 s6, s5  }
0xb: {  	s6 =	sadd.s32 s6, s0;
	s16 =	sshrl.u32 s8, $0x1;
	s7 =	sshrl.u32 s7, $0x2  }
0xc: {  	s5 =	sadd.s32 s5, s0;
	s0 =	sadd.s32 $0x6A000, s0;
	s8 =	ssub.s32 s8, s16  }
0xd: {  	s7 =	sadd.s32 s7, s1;
	s11 =	sadd.s32 $0x1600, s6;
	s19 =	sadd.s32 $0x1800, s6  }
0xe: {  	s13 =	sadd.s32 $0x1A00, s6;
	s2 =	sshrl.u32 s2, $0x3;
	s23 =	sadd.s32 $0x1C00, s6  }
0xf: {  	s24 =	sadd.s32 s22, s17;
	s17 =	simm.s32 $0x1000;
	[dreg:$0x5] =	wrdreg s11  }
0x10: {  	s22 =	simm.s32 $0x50;
	s6 =	simm.s32 $0x5;
	[dreg:$0x7] =	wrdreg s19  }
0x11: {  	s16 =	simm.s32 $0x8;
	s10 =	sadd.s32 $0x9600, s5;
	[dreg:$0x9] =	wrdreg s13  }
0x12: {  	s18 =	sadd.s32 $0x9800, s5;
	s20 =	sadd.s32 $0x9A00, s5;
	[dreg:$0xb] =	wrdreg s23  }
0x13: {  	s5 =	sadd.s32 $0x9C00, s5;
	s2 =	sadd.s32 s0, s2;
	[dreg:$0x4] =	wrdreg s10  }
0x14: {  	s0 =	sadd.s32 s0, s24;
	s26 =	smax.u32 s8, $0x1;
	[dreg:$0x6] =	wrdreg s18  }
0x15: {  	s7 =	sshrl.u32 @!p0 s7, $0x3;
	s23 =	simm.s32 $0x2000;
	[dreg:$0x8] =	wrdreg s20  }
0x16: {  	s11 =	simm.s32 $0x100;
	s13 =	simm.s32 $0x180;
	[dreg:$0xa] =	wrdreg s5  }
0x17: {  	s8 =	simm.s32 $0x3;
	s19 =	simm.s32 $0x280;
	[dreg:$0xc] =	wrdreg s0  }
0x18: {  	s25 =	sadd.s32 $0x25800, s2;
	[dreg:$0xe] =	wrdreg s26;
	s26 =	sshrl.u32 @p0 s9, $0x3  }
0x19: {  	s0 =	sshll.u32 @!p0 s12, $0x6;
	s20 =	simm.s32 $0x9;
	s9 =	simm.s32 $0x80  }
0x1a: {  	s5 =	simm.s32 $0x200;
	s18 =	simm.s32 $0x0;
	[dreg:$0xd] =	wrdreg s25  }
0x1b: {  	s2 =	simm.s32 $0x1100;
	s10 =	simm.s32 $0x6;
	[dreg:$0x11] =	wrdreg s18  }
0x1c: {  	s12 =	simm.s32 $0x4;
	s30 =	sor.u32 @!p0 $0x1C09, s0;
	[dreg:$0x10] =	wrdreg s26  }
0x1d: {  	s25 =	simm.s32 $0x4800;
	s0 =	simm.s32 $0x2;
	[dreg:$0xf] =	wrdreg s30  }
.LBB2_1:
0x1e: {  	s18 =	simm.s32 @p0 $0x1FC9;
	s24 =	rddreg [dreg:$0x3]  }
0x1f: {  	[spmem:s26], [sflag:s18] =	dma.local @p0 [hbm:s24], $0x1900  }
0x20: {  	s18 =	simm.s32 @p0 $0x9  }
0x21: {  	_ =	swait.ge @p0 [sflag:s18], $0x1900  }
0x22: {  	[sflag:s18] =	ssyncset.done @p0 $0x0  }
0x23: {  	[sflag:s18] =	ssyncadd.s32 @p0 $0xFFFFE700;
	s18 =	simm.s32 @!p0 $0x9  }
0x24: {  	[spmem:s7], [sflag:s30] =	dma.local @!p0 [hbm:s24], $0x2800  }
0x25: {  	_ =	swait.ge @!p0 [sflag:s18], $0x2800  }
0x26: {  	[sflag:s18] =	ssyncset.done @!p0 $0x0  }
0x27: {  	[sflag:s18] =	ssyncadd.s32 @!p0 $0xFFFFD800  }
0x28: {  	[bflag:$0x0] =	sbarrier.arrive $0xFFFF  }
0x29: {  	s24 =	rddreg [dreg:$0x4]  }
0x2a: {  	[tilespmem:s21], [sflag:$0x9] =	stream.linear.gather [hbm4b:s24+s21], $0x1000, $0x38;
	[tilespmem:$0x1F880] =	vst v63  }
0x2b: {  	_ =	swait.ge [sflag:s20], $0x1000  }
0x2c: {  	[sflag:s20] =	ssyncset.done $0x0  }
0x2d: {  	s26 =	rddreg [dreg:$0x5];
	[sflag:s20] =	ssyncadd.s32 $0xFFFFF000  }
0x2e: {  	[tilespmem:s17], [sflag:$0x9] =	stream.linear.gather [hbm4b:s26+s21], $0x1000, $0x38;
	[tilespmem:$0x1F880] =	vst v63  }
0x2f: {  	_ =	swait.ge [sflag:s20], $0x1000  }
0x30: {  	[sflag:s20] =	ssyncset.done $0x0  }
0x31: {  	[sflag:s20] =	ssyncadd.s32 $0xFFFFF000  }
0x32: {  	[tilespmem:s23], [sflag:$0x1] =	stream.indirect.gather [hbm4b:s4+s22], $0x80, s21, s22, $0xb8;
	[tilespmem:$0x1F880] =	vst v63  }
0x33: {  	_ = 	snop  }
0x34: {  	[tilespmem:s25], [sflag:$0x2] =	stream.indirect.gather [hbm4b:s4+s22], $0x80, s9, s22, $0xb8;
	[tilespmem:$0x1F880] =	vst v63  }
0x35: {  	_ = 	snop  }
0x36: {  	[tilespmem:s28], [sflag:$0x3] =	stream.indirect.gather [hbm4b:s4+s22], $0x80, s11, s22, $0xb8;
	[tilespmem:$0x1F880] =	vst v63  }
0x37: {  	_ =	swait.ge [sflag:s29], $0x2800  }
0x38: {  	[sflag:s29] =	ssyncset.done $0x0  }
0x39: {  	[sflag:s29] =	ssyncadd.s32 $0xFFFFD800  }
0x3a: {  	[spmem:s1] =	stream.indirect.scatter.add.f32 [tilespmem:s23], [sflag:$0x5], $0x80, s17, s22, $0xb8;
	[tilespmem:$0x1F880] =	vst v63  }
0x3b: {  	_ = 	snop  }
0x3c: {  	[tilespmem:s31], [sflag:$0x4] =	stream.indirect.gather [hbm4b:s4+s22], $0x80, s13, s22, $0xb8;
	[tilespmem:$0x1F880] =	vst v63  }
0x3d: {  	_ =	swait.ge [sflag:s0], $0x2800  }
0x3e: {  	[sflag:s0] =	ssyncset.done $0x0  }
0x3f: {  	[sflag:s0] =	ssyncadd.s32 $0xFFFFD800  }
0x40: {  	[spmem:s1] =	stream.indirect.scatter.add.f32 [tilespmem:s25], [sflag:$0x6], $0x80, s15, s22, $0xb8;
	[tilespmem:$0x1F880] =	vst v63  }
0x41: {  	_ =	swait.ge [sflag:s6], $0x2800  }
0x42: {  	[sflag:s6] =	ssyncset.done $0x0  }
0x43: {  	[sflag:s6] =	ssyncadd.s32 $0xFFFFD800  }
0x44: {  	[tilespmem:s23], [sflag:$0x1] =	stream.indirect.gather [hbm4b:s4+s22], $0x80, s5, s22, $0xb8;
	[tilespmem:$0x1F880] =	vst v63  }
0x45: {  	_ =	swait.ge [sflag:s8], $0x2800  }
0x46: {  	[sflag:s8] =	ssyncset.done $0x0  }
0x47: {  	[sflag:s8] =	ssyncadd.s32 $0xFFFFD800  }
0x48: {  	[spmem:s1] =	stream.indirect.scatter.add.f32 [tilespmem:s28], [sflag:$0x7], $0x80, s2, s22, $0xb8;
	[tilespmem:$0x1F880] =	vst v63  }
0x49: {  	_ =	swait.ge [sflag:s10], $0x2800  }
0x4a: {  	[sflag:s10] =	ssyncset.done $0x0  }
0x4b: {  	[sflag:s10] =	ssyncadd.s32 $0xFFFFD800  }
0x4c: {  	[tilespmem:s25], [sflag:$0x2] =	stream.indirect.gather [hbm4b:s4+s22], $0x80, s19, s22, $0xb8;
	[tilespmem:$0x1F880] =	vst v63  }
0x4d: {  	_ =	swait.ge [sflag:s12], $0x2800  }
0x4e: {  	[sflag:s12] =	ssyncset.done $0x0  }
0x4f: {  	s13 =	simm.s32 $0x1180;
	[sflag:s12] =	ssyncadd.s32 $0xFFFFD800  }
0x50: {  	[spmem:s1] =	stream.indirect.scatter.add.f32 [tilespmem:s31], [sflag:$0x8], $0x80, s13, s22, $0xb8;
	[tilespmem:$0x1F880] =	vst v63  }
0x51: {  	_ =	swait.ge [sflag:s14], $0x2800  }
0x52: {  	[sflag:s14] =	ssyncset.done $0x0  }
0x53: {  	[sflag:s14] =	ssyncadd.s32 $0xFFFFD800  }
0x54: {  	[tilespmem:s28], [sflag:$0x3] =	stream.indirect.gather [hbm4b:s4+s22], $0x80, s3, s22, $0xb8;
	[tilespmem:$0x1F880] =	vst v63  }
0x55: {  	_ =	swait.ge [sflag:s29], $0x2800  }
0x56: {  	[sflag:s29] =	ssyncset.done $0x0  }
0x57: {  	s15 =	simm.s32 $0x1200;
	[sflag:s29] =	ssyncadd.s32 $0xFFFFD800  }
0x58: {  	[spmem:s1] =	stream.indirect.scatter.add.f32 [tilespmem:s23], [sflag:$0x5], $0x80, s15, s22, $0xb8;
	[tilespmem:$0x1F880] =	vst v63  }
0x59: {  	_ =	swait.ge [sflag:s16], $0x2800  }
0x5a: {  	[sflag:s16] =	ssyncset.done $0x0  }
0x5b: {  	s17 =	simm.s32 $0x380;
	[sflag:s16] =	ssyncadd.s32 $0xFFFFD800  }
0x5c: {  	[tilespmem:s31], [sflag:$0x4] =	stream.indirect.gather [hbm4b:s4+s22], $0x80, s17, s22, $0xb8;
	[tilespmem:$0x1F880] =	vst v63  }
0x5d: {  	_ =	swait.ge [sflag:s0], $0x2800  }
0x5e: {  	[sflag:s0] =	ssyncset.done $0x0  }
0x5f: {  	s19 =	simm.s32 $0x1280;
	[sflag:s0] =	ssyncadd.s32 $0xFFFFD800  }
0x60: {  	[spmem:s1] =	stream.indirect.scatter.add.f32 [tilespmem:s25], [sflag:$0x6], $0x80, s19, s22, $0xb8;
	[tilespmem:$0x1F880] =	vst v63  }
0x61: {  	_ =	swait.ge [sflag:s6], $0x2800  }
0x62: {  	[sflag:s6] =	ssyncset.done $0x0  }
0x63: {  	s20 =	simm.s32 $0x400;
	[sflag:s6] =	ssyncadd.s32 $0xFFFFD800  }
0x64: {  	[tilespmem:s23], [sflag:$0x1] =	stream.indirect.gather [hbm4b:s4+s22], $0x80, s20, s22, $0xb8;
	[tilespmem:$0x1F880] =	vst v63  }
0x65: {  	_ =	swait.ge [sflag:s8], $0x2800  }
0x66: {  	[sflag:s8] =	ssyncset.done $0x0  }
0x67: {  	s21 =	simm.s32 $0x1300;
	[sflag:s8] =	ssyncadd.s32 $0xFFFFD800  }
0x68: {  	[spmem:s1] =	stream.indirect.scatter.add.f32 [tilespmem:s28], [sflag:$0x7], $0x80, s21, s22, $0xb8;
	[tilespmem:$0x1F880] =	vst v63  }
0x69: {  	_ =	swait.ge [sflag:s10], $0x2800  }
0x6a: {  	[sflag:s10] =	ssyncset.done $0x0  }
0x6b: {  	s30 =	simm.s32 $0x80;
	s24 =	simm.s32 $0x480;
	[sflag:s10] =	ssyncadd.s32 $0xFFFFD800  }
0x6c: {  	[tilespmem:s25], [sflag:$0x2] =	stream.indirect.gather [hbm4b:s4+s22], $0x80, s24, s22, $0xb8;
	[tilespmem:$0x1F880] =	vst v63  }
0x6d: {  	s18 =	simm.s32 $0x500;
	s26 =	simm.s32 $0x1380;
	_ =	swait.ge [sflag:s12], $0x2800  }
0x6e: {  	s9 =	simm.s32 $0x100;
	s11 =	simm.s32 $0x180;
	[sflag:s12] =	ssyncset.done $0x0  }
0x6f: {  	s5 =	simm.s32 $0x1100;
	s2 =	simm.s32 $0x280;
	[sflag:s12] =	ssyncadd.s32 $0xFFFFD800  }
0x70: {  	[spmem:s1] =	stream.indirect.scatter.add.f32 [tilespmem:s31], [sflag:$0x8], $0x80, s26, s22, $0xb8;
	[tilespmem:$0x1F880] =	vst v63  }
0x71: {  	s13 =	simm.s32 $0x1080;
	s15 =	simm.s32 $0x200;
	_ =	swait.ge [sflag:s14], $0x2800  }
0x72: {  	s17 =	simm.s32 $0x300;
	s19 =	simm.s32 $0x1180;
	[sflag:s14] =	ssyncset.done $0x0  }
0x73: {  	s21 =	simm.s32 $0x1000;
	s24 =	simm.s32 $0x800;
	[sflag:s14] =	ssyncadd.s32 $0xFFFFD800  }
.LBB2_2:
0x74: {  	[tilespmem:s28], [sflag:$0x3] =	stream.indirect.gather [hbm4b:s4+s22], $0x80, s18, s22, $0xb8;
	[tilespmem:$0x1F880] =	vst v63  }
0x75: {  	s18 =	smov.u32 s24  }
0x76: {  	p1 =	sne.s32 s24, $0x2800;
	s24 =	sadd.s32 $0x800, s24;
	_ =	swait.ge [sflag:s29], $0x2800  }
0x77: {  	s18 =	sshra.s32 s18, $0x2;
	[sflag:s29] =	ssyncset.done $0x0  }
0x78: {  	s26 =	sadd.s32 $0x1200, s18;
	[sflag:s29] =	ssyncadd.s32 $0xFFFFD800  }
0x79: {  	[spmem:s1] =	stream.indirect.scatter.add.f32 [tilespmem:s23], [sflag:$0x5], $0x80, s26, s22, $0xb8;
	[tilespmem:$0x1F880] =	vst v63  }
0x7a: {  	_ =	swait.ge [sflag:s16], $0x2800  }
0x7b: {  	[sflag:s16] =	ssyncset.done $0x0  }
0x7c: {  	s26 =	sadd.s32 $0x380, s18;
	[sflag:s16] =	ssyncadd.s32 $0xFFFFD800  }
0x7d: {  	[tilespmem:s31], [sflag:$0x4] =	stream.indirect.gather [hbm4b:s4+s22], $0x80, s26, s22, $0xb8;
	[tilespmem:$0x1F880] =	vst v63  }
0x7e: {  	_ =	swait.ge [sflag:s0], $0x2800  }
0x7f: {  	[sflag:s0] =	ssyncset.done $0x0  }
0x80: {  	s26 =	sadd.s32 $0x1280, s18;
	[sflag:s0] =	ssyncadd.s32 $0xFFFFD800  }
0x81: {  	[spmem:s1] =	stream.indirect.scatter.add.f32 [tilespmem:s25], [sflag:$0x6], $0x80, s26, s22, $0xb8;
	[tilespmem:$0x1F880] =	vst v63  }
0x82: {  	_ =	swait.ge [sflag:s6], $0x2800  }
0x83: {  	[sflag:s6] =	ssyncset.done $0x0  }
0x84: {  	s26 =	sadd.s32 $0x400, s18;
	[sflag:s6] =	ssyncadd.s32 $0xFFFFD800  }
0x85: {  	[tilespmem:s23], [sflag:$0x1] =	stream.indirect.gather [hbm4b:s4+s22], $0x80, s26, s22, $0xb8;
	[tilespmem:$0x1F880] =	vst v63  }
0x86: {  	_ =	swait.ge [sflag:s8], $0x2800  }
0x87: {  	[sflag:s8] =	ssyncset.done $0x0  }
0x88: {  	s26 =	sadd.s32 $0x1300, s18;
	[sflag:s8] =	ssyncadd.s32 $0xFFFFD800  }
0x89: {  	[spmem:s1] =	stream.indirect.scatter.add.f32 [tilespmem:s28], [sflag:$0x7], $0x80, s26, s22, $0xb8;
	[tilespmem:$0x1F880] =	vst v63  }
0x8a: {  	_ =	swait.ge [sflag:s10], $0x2800  }
0x8b: {  	[sflag:s10] =	ssyncset.done $0x0  }
0x8c: {  	s26 =	sadd.s32 $0x480, s18;
	[sflag:s10] =	ssyncadd.s32 $0xFFFFD800  }
0x8d: {  	[tilespmem:s25], [sflag:$0x2] =	stream.indirect.gather [hbm4b:s4+s22], $0x80, s26, s22, $0xb8;
	[tilespmem:$0x1F880] =	vst v63  }
0x8e: {  	_ =	swait.ge [sflag:s12], $0x2800  }
0x8f: {  	[sflag:s12] =	ssyncset.done $0x0  }
.Ltmp0:
0x90: {  	s26 =	sadd.s32 $0x1380, s18;
	[sflag:s12] =	ssyncadd.s32 $0xFFFFD800;
	(pc) =	sbr.rel @p1 .LBB2_2-.Ltmp0, $4  }
0x91: {  	[spmem:s1] =	stream.indirect.scatter.add.f32 [tilespmem:s31], [sflag:$0x8], $0x80, s26, s22, $0xb8;
	[tilespmem:$0x1F880] =	vst v63  }
0x92: {  	_ =	swait.ge [sflag:s14], $0x2800  }
0x93: {  	[sflag:s14] =	ssyncset.done $0x0  }
0x94: {  	s18 =	sadd.s32 $0x500, s18;
	[sflag:s14] =	ssyncadd.s32 $0xFFFFD800  }
0x95: {  	[tilespmem:s28], [sflag:$0x3] =	stream.indirect.gather [hbm4b:s4+s22], $0x80, s18, s22, $0xb8;
	[tilespmem:$0x1F880] =	vst v63  }
0x96: {  	_ =	swait.ge [sflag:s29], $0x2800  }
0x97: {  	[sflag:s29] =	ssyncset.done $0x0  }
0x98: {  	s3 =	simm.s32 $0x1E00;
	[sflag:s29] =	ssyncadd.s32 $0xFFFFD800  }
0x99: {  	[spmem:s1] =	stream.indirect.scatter.add.f32 [tilespmem:s23], [sflag:$0x5], $0x80, s3, s22, $0xb8;
	[tilespmem:$0x1F880] =	vst v63  }
0x9a: {  	_ =	swait.ge [sflag:s16], $0x2800  }
0x9b: {  	[sflag:s16] =	ssyncset.done $0x0  }
0x9c: {  	s26 =	simm.s32 $0xF80;
	[sflag:s16] =	ssyncadd.s32 $0xFFFFD800  }
0x9d: {  	[tilespmem:s31], [sflag:$0x4] =	stream.indirect.gather [hbm4b:s4+s22], $0x80, s26, s22, $0xb8;
	[tilespmem:$0x1F880] =	vst v63  }
0x9e: {  	_ =	swait.ge [sflag:s0], $0x2800  }
0x9f: {  	[sflag:s0] =	ssyncset.done $0x0  }
0xa0: {  	s18 =	simm.s32 $0x1E80;
	[sflag:s0] =	ssyncadd.s32 $0xFFFFD800  }
0xa1: {  	[spmem:s1] =	stream.indirect.scatter.add.f32 [tilespmem:s25], [sflag:$0x6], $0x80, s18, s22, $0xb8;
	[tilespmem:$0x1F880] =	vst v63  }
0xa2: {  	_ =	swait.ge [sflag:s8], $0x2800  }
0xa3: {  	[sflag:s8] =	ssyncset.done $0x0  }
0xa4: {  	s20 =	simm.s32 $0x1F00;
	[sflag:s8] =	ssyncadd.s32 $0xFFFFD800  }
0xa5: {  	[spmem:s1] =	stream.indirect.scatter.add.f32 [tilespmem:s28], [sflag:$0x7], $0x80, s20, s22, $0xb8;
	[tilespmem:$0x1F880] =	vst v63  }
0xa6: {  	_ =	swait.ge [sflag:s12], $0x2800  }
0xa7: {  	[sflag:s12] =	ssyncset.done $0x0  }
0xa8: {  	s24 =	simm.s32 $0x1F80;
	[sflag:s12] =	ssyncadd.s32 $0xFFFFD800  }
0xa9: {  	[spmem:s1] =	stream.indirect.scatter.add.f32 [tilespmem:s31], [sflag:$0x8], $0x80, s24, s22, $0xb8;
	[tilespmem:$0x1F880] =	vst v63  }
0xaa: {  	_ =	swait.ge [sflag:s6], $0x2800  }
0xab: {  	[sflag:s6] =	ssyncset.done $0x0  }
0xac: {  	[sflag:s6] =	ssyncadd.s32 $0xFFFFD800  }
0xad: {  	_ =	swait.ge [sflag:s10], $0x2800  }
0xae: {  	[sflag:s10] =	ssyncset.done $0x0  }
0xaf: {  	[sflag:s10] =	ssyncadd.s32 $0xFFFFD800  }
0xb0: {  	_ =	swait.ge [sflag:s14], $0x2800  }
0xb1: {  	[sflag:s14] =	ssyncset.done $0x0  }
0xb2: {  	[sflag:s14] =	ssyncadd.s32 $0xFFFFD800  }
0xb3: {  	_ =	swait.ge [sflag:s16], $0x2800  }
0xb4: {  	s26 =	simm.s32 $0x0;
	[sflag:s16] =	ssyncset.done $0x0  }
0xb5: {  	s20 =	simm.s32 $0x9;
	s24 =	rddreg [dreg:$0x6];
	[sflag:s16] =	ssyncadd.s32 $0xFFFFD800  }
0xb6: {  	[tilespmem:s26], [sflag:$0x9] =	stream.linear.gather [hbm4b:s24+s26], $0x1000, $0x38;
	[tilespmem:$0x1F880] =	vst v63  }
0xb7: {  	_ =	swait.ge [sflag:s20], $0x1000  }
0xb8: {  	[sflag:s20] =	ssyncset.done $0x0  }
0xb9: {  	s3 =	rddreg [dreg:$0x7];
	[sflag:s20] =	ssyncadd.s32 $0xFFFFF000  }
0xba: {  	[tilespmem:s21], [sflag:$0x9] =	stream.linear.gather [hbm4b:s3+s26], $0x1000, $0x38;
	[tilespmem:$0x1F880] =	vst v63  }
0xbb: {  	_ =	swait.ge [sflag:s20], $0x1000  }
0xbc: {  	[sflag:s20] =	ssyncset.done $0x0  }
0xbd: {  	[sflag:s20] =	ssyncadd.s32 $0xFFFFF000  }
0xbe: {  	[tilespmem:s23], [sflag:$0x1] =	stream.indirect.gather [hbm4b:s4+s22], $0x80, s26, s22, $0xb8;
	[tilespmem:$0x1F880] =	vst v63  }
0xbf: {  	_ = 	snop  }
0xc0: {  	[tilespmem:s25], [sflag:$0x2] =	stream.indirect.gather [hbm4b:s4+s22], $0x80, s30, s22, $0xb8;
	[tilespmem:$0x1F880] =	vst v63  }
0xc1: {  	_ = 	snop  }
0xc2: {  	[tilespmem:s28], [sflag:$0x3] =	stream.indirect.gather [hbm4b:s4+s22], $0x80, s9, s22, $0xb8;
	[tilespmem:$0x1F880] =	vst v63  }
0xc3: {  	_ =	swait.ge [sflag:s29], $0x2800  }
0xc4: {  	[sflag:s29] =	ssyncset.done $0x0  }
0xc5: {  	[sflag:s29] =	ssyncadd.s32 $0xFFFFD800  }
0xc6: {  	[spmem:s1] =	stream.indirect.scatter.add.f32 [tilespmem:s23], [sflag:$0x5], $0x80, s21, s22, $0xb8;
	[tilespmem:$0x1F880] =	vst v63  }
0xc7: {  	_ = 	snop  }
0xc8: {  	[tilespmem:s31], [sflag:$0x4] =	stream.indirect.gather [hbm4b:s4+s22], $0x80, s11, s22, $0xb8;
	[tilespmem:$0x1F880] =	vst v63  }
0xc9: {  	_ =	swait.ge [sflag:s0], $0x2800  }
0xca: {  	[sflag:s0] =	ssyncset.done $0x0  }
0xcb: {  	[sflag:s0] =	ssyncadd.s32 $0xFFFFD800  }
0xcc: {  	[spmem:s1] =	stream.indirect.scatter.add.f32 [tilespmem:s25], [sflag:$0x6], $0x80, s13, s22, $0xb8;
	[tilespmem:$0x1F880] =	vst v63  }
0xcd: {  	_ =	swait.ge [sflag:s6], $0x2800  }
0xce: {  	[sflag:s6] =	ssyncset.done $0x0  }
0xcf: {  	[sflag:s6] =	ssyncadd.s32 $0xFFFFD800  }
0xd0: {  	[tilespmem:s23], [sflag:$0x1] =	stream.indirect.gather [hbm4b:s4+s22], $0x80, s15, s22, $0xb8;
	[tilespmem:$0x1F880] =	vst v63  }
0xd1: {  	_ =	swait.ge [sflag:s8], $0x2800  }
0xd2: {  	[sflag:s8] =	ssyncset.done $0x0  }
0xd3: {  	[sflag:s8] =	ssyncadd.s32 $0xFFFFD800  }
0xd4: {  	[spmem:s1] =	stream.indirect.scatter.add.f32 [tilespmem:s28], [sflag:$0x7], $0x80, s5, s22, $0xb8;
	[tilespmem:$0x1F880] =	vst v63  }
0xd5: {  	_ =	swait.ge [sflag:s10], $0x2800  }
0xd6: {  	[sflag:s10] =	ssyncset.done $0x0  }
0xd7: {  	[sflag:s10] =	ssyncadd.s32 $0xFFFFD800  }
0xd8: {  	[tilespmem:s25], [sflag:$0x2] =	stream.indirect.gather [hbm4b:s4+s22], $0x80, s2, s22, $0xb8;
	[tilespmem:$0x1F880] =	vst v63  }
0xd9: {  	_ =	swait.ge [sflag:s12], $0x2800  }
0xda: {  	[sflag:s12] =	ssyncset.done $0x0  }
0xdb: {  	[sflag:s12] =	ssyncadd.s32 $0xFFFFD800  }
0xdc: {  	[spmem:s1] =	stream.indirect.scatter.add.f32 [tilespmem:s31], [sflag:$0x8], $0x80, s19, s22, $0xb8;
	[tilespmem:$0x1F880] =	vst v63  }
0xdd: {  	_ =	swait.ge [sflag:s14], $0x2800  }
0xde: {  	[sflag:s14] =	ssyncset.done $0x0  }
0xdf: {  	[sflag:s14] =	ssyncadd.s32 $0xFFFFD800  }
0xe0: {  	[tilespmem:s28], [sflag:$0x3] =	stream.indirect.gather [hbm4b:s4+s22], $0x80, s17, s22, $0xb8;
	[tilespmem:$0x1F880] =	vst v63  }
0xe1: {  	_ =	swait.ge [sflag:s29], $0x2800  }
0xe2: {  	[sflag:s29] =	ssyncset.done $0x0  }
0xe3: {  	s26 =	simm.s32 $0x1200;
	[sflag:s29] =	ssyncadd.s32 $0xFFFFD800  }
0xe4: {  	[spmem:s1] =	stream.indirect.scatter.add.f32 [tilespmem:s23], [sflag:$0x5], $0x80, s26, s22, $0xb8;
	[tilespmem:$0x1F880] =	vst v63  }
0xe5: {  	_ =	swait.ge [sflag:s16], $0x2800  }
0xe6: {  	[sflag:s16] =	ssyncset.done $0x0  }
0xe7: {  	s3 =	simm.s32 $0x380;
	[sflag:s16] =	ssyncadd.s32 $0xFFFFD800  }
0xe8: {  	[tilespmem:s31], [sflag:$0x4] =	stream.indirect.gather [hbm4b:s4+s22], $0x80, s3, s22, $0xb8;
	[tilespmem:$0x1F880] =	vst v63  }
0xe9: {  	_ =	swait.ge [sflag:s0], $0x2800  }
0xea: {  	[sflag:s0] =	ssyncset.done $0x0  }
0xeb: {  	s24 =	simm.s32 $0x1280;
	[sflag:s0] =	ssyncadd.s32 $0xFFFFD800  }
0xec: {  	[spmem:s1] =	stream.indirect.scatter.add.f32 [tilespmem:s25], [sflag:$0x6], $0x80, s24, s22, $0xb8;
	[tilespmem:$0x1F880] =	vst v63  }
0xed: {  	_ =	swait.ge [sflag:s6], $0x2800  }
0xee: {  	[sflag:s6] =	ssyncset.done $0x0  }
0xef: {  	s26 =	simm.s32 $0x400;
	[sflag:s6] =	ssyncadd.s32 $0xFFFFD800  }
0xf0: {  	[tilespmem:s23], [sflag:$0x1] =	stream.indirect.gather [hbm4b:s4+s22], $0x80, s26, s22, $0xb8;
	[tilespmem:$0x1F880] =	vst v63  }
0xf1: {  	_ =	swait.ge [sflag:s8], $0x2800  }
0xf2: {  	[sflag:s8] =	ssyncset.done $0x0  }
0xf3: {  	s3 =	simm.s32 $0x1300;
	[sflag:s8] =	ssyncadd.s32 $0xFFFFD800  }
0xf4: {  	[spmem:s1] =	stream.indirect.scatter.add.f32 [tilespmem:s28], [sflag:$0x7], $0x80, s3, s22, $0xb8;
	[tilespmem:$0x1F880] =	vst v63  }
0xf5: {  	_ =	swait.ge [sflag:s10], $0x2800  }
0xf6: {  	[sflag:s10] =	ssyncset.done $0x0  }
0xf7: {  	s24 =	simm.s32 $0x480;
	[sflag:s10] =	ssyncadd.s32 $0xFFFFD800  }
0xf8: {  	[tilespmem:s25], [sflag:$0x2] =	stream.indirect.gather [hbm4b:s4+s22], $0x80, s24, s22, $0xb8;
	[tilespmem:$0x1F880] =	vst v63  }
0xf9: {  	_ =	swait.ge [sflag:s12], $0x2800  }
0xfa: {  	[sflag:s12] =	ssyncset.done $0x0  }
0xfb: {  	s26 =	simm.s32 $0x1380;
	[sflag:s12] =	ssyncadd.s32 $0xFFFFD800  }
0xfc: {  	[spmem:s1] =	stream.indirect.scatter.add.f32 [tilespmem:s31], [sflag:$0x8], $0x80, s26, s22, $0xb8;
	[tilespmem:$0x1F880] =	vst v63  }
0xfd: {  	_ =	swait.ge [sflag:s14], $0x2800  }
0xfe: {  	[sflag:s14] =	ssyncset.done $0x0  }
0xff: {  	s18 =	simm.s32 $0x500;
	s24 =	simm.s32 $0x800;
	[sflag:s14] =	ssyncadd.s32 $0xFFFFD800  }
.LBB2_4:
0x100: {  	[tilespmem:s28], [sflag:$0x3] =	stream.indirect.gather [hbm4b:s4+s22], $0x80, s18, s22, $0xb8;
	[tilespmem:$0x1F880] =	vst v63  }
0x101: {  	s18 =	smov.u32 s24  }
0x102: {  	p1 =	sne.s32 s24, $0x2800;
	s24 =	sadd.s32 $0x800, s24;
	_ =	swait.ge [sflag:s29], $0x2800  }
0x103: {  	s18 =	sshra.s32 s18, $0x2;
	[sflag:s29] =	ssyncset.done $0x0  }
0x104: {  	s26 =	sadd.s32 $0x1200, s18;
	[sflag:s29] =	ssyncadd.s32 $0xFFFFD800  }
0x105: {  	[spmem:s1] =	stream.indirect.scatter.add.f32 [tilespmem:s23], [sflag:$0x5], $0x80, s26, s22, $0xb8;
	[tilespmem:$0x1F880] =	vst v63  }
0x106: {  	_ =	swait.ge [sflag:s16], $0x2800  }
0x107: {  	[sflag:s16] =	ssyncset.done $0x0  }
0x108: {  	s26 =	sadd.s32 $0x380, s18;
	[sflag:s16] =	ssyncadd.s32 $0xFFFFD800  }
0x109: {  	[tilespmem:s31], [sflag:$0x4] =	stream.indirect.gather [hbm4b:s4+s22], $0x80, s26, s22, $0xb8;
	[tilespmem:$0x1F880] =	vst v63  }
0x10a: {  	_ =	swait.ge [sflag:s0], $0x2800  }
0x10b: {  	[sflag:s0] =	ssyncset.done $0x0  }
0x10c: {  	s26 =	sadd.s32 $0x1280, s18;
	[sflag:s0] =	ssyncadd.s32 $0xFFFFD800  }
0x10d: {  	[spmem:s1] =	stream.indirect.scatter.add.f32 [tilespmem:s25], [sflag:$0x6], $0x80, s26, s22, $0xb8;
	[tilespmem:$0x1F880] =	vst v63  }
0x10e: {  	_ =	swait.ge [sflag:s6], $0x2800  }
0x10f: {  	[sflag:s6] =	ssyncset.done $0x0  }
0x110: {  	s26 =	sadd.s32 $0x400, s18;
	[sflag:s6] =	ssyncadd.s32 $0xFFFFD800  }
0x111: {  	[tilespmem:s23], [sflag:$0x1] =	stream.indirect.gather [hbm4b:s4+s22], $0x80, s26, s22, $0xb8;
	[tilespmem:$0x1F880] =	vst v63  }
0x112: {  	_ =	swait.ge [sflag:s8], $0x2800  }
0x113: {  	[sflag:s8] =	ssyncset.done $0x0  }
0x114: {  	s26 =	sadd.s32 $0x1300, s18;
	[sflag:s8] =	ssyncadd.s32 $0xFFFFD800  }
0x115: {  	[spmem:s1] =	stream.indirect.scatter.add.f32 [tilespmem:s28], [sflag:$0x7], $0x80, s26, s22, $0xb8;
	[tilespmem:$0x1F880] =	vst v63  }
0x116: {  	_ =	swait.ge [sflag:s10], $0x2800  }
0x117: {  	[sflag:s10] =	ssyncset.done $0x0  }
0x118: {  	s26 =	sadd.s32 $0x480, s18;
	[sflag:s10] =	ssyncadd.s32 $0xFFFFD800  }
0x119: {  	[tilespmem:s25], [sflag:$0x2] =	stream.indirect.gather [hbm4b:s4+s22], $0x80, s26, s22, $0xb8;
	[tilespmem:$0x1F880] =	vst v63  }
0x11a: {  	_ =	swait.ge [sflag:s12], $0x2800  }
0x11b: {  	[sflag:s12] =	ssyncset.done $0x0  }
.Ltmp1:
0x11c: {  	s26 =	sadd.s32 $0x1380, s18;
	[sflag:s12] =	ssyncadd.s32 $0xFFFFD800;
	(pc) =	sbr.rel @p1 .LBB2_4-.Ltmp1, $4  }
0x11d: {  	[spmem:s1] =	stream.indirect.scatter.add.f32 [tilespmem:s31], [sflag:$0x8], $0x80, s26, s22, $0xb8;
	[tilespmem:$0x1F880] =	vst v63  }
0x11e: {  	_ =	swait.ge [sflag:s14], $0x2800  }
0x11f: {  	[sflag:s14] =	ssyncset.done $0x0  }
0x120: {  	s18 =	sadd.s32 $0x500, s18;
	[sflag:s14] =	ssyncadd.s32 $0xFFFFD800  }
0x121: {  	[tilespmem:s28], [sflag:$0x3] =	stream.indirect.gather [hbm4b:s4+s22], $0x80, s18, s22, $0xb8;
	[tilespmem:$0x1F880] =	vst v63  }
0x122: {  	_ =	swait.ge [sflag:s29], $0x2800  }
0x123: {  	[sflag:s29] =	ssyncset.done $0x0  }
0x124: {  	s3 =	simm.s32 $0x1E00;
	[sflag:s29] =	ssyncadd.s32 $0xFFFFD800  }
0x125: {  	[spmem:s1] =	stream.indirect.scatter.add.f32 [tilespmem:s23], [sflag:$0x5], $0x80, s3, s22, $0xb8;
	[tilespmem:$0x1F880] =	vst v63  }
0x126: {  	_ =	swait.ge [sflag:s16], $0x2800  }
0x127: {  	[sflag:s16] =	ssyncset.done $0x0  }
0x128: {  	s24 =	simm.s32 $0xF80;
	[sflag:s16] =	ssyncadd.s32 $0xFFFFD800  }
0x129: {  	[tilespmem:s31], [sflag:$0x4] =	stream.indirect.gather [hbm4b:s4+s22], $0x80, s24, s22, $0xb8;
	[tilespmem:$0x1F880] =	vst v63  }
0x12a: {  	_ =	swait.ge [sflag:s0], $0x2800  }
0x12b: {  	[sflag:s0] =	ssyncset.done $0x0  }
0x12c: {  	s26 =	simm.s32 $0x1E80;
	[sflag:s0] =	ssyncadd.s32 $0xFFFFD800  }
0x12d: {  	[spmem:s1] =	stream.indirect.scatter.add.f32 [tilespmem:s25], [sflag:$0x6], $0x80, s26, s22, $0xb8;
	[tilespmem:$0x1F880] =	vst v63  }
0x12e: {  	_ =	swait.ge [sflag:s8], $0x2800  }
0x12f: {  	[sflag:s8] =	ssyncset.done $0x0  }
0x130: {  	s18 =	simm.s32 $0x1F00;
	[sflag:s8] =	ssyncadd.s32 $0xFFFFD800  }
0x131: {  	[spmem:s1] =	stream.indirect.scatter.add.f32 [tilespmem:s28], [sflag:$0x7], $0x80, s18, s22, $0xb8;
	[tilespmem:$0x1F880] =	vst v63  }
0x132: {  	_ =	swait.ge [sflag:s12], $0x2800  }
0x133: {  	[sflag:s12] =	ssyncset.done $0x0  }
0x134: {  	s24 =	simm.s32 $0x1F80;
	[sflag:s12] =	ssyncadd.s32 $0xFFFFD800  }
0x135: {  	[spmem:s1] =	stream.indirect.scatter.add.f32 [tilespmem:s31], [sflag:$0x8], $0x80, s24, s22, $0xb8;
	[tilespmem:$0x1F880] =	vst v63  }
0x136: {  	_ =	swait.ge [sflag:s6], $0x2800  }
0x137: {  	[sflag:s6] =	ssyncset.done $0x0  }
0x138: {  	[sflag:s6] =	ssyncadd.s32 $0xFFFFD800  }
0x139: {  	_ =	swait.ge [sflag:s10], $0x2800  }
0x13a: {  	[sflag:s10] =	ssyncset.done $0x0  }
0x13b: {  	[sflag:s10] =	ssyncadd.s32 $0xFFFFD800  }
0x13c: {  	_ =	swait.ge [sflag:s14], $0x2800  }
0x13d: {  	[sflag:s14] =	ssyncset.done $0x0  }
0x13e: {  	[sflag:s14] =	ssyncadd.s32 $0xFFFFD800  }
0x13f: {  	_ =	swait.ge [sflag:s16], $0x2800  }
0x140: {  	[sflag:s16] =	ssyncset.done $0x0  }
0x141: {  	s26 =	simm.s32 $0x0;
	s24 =	rddreg [dreg:$0x8];
	[sflag:s16] =	ssyncadd.s32 $0xFFFFD800  }
0x142: {  	[tilespmem:s26], [sflag:$0x9] =	stream.linear.gather [hbm4b:s24+s26], $0x1000, $0x38;
	[tilespmem:$0x1F880] =	vst v63  }
0x143: {  	_ =	swait.ge [sflag:s20], $0x1000  }
0x144: {  	[sflag:s20] =	ssyncset.done $0x0  }
0x145: {  	s3 =	rddreg [dreg:$0x9];
	[sflag:s20] =	ssyncadd.s32 $0xFFFFF000  }
0x146: {  	[tilespmem:s21], [sflag:$0x9] =	stream.linear.gather [hbm4b:s3+s26], $0x1000, $0x38;
	[tilespmem:$0x1F880] =	vst v63  }
0x147: {  	_ =	swait.ge [sflag:s20], $0x1000  }
0x148: {  	[sflag:s20] =	ssyncset.done $0x0  }
0x149: {  	[sflag:s20] =	ssyncadd.s32 $0xFFFFF000  }
0x14a: {  	[tilespmem:s23], [sflag:$0x1] =	stream.indirect.gather [hbm4b:s4+s22], $0x80, s26, s22, $0xb8;
	[tilespmem:$0x1F880] =	vst v63  }
0x14b: {  	_ = 	snop  }
0x14c: {  	[tilespmem:s25], [sflag:$0x2] =	stream.indirect.gather [hbm4b:s4+s22], $0x80, s30, s22, $0xb8;
	[tilespmem:$0x1F880] =	vst v63  }
0x14d: {  	_ = 	snop  }
0x14e: {  	[tilespmem:s28], [sflag:$0x3] =	stream.indirect.gather [hbm4b:s4+s22], $0x80, s9, s22, $0xb8;
	[tilespmem:$0x1F880] =	vst v63  }
0x14f: {  	_ =	swait.ge [sflag:s29], $0x2800  }
0x150: {  	[sflag:s29] =	ssyncset.done $0x0  }
0x151: {  	[sflag:s29] =	ssyncadd.s32 $0xFFFFD800  }
0x152: {  	[spmem:s1] =	stream.indirect.scatter.add.f32 [tilespmem:s23], [sflag:$0x5], $0x80, s21, s22, $0xb8;
	[tilespmem:$0x1F880] =	vst v63  }
0x153: {  	_ = 	snop  }
0x154: {  	[tilespmem:s31], [sflag:$0x4] =	stream.indirect.gather [hbm4b:s4+s22], $0x80, s11, s22, $0xb8;
	[tilespmem:$0x1F880] =	vst v63  }
0x155: {  	_ =	swait.ge [sflag:s0], $0x2800  }
0x156: {  	[sflag:s0] =	ssyncset.done $0x0  }
0x157: {  	[sflag:s0] =	ssyncadd.s32 $0xFFFFD800  }
0x158: {  	[spmem:s1] =	stream.indirect.scatter.add.f32 [tilespmem:s25], [sflag:$0x6], $0x80, s13, s22, $0xb8;
	[tilespmem:$0x1F880] =	vst v63  }
0x159: {  	_ =	swait.ge [sflag:s6], $0x2800  }
0x15a: {  	[sflag:s6] =	ssyncset.done $0x0  }
0x15b: {  	[sflag:s6] =	ssyncadd.s32 $0xFFFFD800  }
0x15c: {  	[tilespmem:s23], [sflag:$0x1] =	stream.indirect.gather [hbm4b:s4+s22], $0x80, s15, s22, $0xb8;
	[tilespmem:$0x1F880] =	vst v63  }
0x15d: {  	_ =	swait.ge [sflag:s8], $0x2800  }
0x15e: {  	[sflag:s8] =	ssyncset.done $0x0  }
0x15f: {  	[sflag:s8] =	ssyncadd.s32 $0xFFFFD800  }
0x160: {  	[spmem:s1] =	stream.indirect.scatter.add.f32 [tilespmem:s28], [sflag:$0x7], $0x80, s5, s22, $0xb8;
	[tilespmem:$0x1F880] =	vst v63  }
0x161: {  	_ =	swait.ge [sflag:s10], $0x2800  }
0x162: {  	[sflag:s10] =	ssyncset.done $0x0  }
0x163: {  	[sflag:s10] =	ssyncadd.s32 $0xFFFFD800  }
0x164: {  	[tilespmem:s25], [sflag:$0x2] =	stream.indirect.gather [hbm4b:s4+s22], $0x80, s2, s22, $0xb8;
	[tilespmem:$0x1F880] =	vst v63  }
0x165: {  	_ =	swait.ge [sflag:s12], $0x2800  }
0x166: {  	[sflag:s12] =	ssyncset.done $0x0  }
0x167: {  	[sflag:s12] =	ssyncadd.s32 $0xFFFFD800  }
0x168: {  	[spmem:s1] =	stream.indirect.scatter.add.f32 [tilespmem:s31], [sflag:$0x8], $0x80, s19, s22, $0xb8;
	[tilespmem:$0x1F880] =	vst v63  }
0x169: {  	_ =	swait.ge [sflag:s14], $0x2800  }
0x16a: {  	[sflag:s14] =	ssyncset.done $0x0  }
0x16b: {  	[sflag:s14] =	ssyncadd.s32 $0xFFFFD800  }
0x16c: {  	[tilespmem:s28], [sflag:$0x3] =	stream.indirect.gather [hbm4b:s4+s22], $0x80, s17, s22, $0xb8;
	[tilespmem:$0x1F880] =	vst v63  }
0x16d: {  	_ =	swait.ge [sflag:s29], $0x2800  }
0x16e: {  	[sflag:s29] =	ssyncset.done $0x0  }
0x16f: {  	s26 =	simm.s32 $0x1200;
	[sflag:s29] =	ssyncadd.s32 $0xFFFFD800  }
0x170: {  	[spmem:s1] =	stream.indirect.scatter.add.f32 [tilespmem:s23], [sflag:$0x5], $0x80, s26, s22, $0xb8;
	[tilespmem:$0x1F880] =	vst v63  }
0x171: {  	_ =	swait.ge [sflag:s16], $0x2800  }
0x172: {  	[sflag:s16] =	ssyncset.done $0x0  }
0x173: {  	s3 =	simm.s32 $0x380;
	[sflag:s16] =	ssyncadd.s32 $0xFFFFD800  }
0x174: {  	[tilespmem:s31], [sflag:$0x4] =	stream.indirect.gather [hbm4b:s4+s22], $0x80, s3, s22, $0xb8;
	[tilespmem:$0x1F880] =	vst v63  }
0x175: {  	_ =	swait.ge [sflag:s0], $0x2800  }
0x176: {  	[sflag:s0] =	ssyncset.done $0x0  }
0x177: {  	s24 =	simm.s32 $0x1280;
	[sflag:s0] =	ssyncadd.s32 $0xFFFFD800  }
0x178: {  	[spmem:s1] =	stream.indirect.scatter.add.f32 [tilespmem:s25], [sflag:$0x6], $0x80, s24, s22, $0xb8;
	[tilespmem:$0x1F880] =	vst v63  }
0x179: {  	_ =	swait.ge [sflag:s6], $0x2800  }
0x17a: {  	[sflag:s6] =	ssyncset.done $0x0  }
0x17b: {  	s26 =	simm.s32 $0x400;
	[sflag:s6] =	ssyncadd.s32 $0xFFFFD800  }
0x17c: {  	[tilespmem:s23], [sflag:$0x1] =	stream.indirect.gather [hbm4b:s4+s22], $0x80, s26, s22, $0xb8;
	[tilespmem:$0x1F880] =	vst v63  }
0x17d: {  	_ =	swait.ge [sflag:s8], $0x2800  }
0x17e: {  	[sflag:s8] =	ssyncset.done $0x0  }
0x17f: {  	s3 =	simm.s32 $0x1300;
	[sflag:s8] =	ssyncadd.s32 $0xFFFFD800  }
0x180: {  	[spmem:s1] =	stream.indirect.scatter.add.f32 [tilespmem:s28], [sflag:$0x7], $0x80, s3, s22, $0xb8;
	[tilespmem:$0x1F880] =	vst v63  }
0x181: {  	_ =	swait.ge [sflag:s10], $0x2800  }
0x182: {  	[sflag:s10] =	ssyncset.done $0x0  }
0x183: {  	s24 =	simm.s32 $0x480;
	[sflag:s10] =	ssyncadd.s32 $0xFFFFD800  }
0x184: {  	[tilespmem:s25], [sflag:$0x2] =	stream.indirect.gather [hbm4b:s4+s22], $0x80, s24, s22, $0xb8;
	[tilespmem:$0x1F880] =	vst v63  }
0x185: {  	_ =	swait.ge [sflag:s12], $0x2800  }
0x186: {  	[sflag:s12] =	ssyncset.done $0x0  }
0x187: {  	s26 =	simm.s32 $0x1380;
	[sflag:s12] =	ssyncadd.s32 $0xFFFFD800  }
0x188: {  	[spmem:s1] =	stream.indirect.scatter.add.f32 [tilespmem:s31], [sflag:$0x8], $0x80, s26, s22, $0xb8;
	[tilespmem:$0x1F880] =	vst v63  }
0x189: {  	_ =	swait.ge [sflag:s14], $0x2800  }
0x18a: {  	s18 =	simm.s32 $0x500;
	[sflag:s14] =	ssyncset.done $0x0  }
0x18b: {  	s3 =	simm.s32 $0x0;
	s24 =	simm.s32 $0x800;
	[sflag:s14] =	ssyncadd.s32 $0xFFFFD800  }
.LBB2_6:
0x18c: {  	[tilespmem:s28], [sflag:$0x3] =	stream.indirect.gather [hbm4b:s4+s22], $0x80, s18, s22, $0xb8;
	[tilespmem:$0x1F880] =	vst v63  }
0x18d: {  	s18 =	smov.u32 s24  }
0x18e: {  	p1 =	sne.s32 s24, $0x2800;
	s24 =	sadd.s32 $0x800, s24;
	_ =	swait.ge [sflag:s29], $0x2800  }
0x18f: {  	s18 =	sshra.s32 s18, $0x2;
	[sflag:s29] =	ssyncset.done $0x0  }
0x190: {  	s26 =	sadd.s32 $0x1200, s18;
	[sflag:s29] =	ssyncadd.s32 $0xFFFFD800  }
0x191: {  	[spmem:s1] =	stream.indirect.scatter.add.f32 [tilespmem:s23], [sflag:$0x5], $0x80, s26, s22, $0xb8;
	[tilespmem:$0x1F880] =	vst v63  }
0x192: {  	_ =	swait.ge [sflag:s16], $0x2800  }
0x193: {  	[sflag:s16] =	ssyncset.done $0x0  }
0x194: {  	s26 =	sadd.s32 $0x380, s18;
	[sflag:s16] =	ssyncadd.s32 $0xFFFFD800  }
0x195: {  	[tilespmem:s31], [sflag:$0x4] =	stream.indirect.gather [hbm4b:s4+s22], $0x80, s26, s22, $0xb8;
	[tilespmem:$0x1F880] =	vst v63  }
0x196: {  	_ =	swait.ge [sflag:s0], $0x2800  }
0x197: {  	[sflag:s0] =	ssyncset.done $0x0  }
0x198: {  	s26 =	sadd.s32 $0x1280, s18;
	[sflag:s0] =	ssyncadd.s32 $0xFFFFD800  }
0x199: {  	[spmem:s1] =	stream.indirect.scatter.add.f32 [tilespmem:s25], [sflag:$0x6], $0x80, s26, s22, $0xb8;
	[tilespmem:$0x1F880] =	vst v63  }
0x19a: {  	_ =	swait.ge [sflag:s6], $0x2800  }
0x19b: {  	[sflag:s6] =	ssyncset.done $0x0  }
0x19c: {  	s26 =	sadd.s32 $0x400, s18;
	[sflag:s6] =	ssyncadd.s32 $0xFFFFD800  }
0x19d: {  	[tilespmem:s23], [sflag:$0x1] =	stream.indirect.gather [hbm4b:s4+s22], $0x80, s26, s22, $0xb8;
	[tilespmem:$0x1F880] =	vst v63  }
0x19e: {  	_ =	swait.ge [sflag:s8], $0x2800  }
0x19f: {  	[sflag:s8] =	ssyncset.done $0x0  }
0x1a0: {  	s26 =	sadd.s32 $0x1300, s18;
	[sflag:s8] =	ssyncadd.s32 $0xFFFFD800  }
0x1a1: {  	[spmem:s1] =	stream.indirect.scatter.add.f32 [tilespmem:s28], [sflag:$0x7], $0x80, s26, s22, $0xb8;
	[tilespmem:$0x1F880] =	vst v63  }
0x1a2: {  	_ =	swait.ge [sflag:s10], $0x2800  }
0x1a3: {  	[sflag:s10] =	ssyncset.done $0x0  }
0x1a4: {  	s26 =	sadd.s32 $0x480, s18;
	[sflag:s10] =	ssyncadd.s32 $0xFFFFD800  }
0x1a5: {  	[tilespmem:s25], [sflag:$0x2] =	stream.indirect.gather [hbm4b:s4+s22], $0x80, s26, s22, $0xb8;
	[tilespmem:$0x1F880] =	vst v63  }
0x1a6: {  	_ =	swait.ge [sflag:s12], $0x2800  }
0x1a7: {  	[sflag:s12] =	ssyncset.done $0x0  }
.Ltmp2:
0x1a8: {  	s26 =	sadd.s32 $0x1380, s18;
	[sflag:s12] =	ssyncadd.s32 $0xFFFFD800;
	(pc) =	sbr.rel @p1 .LBB2_6-.Ltmp2, $4  }
0x1a9: {  	[spmem:s1] =	stream.indirect.scatter.add.f32 [tilespmem:s31], [sflag:$0x8], $0x80, s26, s22, $0xb8;
	[tilespmem:$0x1F880] =	vst v63  }
0x1aa: {  	_ =	swait.ge [sflag:s14], $0x2800  }
0x1ab: {  	[sflag:s14] =	ssyncset.done $0x0  }
0x1ac: {  	s18 =	sadd.s32 $0x500, s18;
	[sflag:s14] =	ssyncadd.s32 $0xFFFFD800  }
0x1ad: {  	[tilespmem:s28], [sflag:$0x3] =	stream.indirect.gather [hbm4b:s4+s22], $0x80, s18, s22, $0xb8;
	[tilespmem:$0x1F880] =	vst v63  }
0x1ae: {  	_ =	swait.ge [sflag:s29], $0x2800  }
0x1af: {  	[sflag:s29] =	ssyncset.done $0x0  }
0x1b0: {  	s24 =	simm.s32 $0x1E00;
	[sflag:s29] =	ssyncadd.s32 $0xFFFFD800  }
0x1b1: {  	[spmem:s1] =	stream.indirect.scatter.add.f32 [tilespmem:s23], [sflag:$0x5], $0x80, s24, s22, $0xb8;
	[tilespmem:$0x1F880] =	vst v63  }
0x1b2: {  	_ =	swait.ge [sflag:s16], $0x2800  }
0x1b3: {  	[sflag:s16] =	ssyncset.done $0x0  }
0x1b4: {  	s26 =	simm.s32 $0xF80;
	[sflag:s16] =	ssyncadd.s32 $0xFFFFD800  }
0x1b5: {  	[tilespmem:s31], [sflag:$0x4] =	stream.indirect.gather [hbm4b:s4+s22], $0x80, s26, s22, $0xb8;
	[tilespmem:$0x1F880] =	vst v63  }
0x1b6: {  	_ =	swait.ge [sflag:s0], $0x2800  }
0x1b7: {  	[sflag:s0] =	ssyncset.done $0x0  }
0x1b8: {  	s26 =	simm.s32 $0x1E80;
	[sflag:s0] =	ssyncadd.s32 $0xFFFFD800  }
0x1b9: {  	[spmem:s1] =	stream.indirect.scatter.add.f32 [tilespmem:s25], [sflag:$0x6], $0x80, s26, s22, $0xb8;
	[tilespmem:$0x1F880] =	vst v63  }
0x1ba: {  	_ =	swait.ge [sflag:s8], $0x2800  }
0x1bb: {  	[sflag:s8] =	ssyncset.done $0x0  }
0x1bc: {  	s26 =	simm.s32 $0x1F00;
	[sflag:s8] =	ssyncadd.s32 $0xFFFFD800  }
0x1bd: {  	[spmem:s1] =	stream.indirect.scatter.add.f32 [tilespmem:s28], [sflag:$0x7], $0x80, s26, s22, $0xb8;
	[tilespmem:$0x1F880] =	vst v63  }
0x1be: {  	_ =	swait.ge [sflag:s12], $0x2800  }
0x1bf: {  	[sflag:s12] =	ssyncset.done $0x0  }
0x1c0: {  	s26 =	simm.s32 $0x1F80;
	[sflag:s12] =	ssyncadd.s32 $0xFFFFD800  }
0x1c1: {  	[spmem:s1] =	stream.indirect.scatter.add.f32 [tilespmem:s31], [sflag:$0x8], $0x80, s26, s22, $0xb8;
	[tilespmem:$0x1F880] =	vst v63  }
0x1c2: {  	_ =	swait.ge [sflag:s6], $0x2800  }
0x1c3: {  	[sflag:s6] =	ssyncset.done $0x0  }
0x1c4: {  	[sflag:s6] =	ssyncadd.s32 $0xFFFFD800  }
0x1c5: {  	_ =	swait.ge [sflag:s10], $0x2800  }
0x1c6: {  	[sflag:s10] =	ssyncset.done $0x0  }
0x1c7: {  	[sflag:s10] =	ssyncadd.s32 $0xFFFFD800  }
0x1c8: {  	_ =	swait.ge [sflag:s14], $0x2800  }
0x1c9: {  	[sflag:s14] =	ssyncset.done $0x0  }
0x1ca: {  	[sflag:s14] =	ssyncadd.s32 $0xFFFFD800  }
0x1cb: {  	_ =	swait.ge [sflag:s16], $0x2800  }
0x1cc: {  	[sflag:s16] =	ssyncset.done $0x0  }
0x1cd: {  	s26 =	rddreg [dreg:$0xa];
	[sflag:s16] =	ssyncadd.s32 $0xFFFFD800  }
0x1ce: {  	[tilespmem:s3], [sflag:$0x9] =	stream.linear.gather [hbm4b:s26+s3], $0xE80, $0x38;
	[tilespmem:$0x1F880] =	vst v63  }
0x1cf: {  	_ =	swait.ge [sflag:s20], $0xE80  }
0x1d0: {  	[sflag:s20] =	ssyncset.done $0x0  }
0x1d1: {  	s26 =	rddreg [dreg:$0xb];
	[sflag:s20] =	ssyncadd.s32 $0xFFFFF180  }
0x1d2: {  	[tilespmem:s21], [sflag:$0x9] =	stream.linear.gather [hbm4b:s26+s3], $0xE80, $0x38;
	[tilespmem:$0x1F880] =	vst v63  }
0x1d3: {  	_ =	swait.ge [sflag:s20], $0xE80  }
0x1d4: {  	[sflag:s20] =	ssyncset.done $0x0  }
0x1d5: {  	[sflag:s20] =	ssyncadd.s32 $0xFFFFF180  }
0x1d6: {  	[tilespmem:s23], [sflag:$0x1] =	stream.indirect.gather [hbm4b:s4+s22], $0x80, s3, s22, $0xb8;
	[tilespmem:$0x1F880] =	vst v63  }
0x1d7: {  	_ = 	snop  }
0x1d8: {  	[tilespmem:s25], [sflag:$0x2] =	stream.indirect.gather [hbm4b:s4+s22], $0x80, s30, s22, $0xb8;
	[tilespmem:$0x1F880] =	vst v63  }
0x1d9: {  	_ = 	snop  }
0x1da: {  	[tilespmem:s28], [sflag:$0x3] =	stream.indirect.gather [hbm4b:s4+s22], $0x80, s9, s22, $0xb8;
	[tilespmem:$0x1F880] =	vst v63  }
0x1db: {  	_ =	swait.ge [sflag:s29], $0x2800  }
0x1dc: {  	[sflag:s29] =	ssyncset.done $0x0  }
0x1dd: {  	[sflag:s29] =	ssyncadd.s32 $0xFFFFD800  }
0x1de: {  	[spmem:s1] =	stream.indirect.scatter.add.f32 [tilespmem:s23], [sflag:$0x5], $0x80, s21, s22, $0xb8;
	[tilespmem:$0x1F880] =	vst v63  }
0x1df: {  	_ = 	snop  }
0x1e0: {  	[tilespmem:s31], [sflag:$0x4] =	stream.indirect.gather [hbm4b:s4+s22], $0x80, s11, s22, $0xb8;
	[tilespmem:$0x1F880] =	vst v63  }
0x1e1: {  	_ =	swait.ge [sflag:s0], $0x2800  }
0x1e2: {  	[sflag:s0] =	ssyncset.done $0x0  }
0x1e3: {  	[sflag:s0] =	ssyncadd.s32 $0xFFFFD800  }
0x1e4: {  	[spmem:s1] =	stream.indirect.scatter.add.f32 [tilespmem:s25], [sflag:$0x6], $0x80, s13, s22, $0xb8;
	[tilespmem:$0x1F880] =	vst v63  }
0x1e5: {  	_ =	swait.ge [sflag:s6], $0x2800  }
0x1e6: {  	[sflag:s6] =	ssyncset.done $0x0  }
0x1e7: {  	[sflag:s6] =	ssyncadd.s32 $0xFFFFD800  }
0x1e8: {  	[tilespmem:s23], [sflag:$0x1] =	stream.indirect.gather [hbm4b:s4+s22], $0x80, s15, s22, $0xb8;
	[tilespmem:$0x1F880] =	vst v63  }
0x1e9: {  	_ =	swait.ge [sflag:s8], $0x2800  }
0x1ea: {  	[sflag:s8] =	ssyncset.done $0x0  }
0x1eb: {  	[sflag:s8] =	ssyncadd.s32 $0xFFFFD800  }
0x1ec: {  	[spmem:s1] =	stream.indirect.scatter.add.f32 [tilespmem:s28], [sflag:$0x7], $0x80, s5, s22, $0xb8;
	[tilespmem:$0x1F880] =	vst v63  }
0x1ed: {  	_ =	swait.ge [sflag:s10], $0x2800  }
0x1ee: {  	[sflag:s10] =	ssyncset.done $0x0  }
0x1ef: {  	[sflag:s10] =	ssyncadd.s32 $0xFFFFD800  }
0x1f0: {  	[tilespmem:s25], [sflag:$0x2] =	stream.indirect.gather [hbm4b:s4+s22], $0x80, s2, s22, $0xb8;
	[tilespmem:$0x1F880] =	vst v63  }
0x1f1: {  	_ =	swait.ge [sflag:s12], $0x2800  }
0x1f2: {  	[sflag:s12] =	ssyncset.done $0x0  }
0x1f3: {  	[sflag:s12] =	ssyncadd.s32 $0xFFFFD800  }
0x1f4: {  	[spmem:s1] =	stream.indirect.scatter.add.f32 [tilespmem:s31], [sflag:$0x8], $0x80, s19, s22, $0xb8;
	[tilespmem:$0x1F880] =	vst v63  }
0x1f5: {  	_ =	swait.ge [sflag:s14], $0x2800  }
0x1f6: {  	[sflag:s14] =	ssyncset.done $0x0  }
0x1f7: {  	[sflag:s14] =	ssyncadd.s32 $0xFFFFD800  }
0x1f8: {  	[tilespmem:s28], [sflag:$0x3] =	stream.indirect.gather [hbm4b:s4+s22], $0x80, s17, s22, $0xb8;
	[tilespmem:$0x1F880] =	vst v63  }
0x1f9: {  	_ =	swait.ge [sflag:s29], $0x2800  }
0x1fa: {  	[sflag:s29] =	ssyncset.done $0x0  }
0x1fb: {  	s5 =	simm.s32 $0x1200;
	[sflag:s29] =	ssyncadd.s32 $0xFFFFD800  }
0x1fc: {  	[spmem:s1] =	stream.indirect.scatter.add.f32 [tilespmem:s23], [sflag:$0x5], $0x80, s5, s22, $0xb8;
	[tilespmem:$0x1F880] =	vst v63  }
0x1fd: {  	_ =	swait.ge [sflag:s16], $0x2800  }
0x1fe: {  	[sflag:s16] =	ssyncset.done $0x0  }
0x1ff: {  	s9 =	simm.s32 $0x380;
	[sflag:s16] =	ssyncadd.s32 $0xFFFFD800  }
0x200: {  	[tilespmem:s31], [sflag:$0x4] =	stream.indirect.gather [hbm4b:s4+s22], $0x80, s9, s22, $0xb8;
	[tilespmem:$0x1F880] =	vst v63  }
0x201: {  	_ =	swait.ge [sflag:s0], $0x2800  }
0x202: {  	[sflag:s0] =	ssyncset.done $0x0  }
0x203: {  	s11 =	simm.s32 $0x1280;
	[sflag:s0] =	ssyncadd.s32 $0xFFFFD800  }
0x204: {  	[spmem:s1] =	stream.indirect.scatter.add.f32 [tilespmem:s25], [sflag:$0x6], $0x80, s11, s22, $0xb8;
	[tilespmem:$0x1F880] =	vst v63  }
0x205: {  	_ =	swait.ge [sflag:s6], $0x2800  }
0x206: {  	[sflag:s6] =	ssyncset.done $0x0  }
0x207: {  	s13 =	simm.s32 $0x400;
	[sflag:s6] =	ssyncadd.s32 $0xFFFFD800  }
0x208: {  	[tilespmem:s23], [sflag:$0x1] =	stream.indirect.gather [hbm4b:s4+s22], $0x80, s13, s22, $0xb8;
	[tilespmem:$0x1F880] =	vst v63  }
0x209: {  	_ =	swait.ge [sflag:s8], $0x2800  }
0x20a: {  	[sflag:s8] =	ssyncset.done $0x0  }
0x20b: {  	s15 =	simm.s32 $0x1300;
	[sflag:s8] =	ssyncadd.s32 $0xFFFFD800  }
0x20c: {  	[spmem:s1] =	stream.indirect.scatter.add.f32 [tilespmem:s28], [sflag:$0x7], $0x80, s15, s22, $0xb8;
	[tilespmem:$0x1F880] =	vst v63  }
0x20d: {  	_ =	swait.ge [sflag:s10], $0x2800  }
0x20e: {  	[sflag:s10] =	ssyncset.done $0x0  }
0x20f: {  	s17 =	simm.s32 $0x480;
	[sflag:s10] =	ssyncadd.s32 $0xFFFFD800  }
0x210: {  	[tilespmem:s25], [sflag:$0x2] =	stream.indirect.gather [hbm4b:s4+s22], $0x80, s17, s22, $0xb8;
	[tilespmem:$0x1F880] =	vst v63  }
0x211: {  	_ =	swait.ge [sflag:s12], $0x2800  }
0x212: {  	[sflag:s12] =	ssyncset.done $0x0  }
0x213: {  	s18 =	simm.s32 $0x1380;
	[sflag:s12] =	ssyncadd.s32 $0xFFFFD800  }
0x214: {  	[spmem:s1] =	stream.indirect.scatter.add.f32 [tilespmem:s31], [sflag:$0x8], $0x80, s18, s22, $0xb8;
	[tilespmem:$0x1F880] =	vst v63  }
0x215: {  	_ =	swait.ge [sflag:s14], $0x2800  }
0x216: {  	[sflag:s14] =	ssyncset.done $0x0  }
0x217: {  	s19 =	simm.s32 $0x500;
	[sflag:s14] =	ssyncadd.s32 $0xFFFFD800  }
0x218: {  	[tilespmem:s28], [sflag:$0x3] =	stream.indirect.gather [hbm4b:s4+s22], $0x80, s19, s22, $0xb8;
	[tilespmem:$0x1F880] =	vst v63  }
0x219: {  	_ =	swait.ge [sflag:s29], $0x2800  }
0x21a: {  	[sflag:s29] =	ssyncset.done $0x0  }
0x21b: {  	s20 =	simm.s32 $0x1400;
	[sflag:s29] =	ssyncadd.s32 $0xFFFFD800  }
0x21c: {  	[spmem:s1] =	stream.indirect.scatter.add.f32 [tilespmem:s23], [sflag:$0x5], $0x80, s20, s22, $0xb8;
	[tilespmem:$0x1F880] =	vst v63  }
0x21d: {  	_ =	swait.ge [sflag:s16], $0x2800  }
0x21e: {  	[sflag:s16] =	ssyncset.done $0x0  }
0x21f: {  	s21 =	simm.s32 $0x580;
	[sflag:s16] =	ssyncadd.s32 $0xFFFFD800  }
0x220: {  	[tilespmem:s31], [sflag:$0x4] =	stream.indirect.gather [hbm4b:s4+s22], $0x80, s21, s22, $0xb8;
	[tilespmem:$0x1F880] =	vst v63  }
0x221: {  	_ =	swait.ge [sflag:s0], $0x2800  }
0x222: {  	[sflag:s0] =	ssyncset.done $0x0  }
0x223: {  	s26 =	simm.s32 $0x1480;
	[sflag:s0] =	ssyncadd.s32 $0xFFFFD800  }
0x224: {  	[spmem:s1] =	stream.indirect.scatter.add.f32 [tilespmem:s25], [sflag:$0x6], $0x80, s26, s22, $0xb8;
	[tilespmem:$0x1F880] =	vst v63  }
0x225: {  	_ =	swait.ge [sflag:s6], $0x2800  }
0x226: {  	[sflag:s6] =	ssyncset.done $0x0  }
0x227: {  	s3 =	simm.s32 $0x600;
	[sflag:s6] =	ssyncadd.s32 $0xFFFFD800  }
0x228: {  	[tilespmem:s23], [sflag:$0x1] =	stream.indirect.gather [hbm4b:s4+s22], $0x80, s3, s22, $0xb8;
	[tilespmem:$0x1F880] =	vst v63  }
0x229: {  	_ =	swait.ge [sflag:s8], $0x2800  }
0x22a: {  	[sflag:s8] =	ssyncset.done $0x0  }
0x22b: {  	s5 =	simm.s32 $0x1500;
	[sflag:s8] =	ssyncadd.s32 $0xFFFFD800  }
0x22c: {  	[spmem:s1] =	stream.indirect.scatter.add.f32 [tilespmem:s28], [sflag:$0x7], $0x80, s5, s22, $0xb8;
	[tilespmem:$0x1F880] =	vst v63  }
0x22d: {  	_ =	swait.ge [sflag:s10], $0x2800  }
0x22e: {  	[sflag:s10] =	ssyncset.done $0x0  }
0x22f: {  	s9 =	simm.s32 $0x680;
	[sflag:s10] =	ssyncadd.s32 $0xFFFFD800  }
0x230: {  	[tilespmem:s25], [sflag:$0x2] =	stream.indirect.gather [hbm4b:s4+s22], $0x80, s9, s22, $0xb8;
	[tilespmem:$0x1F880] =	vst v63  }
0x231: {  	_ =	swait.ge [sflag:s12], $0x2800  }
0x232: {  	[sflag:s12] =	ssyncset.done $0x0  }
0x233: {  	s11 =	simm.s32 $0x1580;
	[sflag:s12] =	ssyncadd.s32 $0xFFFFD800  }
0x234: {  	[spmem:s1] =	stream.indirect.scatter.add.f32 [tilespmem:s31], [sflag:$0x8], $0x80, s11, s22, $0xb8;
	[tilespmem:$0x1F880] =	vst v63  }
0x235: {  	_ =	swait.ge [sflag:s14], $0x2800  }
0x236: {  	[sflag:s14] =	ssyncset.done $0x0  }
0x237: {  	s13 =	simm.s32 $0x700;
	[sflag:s14] =	ssyncadd.s32 $0xFFFFD800  }
0x238: {  	[tilespmem:s28], [sflag:$0x3] =	stream.indirect.gather [hbm4b:s4+s22], $0x80, s13, s22, $0xb8;
	[tilespmem:$0x1F880] =	vst v63  }
0x239: {  	_ =	swait.ge [sflag:s29], $0x2800  }
0x23a: {  	[sflag:s29] =	ssyncset.done $0x0  }
0x23b: {  	s15 =	simm.s32 $0x1600;
	[sflag:s29] =	ssyncadd.s32 $0xFFFFD800  }
0x23c: {  	[spmem:s1] =	stream.indirect.scatter.add.f32 [tilespmem:s23], [sflag:$0x5], $0x80, s15, s22, $0xb8;
	[tilespmem:$0x1F880] =	vst v63  }
0x23d: {  	_ =	swait.ge [sflag:s16], $0x2800  }
0x23e: {  	[sflag:s16] =	ssyncset.done $0x0  }
0x23f: {  	s17 =	simm.s32 $0x780;
	[sflag:s16] =	ssyncadd.s32 $0xFFFFD800  }
0x240: {  	[tilespmem:s31], [sflag:$0x4] =	stream.indirect.gather [hbm4b:s4+s22], $0x80, s17, s22, $0xb8;
	[tilespmem:$0x1F880] =	vst v63  }
0x241: {  	_ =	swait.ge [sflag:s0], $0x2800  }
0x242: {  	[sflag:s0] =	ssyncset.done $0x0  }
0x243: {  	s18 =	simm.s32 $0x1680;
	[sflag:s0] =	ssyncadd.s32 $0xFFFFD800  }
0x244: {  	[spmem:s1] =	stream.indirect.scatter.add.f32 [tilespmem:s25], [sflag:$0x6], $0x80, s18, s22, $0xb8;
	[tilespmem:$0x1F880] =	vst v63  }
0x245: {  	_ =	swait.ge [sflag:s6], $0x2800  }
0x246: {  	[sflag:s6] =	ssyncset.done $0x0  }
0x247: {  	s19 =	simm.s32 $0x800;
	[sflag:s6] =	ssyncadd.s32 $0xFFFFD800  }
0x248: {  	[tilespmem:s23], [sflag:$0x1] =	stream.indirect.gather [hbm4b:s4+s22], $0x80, s19, s22, $0xb8;
	[tilespmem:$0x1F880] =	vst v63  }
0x249: {  	_ =	swait.ge [sflag:s8], $0x2800  }
0x24a: {  	[sflag:s8] =	ssyncset.done $0x0  }
0x24b: {  	s20 =	simm.s32 $0x1700;
	[sflag:s8] =	ssyncadd.s32 $0xFFFFD800  }
0x24c: {  	[spmem:s1] =	stream.indirect.scatter.add.f32 [tilespmem:s28], [sflag:$0x7], $0x80, s20, s22, $0xb8;
	[tilespmem:$0x1F880] =	vst v63  }
0x24d: {  	_ =	swait.ge [sflag:s10], $0x2800  }
0x24e: {  	[sflag:s10] =	ssyncset.done $0x0  }
0x24f: {  	s21 =	simm.s32 $0x880;
	[sflag:s10] =	ssyncadd.s32 $0xFFFFD800  }
0x250: {  	[tilespmem:s25], [sflag:$0x2] =	stream.indirect.gather [hbm4b:s4+s22], $0x80, s21, s22, $0xb8;
	[tilespmem:$0x1F880] =	vst v63  }
0x251: {  	_ =	swait.ge [sflag:s12], $0x2800  }
0x252: {  	[sflag:s12] =	ssyncset.done $0x0  }
0x253: {  	s26 =	simm.s32 $0x1780;
	[sflag:s12] =	ssyncadd.s32 $0xFFFFD800  }
0x254: {  	[spmem:s1] =	stream.indirect.scatter.add.f32 [tilespmem:s31], [sflag:$0x8], $0x80, s26, s22, $0xb8;
	[tilespmem:$0x1F880] =	vst v63  }
0x255: {  	_ =	swait.ge [sflag:s14], $0x2800  }
0x256: {  	[sflag:s14] =	ssyncset.done $0x0  }
0x257: {  	s3 =	simm.s32 $0x900;
	[sflag:s14] =	ssyncadd.s32 $0xFFFFD800  }
0x258: {  	[tilespmem:s28], [sflag:$0x3] =	stream.indirect.gather [hbm4b:s4+s22], $0x80, s3, s22, $0xb8;
	[tilespmem:$0x1F880] =	vst v63  }
0x259: {  	_ =	swait.ge [sflag:s29], $0x2800  }
0x25a: {  	[sflag:s29] =	ssyncset.done $0x0  }
0x25b: {  	s5 =	simm.s32 $0x1800;
	[sflag:s29] =	ssyncadd.s32 $0xFFFFD800  }
0x25c: {  	[spmem:s1] =	stream.indirect.scatter.add.f32 [tilespmem:s23], [sflag:$0x5], $0x80, s5, s22, $0xb8;
	[tilespmem:$0x1F880] =	vst v63  }
0x25d: {  	_ =	swait.ge [sflag:s16], $0x2800  }
0x25e: {  	[sflag:s16] =	ssyncset.done $0x0  }
0x25f: {  	s9 =	simm.s32 $0x980;
	[sflag:s16] =	ssyncadd.s32 $0xFFFFD800  }
0x260: {  	[tilespmem:s31], [sflag:$0x4] =	stream.indirect.gather [hbm4b:s4+s22], $0x80, s9, s22, $0xb8;
	[tilespmem:$0x1F880] =	vst v63  }
0x261: {  	_ =	swait.ge [sflag:s0], $0x2800  }
0x262: {  	[sflag:s0] =	ssyncset.done $0x0  }
0x263: {  	s11 =	simm.s32 $0x1880;
	[sflag:s0] =	ssyncadd.s32 $0xFFFFD800  }
0x264: {  	[spmem:s1] =	stream.indirect.scatter.add.f32 [tilespmem:s25], [sflag:$0x6], $0x80, s11, s22, $0xb8;
	[tilespmem:$0x1F880] =	vst v63  }
0x265: {  	_ =	swait.ge [sflag:s6], $0x2800  }
0x266: {  	[sflag:s6] =	ssyncset.done $0x0  }
0x267: {  	s13 =	simm.s32 $0xA00;
	[sflag:s6] =	ssyncadd.s32 $0xFFFFD800  }
0x268: {  	[tilespmem:s23], [sflag:$0x1] =	stream.indirect.gather [hbm4b:s4+s22], $0x80, s13, s22, $0xb8;
	[tilespmem:$0x1F880] =	vst v63  }
0x269: {  	_ =	swait.ge [sflag:s8], $0x2800  }
0x26a: {  	[sflag:s8] =	ssyncset.done $0x0  }
0x26b: {  	s15 =	simm.s32 $0x1900;
	[sflag:s8] =	ssyncadd.s32 $0xFFFFD800  }
0x26c: {  	[spmem:s1] =	stream.indirect.scatter.add.f32 [tilespmem:s28], [sflag:$0x7], $0x80, s15, s22, $0xb8;
	[tilespmem:$0x1F880] =	vst v63  }
0x26d: {  	_ =	swait.ge [sflag:s10], $0x2800  }
0x26e: {  	[sflag:s10] =	ssyncset.done $0x0  }
0x26f: {  	s17 =	simm.s32 $0xA80;
	[sflag:s10] =	ssyncadd.s32 $0xFFFFD800  }
0x270: {  	[tilespmem:s25], [sflag:$0x2] =	stream.indirect.gather [hbm4b:s4+s22], $0x80, s17, s22, $0xb8;
	[tilespmem:$0x1F880] =	vst v63  }
0x271: {  	_ =	swait.ge [sflag:s12], $0x2800  }
0x272: {  	[sflag:s12] =	ssyncset.done $0x0  }
0x273: {  	s18 =	simm.s32 $0x1980;
	[sflag:s12] =	ssyncadd.s32 $0xFFFFD800  }
0x274: {  	[spmem:s1] =	stream.indirect.scatter.add.f32 [tilespmem:s31], [sflag:$0x8], $0x80, s18, s22, $0xb8;
	[tilespmem:$0x1F880] =	vst v63  }
0x275: {  	_ =	swait.ge [sflag:s14], $0x2800  }
0x276: {  	[sflag:s14] =	ssyncset.done $0x0  }
0x277: {  	s19 =	simm.s32 $0xB00;
	[sflag:s14] =	ssyncadd.s32 $0xFFFFD800  }
0x278: {  	[tilespmem:s28], [sflag:$0x3] =	stream.indirect.gather [hbm4b:s4+s22], $0x80, s19, s22, $0xb8;
	[tilespmem:$0x1F880] =	vst v63  }
0x279: {  	_ =	swait.ge [sflag:s29], $0x2800  }
0x27a: {  	[sflag:s29] =	ssyncset.done $0x0  }
0x27b: {  	s20 =	simm.s32 $0x1A00;
	[sflag:s29] =	ssyncadd.s32 $0xFFFFD800  }
0x27c: {  	[spmem:s1] =	stream.indirect.scatter.add.f32 [tilespmem:s23], [sflag:$0x5], $0x80, s20, s22, $0xb8;
	[tilespmem:$0x1F880] =	vst v63  }
0x27d: {  	_ =	swait.ge [sflag:s16], $0x2800  }
0x27e: {  	[sflag:s16] =	ssyncset.done $0x0  }
0x27f: {  	s21 =	simm.s32 $0xB80;
	[sflag:s16] =	ssyncadd.s32 $0xFFFFD800  }
0x280: {  	[tilespmem:s31], [sflag:$0x4] =	stream.indirect.gather [hbm4b:s4+s22], $0x80, s21, s22, $0xb8;
	[tilespmem:$0x1F880] =	vst v63  }
0x281: {  	_ =	swait.ge [sflag:s0], $0x2800  }
0x282: {  	[sflag:s0] =	ssyncset.done $0x0  }
0x283: {  	s26 =	simm.s32 $0x1A80;
	[sflag:s0] =	ssyncadd.s32 $0xFFFFD800  }
0x284: {  	[spmem:s1] =	stream.indirect.scatter.add.f32 [tilespmem:s25], [sflag:$0x6], $0x80, s26, s22, $0xb8;
	[tilespmem:$0x1F880] =	vst v63  }
0x285: {  	_ =	swait.ge [sflag:s6], $0x2800  }
0x286: {  	[sflag:s6] =	ssyncset.done $0x0  }
0x287: {  	s3 =	simm.s32 $0xC00;
	[sflag:s6] =	ssyncadd.s32 $0xFFFFD800  }
0x288: {  	[tilespmem:s23], [sflag:$0x1] =	stream.indirect.gather [hbm4b:s4+s22], $0x80, s3, s22, $0xb8;
	[tilespmem:$0x1F880] =	vst v63  }
0x289: {  	_ =	swait.ge [sflag:s8], $0x2800  }
0x28a: {  	[sflag:s8] =	ssyncset.done $0x0  }
0x28b: {  	s5 =	simm.s32 $0x1B00;
	[sflag:s8] =	ssyncadd.s32 $0xFFFFD800  }
0x28c: {  	[spmem:s1] =	stream.indirect.scatter.add.f32 [tilespmem:s28], [sflag:$0x7], $0x80, s5, s22, $0xb8;
	[tilespmem:$0x1F880] =	vst v63  }
0x28d: {  	_ =	swait.ge [sflag:s10], $0x2800  }
0x28e: {  	[sflag:s10] =	ssyncset.done $0x0  }
0x28f: {  	s9 =	simm.s32 $0xC80;
	[sflag:s10] =	ssyncadd.s32 $0xFFFFD800  }
0x290: {  	[tilespmem:s25], [sflag:$0x2] =	stream.indirect.gather [hbm4b:s4+s22], $0x80, s9, s22, $0xb8;
	[tilespmem:$0x1F880] =	vst v63  }
0x291: {  	_ =	swait.ge [sflag:s12], $0x2800  }
0x292: {  	[sflag:s12] =	ssyncset.done $0x0  }
0x293: {  	s11 =	simm.s32 $0x1B80;
	[sflag:s12] =	ssyncadd.s32 $0xFFFFD800  }
0x294: {  	[spmem:s1] =	stream.indirect.scatter.add.f32 [tilespmem:s31], [sflag:$0x8], $0x80, s11, s22, $0xb8;
	[tilespmem:$0x1F880] =	vst v63  }
0x295: {  	_ =	swait.ge [sflag:s14], $0x2800  }
0x296: {  	[sflag:s14] =	ssyncset.done $0x0  }
0x297: {  	s13 =	simm.s32 $0xD00;
	[sflag:s14] =	ssyncadd.s32 $0xFFFFD800  }
0x298: {  	[tilespmem:s28], [sflag:$0x3] =	stream.indirect.gather [hbm4b:s4+s22], $0x80, s13, s22, $0xb8;
	[tilespmem:$0x1F880] =	vst v63  }
0x299: {  	_ =	swait.ge [sflag:s29], $0x2800  }
0x29a: {  	[sflag:s29] =	ssyncset.done $0x0  }
0x29b: {  	s15 =	simm.s32 $0x1C00;
	[sflag:s29] =	ssyncadd.s32 $0xFFFFD800  }
0x29c: {  	[spmem:s1] =	stream.indirect.scatter.add.f32 [tilespmem:s23], [sflag:$0x5], $0x80, s15, s22, $0xb8;
	[tilespmem:$0x1F880] =	vst v63  }
0x29d: {  	_ =	swait.ge [sflag:s16], $0x2800  }
0x29e: {  	[sflag:s16] =	ssyncset.done $0x0  }
0x29f: {  	s17 =	simm.s32 $0xD80;
	[sflag:s16] =	ssyncadd.s32 $0xFFFFD800  }
0x2a0: {  	[tilespmem:s31], [sflag:$0x4] =	stream.indirect.gather [hbm4b:s4+s22], $0x80, s17, s22, $0xb8;
	[tilespmem:$0x1F880] =	vst v63  }
0x2a1: {  	_ =	swait.ge [sflag:s0], $0x2800  }
0x2a2: {  	[sflag:s0] =	ssyncset.done $0x0  }
0x2a3: {  	s18 =	simm.s32 $0x1C80;
	[sflag:s0] =	ssyncadd.s32 $0xFFFFD800  }
0x2a4: {  	[spmem:s1] =	stream.indirect.scatter.add.f32 [tilespmem:s25], [sflag:$0x6], $0x80, s18, s22, $0xb8;
	[tilespmem:$0x1F880] =	vst v63  }
0x2a5: {  	_ =	swait.ge [sflag:s6], $0x2800  }
0x2a6: {  	[sflag:s6] =	ssyncset.done $0x0  }
0x2a7: {  	s19 =	simm.s32 $0xE00;
	[sflag:s6] =	ssyncadd.s32 $0xFFFFD800  }
0x2a8: {  	[tilespmem:s23], [sflag:$0x1] =	stream.indirect.gather [hbm4b:s4+s22], $0x80, s19, s22, $0xb8;
	[tilespmem:$0x1F880] =	vst v63  }
0x2a9: {  	_ =	swait.ge [sflag:s8], $0x2800  }
0x2aa: {  	[sflag:s8] =	ssyncset.done $0x0  }
0x2ab: {  	s20 =	simm.s32 $0x1D00;
	[sflag:s8] =	ssyncadd.s32 $0xFFFFD800  }
0x2ac: {  	[spmem:s1] =	stream.indirect.scatter.add.f32 [tilespmem:s28], [sflag:$0x7], $0x80, s20, s22, $0xb8;
	[tilespmem:$0x1F880] =	vst v63  }
0x2ad: {  	_ =	swait.ge [sflag:s12], $0x2800  }
0x2ae: {  	[sflag:s12] =	ssyncset.done $0x0  }
0x2af: {  	s21 =	simm.s32 $0x1D80;
	[sflag:s12] =	ssyncadd.s32 $0xFFFFD800  }
0x2b0: {  	[spmem:s1] =	stream.indirect.scatter.add.f32 [tilespmem:s31], [sflag:$0x8], $0x80, s21, s22, $0xb8;
	[tilespmem:$0x1F880] =	vst v63  }
0x2b1: {  	_ =	swait.ge [sflag:s29], $0x2800  }
0x2b2: {  	[sflag:s29] =	ssyncset.done $0x0  }
0x2b3: {  	[sflag:s29] =	ssyncadd.s32 $0xFFFFD800  }
0x2b4: {  	[spmem:s1] =	stream.indirect.scatter.add.f32 [tilespmem:s23], [sflag:$0x5], $0x80, s24, s22, $0xb8;
	[tilespmem:$0x1F880] =	vst v63  }
0x2b5: {  	_ =	swait.ge [sflag:s10], $0x2800  }
0x2b6: {  	[sflag:s10] =	ssyncset.done $0x0  }
0x2b7: {  	[sflag:s10] =	ssyncadd.s32 $0xFFFFD800  }
0x2b8: {  	_ =	swait.ge [sflag:s14], $0x2800  }
0x2b9: {  	[sflag:s14] =	ssyncset.done $0x0  }
0x2ba: {  	[sflag:s14] =	ssyncadd.s32 $0xFFFFD800  }
0x2bb: {  	_ =	swait.ge [sflag:s16], $0x2800  }
0x2bc: {  	[sflag:s16] =	ssyncset.done $0x0  }
0x2bd: {  	[sflag:s16] =	ssyncadd.s32 $0xFFFFD800  }
0x2be: {  	_ =	swait.ge [sflag:s6], $0x2800  }
0x2bf: {  	[sflag:s6] =	ssyncset.done $0x0  }
0x2c0: {  	[sflag:s6] =	ssyncadd.s32 $0xFFFFD800  }
0x2c1: {  	[bflag:$0x0] =	sbarrier.arrive $0xFFFF  }
0x2c2: {  	s24 =	rddreg [dreg:$0xd]  }
0x2c3: {  	s18 =	simm.s32 @p0 $0x1FC9;
	s26 =	rddreg [dreg:$0x10]  }
0x2c4: {  	[hbm:s24], [sflag:s18] =	dma.local @p0 [spmem:s26], $0x1900  }
0x2c5: {  	s18 =	simm.s32 @p0 $0x9  }
0x2c6: {  	_ =	swait.ge @p0 [sflag:s18], $0x1900  }
0x2c7: {  	[sflag:s18] =	ssyncset.done @p0 $0x0;
	s30 =	rddreg [dreg:$0xf]  }
0x2c8: {  	[sflag:s18] =	ssyncadd.s32 @p0 $0xFFFFE700;
	s18 =	rddreg [dreg:$0xc]  }
0x2c9: {  	[hbm:s18], [sflag:s30] =	dma.local @!p0 [spmem:s7], $0x2800  }
0x2ca: {  	s18 =	simm.s32 @!p0 $0x9  }
0x2cb: {  	_ =	swait.ge @!p0 [sflag:s18], $0x2800  }
0x2cc: {  	s24 =	rddreg [dreg:$0x11]  }
0x2cd: {  	s3 =	sadd.s32 $0x1, s24;
	s24 =	rddreg [dreg:$0xe]  }
0x2ce: {  	p1 =	sne.s32 s3, s24  }
.Ltmp3:
0x2cf: {  	s2 =	simm.s32 $0x1100;
	s5 =	simm.s32 $0x200;
	(pc) =	sbr.rel @p1 .LBB2_1-.Ltmp3, $4  }
0x2d0: {  	s9 =	simm.s32 $0x80;
	s11 =	simm.s32 $0x100;
	s13 =	simm.s32 $0x180  }
0x2d1: {  	s15 =	simm.s32 $0x1080;
	s17 =	simm.s32 $0x1000;
	s19 =	simm.s32 $0x280  }
0x2d2: {  	s20 =	simm.s32 $0x9;
	s21 =	simm.s32 $0x0;
	[sflag:s18] =	ssyncset.done @!p0 $0x0  }
0x2d3: {  	[sflag:s18] =	ssyncadd.s32 @!p0 $0xFFFFD800;
	[dreg:$0x11] =	wrdreg s3;
	s3 =	simm.s32 $0x300  }
0x2d4: {  	_ =	sfence.sel $0x180000  }
0x2d5: {  	[bflag:$0x0] =	sbarrier.arrive $0xFFFF  }
0x2d6: {  	_ =	strace $0x90000047  }
0x2d7: {  	s0 =	stileid.u32;
	[bflag:$0x2] =	sbarrier.arrive $0xFFFF  }
0x2d8: {  	p0 =	sne.s32 s0, $0x0;
	s0 =	rddreg [dreg:$0x2]  }
0x2d9: {  	s0 =	sadd.s32 @!p0 $0x100000, s0  }
0x2da: {  	[sflag:s0] =	ssyncadd.tile.s32 @!p0 $0x1;
	_ =	shalt  }
.Lfunc_end2:
_tile_overlayer_lowered:
.L_overlay_start_2:
0x2db: {  	(tag) =	ssettag $0x2  }
0x2dc: {  	s0 =	rddreg [dreg:$0x0];
	s2 =	stileid.u32  }
0x2dd: {  	s1 =	rddreg [dreg:$0x1];
	p0 =	sne.s32 s2, $0x0  }
0x2de: {  	s3 =	rddreg [dreg:$0x2];
	[bflag:$0x3] =	sbarrier.arrive $0xFFFF;
	s2 =	simm.s32 @!p0 $0x1C09  }
0x2df: {  	[timem:s3], [sflag:s2] =	dma.local @!p0 [hbm:s0], s1  }
0x2e0: {  	s0 =	simm.s32 @!p0 $0x9  }
0x2e1: {  	_ =	swait.ge @!p0 [sflag:s0], s1  }
0x2e2: {  	s1 =	ssub.s32 @!p0 $0x0, s1;
	[sflag:s0] =	ssyncset.done @!p0 $0x0  }
0x2e3: {  	[sflag:s0] =	ssyncadd.s32 @!p0 s1  }
0x2e4: {  	[bflag:$0x3] =	sbarrier.arrive $0xFFFF  }
0x2e5: {  	_ =	shalt  }

</sc_bundles>
